<compile_context>
chip_gen: v7x
topology: tpu7x:2x2x1
jax: 0.10.2.dev20260603
libtpu: 0.0.44.dev20260713+nightly
codegen_flags: <defaults>
</compile_context>

<pallas_src>
import functools

import jax
import jax.numpy as jnp
from jax import lax
from jax.experimental import pallas as pl
from jax.experimental.pallas import tpu as pltpu
from jax.experimental.pallas import tpu_sc as plsc

B, N, E, H = 4, 2048, 65536, 64
BN = B * N
BE = B * E
NC, NS, L = 2, 16, 16
ROWS_PER_CORE = BN // NC
CH = 512
CHUNKS = BE // (NC * NS * CH)
IDX_W = 128

_mesh = plsc.VectorSubcoreMesh(core_axis_name="c", subcore_axis_name="s")


def _silu(x):
    return x / (1.0 + jnp.exp(-x))


def _silu_vec(x):
    return x * (1.0 / (1.0 + jnp.exp(-x)))



def _proj2_body(h_ref, wp_ref, bp_ref, wq_ref, p_ref, q_ref):
    x = h_ref[...]
    p_ref[...] = lax.dot_general(x, wp_ref[...], (((1,), (0,)), ((), ())),
                                 preferred_element_type=jnp.float32) + bp_ref[...]
    q_ref[...] = lax.dot_general(x, wq_ref[...], (((1,), (0,)), ((), ())),
                                 preferred_element_type=jnp.float32)


def _proj2(h, wp, bp, wq):
    return pl.pallas_call(
        _proj2_body,
        out_shape=(jax.ShapeDtypeStruct((BN, H), jnp.float32),
                   jax.ShapeDtypeStruct((BN, H), jnp.float32)),
    )(h, wp, bp, wq)


def _update_body(h_ref, a_ref, w_ref, b_ref, o_ref):
    x = jnp.concatenate([h_ref[...], a_ref[...]], axis=1)
    o = lax.dot_general(x, w_ref[...], (((1,), (0,)), ((), ())),
                        preferred_element_type=jnp.float32)
    o_ref[...] = _silu(o + b_ref[...])


def _update(h, agg, w, b):
    return pl.pallas_call(
        _update_body,
        out_shape=jax.ShapeDtypeStruct((BN, H), jnp.float32),
    )(h, agg, w, b)



def _edge_agg_body(p_hbm, q_hbm, srcb_hbm, dstb_hbm, out_hbm,
                   idxs, idxd, idxw, rows_p, rows_q, agg_sh, semp, semq):
    c = lax.axis_index("c")
    s = lax.axis_index("s")
    zero16 = jnp.zeros((L,), jnp.float32)
    my_sh0 = s * (ROWS_PER_CORE // NS)

    @pl.loop(0, ROWS_PER_CORE // NS)
    def _z(r):
        for k in range(H // L):
            rows_p[r, pl.ds(k * L, L)] = zero16
    pltpu.sync_copy(rows_p.at[pl.ds(0, ROWS_PER_CORE // NS)],
                    agg_sh.at[pl.ds(my_sh0, ROWS_PER_CORE // NS)])
    plsc.subcore_barrier()

    base_row = (c * NS + s) * (CHUNKS * CH // IDX_W)
    row_off = c * ROWS_PER_CORE

    @pl.loop(0, CHUNKS)
    def _chunk(g):
        row0 = base_row + g * (CH // IDX_W)
        pltpu.sync_copy(srcb_hbm.at[pl.ds(row0, CH // IDX_W)], idxs)
        pltpu.sync_copy(dstb_hbm.at[pl.ds(row0, CH // IDX_W)], idxd)
        for j in range(CH // IDX_W):
            for k in range(IDX_W // L):
                sl = pl.ds(k * L, L)
                idxw[j, sl] = idxd[j, sl] - row_off
        descs = []
        for j in range(CH // IDX_W):
            descs.append(pltpu.async_copy(
                p_hbm.at[idxs.at[j]], rows_p.at[pl.ds(j * IDX_W, IDX_W)], semp))
            descs.append(pltpu.async_copy(
                q_hbm.at[idxd.at[j]], rows_q.at[pl.ds(j * IDX_W, IDX_W)], semq))
        for d in descs:
            d.wait()

        @pl.loop(0, CH)
        def _compute(r):
            for k in range(H // L):
                sl = pl.ds(k * L, L)
                a = rows_p[r, sl] + rows_q[r, sl]
                rows_p[r, sl] = _silu_vec(a)

        for j in range(CH // IDX_W):
            pltpu.sync_copy(rows_p.at[pl.ds(j * IDX_W, IDX_W)],
                            agg_sh.at[idxw.at[j]], add=True)

    plsc.subcore_barrier()
    pltpu.sync_copy(agg_sh.at[pl.ds(my_sh0, ROWS_PER_CORE // NS)],
                    out_hbm.at[pl.ds(row_off + my_sh0, ROWS_PER_CORE // NS)])


_edge_agg = pl.kernel(
    _edge_agg_body,
    out_type=jax.ShapeDtypeStruct((BN, H), jnp.float32),
    mesh=_mesh,
    compiler_params=pltpu.CompilerParams(use_tc_tiling_on_sc=False),
    scratch_types=[
        pltpu.VMEM((CH // IDX_W, IDX_W), jnp.int32),
        pltpu.VMEM((CH // IDX_W, IDX_W), jnp.int32),
        pltpu.VMEM((CH // IDX_W, IDX_W), jnp.int32),
        pltpu.VMEM((CH, H), jnp.float32),
        pltpu.VMEM((CH, H), jnp.float32),
        pltpu.VMEM_SHARED((ROWS_PER_CORE, H), jnp.float32),
        pltpu.SemaphoreType.DMA,
        pltpu.SemaphoreType.DMA,
    ],
)



def kernel(mu, t, context, edge_index, mp_params, edge_w1, edge_b1, edge_w2, edge_b2):
    t_exp = jnp.broadcast_to(t, (B, N))
    base = jnp.stack([mu, t_exp], axis=-1)
    h = jnp.concatenate([base, context], axis=-1).reshape(BN, -1)

    src = edge_index[0]
    dst = edge_index[1]
    offsets = (jnp.arange(B) * N).astype(src.dtype)
    src_b = (src[None, :] + offsets[:, None]).reshape(-1).astype(jnp.int32)
    dst_b = (dst[None, :] + offsets[:, None]).reshape(-1).astype(jnp.int32)
    srcb2 = src_b.reshape(BE // IDX_W, IDX_W)
    dstb2 = dst_b.reshape(BE // IDX_W, IDX_W)

    for (Wm, bm, Wn, bn) in mp_params:
        in_dim = h.shape[1]
        P, Q = _proj2(h, Wm[:in_dim], bm, Wm[in_dim:])
        agg = _edge_agg(P, Q, srcb2, dstb2)
        h = _update(h, agg, Wn, bn)

    hs = jnp.take(h, src_b, axis=0)
    hd = jnp.take(h, dst_b, axis=0)
    mid = jax.nn.silu(jnp.concatenate([hs, hd], axis=-1) @ edge_w1 + edge_b1)
    rates = jax.nn.softplus((mid @ edge_w2 + edge_b2).squeeze(-1)).reshape(B, E)

    rm = jnp.zeros((B, N, N), jnp.float32).at[:, src, dst].set(rates)
    diag = jnp.arange(N)
    row_sum = rm.sum(axis=-1)
    rm = rm.at[:, diag, diag].set(-row_sum)
    return rm

# --- scband reference (transcript-rebuilt; emitter-appended) ---
"""Pipeline reference for scband-conditional-gnnrate-matrix-predictor-88940182765950 (READ-ONLY COPY).

The authoritative reference and input builder live on the scoring server;
editing this copy changes nothing except your own understanding.
"""

import jax, jax.numpy as jnp
import numpy as np

BATCH = 4
N_NODES = 2048
N_EDGES = 65536
CONTEXT_DIM = 2
HIDDEN = 64
N_LAYERS = 4


def _init_linear(key, fan_in, fan_out):
    k1, k2 = jax.random.split(key)
    scale = 1.0 / np.sqrt(fan_in)
    W = jax.random.uniform(k1, (fan_in, fan_out), jnp.float32, -scale, scale)
    b = jax.random.uniform(k2, (fan_out,), jnp.float32, -scale, scale)
    return W, b


def setup_inputs(seed: int = 0) -> dict:
    key = jax.random.key(seed)
    ks = jax.random.split(key, 16)
    mu = jax.random.normal(ks[0], (BATCH, N_NODES), jnp.float32)
    t = jax.random.uniform(ks[1], (BATCH, 1), jnp.float32)
    context = jax.random.normal(ks[2], (BATCH, N_NODES, CONTEXT_DIM), jnp.float32)
    edge_index = jax.random.randint(ks[3], (2, N_EDGES), 0, N_NODES)
    # message-passing layer params: first layer in_dim = 2 + context_dim
    mp_params = []
    kp = ks[4]
    for l in range(N_LAYERS):
        in_dim = (2 + CONTEXT_DIM) if l == 0 else HIDDEN
        kp, ka, kb = jax.random.split(kp, 3)
        Wm, bm = _init_linear(ka, 2 * in_dim, HIDDEN)      # message MLP over [h_src, h_dst]
        Wn, bn = _init_linear(kb, in_dim + HIDDEN, HIDDEN)  # node update over [h, agg]
        mp_params.append((Wm, bm, Wn, bn))
    ew1, eb1 = _init_linear(ks[5], 2 * HIDDEN, HIDDEN)
    ew2, eb2 = _init_linear(ks[6], HIDDEN, 1)
    return {"mu": mu, "t": t, "context": context, "edge_index": edge_index,
            "mp_params": tuple(mp_params), "edge_w1": ew1, "edge_b1": eb1,
            "edge_w2": ew2, "edge_b2": eb2}


def _forward(mu, t, context, mp_params, edge_w1, edge_b1, edge_w2, edge_b2, edge_index):
    B, N = mu.shape
    t_exp = jnp.broadcast_to(t, (B, N))
    base = jnp.stack([mu, t_exp], axis=-1)
    node_features = jnp.concatenate([base, context], axis=-1)  # (B, N, 2+K)
    src = edge_index[0]
    dst = edge_index[1]
    offsets = (jnp.arange(B) * N).astype(src.dtype)
    src_b = (src[None, :] + offsets[:, None]).reshape(-1)
    dst_b = (dst[None, :] + offsets[:, None]).reshape(-1)
    h = node_features.reshape(B * N, -1)
    for (Wm, bm, Wn, bn) in mp_params:
        hs = jnp.take(h, src_b, axis=0)
        hd = jnp.take(h, dst_b, axis=0)
        m = jax.nn.silu(jnp.concatenate([hs, hd], axis=-1) @ Wm + bm)
        agg = jax.ops.segment_sum(m, dst_b, num_segments=B * N)
        h = jax.nn.silu(jnp.concatenate([h, agg], axis=-1) @ Wn + bn)
    h = h.reshape(B, N, HIDDEN)
    h_src = h[:, src, :]
    h_dst = h[:, dst, :]
    ef = jnp.concatenate([h_src, h_dst], axis=-1)
    mid = jax.nn.silu(ef @ edge_w1 + edge_b1)
    edge_rates = jax.nn.softplus((mid @ edge_w2 + edge_b2).squeeze(-1))  # (B, E)
    rm = jnp.zeros((B, N, N), jnp.float32)
    rm = rm.at[:, src, dst].set(edge_rates)
    diag = jnp.arange(N)
    row_sum = rm.sum(axis=-1)
    rm = rm.at[:, diag, diag].set(-row_sum)
    return rm


def reference(mu, t, context, edge_index, mp_params, edge_w1, edge_b1, edge_w2, edge_b2):
    return _forward(mu, t, context, mp_params, edge_w1, edge_b1, edge_w2, edge_b2, edge_index)

if __name__ == "__main__":
    import jax
    _d = setup_inputs()
    print(jax.jit(kernel)(*tuple(_d.values())))

</pallas_src>

<mosaic_0001>
#map = affine_map<(d0, d1) -> (0, 0)>
module attributes {stable_mosaic.version = 14 : i64} {
  func.func @_edge_agg_body(%arg0: i32, %arg1: i32, %arg2: memref<8192x64xf32, #tpu.memory_space<hbm>>, %arg3: memref<8192x64xf32, #tpu.memory_space<hbm>>, %arg4: memref<2048x128xi32, #tpu.memory_space<hbm>>, %arg5: memref<2048x128xi32, #tpu.memory_space<hbm>>, %arg6: memref<8192x64xf32, #tpu.memory_space<hbm>>, %arg7: memref<4x128xi32, #tpu.memory_space<vmem>>, %arg8: memref<4x128xi32, #tpu.memory_space<vmem>>, %arg9: memref<4x128xi32, #tpu.memory_space<vmem>>, %arg10: memref<512x64xf32, #tpu.memory_space<vmem>>, %arg11: memref<512x64xf32, #tpu.memory_space<vmem>>, %arg12: memref<4096x64xf32, #tpu.memory_space<vmem_shared>>, %arg13: memref<!tpu.dma_semaphore, #tpu.memory_space<semaphore_mem>>, %arg14: memref<!tpu.dma_semaphore, #tpu.memory_space<semaphore_mem>>) attributes {dimension_semantics = [#tpu.dimension_semantics<core_parallel>, #tpu.dimension_semantics<subcore_parallel>], iteration_bounds = array<i64: 2, 16>, scalar_prefetch = 0 : i64, scratch_operands = 8 : i64, tpu.core_type = #tpu.core_type<sc_vector_subcore>, window_params = [{transform_indices = #map}, {transform_indices = #map}, {transform_indices = #map}, {transform_indices = #map}, {transform_indices = #map}]} {
    %broadcast_in_dim3A = arith.constant 0.000000e+00 : f32
    %broadcast_in_dim3A_0 = vector.broadcast %broadcast_in_dim3A : f32 to vector<16xf32>
    %mul3A = arith.constant 256 : i32
    %mul3A_1 = arith.muli %arg1, %mul3A : i32
    %scan3A = arith.constant 0 : i32
    %scan3A_2 = arith.constant 256 : i32
    %scan3A_3 = arith.addi %scan3A, %scan3A_2 : i32
    %scan3A_4 = arith.constant 1 : i32
    scf.for %scan3A_19 = %scan3A to %scan3A_3 step %scan3A_4  : i32 {
      %mul3A_20 = arith.constant 1 : i32
      %mul3A_21 = arith.muli %scan3A_19, %mul3A_20 : i32
      %add3A_22 = arith.constant 0 : i32
      %add3A_23 = arith.addi %add3A_22, %mul3A_21 : i32
      %swap3A = arith.index_cast %add3A_23 : i32 to index
      %swap3A_24 = arith.constant 0 : index
      %swap3A_25 = tpu.vector_load %arg10[%swap3A, %swap3A_24] {strides = array<i32>} : memref<512x64xf32, #tpu.memory_space<vmem>>, vector<1x16xf32>,
      %swap3A_26 = vector.shape_cast %swap3A_25 : vector<1x16xf32> to vector<16xf32>
      %swap3A_27 = vector.shape_cast %broadcast_in_dim3A_0 : vector<16xf32> to vector<1x16xf32>
      tpu.vector_store %arg10[%swap3A, %swap3A_24], %swap3A_27 {strides = array<i32>} : memref<512x64xf32, #tpu.memory_space<vmem>>, vector<1x16xf32>,
      %swap3A_28 = arith.index_cast %add3A_23 : i32 to index
      %swap3A_29 = arith.constant 16 : index
      %swap3A_30 = tpu.vector_load %arg10[%swap3A_28, %swap3A_29] {strides = array<i32>} : memref<512x64xf32, #tpu.memory_space<vmem>>, vector<1x16xf32>,
      %swap3A_31 = vector.shape_cast %swap3A_30 : vector<1x16xf32> to vector<16xf32>
      %swap3A_32 = vector.shape_cast %broadcast_in_dim3A_0 : vector<16xf32> to vector<1x16xf32>
      tpu.vector_store %arg10[%swap3A_28, %swap3A_29], %swap3A_32 {strides = array<i32>} : memref<512x64xf32, #tpu.memory_space<vmem>>, vector<1x16xf32>,
      %swap3A_33 = arith.index_cast %add3A_23 : i32 to index
      %swap3A_34 = arith.constant 32 : index
      %swap3A_35 = tpu.vector_load %arg10[%swap3A_33, %swap3A_34] {strides = array<i32>} : memref<512x64xf32, #tpu.memory_space<vmem>>, vector<1x16xf32>,
      %swap3A_36 = vector.shape_cast %swap3A_35 : vector<1x16xf32> to vector<16xf32>
      %swap3A_37 = vector.shape_cast %broadcast_in_dim3A_0 : vector<16xf32> to vector<1x16xf32>
      tpu.vector_store %arg10[%swap3A_33, %swap3A_34], %swap3A_37 {strides = array<i32>} : memref<512x64xf32, #tpu.memory_space<vmem>>, vector<1x16xf32>,
      %swap3A_38 = arith.index_cast %add3A_23 : i32 to index
      %swap3A_39 = arith.constant 48 : index
      %swap3A_40 = tpu.vector_load %arg10[%swap3A_38, %swap3A_39] {strides = array<i32>} : memref<512x64xf32, #tpu.memory_space<vmem>>, vector<1x16xf32>,
      %swap3A_41 = vector.shape_cast %swap3A_40 : vector<1x16xf32> to vector<16xf32>
      %swap3A_42 = vector.shape_cast %broadcast_in_dim3A_0 : vector<16xf32> to vector<1x16xf32>
      tpu.vector_store %arg10[%swap3A_38, %swap3A_39], %swap3A_42 {strides = array<i32>} : memref<512x64xf32, #tpu.memory_space<vmem>>, vector<1x16xf32>,
    }
    %scan3A_5 = arith.constant 256 : i32
    "tpu.region"() ({
      %run_scoped3A = tpu.sem_alloc : memref<!tpu.dma_semaphore, #tpu.memory_space<semaphore_mem>>
      %dma_start3A = arith.constant 0 : i32
      %dma_start3A_19 = arith.constant 0 : i32
      %dma_start3A_20 = tpu.memref_slice %arg10[%dma_start3A, %dma_start3A_19] : memref<512x64xf32, #tpu.memory_space<vmem>> -> memref<256x64xf32, #tpu.memory_space<vmem>>
      %dma_start3A_21 = arith.constant 0 : i32
      %dma_start3A_22 = tpu.memref_slice %arg12[%mul3A_1, %dma_start3A_21] : memref<4096x64xf32, #tpu.memory_space<vmem_shared>> -> memref<256x64xf32, #tpu.memory_space<vmem_shared>>
      %dma_start3A_23 = arith.constant 0 : i32
      %dma_start3A_24 = tpu.memref_slice %arg12[%mul3A_1, %dma_start3A_23] : memref<4096x64xf32, #tpu.memory_space<vmem_shared>> -> memref<256x64xf32, #tpu.memory_space<vmem_shared>>
      %dma_start3A_25 = arith.constant 0 : i32
      %dma_start3A_26 = arith.constant 0 : i32
      %dma_start3A_27 = tpu.memref_slice %arg10[%dma_start3A_25, %dma_start3A_26] : memref<512x64xf32, #tpu.memory_space<vmem>> -> memref<256x64xf32, #tpu.memory_space<vmem>>
      tpu.enqueue_dma source(%dma_start3A_27 : memref<256x64xf32, #tpu.memory_space<vmem>>) target(%dma_start3A_24 : memref<256x64xf32, #tpu.memory_space<vmem_shared>>) target_semaphore(%run_scoped3A : memref<!tpu.dma_semaphore, #tpu.memory_space<semaphore_mem>>)
      %dma_wait3A = arith.constant 0 : i32
      %dma_wait3A_28 = arith.constant 0 : i32
      %dma_wait3A_29 = tpu.memref_slice %arg10[%dma_wait3A, %dma_wait3A_28] : memref<512x64xf32, #tpu.memory_space<vmem>> -> memref<256x64xf32, #tpu.memory_space<vmem>>
      %dma_wait3A_30 = arith.constant 0 : i32
      %dma_wait3A_31 = tpu.memref_slice %arg12[%mul3A_1, %dma_wait3A_30] : memref<4096x64xf32, #tpu.memory_space<vmem_shared>> -> memref<256x64xf32, #tpu.memory_space<vmem_shared>>
      %dma_wait3A_32 = arith.constant 0 : i32
      %dma_wait3A_33 = tpu.memref_slice %arg12[%mul3A_1, %dma_wait3A_32] : memref<4096x64xf32, #tpu.memory_space<vmem_shared>> -> memref<256x64xf32, #tpu.memory_space<vmem_shared>>
      %dma_wait3A_34 = arith.constant 0 : i32
      %dma_wait3A_35 = arith.constant 0 : i32
      %dma_wait3A_36 = tpu.memref_slice %arg10[%dma_wait3A_34, %dma_wait3A_35] : memref<512x64xf32, #tpu.memory_space<vmem>> -> memref<256x64xf32, #tpu.memory_space<vmem>>
      tpu.wait_dma2 semaphore(%run_scoped3A : memref<!tpu.dma_semaphore, #tpu.memory_space<semaphore_mem>>) src(%dma_wait3A_36 : memref<256x64xf32, #tpu.memory_space<vmem>>) dst(%dma_wait3A_33 : memref<256x64xf32, #tpu.memory_space<vmem_shared>>)
      tpu.yield
    }) : () -> ()
    %barrier3A = arith.constant 0 : index
    tpu.barrier barrier_id(%barrier3A)
    %mul3A_6 = arith.constant 16 : i32
    %mul3A_7 = arith.muli %arg0, %mul3A_6 : i32
    %add3A = arith.addi %mul3A_7, %arg1 : i32
    %mul3A_8 = arith.constant 64 : i32
    %mul3A_9 = arith.muli %add3A, %mul3A_8 : i32
    %mul3A_10 = arith.constant 4096 : i32
    %mul3A_11 = arith.muli %arg0, %mul3A_10 : i32
    %scan3A_12 = arith.constant 0 : i32
    %scan3A_13 = arith.constant 16 : i32
    %scan3A_14 = arith.addi %scan3A_12, %scan3A_13 : i32
    %scan3A_15 = arith.constant 1 : i32
    scf.for %scan3A_19 = %scan3A_12 to %scan3A_14 step %scan3A_15  : i32 {
      %mul3A_20 = arith.constant 1 : i32
      %mul3A_21 = arith.muli %scan3A_19, %mul3A_20 : i32
      %add3A_22 = arith.constant 0 : i32
      %add3A_23 = arith.addi %add3A_22, %mul3A_21 : i32
      %mul3A_24 = arith.constant 4 : i32
      %mul3A_25 = arith.muli %add3A_23, %mul3A_24 : i32
      %add3A_26 = arith.addi %mul3A_9, %mul3A_25 : i32
      "tpu.region"() ({
        %run_scoped3A_606 = tpu.sem_alloc : memref<!tpu.dma_semaphore, #tpu.memory_space<semaphore_mem>>
        %dma_start3A_607 = arith.constant 0 : i32
        %dma_start3A_608 = tpu.memref_slice %arg4[%add3A_26, %dma_start3A_607] : memref<2048x128xi32, #tpu.memory_space<hbm>> -> memref<4x128xi32, #tpu.memory_space<hbm>>
        %dma_start3A_609 = arith.constant 0 : i32
        %dma_start3A_610 = tpu.memref_slice %arg4[%add3A_26, %dma_start3A_609] : memref<2048x128xi32, #tpu.memory_space<hbm>> -> memref<4x128xi32, #tpu.memory_space<hbm>>
        tpu.enqueue_dma source(%dma_start3A_610 : memref<4x128xi32, #tpu.memory_space<hbm>>) target(%arg7 : memref<4x128xi32, #tpu.memory_space<vmem>>) target_semaphore(%run_scoped3A_606 : memref<!tpu.dma_semaphore, #tpu.memory_space<semaphore_mem>>)
        %dma_wait3A_611 = arith.constant 0 : i32
        %dma_wait3A_612 = tpu.memref_slice %arg4[%add3A_26, %dma_wait3A_611] : memref<2048x128xi32, #tpu.memory_space<hbm>> -> memref<4x128xi32, #tpu.memory_space<hbm>>
        %dma_wait3A_613 = arith.constant 0 : i32
        %dma_wait3A_614 = tpu.memref_slice %arg4[%add3A_26, %dma_wait3A_613] : memref<2048x128xi32, #tpu.memory_space<hbm>> -> memref<4x128xi32, #tpu.memory_space<hbm>>
        tpu.wait_dma2 semaphore(%run_scoped3A_606 : memref<!tpu.dma_semaphore, #tpu.memory_space<semaphore_mem>>) src(%dma_wait3A_614 : memref<4x128xi32, #tpu.memory_space<hbm>>) dst(%arg7 : memref<4x128xi32, #tpu.memory_space<vmem>>)
        tpu.yield
      }) : () -> ()
      "tpu.region"() ({
        %run_scoped3A_606 = tpu.sem_alloc : memref<!tpu.dma_semaphore, #tpu.memory_space<semaphore_mem>>
        %dma_start3A_607 = arith.constant 0 : i32
        %dma_start3A_608 = tpu.memref_slice %arg5[%add3A_26, %dma_start3A_607] : memref<2048x128xi32, #tpu.memory_space<hbm>> -> memref<4x128xi32, #tpu.memory_space<hbm>>
        %dma_start3A_609 = arith.constant 0 : i32
        %dma_start3A_610 = tpu.memref_slice %arg5[%add3A_26, %dma_start3A_609] : memref<2048x128xi32, #tpu.memory_space<hbm>> -> memref<4x128xi32, #tpu.memory_space<hbm>>
        tpu.enqueue_dma source(%dma_start3A_610 : memref<4x128xi32, #tpu.memory_space<hbm>>) target(%arg8 : memref<4x128xi32, #tpu.memory_space<vmem>>) target_semaphore(%run_scoped3A_606 : memref<!tpu.dma_semaphore, #tpu.memory_space<semaphore_mem>>)
        %dma_wait3A_611 = arith.constant 0 : i32
        %dma_wait3A_612 = tpu.memref_slice %arg5[%add3A_26, %dma_wait3A_611] : memref<2048x128xi32, #tpu.memory_space<hbm>> -> memref<4x128xi32, #tpu.memory_space<hbm>>
        %dma_wait3A_613 = arith.constant 0 : i32
        %dma_wait3A_614 = tpu.memref_slice %arg5[%add3A_26, %dma_wait3A_613] : memref<2048x128xi32, #tpu.memory_space<hbm>> -> memref<4x128xi32, #tpu.memory_space<hbm>>
        tpu.wait_dma2 semaphore(%run_scoped3A_606 : memref<!tpu.dma_semaphore, #tpu.memory_space<semaphore_mem>>) src(%dma_wait3A_614 : memref<4x128xi32, #tpu.memory_space<hbm>>) dst(%arg8 : memref<4x128xi32, #tpu.memory_space<vmem>>)
        tpu.yield
      }) : () -> ()
      %get3A = arith.constant 0 : i32
      %get3A_27 = arith.index_cast %get3A : i32 to index
      %get3A_28 = arith.constant 0 : index
      %get3A_29 = tpu.vector_load %arg8[%get3A_27, %get3A_28] {strides = array<i32>} : memref<4x128xi32, #tpu.memory_space<vmem>>, vector<1x16xi32>,
      %get3A_30 = vector.shape_cast %get3A_29 : vector<1x16xi32> to vector<16xi32>
      %sub3A = vector.broadcast %mul3A_11 : i32 to vector<16xi32>
      %sub3A_31 = arith.subi %get3A_30, %sub3A : vector<16xi32>
      %swap3A = arith.constant 0 : i32
      %swap3A_32 = arith.index_cast %swap3A : i32 to index
      %swap3A_33 = arith.constant 0 : index
      %swap3A_34 = tpu.vector_load %arg9[%swap3A_32, %swap3A_33] {strides = array<i32>} : memref<4x128xi32, #tpu.memory_space<vmem>>, vector<1x16xi32>,
      %swap3A_35 = vector.shape_cast %swap3A_34 : vector<1x16xi32> to vector<16xi32>
      %swap3A_36 = vector.shape_cast %sub3A_31 : vector<16xi32> to vector<1x16xi32>
      tpu.vector_store %arg9[%swap3A_32, %swap3A_33], %swap3A_36 {strides = array<i32>} : memref<4x128xi32, #tpu.memory_space<vmem>>, vector<1x16xi32>,
      %get3A_37 = arith.constant 0 : i32
      %get3A_38 = arith.index_cast %get3A_37 : i32 to index
      %get3A_39 = arith.constant 16 : index
      %get3A_40 = tpu.vector_load %arg8[%get3A_38, %get3A_39] {strides = array<i32>} : memref<4x128xi32, #tpu.memory_space<vmem>>, vector<1x16xi32>,
      %get3A_41 = vector.shape_cast %get3A_40 : vector<1x16xi32> to vector<16xi32>
      %sub3A_42 = vector.broadcast %mul3A_11 : i32 to vector<16xi32>
      %sub3A_43 = arith.subi %get3A_41, %sub3A_42 : vector<16xi32>
      %swap3A_44 = arith.constant 0 : i32
      %swap3A_45 = arith.index_cast %swap3A_44 : i32 to index
      %swap3A_46 = arith.constant 16 : index
      %swap3A_47 = tpu.vector_load %arg9[%swap3A_45, %swap3A_46] {strides = array<i32>} : memref<4x128xi32, #tpu.memory_space<vmem>>, vector<1x16xi32>,
      %swap3A_48 = vector.shape_cast %swap3A_47 : vector<1x16xi32> to vector<16xi32>
      %swap3A_49 = vector.shape_cast %sub3A_43 : vector<16xi32> to vector<1x16xi32>
      tpu.vector_store %arg9[%swap3A_45, %swap3A_46], %swap3A_49 {strides = array<i32>} : memref<4x128xi32, #tpu.memory_space<vmem>>, vector<1x16xi32>,
      %get3A_50 = arith.constant 0 : i32
      %get3A_51 = arith.index_cast %get3A_50 : i32 to index
      %get3A_52 = arith.constant 32 : index
      %get3A_53 = tpu.vector_load %arg8[%get3A_51, %get3A_52] {strides = array<i32>} : memref<4x128xi32, #tpu.memory_space<vmem>>, vector<1x16xi32>,
      %get3A_54 = vector.shape_cast %get3A_53 : vector<1x16xi32> to vector<16xi32>
      %sub3A_55 = vector.broadcast %mul3A_11 : i32 to vector<16xi32>
      %sub3A_56 = arith.subi %get3A_54, %sub3A_55 : vector<16xi32>
      %swap3A_57 = arith.constant 0 : i32
      %swap3A_58 = arith.index_cast %swap3A_57 : i32 to index
      %swap3A_59 = arith.constant 32 : index
      %swap3A_60 = tpu.vector_load %arg9[%swap3A_58, %swap3A_59] {strides = array<i32>} : memref<4x128xi32, #tpu.memory_space<vmem>>, vector<1x16xi32>,
      %swap3A_61 = vector.shape_cast %swap3A_60 : vector<1x16xi32> to vector<16xi32>
      %swap3A_62 = vector.shape_cast %sub3A_56 : vector<16xi32> to vector<1x16xi32>
      tpu.vector_store %arg9[%swap3A_58, %swap3A_59], %swap3A_62 {strides = array<i32>} : memref<4x128xi32, #tpu.memory_space<vmem>>, vector<1x16xi32>,
      %get3A_63 = arith.constant 0 : i32
      %get3A_64 = arith.index_cast %get3A_63 : i32 to index
      %get3A_65 = arith.constant 48 : index
      %get3A_66 = tpu.vector_load %arg8[%get3A_64, %get3A_65] {strides = array<i32>} : memref<4x128xi32, #tpu.memory_space<vmem>>, vector<1x16xi32>,
      %get3A_67 = vector.shape_cast %get3A_66 : vector<1x16xi32> to vector<16xi32>
      %sub3A_68 = vector.broadcast %mul3A_11 : i32 to vector<16xi32>
      %sub3A_69 = arith.subi %get3A_67, %sub3A_68 : vector<16xi32>
      %swap3A_70 = arith.constant 0 : i32
      %swap3A_71 = arith.index_cast %swap3A_70 : i32 to index
      %swap3A_72 = arith.constant 48 : index
      %swap3A_73 = tpu.vector_load %arg9[%swap3A_71, %swap3A_72] {strides = array<i32>} : memref<4x128xi32, #tpu.memory_space<vmem>>, vector<1x16xi32>,
      %swap3A_74 = vector.shape_cast %swap3A_73 : vector<1x16xi32> to vector<16xi32>
      %swap3A_75 = vector.shape_cast %sub3A_69 : vector<16xi32> to vector<1x16xi32>
      tpu.vector_store %arg9[%swap3A_71, %swap3A_72], %swap3A_75 {strides = array<i32>} : memref<4x128xi32, #tpu.memory_space<vmem>>, vector<1x16xi32>,
      %get3A_76 = arith.constant 0 : i32
      %get3A_77 = arith.index_cast %get3A_76 : i32 to index
      %get3A_78 = arith.constant 64 : index
      %get3A_79 = tpu.vector_load %arg8[%get3A_77, %get3A_78] {strides = array<i32>} : memref<4x128xi32, #tpu.memory_space<vmem>>, vector<1x16xi32>,
      %get3A_80 = vector.shape_cast %get3A_79 : vector<1x16xi32> to vector<16xi32>
      %sub3A_81 = vector.broadcast %mul3A_11 : i32 to vector<16xi32>
      %sub3A_82 = arith.subi %get3A_80, %sub3A_81 : vector<16xi32>
      %swap3A_83 = arith.constant 0 : i32
      %swap3A_84 = arith.index_cast %swap3A_83 : i32 to index
      %swap3A_85 = arith.constant 64 : index
      %swap3A_86 = tpu.vector_load %arg9[%swap3A_84, %swap3A_85] {strides = array<i32>} : memref<4x128xi32, #tpu.memory_space<vmem>>, vector<1x16xi32>,
      %swap3A_87 = vector.shape_cast %swap3A_86 : vector<1x16xi32> to vector<16xi32>
      %swap3A_88 = vector.shape_cast %sub3A_82 : vector<16xi32> to vector<1x16xi32>
      tpu.vector_store %arg9[%swap3A_84, %swap3A_85], %swap3A_88 {strides = array<i32>} : memref<4x128xi32, #tpu.memory_space<vmem>>, vector<1x16xi32>,
      %get3A_89 = arith.constant 0 : i32
      %get3A_90 = arith.index_cast %get3A_89 : i32 to index
      %get3A_91 = arith.constant 80 : index
      %get3A_92 = tpu.vector_load %arg8[%get3A_90, %get3A_91] {strides = array<i32>} : memref<4x128xi32, #tpu.memory_space<vmem>>, vector<1x16xi32>,
      %get3A_93 = vector.shape_cast %get3A_92 : vector<1x16xi32> to vector<16xi32>
      %sub3A_94 = vector.broadcast %mul3A_11 : i32 to vector<16xi32>
      %sub3A_95 = arith.subi %get3A_93, %sub3A_94 : vector<16xi32>
      %swap3A_96 = arith.constant 0 : i32
      %swap3A_97 = arith.index_cast %swap3A_96 : i32 to index
      %swap3A_98 = arith.constant 80 : index
      %swap3A_99 = tpu.vector_load %arg9[%swap3A_97, %swap3A_98] {strides = array<i32>} : memref<4x128xi32, #tpu.memory_space<vmem>>, vector<1x16xi32>,
      %swap3A_100 = vector.shape_cast %swap3A_99 : vector<1x16xi32> to vector<16xi32>
      %swap3A_101 = vector.shape_cast %sub3A_95 : vector<16xi32> to vector<1x16xi32>
      tpu.vector_store %arg9[%swap3A_97, %swap3A_98], %swap3A_101 {strides = array<i32>} : memref<4x128xi32, #tpu.memory_space<vmem>>, vector<1x16xi32>,
      %get3A_102 = arith.constant 0 : i32
      %get3A_103 = arith.index_cast %get3A_102 : i32 to index
      %get3A_104 = arith.constant 96 : index
      %get3A_105 = tpu.vector_load %arg8[%get3A_103, %get3A_104] {strides = array<i32>} : memref<4x128xi32, #tpu.memory_space<vmem>>, vector<1x16xi32>,
      %get3A_106 = vector.shape_cast %get3A_105 : vector<1x16xi32> to vector<16xi32>
      %sub3A_107 = vector.broadcast %mul3A_11 : i32 to vector<16xi32>
      %sub3A_108 = arith.subi %get3A_106, %sub3A_107 : vector<16xi32>
      %swap3A_109 = arith.constant 0 : i32
      %swap3A_110 = arith.index_cast %swap3A_109 : i32 to index
      %swap3A_111 = arith.constant 96 : index
      %swap3A_112 = tpu.vector_load %arg9[%swap3A_110, %swap3A_111] {strides = array<i32>} : memref<4x128xi32, #tpu.memory_space<vmem>>, vector<1x16xi32>,
      %swap3A_113 = vector.shape_cast %swap3A_112 : vector<1x16xi32> to vector<16xi32>
      %swap3A_114 = vector.shape_cast %sub3A_108 : vector<16xi32> to vector<1x16xi32>
      tpu.vector_store %arg9[%swap3A_110, %swap3A_111], %swap3A_114 {strides = array<i32>} : memref<4x128xi32, #tpu.memory_space<vmem>>, vector<1x16xi32>,
      %get3A_115 = arith.constant 0 : i32
      %get3A_116 = arith.index_cast %get3A_115 : i32 to index
      %get3A_117 = arith.constant 112 : index
      %get3A_118 = tpu.vector_load %arg8[%get3A_116, %get3A_117] {strides = array<i32>} : memref<4x128xi32, #tpu.memory_space<vmem>>, vector<1x16xi32>,
      %get3A_119 = vector.shape_cast %get3A_118 : vector<1x16xi32> to vector<16xi32>
      %sub3A_120 = vector.broadcast %mul3A_11 : i32 to vector<16xi32>
      %sub3A_121 = arith.subi %get3A_119, %sub3A_120 : vector<16xi32>
      %swap3A_122 = arith.constant 0 : i32
      %swap3A_123 = arith.index_cast %swap3A_122 : i32 to index
      %swap3A_124 = arith.constant 112 : index
      %swap3A_125 = tpu.vector_load %arg9[%swap3A_123, %swap3A_124] {strides = array<i32>} : memref<4x128xi32, #tpu.memory_space<vmem>>, vector<1x16xi32>,
      %swap3A_126 = vector.shape_cast %swap3A_125 : vector<1x16xi32> to vector<16xi32>
      %swap3A_127 = vector.shape_cast %sub3A_121 : vector<16xi32> to vector<1x16xi32>
      tpu.vector_store %arg9[%swap3A_123, %swap3A_124], %swap3A_127 {strides = array<i32>} : memref<4x128xi32, #tpu.memory_space<vmem>>, vector<1x16xi32>,
      %get3A_128 = arith.constant 1 : i32
      %get3A_129 = arith.index_cast %get3A_128 : i32 to index
      %get3A_130 = arith.constant 0 : index
      %get3A_131 = tpu.vector_load %arg8[%get3A_129, %get3A_130] {strides = array<i32>} : memref<4x128xi32, #tpu.memory_space<vmem>>, vector<1x16xi32>,
      %get3A_132 = vector.shape_cast %get3A_131 : vector<1x16xi32> to vector<16xi32>
      %sub3A_133 = vector.broadcast %mul3A_11 : i32 to vector<16xi32>
      %sub3A_134 = arith.subi %get3A_132, %sub3A_133 : vector<16xi32>
      %swap3A_135 = arith.constant 1 : i32
      %swap3A_136 = arith.index_cast %swap3A_135 : i32 to index
      %swap3A_137 = arith.constant 0 : index
      %swap3A_138 = tpu.vector_load %arg9[%swap3A_136, %swap3A_137] {strides = array<i32>} : memref<4x128xi32, #tpu.memory_space<vmem>>, vector<1x16xi32>,
      %swap3A_139 = vector.shape_cast %swap3A_138 : vector<1x16xi32> to vector<16xi32>
      %swap3A_140 = vector.shape_cast %sub3A_134 : vector<16xi32> to vector<1x16xi32>
      tpu.vector_store %arg9[%swap3A_136, %swap3A_137], %swap3A_140 {strides = array<i32>} : memref<4x128xi32, #tpu.memory_space<vmem>>, vector<1x16xi32>,
      %get3A_141 = arith.constant 1 : i32
      %get3A_142 = arith.index_cast %get3A_141 : i32 to index
      %get3A_143 = arith.constant 16 : index
      %get3A_144 = tpu.vector_load %arg8[%get3A_142, %get3A_143] {strides = array<i32>} : memref<4x128xi32, #tpu.memory_space<vmem>>, vector<1x16xi32>,
      %get3A_145 = vector.shape_cast %get3A_144 : vector<1x16xi32> to vector<16xi32>
      %sub3A_146 = vector.broadcast %mul3A_11 : i32 to vector<16xi32>
      %sub3A_147 = arith.subi %get3A_145, %sub3A_146 : vector<16xi32>
      %swap3A_148 = arith.constant 1 : i32
      %swap3A_149 = arith.index_cast %swap3A_148 : i32 to index
      %swap3A_150 = arith.constant 16 : index
      %swap3A_151 = tpu.vector_load %arg9[%swap3A_149, %swap3A_150] {strides = array<i32>} : memref<4x128xi32, #tpu.memory_space<vmem>>, vector<1x16xi32>,
      %swap3A_152 = vector.shape_cast %swap3A_151 : vector<1x16xi32> to vector<16xi32>
      %swap3A_153 = vector.shape_cast %sub3A_147 : vector<16xi32> to vector<1x16xi32>
      tpu.vector_store %arg9[%swap3A_149, %swap3A_150], %swap3A_153 {strides = array<i32>} : memref<4x128xi32, #tpu.memory_space<vmem>>, vector<1x16xi32>,
      %get3A_154 = arith.constant 1 : i32
      %get3A_155 = arith.index_cast %get3A_154 : i32 to index
      %get3A_156 = arith.constant 32 : index
      %get3A_157 = tpu.vector_load %arg8[%get3A_155, %get3A_156] {strides = array<i32>} : memref<4x128xi32, #tpu.memory_space<vmem>>, vector<1x16xi32>,
      %get3A_158 = vector.shape_cast %get3A_157 : vector<1x16xi32> to vector<16xi32>
      %sub3A_159 = vector.broadcast %mul3A_11 : i32 to vector<16xi32>
      %sub3A_160 = arith.subi %get3A_158, %sub3A_159 : vector<16xi32>
      %swap3A_161 = arith.constant 1 : i32
      %swap3A_162 = arith.index_cast %swap3A_161 : i32 to index
      %swap3A_163 = arith.constant 32 : index
      %swap3A_164 = tpu.vector_load %arg9[%swap3A_162, %swap3A_163] {strides = array<i32>} : memref<4x128xi32, #tpu.memory_space<vmem>>, vector<1x16xi32>,
      %swap3A_165 = vector.shape_cast %swap3A_164 : vector<1x16xi32> to vector<16xi32>
      %swap3A_166 = vector.shape_cast %sub3A_160 : vector<16xi32> to vector<1x16xi32>
      tpu.vector_store %arg9[%swap3A_162, %swap3A_163], %swap3A_166 {strides = array<i32>} : memref<4x128xi32, #tpu.memory_space<vmem>>, vector<1x16xi32>,
      %get3A_167 = arith.constant 1 : i32
      %get3A_168 = arith.index_cast %get3A_167 : i32 to index
      %get3A_169 = arith.constant 48 : index
      %get3A_170 = tpu.vector_load %arg8[%get3A_168, %get3A_169] {strides = array<i32>} : memref<4x128xi32, #tpu.memory_space<vmem>>, vector<1x16xi32>,
      %get3A_171 = vector.shape_cast %get3A_170 : vector<1x16xi32> to vector<16xi32>
      %sub3A_172 = vector.broadcast %mul3A_11 : i32 to vector<16xi32>
      %sub3A_173 = arith.subi %get3A_171, %sub3A_172 : vector<16xi32>
      %swap3A_174 = arith.constant 1 : i32
      %swap3A_175 = arith.index_cast %swap3A_174 : i32 to index
      %swap3A_176 = arith.constant 48 : index
      %swap3A_177 = tpu.vector_load %arg9[%swap3A_175, %swap3A_176] {strides = array<i32>} : memref<4x128xi32, #tpu.memory_space<vmem>>, vector<1x16xi32>,
      %swap3A_178 = vector.shape_cast %swap3A_177 : vector<1x16xi32> to vector<16xi32>
      %swap3A_179 = vector.shape_cast %sub3A_173 : vector<16xi32> to vector<1x16xi32>
      tpu.vector_store %arg9[%swap3A_175, %swap3A_176], %swap3A_179 {strides = array<i32>} : memref<4x128xi32, #tpu.memory_space<vmem>>, vector<1x16xi32>,
      %get3A_180 = arith.constant 1 : i32
      %get3A_181 = arith.index_cast %get3A_180 : i32 to index
      %get3A_182 = arith.constant 64 : index
      %get3A_183 = tpu.vector_load %arg8[%get3A_181, %get3A_182] {strides = array<i32>} : memref<4x128xi32, #tpu.memory_space<vmem>>, vector<1x16xi32>,
      %get3A_184 = vector.shape_cast %get3A_183 : vector<1x16xi32> to vector<16xi32>
      %sub3A_185 = vector.broadcast %mul3A_11 : i32 to vector<16xi32>
      %sub3A_186 = arith.subi %get3A_184, %sub3A_185 : vector<16xi32>
      %swap3A_187 = arith.constant 1 : i32
      %swap3A_188 = arith.index_cast %swap3A_187 : i32 to index
      %swap3A_189 = arith.constant 64 : index
      %swap3A_190 = tpu.vector_load %arg9[%swap3A_188, %swap3A_189] {strides = array<i32>} : memref<4x128xi32, #tpu.memory_space<vmem>>, vector<1x16xi32>,
      %swap3A_191 = vector.shape_cast %swap3A_190 : vector<1x16xi32> to vector<16xi32>
      %swap3A_192 = vector.shape_cast %sub3A_186 : vector<16xi32> to vector<1x16xi32>
      tpu.vector_store %arg9[%swap3A_188, %swap3A_189], %swap3A_192 {strides = array<i32>} : memref<4x128xi32, #tpu.memory_space<vmem>>, vector<1x16xi32>,
      %get3A_193 = arith.constant 1 : i32
      %get3A_194 = arith.index_cast %get3A_193 : i32 to index
      %get3A_195 = arith.constant 80 : index
      %get3A_196 = tpu.vector_load %arg8[%get3A_194, %get3A_195] {strides = array<i32>} : memref<4x128xi32, #tpu.memory_space<vmem>>, vector<1x16xi32>,
      %get3A_197 = vector.shape_cast %get3A_196 : vector<1x16xi32> to vector<16xi32>
      %sub3A_198 = vector.broadcast %mul3A_11 : i32 to vector<16xi32>
      %sub3A_199 = arith.subi %get3A_197, %sub3A_198 : vector<16xi32>
      %swap3A_200 = arith.constant 1 : i32
      %swap3A_201 = arith.index_cast %swap3A_200 : i32 to index
      %swap3A_202 = arith.constant 80 : index
      %swap3A_203 = tpu.vector_load %arg9[%swap3A_201, %swap3A_202] {strides = array<i32>} : memref<4x128xi32, #tpu.memory_space<vmem>>, vector<1x16xi32>,
      %swap3A_204 = vector.shape_cast %swap3A_203 : vector<1x16xi32> to vector<16xi32>
      %swap3A_205 = vector.shape_cast %sub3A_199 : vector<16xi32> to vector<1x16xi32>
      tpu.vector_store %arg9[%swap3A_201, %swap3A_202], %swap3A_205 {strides = array<i32>} : memref<4x128xi32, #tpu.memory_space<vmem>>, vector<1x16xi32>,
      %get3A_206 = arith.constant 1 : i32
      %get3A_207 = arith.index_cast %get3A_206 : i32 to index
      %get3A_208 = arith.constant 96 : index
      %get3A_209 = tpu.vector_load %arg8[%get3A_207, %get3A_208] {strides = array<i32>} : memref<4x128xi32, #tpu.memory_space<vmem>>, vector<1x16xi32>,
      %get3A_210 = vector.shape_cast %get3A_209 : vector<1x16xi32> to vector<16xi32>
      %sub3A_211 = vector.broadcast %mul3A_11 : i32 to vector<16xi32>
      %sub3A_212 = arith.subi %get3A_210, %sub3A_211 : vector<16xi32>
      %swap3A_213 = arith.constant 1 : i32
      %swap3A_214 = arith.index_cast %swap3A_213 : i32 to index
      %swap3A_215 = arith.constant 96 : index
      %swap3A_216 = tpu.vector_load %arg9[%swap3A_214, %swap3A_215] {strides = array<i32>} : memref<4x128xi32, #tpu.memory_space<vmem>>, vector<1x16xi32>,
      %swap3A_217 = vector.shape_cast %swap3A_216 : vector<1x16xi32> to vector<16xi32>
      %swap3A_218 = vector.shape_cast %sub3A_212 : vector<16xi32> to vector<1x16xi32>
      tpu.vector_store %arg9[%swap3A_214, %swap3A_215], %swap3A_218 {strides = array<i32>} : memref<4x128xi32, #tpu.memory_space<vmem>>, vector<1x16xi32>,
      %get3A_219 = arith.constant 1 : i32
      %get3A_220 = arith.index_cast %get3A_219 : i32 to index
      %get3A_221 = arith.constant 112 : index
      %get3A_222 = tpu.vector_load %arg8[%get3A_220, %get3A_221] {strides = array<i32>} : memref<4x128xi32, #tpu.memory_space<vmem>>, vector<1x16xi32>,
      %get3A_223 = vector.shape_cast %get3A_222 : vector<1x16xi32> to vector<16xi32>
      %sub3A_224 = vector.broadcast %mul3A_11 : i32 to vector<16xi32>
      %sub3A_225 = arith.subi %get3A_223, %sub3A_224 : vector<16xi32>
      %swap3A_226 = arith.constant 1 : i32
      %swap3A_227 = arith.index_cast %swap3A_226 : i32 to index
      %swap3A_228 = arith.constant 112 : index
      %swap3A_229 = tpu.vector_load %arg9[%swap3A_227, %swap3A_228] {strides = array<i32>} : memref<4x128xi32, #tpu.memory_space<vmem>>, vector<1x16xi32>,
      %swap3A_230 = vector.shape_cast %swap3A_229 : vector<1x16xi32> to vector<16xi32>
      %swap3A_231 = vector.shape_cast %sub3A_225 : vector<16xi32> to vector<1x16xi32>
      tpu.vector_store %arg9[%swap3A_227, %swap3A_228], %swap3A_231 {strides = array<i32>} : memref<4x128xi32, #tpu.memory_space<vmem>>, vector<1x16xi32>,
      %get3A_232 = arith.constant 2 : i32
      %get3A_233 = arith.index_cast %get3A_232 : i32 to index
      %get3A_234 = arith.constant 0 : index
      %get3A_235 = tpu.vector_load %arg8[%get3A_233, %get3A_234] {strides = array<i32>} : memref<4x128xi32, #tpu.memory_space<vmem>>, vector<1x16xi32>,
      %get3A_236 = vector.shape_cast %get3A_235 : vector<1x16xi32> to vector<16xi32>
      %sub3A_237 = vector.broadcast %mul3A_11 : i32 to vector<16xi32>
      %sub3A_238 = arith.subi %get3A_236, %sub3A_237 : vector<16xi32>
      %swap3A_239 = arith.constant 2 : i32
      %swap3A_240 = arith.index_cast %swap3A_239 : i32 to index
      %swap3A_241 = arith.constant 0 : index
      %swap3A_242 = tpu.vector_load %arg9[%swap3A_240, %swap3A_241] {strides = array<i32>} : memref<4x128xi32, #tpu.memory_space<vmem>>, vector<1x16xi32>,
      %swap3A_243 = vector.shape_cast %swap3A_242 : vector<1x16xi32> to vector<16xi32>
      %swap3A_244 = vector.shape_cast %sub3A_238 : vector<16xi32> to vector<1x16xi32>
      tpu.vector_store %arg9[%swap3A_240, %swap3A_241], %swap3A_244 {strides = array<i32>} : memref<4x128xi32, #tpu.memory_space<vmem>>, vector<1x16xi32>,
      %get3A_245 = arith.constant 2 : i32
      %get3A_246 = arith.index_cast %get3A_245 : i32 to index
      %get3A_247 = arith.constant 16 : index
      %get3A_248 = tpu.vector_load %arg8[%get3A_246, %get3A_247] {strides = array<i32>} : memref<4x128xi32, #tpu.memory_space<vmem>>, vector<1x16xi32>,
      %get3A_249 = vector.shape_cast %get3A_248 : vector<1x16xi32> to vector<16xi32>
      %sub3A_250 = vector.broadcast %mul3A_11 : i32 to vector<16xi32>
      %sub3A_251 = arith.subi %get3A_249, %sub3A_250 : vector<16xi32>
      %swap3A_252 = arith.constant 2 : i32
      %swap3A_253 = arith.index_cast %swap3A_252 : i32 to index
      %swap3A_254 = arith.constant 16 : index
      %swap3A_255 = tpu.vector_load %arg9[%swap3A_253, %swap3A_254] {strides = array<i32>} : memref<4x128xi32, #tpu.memory_space<vmem>>, vector<1x16xi32>,
      %swap3A_256 = vector.shape_cast %swap3A_255 : vector<1x16xi32> to vector<16xi32>
      %swap3A_257 = vector.shape_cast %sub3A_251 : vector<16xi32> to vector<1x16xi32>
      tpu.vector_store %arg9[%swap3A_253, %swap3A_254], %swap3A_257 {strides = array<i32>} : memref<4x128xi32, #tpu.memory_space<vmem>>, vector<1x16xi32>,
      %get3A_258 = arith.constant 2 : i32
      %get3A_259 = arith.index_cast %get3A_258 : i32 to index
      %get3A_260 = arith.constant 32 : index
      %get3A_261 = tpu.vector_load %arg8[%get3A_259, %get3A_260] {strides = array<i32>} : memref<4x128xi32, #tpu.memory_space<vmem>>, vector<1x16xi32>,
      %get3A_262 = vector.shape_cast %get3A_261 : vector<1x16xi32> to vector<16xi32>
      %sub3A_263 = vector.broadcast %mul3A_11 : i32 to vector<16xi32>
      %sub3A_264 = arith.subi %get3A_262, %sub3A_263 : vector<16xi32>
      %swap3A_265 = arith.constant 2 : i32
      %swap3A_266 = arith.index_cast %swap3A_265 : i32 to index
      %swap3A_267 = arith.constant 32 : index
      %swap3A_268 = tpu.vector_load %arg9[%swap3A_266, %swap3A_267] {strides = array<i32>} : memref<4x128xi32, #tpu.memory_space<vmem>>, vector<1x16xi32>,
      %swap3A_269 = vector.shape_cast %swap3A_268 : vector<1x16xi32> to vector<16xi32>
      %swap3A_270 = vector.shape_cast %sub3A_264 : vector<16xi32> to vector<1x16xi32>
      tpu.vector_store %arg9[%swap3A_266, %swap3A_267], %swap3A_270 {strides = array<i32>} : memref<4x128xi32, #tpu.memory_space<vmem>>, vector<1x16xi32>,
      %get3A_271 = arith.constant 2 : i32
      %get3A_272 = arith.index_cast %get3A_271 : i32 to index
      %get3A_273 = arith.constant 48 : index
      %get3A_274 = tpu.vector_load %arg8[%get3A_272, %get3A_273] {strides = array<i32>} : memref<4x128xi32, #tpu.memory_space<vmem>>, vector<1x16xi32>,
      %get3A_275 = vector.shape_cast %get3A_274 : vector<1x16xi32> to vector<16xi32>
      %sub3A_276 = vector.broadcast %mul3A_11 : i32 to vector<16xi32>
      %sub3A_277 = arith.subi %get3A_275, %sub3A_276 : vector<16xi32>
      %swap3A_278 = arith.constant 2 : i32
      %swap3A_279 = arith.index_cast %swap3A_278 : i32 to index
      %swap3A_280 = arith.constant 48 : index
      %swap3A_281 = tpu.vector_load %arg9[%swap3A_279, %swap3A_280] {strides = array<i32>} : memref<4x128xi32, #tpu.memory_space<vmem>>, vector<1x16xi32>,
      %swap3A_282 = vector.shape_cast %swap3A_281 : vector<1x16xi32> to vector<16xi32>
      %swap3A_283 = vector.shape_cast %sub3A_277 : vector<16xi32> to vector<1x16xi32>
      tpu.vector_store %arg9[%swap3A_279, %swap3A_280], %swap3A_283 {strides = array<i32>} : memref<4x128xi32, #tpu.memory_space<vmem>>, vector<1x16xi32>,
      %get3A_284 = arith.constant 2 : i32
      %get3A_285 = arith.index_cast %get3A_284 : i32 to index
      %get3A_286 = arith.constant 64 : index
      %get3A_287 = tpu.vector_load %arg8[%get3A_285, %get3A_286] {strides = array<i32>} : memref<4x128xi32, #tpu.memory_space<vmem>>, vector<1x16xi32>,
      %get3A_288 = vector.shape_cast %get3A_287 : vector<1x16xi32> to vector<16xi32>
      %sub3A_289 = vector.broadcast %mul3A_11 : i32 to vector<16xi32>
      %sub3A_290 = arith.subi %get3A_288, %sub3A_289 : vector<16xi32>
      %swap3A_291 = arith.constant 2 : i32
      %swap3A_292 = arith.index_cast %swap3A_291 : i32 to index
      %swap3A_293 = arith.constant 64 : index
      %swap3A_294 = tpu.vector_load %arg9[%swap3A_292, %swap3A_293] {strides = array<i32>} : memref<4x128xi32, #tpu.memory_space<vmem>>, vector<1x16xi32>,
      %swap3A_295 = vector.shape_cast %swap3A_294 : vector<1x16xi32> to vector<16xi32>
      %swap3A_296 = vector.shape_cast %sub3A_290 : vector<16xi32> to vector<1x16xi32>
      tpu.vector_store %arg9[%swap3A_292, %swap3A_293], %swap3A_296 {strides = array<i32>} : memref<4x128xi32, #tpu.memory_space<vmem>>, vector<1x16xi32>,
      %get3A_297 = arith.constant 2 : i32
      %get3A_298 = arith.index_cast %get3A_297 : i32 to index
      %get3A_299 = arith.constant 80 : index
      %get3A_300 = tpu.vector_load %arg8[%get3A_298, %get3A_299] {strides = array<i32>} : memref<4x128xi32, #tpu.memory_space<vmem>>, vector<1x16xi32>,
      %get3A_301 = vector.shape_cast %get3A_300 : vector<1x16xi32> to vector<16xi32>
      %sub3A_302 = vector.broadcast %mul3A_11 : i32 to vector<16xi32>
      %sub3A_303 = arith.subi %get3A_301, %sub3A_302 : vector<16xi32>
      %swap3A_304 = arith.constant 2 : i32
      %swap3A_305 = arith.index_cast %swap3A_304 : i32 to index
      %swap3A_306 = arith.constant 80 : index
      %swap3A_307 = tpu.vector_load %arg9[%swap3A_305, %swap3A_306] {strides = array<i32>} : memref<4x128xi32, #tpu.memory_space<vmem>>, vector<1x16xi32>,
      %swap3A_308 = vector.shape_cast %swap3A_307 : vector<1x16xi32> to vector<16xi32>
      %swap3A_309 = vector.shape_cast %sub3A_303 : vector<16xi32> to vector<1x16xi32>
      tpu.vector_store %arg9[%swap3A_305, %swap3A_306], %swap3A_309 {strides = array<i32>} : memref<4x128xi32, #tpu.memory_space<vmem>>, vector<1x16xi32>,
      %get3A_310 = arith.constant 2 : i32
      %get3A_311 = arith.index_cast %get3A_310 : i32 to index
      %get3A_312 = arith.constant 96 : index
      %get3A_313 = tpu.vector_load %arg8[%get3A_311, %get3A_312] {strides = array<i32>} : memref<4x128xi32, #tpu.memory_space<vmem>>, vector<1x16xi32>,
      %get3A_314 = vector.shape_cast %get3A_313 : vector<1x16xi32> to vector<16xi32>
      %sub3A_315 = vector.broadcast %mul3A_11 : i32 to vector<16xi32>
      %sub3A_316 = arith.subi %get3A_314, %sub3A_315 : vector<16xi32>
      %swap3A_317 = arith.constant 2 : i32
      %swap3A_318 = arith.index_cast %swap3A_317 : i32 to index
      %swap3A_319 = arith.constant 96 : index
      %swap3A_320 = tpu.vector_load %arg9[%swap3A_318, %swap3A_319] {strides = array<i32>} : memref<4x128xi32, #tpu.memory_space<vmem>>, vector<1x16xi32>,
      %swap3A_321 = vector.shape_cast %swap3A_320 : vector<1x16xi32> to vector<16xi32>
      %swap3A_322 = vector.shape_cast %sub3A_316 : vector<16xi32> to vector<1x16xi32>
      tpu.vector_store %arg9[%swap3A_318, %swap3A_319], %swap3A_322 {strides = array<i32>} : memref<4x128xi32, #tpu.memory_space<vmem>>, vector<1x16xi32>,
      %get3A_323 = arith.constant 2 : i32
      %get3A_324 = arith.index_cast %get3A_323 : i32 to index
      %get3A_325 = arith.constant 112 : index
      %get3A_326 = tpu.vector_load %arg8[%get3A_324, %get3A_325] {strides = array<i32>} : memref<4x128xi32, #tpu.memory_space<vmem>>, vector<1x16xi32>,
      %get3A_327 = vector.shape_cast %get3A_326 : vector<1x16xi32> to vector<16xi32>
      %sub3A_328 = vector.broadcast %mul3A_11 : i32 to vector<16xi32>
      %sub3A_329 = arith.subi %get3A_327, %sub3A_328 : vector<16xi32>
      %swap3A_330 = arith.constant 2 : i32
      %swap3A_331 = arith.index_cast %swap3A_330 : i32 to index
      %swap3A_332 = arith.constant 112 : index
      %swap3A_333 = tpu.vector_load %arg9[%swap3A_331, %swap3A_332] {strides = array<i32>} : memref<4x128xi32, #tpu.memory_space<vmem>>, vector<1x16xi32>,
      %swap3A_334 = vector.shape_cast %swap3A_333 : vector<1x16xi32> to vector<16xi32>
      %swap3A_335 = vector.shape_cast %sub3A_329 : vector<16xi32> to vector<1x16xi32>
      tpu.vector_store %arg9[%swap3A_331, %swap3A_332], %swap3A_335 {strides = array<i32>} : memref<4x128xi32, #tpu.memory_space<vmem>>, vector<1x16xi32>,
      %get3A_336 = arith.constant 3 : i32
      %get3A_337 = arith.index_cast %get3A_336 : i32 to index
      %get3A_338 = arith.constant 0 : index
      %get3A_339 = tpu.vector_load %arg8[%get3A_337, %get3A_338] {strides = array<i32>} : memref<4x128xi32, #tpu.memory_space<vmem>>, vector<1x16xi32>,
      %get3A_340 = vector.shape_cast %get3A_339 : vector<1x16xi32> to vector<16xi32>
      %sub3A_341 = vector.broadcast %mul3A_11 : i32 to vector<16xi32>
      %sub3A_342 = arith.subi %get3A_340, %sub3A_341 : vector<16xi32>
      %swap3A_343 = arith.constant 3 : i32
      %swap3A_344 = arith.index_cast %swap3A_343 : i32 to index
      %swap3A_345 = arith.constant 0 : index
      %swap3A_346 = tpu.vector_load %arg9[%swap3A_344, %swap3A_345] {strides = array<i32>} : memref<4x128xi32, #tpu.memory_space<vmem>>, vector<1x16xi32>,
      %swap3A_347 = vector.shape_cast %swap3A_346 : vector<1x16xi32> to vector<16xi32>
      %swap3A_348 = vector.shape_cast %sub3A_342 : vector<16xi32> to vector<1x16xi32>
      tpu.vector_store %arg9[%swap3A_344, %swap3A_345], %swap3A_348 {strides = array<i32>} : memref<4x128xi32, #tpu.memory_space<vmem>>, vector<1x16xi32>,
      %get3A_349 = arith.constant 3 : i32
      %get3A_350 = arith.index_cast %get3A_349 : i32 to index
      %get3A_351 = arith.constant 16 : index
      %get3A_352 = tpu.vector_load %arg8[%get3A_350, %get3A_351] {strides = array<i32>} : memref<4x128xi32, #tpu.memory_space<vmem>>, vector<1x16xi32>,
      %get3A_353 = vector.shape_cast %get3A_352 : vector<1x16xi32> to vector<16xi32>
      %sub3A_354 = vector.broadcast %mul3A_11 : i32 to vector<16xi32>
      %sub3A_355 = arith.subi %get3A_353, %sub3A_354 : vector<16xi32>
      %swap3A_356 = arith.constant 3 : i32
      %swap3A_357 = arith.index_cast %swap3A_356 : i32 to index
      %swap3A_358 = arith.constant 16 : index
      %swap3A_359 = tpu.vector_load %arg9[%swap3A_357, %swap3A_358] {strides = array<i32>} : memref<4x128xi32, #tpu.memory_space<vmem>>, vector<1x16xi32>,
      %swap3A_360 = vector.shape_cast %swap3A_359 : vector<1x16xi32> to vector<16xi32>
      %swap3A_361 = vector.shape_cast %sub3A_355 : vector<16xi32> to vector<1x16xi32>
      tpu.vector_store %arg9[%swap3A_357, %swap3A_358], %swap3A_361 {strides = array<i32>} : memref<4x128xi32, #tpu.memory_space<vmem>>, vector<1x16xi32>,
      %get3A_362 = arith.constant 3 : i32
      %get3A_363 = arith.index_cast %get3A_362 : i32 to index
      %get3A_364 = arith.constant 32 : index
      %get3A_365 = tpu.vector_load %arg8[%get3A_363, %get3A_364] {strides = array<i32>} : memref<4x128xi32, #tpu.memory_space<vmem>>, vector<1x16xi32>,
      %get3A_366 = vector.shape_cast %get3A_365 : vector<1x16xi32> to vector<16xi32>
      %sub3A_367 = vector.broadcast %mul3A_11 : i32 to vector<16xi32>
      %sub3A_368 = arith.subi %get3A_366, %sub3A_367 : vector<16xi32>
      %swap3A_369 = arith.constant 3 : i32
      %swap3A_370 = arith.index_cast %swap3A_369 : i32 to index
      %swap3A_371 = arith.constant 32 : index
      %swap3A_372 = tpu.vector_load %arg9[%swap3A_370, %swap3A_371] {strides = array<i32>} : memref<4x128xi32, #tpu.memory_space<vmem>>, vector<1x16xi32>,
      %swap3A_373 = vector.shape_cast %swap3A_372 : vector<1x16xi32> to vector<16xi32>
      %swap3A_374 = vector.shape_cast %sub3A_368 : vector<16xi32> to vector<1x16xi32>
      tpu.vector_store %arg9[%swap3A_370, %swap3A_371], %swap3A_374 {strides = array<i32>} : memref<4x128xi32, #tpu.memory_space<vmem>>, vector<1x16xi32>,
      %get3A_375 = arith.constant 3 : i32
      %get3A_376 = arith.index_cast %get3A_375 : i32 to index
      %get3A_377 = arith.constant 48 : index
      %get3A_378 = tpu.vector_load %arg8[%get3A_376, %get3A_377] {strides = array<i32>} : memref<4x128xi32, #tpu.memory_space<vmem>>, vector<1x16xi32>,
      %get3A_379 = vector.shape_cast %get3A_378 : vector<1x16xi32> to vector<16xi32>
      %sub3A_380 = vector.broadcast %mul3A_11 : i32 to vector<16xi32>
      %sub3A_381 = arith.subi %get3A_379, %sub3A_380 : vector<16xi32>
      %swap3A_382 = arith.constant 3 : i32
      %swap3A_383 = arith.index_cast %swap3A_382 : i32 to index
      %swap3A_384 = arith.constant 48 : index
      %swap3A_385 = tpu.vector_load %arg9[%swap3A_383, %swap3A_384] {strides = array<i32>} : memref<4x128xi32, #tpu.memory_space<vmem>>, vector<1x16xi32>,
      %swap3A_386 = vector.shape_cast %swap3A_385 : vector<1x16xi32> to vector<16xi32>
      %swap3A_387 = vector.shape_cast %sub3A_381 : vector<16xi32> to vector<1x16xi32>
      tpu.vector_store %arg9[%swap3A_383, %swap3A_384], %swap3A_387 {strides = array<i32>} : memref<4x128xi32, #tpu.memory_space<vmem>>, vector<1x16xi32>,
      %get3A_388 = arith.constant 3 : i32
      %get3A_389 = arith.index_cast %get3A_388 : i32 to index
      %get3A_390 = arith.constant 64 : index
      %get3A_391 = tpu.vector_load %arg8[%get3A_389, %get3A_390] {strides = array<i32>} : memref<4x128xi32, #tpu.memory_space<vmem>>, vector<1x16xi32>,
      %get3A_392 = vector.shape_cast %get3A_391 : vector<1x16xi32> to vector<16xi32>
      %sub3A_393 = vector.broadcast %mul3A_11 : i32 to vector<16xi32>
      %sub3A_394 = arith.subi %get3A_392, %sub3A_393 : vector<16xi32>
      %swap3A_395 = arith.constant 3 : i32
      %swap3A_396 = arith.index_cast %swap3A_395 : i32 to index
      %swap3A_397 = arith.constant 64 : index
      %swap3A_398 = tpu.vector_load %arg9[%swap3A_396, %swap3A_397] {strides = array<i32>} : memref<4x128xi32, #tpu.memory_space<vmem>>, vector<1x16xi32>,
      %swap3A_399 = vector.shape_cast %swap3A_398 : vector<1x16xi32> to vector<16xi32>
      %swap3A_400 = vector.shape_cast %sub3A_394 : vector<16xi32> to vector<1x16xi32>
      tpu.vector_store %arg9[%swap3A_396, %swap3A_397], %swap3A_400 {strides = array<i32>} : memref<4x128xi32, #tpu.memory_space<vmem>>, vector<1x16xi32>,
      %get3A_401 = arith.constant 3 : i32
      %get3A_402 = arith.index_cast %get3A_401 : i32 to index
      %get3A_403 = arith.constant 80 : index
      %get3A_404 = tpu.vector_load %arg8[%get3A_402, %get3A_403] {strides = array<i32>} : memref<4x128xi32, #tpu.memory_space<vmem>>, vector<1x16xi32>,
      %get3A_405 = vector.shape_cast %get3A_404 : vector<1x16xi32> to vector<16xi32>
      %sub3A_406 = vector.broadcast %mul3A_11 : i32 to vector<16xi32>
      %sub3A_407 = arith.subi %get3A_405, %sub3A_406 : vector<16xi32>
      %swap3A_408 = arith.constant 3 : i32
      %swap3A_409 = arith.index_cast %swap3A_408 : i32 to index
      %swap3A_410 = arith.constant 80 : index
      %swap3A_411 = tpu.vector_load %arg9[%swap3A_409, %swap3A_410] {strides = array<i32>} : memref<4x128xi32, #tpu.memory_space<vmem>>, vector<1x16xi32>,
      %swap3A_412 = vector.shape_cast %swap3A_411 : vector<1x16xi32> to vector<16xi32>
      %swap3A_413 = vector.shape_cast %sub3A_407 : vector<16xi32> to vector<1x16xi32>
      tpu.vector_store %arg9[%swap3A_409, %swap3A_410], %swap3A_413 {strides = array<i32>} : memref<4x128xi32, #tpu.memory_space<vmem>>, vector<1x16xi32>,
      %get3A_414 = arith.constant 3 : i32
      %get3A_415 = arith.index_cast %get3A_414 : i32 to index
      %get3A_416 = arith.constant 96 : index
      %get3A_417 = tpu.vector_load %arg8[%get3A_415, %get3A_416] {strides = array<i32>} : memref<4x128xi32, #tpu.memory_space<vmem>>, vector<1x16xi32>,
      %get3A_418 = vector.shape_cast %get3A_417 : vector<1x16xi32> to vector<16xi32>
      %sub3A_419 = vector.broadcast %mul3A_11 : i32 to vector<16xi32>
      %sub3A_420 = arith.subi %get3A_418, %sub3A_419 : vector<16xi32>
      %swap3A_421 = arith.constant 3 : i32
      %swap3A_422 = arith.index_cast %swap3A_421 : i32 to index
      %swap3A_423 = arith.constant 96 : index
      %swap3A_424 = tpu.vector_load %arg9[%swap3A_422, %swap3A_423] {strides = array<i32>} : memref<4x128xi32, #tpu.memory_space<vmem>>, vector<1x16xi32>,
      %swap3A_425 = vector.shape_cast %swap3A_424 : vector<1x16xi32> to vector<16xi32>
      %swap3A_426 = vector.shape_cast %sub3A_420 : vector<16xi32> to vector<1x16xi32>
      tpu.vector_store %arg9[%swap3A_422, %swap3A_423], %swap3A_426 {strides = array<i32>} : memref<4x128xi32, #tpu.memory_space<vmem>>, vector<1x16xi32>,
      %get3A_427 = arith.constant 3 : i32
      %get3A_428 = arith.index_cast %get3A_427 : i32 to index
      %get3A_429 = arith.constant 112 : index
      %get3A_430 = tpu.vector_load %arg8[%get3A_428, %get3A_429] {strides = array<i32>} : memref<4x128xi32, #tpu.memory_space<vmem>>, vector<1x16xi32>,
      %get3A_431 = vector.shape_cast %get3A_430 : vector<1x16xi32> to vector<16xi32>
      %sub3A_432 = vector.broadcast %mul3A_11 : i32 to vector<16xi32>
      %sub3A_433 = arith.subi %get3A_431, %sub3A_432 : vector<16xi32>
      %swap3A_434 = arith.constant 3 : i32
      %swap3A_435 = arith.index_cast %swap3A_434 : i32 to index
      %swap3A_436 = arith.constant 112 : index
      %swap3A_437 = tpu.vector_load %arg9[%swap3A_435, %swap3A_436] {strides = array<i32>} : memref<4x128xi32, #tpu.memory_space<vmem>>, vector<1x16xi32>,
      %swap3A_438 = vector.shape_cast %swap3A_437 : vector<1x16xi32> to vector<16xi32>
      %swap3A_439 = vector.shape_cast %sub3A_433 : vector<16xi32> to vector<1x16xi32>
      tpu.vector_store %arg9[%swap3A_435, %swap3A_436], %swap3A_439 {strides = array<i32>} : memref<4x128xi32, #tpu.memory_space<vmem>>, vector<1x16xi32>,
      %dma_start3A = arith.constant 0 : i32
      %dma_start3A_440 = arith.constant 0 : i32
      %dma_start3A_441 = arith.constant 0 : i32
      %dma_start3A_442 = tpu.memref_slice %arg10[%dma_start3A_440, %dma_start3A_441] : memref<512x64xf32, #tpu.memory_space<vmem>> -> memref<128x64xf32, #tpu.memory_space<vmem>>
      %dma_start3A_443 = arith.constant 0 : i32
      %dma_start3A_444 = tpu.memref_slice %arg7[%dma_start3A, %dma_start3A_443] : memref<4x128xi32, #tpu.memory_space<vmem>> -> memref<1x128xi32, #tpu.memory_space<vmem>>
      %dma_start3A_445 = tpu.memref_squeeze %dma_start3A_444 : memref<1x128xi32, #tpu.memory_space<vmem>> -> memref<128xi32, #tpu.memory_space<vmem>>
      %dma_start3A_446 = arith.constant 0 : i32
      %dma_start3A_447 = arith.constant 0 : i32
      %dma_start3A_448 = tpu.memref_slice %arg2[%dma_start3A_446, %dma_start3A_447] : memref<8192x64xf32, #tpu.memory_space<hbm>> -> memref<8192x64xf32, #tpu.memory_space<hbm>>
      tpu.enqueue_indirect_dma source(%dma_start3A_448 : memref<8192x64xf32, #tpu.memory_space<hbm>>) target(%dma_start3A_442 : memref<128x64xf32, #tpu.memory_space<vmem>>) offsets(%dma_start3A_445 : memref<128xi32, #tpu.memory_space<vmem>>) semaphore(%arg13 : memref<!tpu.dma_semaphore, #tpu.memory_space<semaphore_mem>>)
      %dma_start3A_449 = arith.constant 0 : i32
      %dma_start3A_450 = arith.constant 0 : i32
      %dma_start3A_451 = arith.constant 0 : i32
      %dma_start3A_452 = tpu.memref_slice %arg11[%dma_start3A_450, %dma_start3A_451] : memref<512x64xf32, #tpu.memory_space<vmem>> -> memref<128x64xf32, #tpu.memory_space<vmem>>
      %dma_start3A_453 = arith.constant 0 : i32
      %dma_start3A_454 = tpu.memref_slice %arg8[%dma_start3A_449, %dma_start3A_453] : memref<4x128xi32, #tpu.memory_space<vmem>> -> memref<1x128xi32, #tpu.memory_space<vmem>>
      %dma_start3A_455 = tpu.memref_squeeze %dma_start3A_454 : memref<1x128xi32, #tpu.memory_space<vmem>> -> memref<128xi32, #tpu.memory_space<vmem>>
      %dma_start3A_456 = arith.constant 0 : i32
      %dma_start3A_457 = arith.constant 0 : i32
      %dma_start3A_458 = tpu.memref_slice %arg3[%dma_start3A_456, %dma_start3A_457] : memref<8192x64xf32, #tpu.memory_space<hbm>> -> memref<8192x64xf32, #tpu.memory_space<hbm>>
      tpu.enqueue_indirect_dma source(%dma_start3A_458 : memref<8192x64xf32, #tpu.memory_space<hbm>>) target(%dma_start3A_452 : memref<128x64xf32, #tpu.memory_space<vmem>>) offsets(%dma_start3A_455 : memref<128xi32, #tpu.memory_space<vmem>>) semaphore(%arg14 : memref<!tpu.dma_semaphore, #tpu.memory_space<semaphore_mem>>)
      %dma_start3A_459 = arith.constant 1 : i32
      %dma_start3A_460 = arith.constant 128 : i32
      %dma_start3A_461 = arith.constant 0 : i32
      %dma_start3A_462 = tpu.memref_slice %arg10[%dma_start3A_460, %dma_start3A_461] : memref<512x64xf32, #tpu.memory_space<vmem>> -> memref<128x64xf32, #tpu.memory_space<vmem>>
      %dma_start3A_463 = arith.constant 0 : i32
      %dma_start3A_464 = tpu.memref_slice %arg7[%dma_start3A_459, %dma_start3A_463] : memref<4x128xi32, #tpu.memory_space<vmem>> -> memref<1x128xi32, #tpu.memory_space<vmem>>
      %dma_start3A_465 = tpu.memref_squeeze %dma_start3A_464 : memref<1x128xi32, #tpu.memory_space<vmem>> -> memref<128xi32, #tpu.memory_space<vmem>>
      %dma_start3A_466 = arith.constant 0 : i32
      %dma_start3A_467 = arith.constant 0 : i32
      %dma_start3A_468 = tpu.memref_slice %arg2[%dma_start3A_466, %dma_start3A_467] : memref<8192x64xf32, #tpu.memory_space<hbm>> -> memref<8192x64xf32, #tpu.memory_space<hbm>>
      tpu.enqueue_indirect_dma source(%dma_start3A_468 : memref<8192x64xf32, #tpu.memory_space<hbm>>) target(%dma_start3A_462 : memref<128x64xf32, #tpu.memory_space<vmem>>) offsets(%dma_start3A_465 : memref<128xi32, #tpu.memory_space<vmem>>) semaphore(%arg13 : memref<!tpu.dma_semaphore, #tpu.memory_space<semaphore_mem>>)
      %dma_start3A_469 = arith.constant 1 : i32
      %dma_start3A_470 = arith.constant 128 : i32
      %dma_start3A_471 = arith.constant 0 : i32
      %dma_start3A_472 = tpu.memref_slice %arg11[%dma_start3A_470, %dma_start3A_471] : memref<512x64xf32, #tpu.memory_space<vmem>> -> memref<128x64xf32, #tpu.memory_space<vmem>>
      %dma_start3A_473 = arith.constant 0 : i32
      %dma_start3A_474 = tpu.memref_slice %arg8[%dma_start3A_469, %dma_start3A_473] : memref<4x128xi32, #tpu.memory_space<vmem>> -> memref<1x128xi32, #tpu.memory_space<vmem>>
      %dma_start3A_475 = tpu.memref_squeeze %dma_start3A_474 : memref<1x128xi32, #tpu.memory_space<vmem>> -> memref<128xi32, #tpu.memory_space<vmem>>
      %dma_start3A_476 = arith.constant 0 : i32
      %dma_start3A_477 = arith.constant 0 : i32
      %dma_start3A_478 = tpu.memref_slice %arg3[%dma_start3A_476, %dma_start3A_477] : memref<8192x64xf32, #tpu.memory_space<hbm>> -> memref<8192x64xf32, #tpu.memory_space<hbm>>
      tpu.enqueue_indirect_dma source(%dma_start3A_478 : memref<8192x64xf32, #tpu.memory_space<hbm>>) target(%dma_start3A_472 : memref<128x64xf32, #tpu.memory_space<vmem>>) offsets(%dma_start3A_475 : memref<128xi32, #tpu.memory_space<vmem>>) semaphore(%arg14 : memref<!tpu.dma_semaphore, #tpu.memory_space<semaphore_mem>>)
      %dma_start3A_479 = arith.constant 2 : i32
      %dma_start3A_480 = arith.constant 256 : i32
      %dma_start3A_481 = arith.constant 0 : i32
      %dma_start3A_482 = tpu.memref_slice %arg10[%dma_start3A_480, %dma_start3A_481] : memref<512x64xf32, #tpu.memory_space<vmem>> -> memref<128x64xf32, #tpu.memory_space<vmem>>
      %dma_start3A_483 = arith.constant 0 : i32
      %dma_start3A_484 = tpu.memref_slice %arg7[%dma_start3A_479, %dma_start3A_483] : memref<4x128xi32, #tpu.memory_space<vmem>> -> memref<1x128xi32, #tpu.memory_space<vmem>>
      %dma_start3A_485 = tpu.memref_squeeze %dma_start3A_484 : memref<1x128xi32, #tpu.memory_space<vmem>> -> memref<128xi32, #tpu.memory_space<vmem>>
      %dma_start3A_486 = arith.constant 0 : i32
      %dma_start3A_487 = arith.constant 0 : i32
      %dma_start3A_488 = tpu.memref_slice %arg2[%dma_start3A_486, %dma_start3A_487] : memref<8192x64xf32, #tpu.memory_space<hbm>> -> memref<8192x64xf32, #tpu.memory_space<hbm>>
      tpu.enqueue_indirect_dma source(%dma_start3A_488 : memref<8192x64xf32, #tpu.memory_space<hbm>>) target(%dma_start3A_482 : memref<128x64xf32, #tpu.memory_space<vmem>>) offsets(%dma_start3A_485 : memref<128xi32, #tpu.memory_space<vmem>>) semaphore(%arg13 : memref<!tpu.dma_semaphore, #tpu.memory_space<semaphore_mem>>)
      %dma_start3A_489 = arith.constant 2 : i32
      %dma_start3A_490 = arith.constant 256 : i32
      %dma_start3A_491 = arith.constant 0 : i32
      %dma_start3A_492 = tpu.memref_slice %arg11[%dma_start3A_490, %dma_start3A_491] : memref<512x64xf32, #tpu.memory_space<vmem>> -> memref<128x64xf32, #tpu.memory_space<vmem>>
      %dma_start3A_493 = arith.constant 0 : i32
      %dma_start3A_494 = tpu.memref_slice %arg8[%dma_start3A_489, %dma_start3A_493] : memref<4x128xi32, #tpu.memory_space<vmem>> -> memref<1x128xi32, #tpu.memory_space<vmem>>
      %dma_start3A_495 = tpu.memref_squeeze %dma_start3A_494 : memref<1x128xi32, #tpu.memory_space<vmem>> -> memref<128xi32, #tpu.memory_space<vmem>>
      %dma_start3A_496 = arith.constant 0 : i32
      %dma_start3A_497 = arith.constant 0 : i32
      %dma_start3A_498 = tpu.memref_slice %arg3[%dma_start3A_496, %dma_start3A_497] : memref<8192x64xf32, #tpu.memory_space<hbm>> -> memref<8192x64xf32, #tpu.memory_space<hbm>>
      tpu.enqueue_indirect_dma source(%dma_start3A_498 : memref<8192x64xf32, #tpu.memory_space<hbm>>) target(%dma_start3A_492 : memref<128x64xf32, #tpu.memory_space<vmem>>) offsets(%dma_start3A_495 : memref<128xi32, #tpu.memory_space<vmem>>) semaphore(%arg14 : memref<!tpu.dma_semaphore, #tpu.memory_space<semaphore_mem>>)
      %dma_start3A_499 = arith.constant 3 : i32
      %dma_start3A_500 = arith.constant 384 : i32
      %dma_start3A_501 = arith.constant 0 : i32
      %dma_start3A_502 = tpu.memref_slice %arg10[%dma_start3A_500, %dma_start3A_501] : memref<512x64xf32, #tpu.memory_space<vmem>> -> memref<128x64xf32, #tpu.memory_space<vmem>>
      %dma_start3A_503 = arith.constant 0 : i32
      %dma_start3A_504 = tpu.memref_slice %arg7[%dma_start3A_499, %dma_start3A_503] : memref<4x128xi32, #tpu.memory_space<vmem>> -> memref<1x128xi32, #tpu.memory_space<vmem>>
      %dma_start3A_505 = tpu.memref_squeeze %dma_start3A_504 : memref<1x128xi32, #tpu.memory_space<vmem>> -> memref<128xi32, #tpu.memory_space<vmem>>
      %dma_start3A_506 = arith.constant 0 : i32
      %dma_start3A_507 = arith.constant 0 : i32
      %dma_start3A_508 = tpu.memref_slice %arg2[%dma_start3A_506, %dma_start3A_507] : memref<8192x64xf32, #tpu.memory_space<hbm>> -> memref<8192x64xf32, #tpu.memory_space<hbm>>
      tpu.enqueue_indirect_dma source(%dma_start3A_508 : memref<8192x64xf32, #tpu.memory_space<hbm>>) target(%dma_start3A_502 : memref<128x64xf32, #tpu.memory_space<vmem>>) offsets(%dma_start3A_505 : memref<128xi32, #tpu.memory_space<vmem>>) semaphore(%arg13 : memref<!tpu.dma_semaphore, #tpu.memory_space<semaphore_mem>>)
      %dma_start3A_509 = arith.constant 3 : i32
      %dma_start3A_510 = arith.constant 384 : i32
      %dma_start3A_511 = arith.constant 0 : i32
      %dma_start3A_512 = tpu.memref_slice %arg11[%dma_start3A_510, %dma_start3A_511] : memref<512x64xf32, #tpu.memory_space<vmem>> -> memref<128x64xf32, #tpu.memory_space<vmem>>
      %dma_start3A_513 = arith.constant 0 : i32
      %dma_start3A_514 = tpu.memref_slice %arg8[%dma_start3A_509, %dma_start3A_513] : memref<4x128xi32, #tpu.memory_space<vmem>> -> memref<1x128xi32, #tpu.memory_space<vmem>>
      %dma_start3A_515 = tpu.memref_squeeze %dma_start3A_514 : memref<1x128xi32, #tpu.memory_space<vmem>> -> memref<128xi32, #tpu.memory_space<vmem>>
      %dma_start3A_516 = arith.constant 0 : i32
      %dma_start3A_517 = arith.constant 0 : i32
      %dma_start3A_518 = tpu.memref_slice %arg3[%dma_start3A_516, %dma_start3A_517] : memref<8192x64xf32, #tpu.memory_space<hbm>> -> memref<8192x64xf32, #tpu.memory_space<hbm>>
      tpu.enqueue_indirect_dma source(%dma_start3A_518 : memref<8192x64xf32, #tpu.memory_space<hbm>>) target(%dma_start3A_512 : memref<128x64xf32, #tpu.memory_space<vmem>>) offsets(%dma_start3A_515 : memref<128xi32, #tpu.memory_space<vmem>>) semaphore(%arg14 : memref<!tpu.dma_semaphore, #tpu.memory_space<semaphore_mem>>)
      %dma_wait3A = arith.constant 0 : i32
      %dma_wait3A_519 = arith.constant 0 : i32
      %dma_wait3A_520 = arith.constant 0 : i32
      %dma_wait3A_521 = tpu.memref_slice %arg10[%dma_wait3A_519, %dma_wait3A_520] : memref<512x64xf32, #tpu.memory_space<vmem>> -> memref<128x64xf32, #tpu.memory_space<vmem>>
      %dma_wait3A_522 = arith.constant 0 : i32
      %dma_wait3A_523 = tpu.memref_slice %arg7[%dma_wait3A, %dma_wait3A_522] : memref<4x128xi32, #tpu.memory_space<vmem>> -> memref<1x128xi32, #tpu.memory_space<vmem>>
      %dma_wait3A_524 = tpu.memref_squeeze %dma_wait3A_523 : memref<1x128xi32, #tpu.memory_space<vmem>> -> memref<128xi32, #tpu.memory_space<vmem>>
      %dma_wait3A_525 = arith.constant 0 : i32
      %dma_wait3A_526 = arith.constant 0 : i32
      %dma_wait3A_527 = tpu.memref_slice %arg2[%dma_wait3A_525, %dma_wait3A_526] : memref<8192x64xf32, #tpu.memory_space<hbm>> -> memref<8192x64xf32, #tpu.memory_space<hbm>>
      tpu.wait_indirect_dma semaphore(%arg13 : memref<!tpu.dma_semaphore, #tpu.memory_space<semaphore_mem>>) src(%dma_wait3A_527 : memref<8192x64xf32, #tpu.memory_space<hbm>>) dst(%dma_wait3A_521 : memref<128x64xf32, #tpu.memory_space<vmem>>)
      %dma_wait3A_528 = arith.constant 0 : i32
      %dma_wait3A_529 = arith.constant 0 : i32
      %dma_wait3A_530 = arith.constant 0 : i32
      %dma_wait3A_531 = tpu.memref_slice %arg11[%dma_wait3A_529, %dma_wait3A_530] : memref<512x64xf32, #tpu.memory_space<vmem>> -> memref<128x64xf32, #tpu.memory_space<vmem>>
      %dma_wait3A_532 = arith.constant 0 : i32
      %dma_wait3A_533 = tpu.memref_slice %arg8[%dma_wait3A_528, %dma_wait3A_532] : memref<4x128xi32, #tpu.memory_space<vmem>> -> memref<1x128xi32, #tpu.memory_space<vmem>>
      %dma_wait3A_534 = tpu.memref_squeeze %dma_wait3A_533 : memref<1x128xi32, #tpu.memory_space<vmem>> -> memref<128xi32, #tpu.memory_space<vmem>>
      %dma_wait3A_535 = arith.constant 0 : i32
      %dma_wait3A_536 = arith.constant 0 : i32
      %dma_wait3A_537 = tpu.memref_slice %arg3[%dma_wait3A_535, %dma_wait3A_536] : memref<8192x64xf32, #tpu.memory_space<hbm>> -> memref<8192x64xf32, #tpu.memory_space<hbm>>
      tpu.wait_indirect_dma semaphore(%arg14 : memref<!tpu.dma_semaphore, #tpu.memory_space<semaphore_mem>>) src(%dma_wait3A_537 : memref<8192x64xf32, #tpu.memory_space<hbm>>) dst(%dma_wait3A_531 : memref<128x64xf32, #tpu.memory_space<vmem>>)
      %dma_wait3A_538 = arith.constant 1 : i32
      %dma_wait3A_539 = arith.constant 128 : i32
      %dma_wait3A_540 = arith.constant 0 : i32
      %dma_wait3A_541 = tpu.memref_slice %arg10[%dma_wait3A_539, %dma_wait3A_540] : memref<512x64xf32, #tpu.memory_space<vmem>> -> memref<128x64xf32, #tpu.memory_space<vmem>>
      %dma_wait3A_542 = arith.constant 0 : i32
      %dma_wait3A_543 = tpu.memref_slice %arg7[%dma_wait3A_538, %dma_wait3A_542] : memref<4x128xi32, #tpu.memory_space<vmem>> -> memref<1x128xi32, #tpu.memory_space<vmem>>
      %dma_wait3A_544 = tpu.memref_squeeze %dma_wait3A_543 : memref<1x128xi32, #tpu.memory_space<vmem>> -> memref<128xi32, #tpu.memory_space<vmem>>
      %dma_wait3A_545 = arith.constant 0 : i32
      %dma_wait3A_546 = arith.constant 0 : i32
      %dma_wait3A_547 = tpu.memref_slice %arg2[%dma_wait3A_545, %dma_wait3A_546] : memref<8192x64xf32, #tpu.memory_space<hbm>> -> memref<8192x64xf32, #tpu.memory_space<hbm>>
      tpu.wait_indirect_dma semaphore(%arg13 : memref<!tpu.dma_semaphore, #tpu.memory_space<semaphore_mem>>) src(%dma_wait3A_547 : memref<8192x64xf32, #tpu.memory_space<hbm>>) dst(%dma_wait3A_541 : memref<128x64xf32, #tpu.memory_space<vmem>>)
      %dma_wait3A_548 = arith.constant 1 : i32
      %dma_wait3A_549 = arith.constant 128 : i32
      %dma_wait3A_550 = arith.constant 0 : i32
      %dma_wait3A_551 = tpu.memref_slice %arg11[%dma_wait3A_549, %dma_wait3A_550] : memref<512x64xf32, #tpu.memory_space<vmem>> -> memref<128x64xf32, #tpu.memory_space<vmem>>
      %dma_wait3A_552 = arith.constant 0 : i32
      %dma_wait3A_553 = tpu.memref_slice %arg8[%dma_wait3A_548, %dma_wait3A_552] : memref<4x128xi32, #tpu.memory_space<vmem>> -> memref<1x128xi32, #tpu.memory_space<vmem>>
      %dma_wait3A_554 = tpu.memref_squeeze %dma_wait3A_553 : memref<1x128xi32, #tpu.memory_space<vmem>> -> memref<128xi32, #tpu.memory_space<vmem>>
      %dma_wait3A_555 = arith.constant 0 : i32
      %dma_wait3A_556 = arith.constant 0 : i32
      %dma_wait3A_557 = tpu.memref_slice %arg3[%dma_wait3A_555, %dma_wait3A_556] : memref<8192x64xf32, #tpu.memory_space<hbm>> -> memref<8192x64xf32, #tpu.memory_space<hbm>>
      tpu.wait_indirect_dma semaphore(%arg14 : memref<!tpu.dma_semaphore, #tpu.memory_space<semaphore_mem>>) src(%dma_wait3A_557 : memref<8192x64xf32, #tpu.memory_space<hbm>>) dst(%dma_wait3A_551 : memref<128x64xf32, #tpu.memory_space<vmem>>)
      %dma_wait3A_558 = arith.constant 2 : i32
      %dma_wait3A_559 = arith.constant 256 : i32
      %dma_wait3A_560 = arith.constant 0 : i32
      %dma_wait3A_561 = tpu.memref_slice %arg10[%dma_wait3A_559, %dma_wait3A_560] : memref<512x64xf32, #tpu.memory_space<vmem>> -> memref<128x64xf32, #tpu.memory_space<vmem>>
      %dma_wait3A_562 = arith.constant 0 : i32
      %dma_wait3A_563 = tpu.memref_slice %arg7[%dma_wait3A_558, %dma_wait3A_562] : memref<4x128xi32, #tpu.memory_space<vmem>> -> memref<1x128xi32, #tpu.memory_space<vmem>>
      %dma_wait3A_564 = tpu.memref_squeeze %dma_wait3A_563 : memref<1x128xi32, #tpu.memory_space<vmem>> -> memref<128xi32, #tpu.memory_space<vmem>>
      %dma_wait3A_565 = arith.constant 0 : i32
      %dma_wait3A_566 = arith.constant 0 : i32
      %dma_wait3A_567 = tpu.memref_slice %arg2[%dma_wait3A_565, %dma_wait3A_566] : memref<8192x64xf32, #tpu.memory_space<hbm>> -> memref<8192x64xf32, #tpu.memory_space<hbm>>
      tpu.wait_indirect_dma semaphore(%arg13 : memref<!tpu.dma_semaphore, #tpu.memory_space<semaphore_mem>>) src(%dma_wait3A_567 : memref<8192x64xf32, #tpu.memory_space<hbm>>) dst(%dma_wait3A_561 : memref<128x64xf32, #tpu.memory_space<vmem>>)
      %dma_wait3A_568 = arith.constant 2 : i32
      %dma_wait3A_569 = arith.constant 256 : i32
      %dma_wait3A_570 = arith.constant 0 : i32
      %dma_wait3A_571 = tpu.memref_slice %arg11[%dma_wait3A_569, %dma_wait3A_570] : memref<512x64xf32, #tpu.memory_space<vmem>> -> memref<128x64xf32, #tpu.memory_space<vmem>>
      %dma_wait3A_572 = arith.constant 0 : i32
      %dma_wait3A_573 = tpu.memref_slice %arg8[%dma_wait3A_568, %dma_wait3A_572] : memref<4x128xi32, #tpu.memory_space<vmem>> -> memref<1x128xi32, #tpu.memory_space<vmem>>
      %dma_wait3A_574 = tpu.memref_squeeze %dma_wait3A_573 : memref<1x128xi32, #tpu.memory_space<vmem>> -> memref<128xi32, #tpu.memory_space<vmem>>
      %dma_wait3A_575 = arith.constant 0 : i32
      %dma_wait3A_576 = arith.constant 0 : i32
      %dma_wait3A_577 = tpu.memref_slice %arg3[%dma_wait3A_575, %dma_wait3A_576] : memref<8192x64xf32, #tpu.memory_space<hbm>> -> memref<8192x64xf32, #tpu.memory_space<hbm>>
      tpu.wait_indirect_dma semaphore(%arg14 : memref<!tpu.dma_semaphore, #tpu.memory_space<semaphore_mem>>) src(%dma_wait3A_577 : memref<8192x64xf32, #tpu.memory_space<hbm>>) dst(%dma_wait3A_571 : memref<128x64xf32, #tpu.memory_space<vmem>>)
      %dma_wait3A_578 = arith.constant 3 : i32
      %dma_wait3A_579 = arith.constant 384 : i32
      %dma_wait3A_580 = arith.constant 0 : i32
      %dma_wait3A_581 = tpu.memref_slice %arg10[%dma_wait3A_579, %dma_wait3A_580] : memref<512x64xf32, #tpu.memory_space<vmem>> -> memref<128x64xf32, #tpu.memory_space<vmem>>
      %dma_wait3A_582 = arith.constant 0 : i32
      %dma_wait3A_583 = tpu.memref_slice %arg7[%dma_wait3A_578, %dma_wait3A_582] : memref<4x128xi32, #tpu.memory_space<vmem>> -> memref<1x128xi32, #tpu.memory_space<vmem>>
      %dma_wait3A_584 = tpu.memref_squeeze %dma_wait3A_583 : memref<1x128xi32, #tpu.memory_space<vmem>> -> memref<128xi32, #tpu.memory_space<vmem>>
      %dma_wait3A_585 = arith.constant 0 : i32
      %dma_wait3A_586 = arith.constant 0 : i32
      %dma_wait3A_587 = tpu.memref_slice %arg2[%dma_wait3A_585, %dma_wait3A_586] : memref<8192x64xf32, #tpu.memory_space<hbm>> -> memref<8192x64xf32, #tpu.memory_space<hbm>>
      tpu.wait_indirect_dma semaphore(%arg13 : memref<!tpu.dma_semaphore, #tpu.memory_space<semaphore_mem>>) src(%dma_wait3A_587 : memref<8192x64xf32, #tpu.memory_space<hbm>>) dst(%dma_wait3A_581 : memref<128x64xf32, #tpu.memory_space<vmem>>)
      %dma_wait3A_588 = arith.constant 3 : i32
      %dma_wait3A_589 = arith.constant 384 : i32
      %dma_wait3A_590 = arith.constant 0 : i32
      %dma_wait3A_591 = tpu.memref_slice %arg11[%dma_wait3A_589, %dma_wait3A_590] : memref<512x64xf32, #tpu.memory_space<vmem>> -> memref<128x64xf32, #tpu.memory_space<vmem>>
      %dma_wait3A_592 = arith.constant 0 : i32
      %dma_wait3A_593 = tpu.memref_slice %arg8[%dma_wait3A_588, %dma_wait3A_592] : memref<4x128xi32, #tpu.memory_space<vmem>> -> memref<1x128xi32, #tpu.memory_space<vmem>>
      %dma_wait3A_594 = tpu.memref_squeeze %dma_wait3A_593 : memref<1x128xi32, #tpu.memory_space<vmem>> -> memref<128xi32, #tpu.memory_space<vmem>>
      %dma_wait3A_595 = arith.constant 0 : i32
      %dma_wait3A_596 = arith.constant 0 : i32
      %dma_wait3A_597 = tpu.memref_slice %arg3[%dma_wait3A_595, %dma_wait3A_596] : memref<8192x64xf32, #tpu.memory_space<hbm>> -> memref<8192x64xf32, #tpu.memory_space<hbm>>
      tpu.wait_indirect_dma semaphore(%arg14 : memref<!tpu.dma_semaphore, #tpu.memory_space<semaphore_mem>>) src(%dma_wait3A_597 : memref<8192x64xf32, #tpu.memory_space<hbm>>) dst(%dma_wait3A_591 : memref<128x64xf32, #tpu.memory_space<vmem>>)
      %scan3A_598 = arith.constant 0 : i32
      %scan3A_599 = arith.constant 512 : i32
      %scan3A_600 = arith.addi %scan3A_598, %scan3A_599 : i32
      %scan3A_601 = arith.constant 1 : i32
      scf.for %scan3A_606 = %scan3A_598 to %scan3A_600 step %scan3A_601  : i32 {
        %mul3A_607 = arith.constant 1 : i32
        %mul3A_608 = arith.muli %scan3A_606, %mul3A_607 : i32
        %add3A_609 = arith.constant 0 : i32
        %add3A_610 = arith.addi %add3A_609, %mul3A_608 : i32
        %get3A_611 = arith.index_cast %add3A_610 : i32 to index
        %get3A_612 = arith.constant 0 : index
        %get3A_613 = tpu.vector_load %arg10[%get3A_611, %get3A_612] {strides = array<i32>} : memref<512x64xf32, #tpu.memory_space<vmem>>, vector<1x16xf32>,
        %get3A_614 = vector.shape_cast %get3A_613 : vector<1x16xf32> to vector<16xf32>
        %get3A_615 = arith.index_cast %add3A_610 : i32 to index
        %get3A_616 = arith.constant 0 : index
        %get3A_617 = tpu.vector_load %arg11[%get3A_615, %get3A_616] {strides = array<i32>} : memref<512x64xf32, #tpu.memory_space<vmem>>, vector<1x16xf32>,
        %get3A_618 = vector.shape_cast %get3A_617 : vector<1x16xf32> to vector<16xf32>
        %add3A_619 = arith.addf %get3A_614, %get3A_618 : vector<16xf32>
        %neg3A = arith.constant 0.000000e+00 : f32
        %neg3A_620 = vector.broadcast %neg3A : f32 to vector<16xf32>
        %neg3A_621 = arith.subf %neg3A_620, %add3A_619 : vector<16xf32>
        %exp3A = math.exp %neg3A_621 : vector<16xf32>
        %add3A_622 = arith.constant 1.000000e+00 : f32
        %add3A_623 = vector.broadcast %add3A_622 : f32 to vector<16xf32>
        %add3A_624 = arith.addf %add3A_623, %exp3A : vector<16xf32>
        %div3A = arith.constant 1.000000e+00 : f32
        %div3A_625 = vector.broadcast %div3A : f32 to vector<16xf32>
        %div3A_626 = arith.divf %div3A_625, %add3A_624 : vector<16xf32>
        %mul3A_627 = arith.mulf %add3A_619, %div3A_626 : vector<16xf32>
        %swap3A_628 = arith.index_cast %add3A_610 : i32 to index
        %swap3A_629 = arith.constant 0 : index
        %swap3A_630 = tpu.vector_load %arg10[%swap3A_628, %swap3A_629] {strides = array<i32>} : memref<512x64xf32, #tpu.memory_space<vmem>>, vector<1x16xf32>,
        %swap3A_631 = vector.shape_cast %swap3A_630 : vector<1x16xf32> to vector<16xf32>
        %swap3A_632 = vector.shape_cast %mul3A_627 : vector<16xf32> to vector<1x16xf32>
        tpu.vector_store %arg10[%swap3A_628, %swap3A_629], %swap3A_632 {strides = array<i32>} : memref<512x64xf32, #tpu.memory_space<vmem>>, vector<1x16xf32>,
        %get3A_633 = arith.index_cast %add3A_610 : i32 to index
        %get3A_634 = arith.constant 16 : index
        %get3A_635 = tpu.vector_load %arg10[%get3A_633, %get3A_634] {strides = array<i32>} : memref<512x64xf32, #tpu.memory_space<vmem>>, vector<1x16xf32>,
        %get3A_636 = vector.shape_cast %get3A_635 : vector<1x16xf32> to vector<16xf32>
        %get3A_637 = arith.index_cast %add3A_610 : i32 to index
        %get3A_638 = arith.constant 16 : index
        %get3A_639 = tpu.vector_load %arg11[%get3A_637, %get3A_638] {strides = array<i32>} : memref<512x64xf32, #tpu.memory_space<vmem>>, vector<1x16xf32>,
        %get3A_640 = vector.shape_cast %get3A_639 : vector<1x16xf32> to vector<16xf32>
        %add3A_641 = arith.addf %get3A_636, %get3A_640 : vector<16xf32>
        %neg3A_642 = arith.constant 0.000000e+00 : f32
        %neg3A_643 = vector.broadcast %neg3A_642 : f32 to vector<16xf32>
        %neg3A_644 = arith.subf %neg3A_643, %add3A_641 : vector<16xf32>
        %exp3A_645 = math.exp %neg3A_644 : vector<16xf32>
        %add3A_646 = arith.constant 1.000000e+00 : f32
        %add3A_647 = vector.broadcast %add3A_646 : f32 to vector<16xf32>
        %add3A_648 = arith.addf %add3A_647, %exp3A_645 : vector<16xf32>
        %div3A_649 = arith.constant 1.000000e+00 : f32
        %div3A_650 = vector.broadcast %div3A_649 : f32 to vector<16xf32>
        %div3A_651 = arith.divf %div3A_650, %add3A_648 : vector<16xf32>
        %mul3A_652 = arith.mulf %add3A_641, %div3A_651 : vector<16xf32>
        %swap3A_653 = arith.index_cast %add3A_610 : i32 to index
        %swap3A_654 = arith.constant 16 : index
        %swap3A_655 = tpu.vector_load %arg10[%swap3A_653, %swap3A_654] {strides = array<i32>} : memref<512x64xf32, #tpu.memory_space<vmem>>, vector<1x16xf32>,
        %swap3A_656 = vector.shape_cast %swap3A_655 : vector<1x16xf32> to vector<16xf32>
        %swap3A_657 = vector.shape_cast %mul3A_652 : vector<16xf32> to vector<1x16xf32>
        tpu.vector_store %arg10[%swap3A_653, %swap3A_654], %swap3A_657 {strides = array<i32>} : memref<512x64xf32, #tpu.memory_space<vmem>>, vector<1x16xf32>,
        %get3A_658 = arith.index_cast %add3A_610 : i32 to index
        %get3A_659 = arith.constant 32 : index
        %get3A_660 = tpu.vector_load %arg10[%get3A_658, %get3A_659] {strides = array<i32>} : memref<512x64xf32, #tpu.memory_space<vmem>>, vector<1x16xf32>,
        %get3A_661 = vector.shape_cast %get3A_660 : vector<1x16xf32> to vector<16xf32>
        %get3A_662 = arith.index_cast %add3A_610 : i32 to index
        %get3A_663 = arith.constant 32 : index
        %get3A_664 = tpu.vector_load %arg11[%get3A_662, %get3A_663] {strides = array<i32>} : memref<512x64xf32, #tpu.memory_space<vmem>>, vector<1x16xf32>,
        %get3A_665 = vector.shape_cast %get3A_664 : vector<1x16xf32> to vector<16xf32>
        %add3A_666 = arith.addf %get3A_661, %get3A_665 : vector<16xf32>
        %neg3A_667 = arith.constant 0.000000e+00 : f32
        %neg3A_668 = vector.broadcast %neg3A_667 : f32 to vector<16xf32>
        %neg3A_669 = arith.subf %neg3A_668, %add3A_666 : vector<16xf32>
        %exp3A_670 = math.exp %neg3A_669 : vector<16xf32>
        %add3A_671 = arith.constant 1.000000e+00 : f32
        %add3A_672 = vector.broadcast %add3A_671 : f32 to vector<16xf32>
        %add3A_673 = arith.addf %add3A_672, %exp3A_670 : vector<16xf32>
        %div3A_674 = arith.constant 1.000000e+00 : f32
        %div3A_675 = vector.broadcast %div3A_674 : f32 to vector<16xf32>
        %div3A_676 = arith.divf %div3A_675, %add3A_673 : vector<16xf32>
        %mul3A_677 = arith.mulf %add3A_666, %div3A_676 : vector<16xf32>
        %swap3A_678 = arith.index_cast %add3A_610 : i32 to index
        %swap3A_679 = arith.constant 32 : index
        %swap3A_680 = tpu.vector_load %arg10[%swap3A_678, %swap3A_679] {strides = array<i32>} : memref<512x64xf32, #tpu.memory_space<vmem>>, vector<1x16xf32>,
        %swap3A_681 = vector.shape_cast %swap3A_680 : vector<1x16xf32> to vector<16xf32>
        %swap3A_682 = vector.shape_cast %mul3A_677 : vector<16xf32> to vector<1x16xf32>
        tpu.vector_store %arg10[%swap3A_678, %swap3A_679], %swap3A_682 {strides = array<i32>} : memref<512x64xf32, #tpu.memory_space<vmem>>, vector<1x16xf32>,
        %get3A_683 = arith.index_cast %add3A_610 : i32 to index
        %get3A_684 = arith.constant 48 : index
        %get3A_685 = tpu.vector_load %arg10[%get3A_683, %get3A_684] {strides = array<i32>} : memref<512x64xf32, #tpu.memory_space<vmem>>, vector<1x16xf32>,
        %get3A_686 = vector.shape_cast %get3A_685 : vector<1x16xf32> to vector<16xf32>
        %get3A_687 = arith.index_cast %add3A_610 : i32 to index
        %get3A_688 = arith.constant 48 : index
        %get3A_689 = tpu.vector_load %arg11[%get3A_687, %get3A_688] {strides = array<i32>} : memref<512x64xf32, #tpu.memory_space<vmem>>, vector<1x16xf32>,
        %get3A_690 = vector.shape_cast %get3A_689 : vector<1x16xf32> to vector<16xf32>
        %add3A_691 = arith.addf %get3A_686, %get3A_690 : vector<16xf32>
        %neg3A_692 = arith.constant 0.000000e+00 : f32
        %neg3A_693 = vector.broadcast %neg3A_692 : f32 to vector<16xf32>
        %neg3A_694 = arith.subf %neg3A_693, %add3A_691 : vector<16xf32>
        %exp3A_695 = math.exp %neg3A_694 : vector<16xf32>
        %add3A_696 = arith.constant 1.000000e+00 : f32
        %add3A_697 = vector.broadcast %add3A_696 : f32 to vector<16xf32>
        %add3A_698 = arith.addf %add3A_697, %exp3A_695 : vector<16xf32>
        %div3A_699 = arith.constant 1.000000e+00 : f32
        %div3A_700 = vector.broadcast %div3A_699 : f32 to vector<16xf32>
        %div3A_701 = arith.divf %div3A_700, %add3A_698 : vector<16xf32>
        %mul3A_702 = arith.mulf %add3A_691, %div3A_701 : vector<16xf32>
        %swap3A_703 = arith.index_cast %add3A_610 : i32 to index
        %swap3A_704 = arith.constant 48 : index
        %swap3A_705 = tpu.vector_load %arg10[%swap3A_703, %swap3A_704] {strides = array<i32>} : memref<512x64xf32, #tpu.memory_space<vmem>>, vector<1x16xf32>,
        %swap3A_706 = vector.shape_cast %swap3A_705 : vector<1x16xf32> to vector<16xf32>
        %swap3A_707 = vector.shape_cast %mul3A_702 : vector<16xf32> to vector<1x16xf32>
        tpu.vector_store %arg10[%swap3A_703, %swap3A_704], %swap3A_707 {strides = array<i32>} : memref<512x64xf32, #tpu.memory_space<vmem>>, vector<1x16xf32>,
      }
      %scan3A_602 = arith.constant 512 : i32
      %run_scoped3A = arith.constant 0 : i32
      "tpu.region"() ({
        %run_scoped3A_606 = tpu.sem_alloc : memref<!tpu.dma_semaphore, #tpu.memory_space<semaphore_mem>>
        %dma_start3A_607 = arith.constant 0 : i32
        %dma_start3A_608 = arith.constant 0 : i32
        %dma_start3A_609 = tpu.memref_slice %arg10[%dma_start3A_607, %dma_start3A_608] : memref<512x64xf32, #tpu.memory_space<vmem>> -> memref<128x64xf32, #tpu.memory_space<vmem>>
        %dma_start3A_610 = arith.constant 0 : i32
        %dma_start3A_611 = tpu.memref_slice %arg9[%run_scoped3A, %dma_start3A_610] : memref<4x128xi32, #tpu.memory_space<vmem>> -> memref<1x128xi32, #tpu.memory_space<vmem>>
        %dma_start3A_612 = tpu.memref_squeeze %dma_start3A_611 : memref<1x128xi32, #tpu.memory_space<vmem>> -> memref<128xi32, #tpu.memory_space<vmem>>
        %dma_start3A_613 = arith.constant 0 : i32
        %dma_start3A_614 = arith.constant 0 : i32
        %dma_start3A_615 = tpu.memref_slice %arg12[%dma_start3A_613, %dma_start3A_614] : memref<4096x64xf32, #tpu.memory_space<vmem_shared>> -> memref<4096x64xf32, #tpu.memory_space<vmem_shared>>
        tpu.enqueue_indirect_dma source(%dma_start3A_609 : memref<128x64xf32, #tpu.memory_space<vmem>>) target(%dma_start3A_615 : memref<4096x64xf32, #tpu.memory_space<vmem_shared>>) offsets(%dma_start3A_612 : memref<128xi32, #tpu.memory_space<vmem>>) semaphore(%run_scoped3A_606 : memref<!tpu.dma_semaphore, #tpu.memory_space<semaphore_mem>>) {add = true}
        %dma_wait3A_616 = arith.constant 0 : i32
        %dma_wait3A_617 = arith.constant 0 : i32
        %dma_wait3A_618 = tpu.memref_slice %arg10[%dma_wait3A_616, %dma_wait3A_617] : memref<512x64xf32, #tpu.memory_space<vmem>> -> memref<128x64xf32, #tpu.memory_space<vmem>>
        %dma_wait3A_619 = arith.constant 0 : i32
        %dma_wait3A_620 = tpu.memref_slice %arg9[%run_scoped3A, %dma_wait3A_619] : memref<4x128xi32, #tpu.memory_space<vmem>> -> memref<1x128xi32, #tpu.memory_space<vmem>>
        %dma_wait3A_621 = tpu.memref_squeeze %dma_wait3A_620 : memref<1x128xi32, #tpu.memory_space<vmem>> -> memref<128xi32, #tpu.memory_space<vmem>>
        %dma_wait3A_622 = arith.constant 0 : i32
        %dma_wait3A_623 = arith.constant 0 : i32
        %dma_wait3A_624 = tpu.memref_slice %arg12[%dma_wait3A_622, %dma_wait3A_623] : memref<4096x64xf32, #tpu.memory_space<vmem_shared>> -> memref<4096x64xf32, #tpu.memory_space<vmem_shared>>
        tpu.wait_indirect_dma semaphore(%run_scoped3A_606 : memref<!tpu.dma_semaphore, #tpu.memory_space<semaphore_mem>>) src(%dma_wait3A_618 : memref<128x64xf32, #tpu.memory_space<vmem>>) dst(%dma_wait3A_624 : memref<4096x64xf32, #tpu.memory_space<vmem_shared>>)
        tpu.yield
      }) : () -> ()
      %run_scoped3A_603 = arith.constant 1 : i32
      "tpu.region"() ({
        %run_scoped3A_606 = tpu.sem_alloc : memref<!tpu.dma_semaphore, #tpu.memory_space<semaphore_mem>>
        %dma_start3A_607 = arith.constant 128 : i32
        %dma_start3A_608 = arith.constant 0 : i32
        %dma_start3A_609 = tpu.memref_slice %arg10[%dma_start3A_607, %dma_start3A_608] : memref<512x64xf32, #tpu.memory_space<vmem>> -> memref<128x64xf32, #tpu.memory_space<vmem>>
        %dma_start3A_610 = arith.constant 0 : i32
        %dma_start3A_611 = tpu.memref_slice %arg9[%run_scoped3A_603, %dma_start3A_610] : memref<4x128xi32, #tpu.memory_space<vmem>> -> memref<1x128xi32, #tpu.memory_space<vmem>>
        %dma_start3A_612 = tpu.memref_squeeze %dma_start3A_611 : memref<1x128xi32, #tpu.memory_space<vmem>> -> memref<128xi32, #tpu.memory_space<vmem>>
        %dma_start3A_613 = arith.constant 0 : i32
        %dma_start3A_614 = arith.constant 0 : i32
        %dma_start3A_615 = tpu.memref_slice %arg12[%dma_start3A_613, %dma_start3A_614] : memref<4096x64xf32, #tpu.memory_space<vmem_shared>> -> memref<4096x64xf32, #tpu.memory_space<vmem_shared>>
        tpu.enqueue_indirect_dma source(%dma_start3A_609 : memref<128x64xf32, #tpu.memory_space<vmem>>) target(%dma_start3A_615 : memref<4096x64xf32, #tpu.memory_space<vmem_shared>>) offsets(%dma_start3A_612 : memref<128xi32, #tpu.memory_space<vmem>>) semaphore(%run_scoped3A_606 : memref<!tpu.dma_semaphore, #tpu.memory_space<semaphore_mem>>) {add = true}
        %dma_wait3A_616 = arith.constant 128 : i32
        %dma_wait3A_617 = arith.constant 0 : i32
        %dma_wait3A_618 = tpu.memref_slice %arg10[%dma_wait3A_616, %dma_wait3A_617] : memref<512x64xf32, #tpu.memory_space<vmem>> -> memref<128x64xf32, #tpu.memory_space<vmem>>
        %dma_wait3A_619 = arith.constant 0 : i32
        %dma_wait3A_620 = tpu.memref_slice %arg9[%run_scoped3A_603, %dma_wait3A_619] : memref<4x128xi32, #tpu.memory_space<vmem>> -> memref<1x128xi32, #tpu.memory_space<vmem>>
        %dma_wait3A_621 = tpu.memref_squeeze %dma_wait3A_620 : memref<1x128xi32, #tpu.memory_space<vmem>> -> memref<128xi32, #tpu.memory_space<vmem>>
        %dma_wait3A_622 = arith.constant 0 : i32
        %dma_wait3A_623 = arith.constant 0 : i32
        %dma_wait3A_624 = tpu.memref_slice %arg12[%dma_wait3A_622, %dma_wait3A_623] : memref<4096x64xf32, #tpu.memory_space<vmem_shared>> -> memref<4096x64xf32, #tpu.memory_space<vmem_shared>>
        tpu.wait_indirect_dma semaphore(%run_scoped3A_606 : memref<!tpu.dma_semaphore, #tpu.memory_space<semaphore_mem>>) src(%dma_wait3A_618 : memref<128x64xf32, #tpu.memory_space<vmem>>) dst(%dma_wait3A_624 : memref<4096x64xf32, #tpu.memory_space<vmem_shared>>)
        tpu.yield
      }) : () -> ()
      %run_scoped3A_604 = arith.constant 2 : i32
      "tpu.region"() ({
        %run_scoped3A_606 = tpu.sem_alloc : memref<!tpu.dma_semaphore, #tpu.memory_space<semaphore_mem>>
        %dma_start3A_607 = arith.constant 256 : i32
        %dma_start3A_608 = arith.constant 0 : i32
        %dma_start3A_609 = tpu.memref_slice %arg10[%dma_start3A_607, %dma_start3A_608] : memref<512x64xf32, #tpu.memory_space<vmem>> -> memref<128x64xf32, #tpu.memory_space<vmem>>
        %dma_start3A_610 = arith.constant 0 : i32
        %dma_start3A_611 = tpu.memref_slice %arg9[%run_scoped3A_604, %dma_start3A_610] : memref<4x128xi32, #tpu.memory_space<vmem>> -> memref<1x128xi32, #tpu.memory_space<vmem>>
        %dma_start3A_612 = tpu.memref_squeeze %dma_start3A_611 : memref<1x128xi32, #tpu.memory_space<vmem>> -> memref<128xi32, #tpu.memory_space<vmem>>
        %dma_start3A_613 = arith.constant 0 : i32
        %dma_start3A_614 = arith.constant 0 : i32
        %dma_start3A_615 = tpu.memref_slice %arg12[%dma_start3A_613, %dma_start3A_614] : memref<4096x64xf32, #tpu.memory_space<vmem_shared>> -> memref<4096x64xf32, #tpu.memory_space<vmem_shared>>
        tpu.enqueue_indirect_dma source(%dma_start3A_609 : memref<128x64xf32, #tpu.memory_space<vmem>>) target(%dma_start3A_615 : memref<4096x64xf32, #tpu.memory_space<vmem_shared>>) offsets(%dma_start3A_612 : memref<128xi32, #tpu.memory_space<vmem>>) semaphore(%run_scoped3A_606 : memref<!tpu.dma_semaphore, #tpu.memory_space<semaphore_mem>>) {add = true}
        %dma_wait3A_616 = arith.constant 256 : i32
        %dma_wait3A_617 = arith.constant 0 : i32
        %dma_wait3A_618 = tpu.memref_slice %arg10[%dma_wait3A_616, %dma_wait3A_617] : memref<512x64xf32, #tpu.memory_space<vmem>> -> memref<128x64xf32, #tpu.memory_space<vmem>>
        %dma_wait3A_619 = arith.constant 0 : i32
        %dma_wait3A_620 = tpu.memref_slice %arg9[%run_scoped3A_604, %dma_wait3A_619] : memref<4x128xi32, #tpu.memory_space<vmem>> -> memref<1x128xi32, #tpu.memory_space<vmem>>
        %dma_wait3A_621 = tpu.memref_squeeze %dma_wait3A_620 : memref<1x128xi32, #tpu.memory_space<vmem>> -> memref<128xi32, #tpu.memory_space<vmem>>
        %dma_wait3A_622 = arith.constant 0 : i32
        %dma_wait3A_623 = arith.constant 0 : i32
        %dma_wait3A_624 = tpu.memref_slice %arg12[%dma_wait3A_622, %dma_wait3A_623] : memref<4096x64xf32, #tpu.memory_space<vmem_shared>> -> memref<4096x64xf32, #tpu.memory_space<vmem_shared>>
        tpu.wait_indirect_dma semaphore(%run_scoped3A_606 : memref<!tpu.dma_semaphore, #tpu.memory_space<semaphore_mem>>) src(%dma_wait3A_618 : memref<128x64xf32, #tpu.memory_space<vmem>>) dst(%dma_wait3A_624 : memref<4096x64xf32, #tpu.memory_space<vmem_shared>>)
        tpu.yield
      }) : () -> ()
      %run_scoped3A_605 = arith.constant 3 : i32
      "tpu.region"() ({
        %run_scoped3A_606 = tpu.sem_alloc : memref<!tpu.dma_semaphore, #tpu.memory_space<semaphore_mem>>
        %dma_start3A_607 = arith.constant 384 : i32
        %dma_start3A_608 = arith.constant 0 : i32
        %dma_start3A_609 = tpu.memref_slice %arg10[%dma_start3A_607, %dma_start3A_608] : memref<512x64xf32, #tpu.memory_space<vmem>> -> memref<128x64xf32, #tpu.memory_space<vmem>>
        %dma_start3A_610 = arith.constant 0 : i32
        %dma_start3A_611 = tpu.memref_slice %arg9[%run_scoped3A_605, %dma_start3A_610] : memref<4x128xi32, #tpu.memory_space<vmem>> -> memref<1x128xi32, #tpu.memory_space<vmem>>
        %dma_start3A_612 = tpu.memref_squeeze %dma_start3A_611 : memref<1x128xi32, #tpu.memory_space<vmem>> -> memref<128xi32, #tpu.memory_space<vmem>>
        %dma_start3A_613 = arith.constant 0 : i32
        %dma_start3A_614 = arith.constant 0 : i32
        %dma_start3A_615 = tpu.memref_slice %arg12[%dma_start3A_613, %dma_start3A_614] : memref<4096x64xf32, #tpu.memory_space<vmem_shared>> -> memref<4096x64xf32, #tpu.memory_space<vmem_shared>>
        tpu.enqueue_indirect_dma source(%dma_start3A_609 : memref<128x64xf32, #tpu.memory_space<vmem>>) target(%dma_start3A_615 : memref<4096x64xf32, #tpu.memory_space<vmem_shared>>) offsets(%dma_start3A_612 : memref<128xi32, #tpu.memory_space<vmem>>) semaphore(%run_scoped3A_606 : memref<!tpu.dma_semaphore, #tpu.memory_space<semaphore_mem>>) {add = true}
        %dma_wait3A_616 = arith.constant 384 : i32
        %dma_wait3A_617 = arith.constant 0 : i32
        %dma_wait3A_618 = tpu.memref_slice %arg10[%dma_wait3A_616, %dma_wait3A_617] : memref<512x64xf32, #tpu.memory_space<vmem>> -> memref<128x64xf32, #tpu.memory_space<vmem>>
        %dma_wait3A_619 = arith.constant 0 : i32
        %dma_wait3A_620 = tpu.memref_slice %arg9[%run_scoped3A_605, %dma_wait3A_619] : memref<4x128xi32, #tpu.memory_space<vmem>> -> memref<1x128xi32, #tpu.memory_space<vmem>>
        %dma_wait3A_621 = tpu.memref_squeeze %dma_wait3A_620 : memref<1x128xi32, #tpu.memory_space<vmem>> -> memref<128xi32, #tpu.memory_space<vmem>>
        %dma_wait3A_622 = arith.constant 0 : i32
        %dma_wait3A_623 = arith.constant 0 : i32
        %dma_wait3A_624 = tpu.memref_slice %arg12[%dma_wait3A_622, %dma_wait3A_623] : memref<4096x64xf32, #tpu.memory_space<vmem_shared>> -> memref<4096x64xf32, #tpu.memory_space<vmem_shared>>
        tpu.wait_indirect_dma semaphore(%run_scoped3A_606 : memref<!tpu.dma_semaphore, #tpu.memory_space<semaphore_mem>>) src(%dma_wait3A_618 : memref<128x64xf32, #tpu.memory_space<vmem>>) dst(%dma_wait3A_624 : memref<4096x64xf32, #tpu.memory_space<vmem_shared>>)
        tpu.yield
      }) : () -> ()
    }
    %scan3A_16 = arith.constant 16 : i32
    %barrier3A_17 = arith.constant 0 : index
    tpu.barrier barrier_id(%barrier3A_17)
    %add3A_18 = arith.addi %mul3A_11, %mul3A_1 : i32
    "tpu.region"() ({
      %run_scoped3A = tpu.sem_alloc : memref<!tpu.dma_semaphore, #tpu.memory_space<semaphore_mem>>
      %dma_start3A = arith.constant 0 : i32
      %dma_start3A_19 = tpu.memref_slice %arg6[%add3A_18, %dma_start3A] : memref<8192x64xf32, #tpu.memory_space<hbm>> -> memref<256x64xf32, #tpu.memory_space<hbm>>
      %dma_start3A_20 = arith.constant 0 : i32
      %dma_start3A_21 = tpu.memref_slice %arg12[%mul3A_1, %dma_start3A_20] : memref<4096x64xf32, #tpu.memory_space<vmem_shared>> -> memref<256x64xf32, #tpu.memory_space<vmem_shared>>
      tpu.enqueue_dma source(%dma_start3A_21 : memref<256x64xf32, #tpu.memory_space<vmem_shared>>) target(%dma_start3A_19 : memref<256x64xf32, #tpu.memory_space<hbm>>) target_semaphore(%run_scoped3A : memref<!tpu.dma_semaphore, #tpu.memory_space<semaphore_mem>>)
      %dma_wait3A = arith.constant 0 : i32
      %dma_wait3A_22 = tpu.memref_slice %arg6[%add3A_18, %dma_wait3A] : memref<8192x64xf32, #tpu.memory_space<hbm>> -> memref<256x64xf32, #tpu.memory_space<hbm>>
      %dma_wait3A_23 = arith.constant 0 : i32
      %dma_wait3A_24 = tpu.memref_slice %arg12[%mul3A_1, %dma_wait3A_23] : memref<4096x64xf32, #tpu.memory_space<vmem_shared>> -> memref<256x64xf32, #tpu.memory_space<vmem_shared>>
      tpu.wait_dma2 semaphore(%run_scoped3A : memref<!tpu.dma_semaphore, #tpu.memory_space<semaphore_mem>>) src(%dma_wait3A_24 : memref<256x64xf32, #tpu.memory_space<vmem_shared>>) dst(%dma_wait3A_22 : memref<256x64xf32, #tpu.memory_space<hbm>>)
      tpu.yield
    }) : () -> ()
    return
  }
}

#map = affine_map<(d0, d1) -> (0, 0)>
module attributes {stable_mosaic.version = 14 : i64} {
  func.func @_edge_agg_body(%arg0: i32, %arg1: i32, %arg2: memref<8192x64xf32, #tpu.memory_space<hbm>>, %arg3: memref<8192x64xf32, #tpu.memory_space<hbm>>, %arg4: memref<2048x128xi32, #tpu.memory_space<hbm>>, %arg5: memref<2048x128xi32, #tpu.memory_space<hbm>>, %arg6: memref<8192x64xf32, #tpu.memory_space<hbm>>, %arg7: memref<4x128xi32, #tpu.memory_space<vmem>>, %arg8: memref<4x128xi32, #tpu.memory_space<vmem>>, %arg9: memref<4x128xi32, #tpu.memory_space<vmem>>, %arg10: memref<512x64xf32, #tpu.memory_space<vmem>>, %arg11: memref<512x64xf32, #tpu.memory_space<vmem>>, %arg12: memref<4096x64xf32, #tpu.memory_space<vmem_shared>>, %arg13: memref<!tpu.dma_semaphore, #tpu.memory_space<semaphore_mem>>, %arg14: memref<!tpu.dma_semaphore, #tpu.memory_space<semaphore_mem>>) attributes {dimension_semantics = [#tpu.dimension_semantics<core_parallel>, #tpu.dimension_semantics<subcore_parallel>], iteration_bounds = array<i64: 2, 16>, scalar_prefetch = 0 : i64, scratch_operands = 8 : i64, tpu.core_type = #tpu.core_type<sc_vector_subcore>, window_params = [{transform_indices = #map}, {transform_indices = #map}, {transform_indices = #map}, {transform_indices = #map}, {transform_indices = #map}]} {
    %broadcast_in_dim3A = arith.constant 0.000000e+00 : f32
    %broadcast_in_dim3A_0 = vector.broadcast %broadcast_in_dim3A : f32 to vector<16xf32>
    %mul3A = arith.constant 256 : i32
    %mul3A_1 = arith.muli %arg1, %mul3A : i32
    %scan3A = arith.constant 0 : i32
    %scan3A_2 = arith.constant 256 : i32
    %scan3A_3 = arith.addi %scan3A, %scan3A_2 : i32
    %scan3A_4 = arith.constant 1 : i32
    scf.for %scan3A_19 = %scan3A to %scan3A_3 step %scan3A_4  : i32 {
      %mul3A_20 = arith.constant 1 : i32
      %mul3A_21 = arith.muli %scan3A_19, %mul3A_20 : i32
      %add3A_22 = arith.constant 0 : i32
      %add3A_23 = arith.addi %add3A_22, %mul3A_21 : i32
      %swap3A = arith.index_cast %add3A_23 : i32 to index
      %swap3A_24 = arith.constant 0 : index
      %swap3A_25 = tpu.vector_load %arg10[%swap3A, %swap3A_24] {strides = array<i32>} : memref<512x64xf32, #tpu.memory_space<vmem>>, vector<1x16xf32>,
      %swap3A_26 = vector.shape_cast %swap3A_25 : vector<1x16xf32> to vector<16xf32>
      %swap3A_27 = vector.shape_cast %broadcast_in_dim3A_0 : vector<16xf32> to vector<1x16xf32>
      tpu.vector_store %arg10[%swap3A, %swap3A_24], %swap3A_27 {strides = array<i32>} : memref<512x64xf32, #tpu.memory_space<vmem>>, vector<1x16xf32>,
      %swap3A_28 = arith.index_cast %add3A_23 : i32 to index
      %swap3A_29 = arith.constant 16 : index
      %swap3A_30 = tpu.vector_load %arg10[%swap3A_28, %swap3A_29] {strides = array<i32>} : memref<512x64xf32, #tpu.memory_space<vmem>>, vector<1x16xf32>,
      %swap3A_31 = vector.shape_cast %swap3A_30 : vector<1x16xf32> to vector<16xf32>
      %swap3A_32 = vector.shape_cast %broadcast_in_dim3A_0 : vector<16xf32> to vector<1x16xf32>
      tpu.vector_store %arg10[%swap3A_28, %swap3A_29], %swap3A_32 {strides = array<i32>} : memref<512x64xf32, #tpu.memory_space<vmem>>, vector<1x16xf32>,
      %swap3A_33 = arith.index_cast %add3A_23 : i32 to index
      %swap3A_34 = arith.constant 32 : index
      %swap3A_35 = tpu.vector_load %arg10[%swap3A_33, %swap3A_34] {strides = array<i32>} : memref<512x64xf32, #tpu.memory_space<vmem>>, vector<1x16xf32>,
      %swap3A_36 = vector.shape_cast %swap3A_35 : vector<1x16xf32> to vector<16xf32>
      %swap3A_37 = vector.shape_cast %broadcast_in_dim3A_0 : vector<16xf32> to vector<1x16xf32>
      tpu.vector_store %arg10[%swap3A_33, %swap3A_34], %swap3A_37 {strides = array<i32>} : memref<512x64xf32, #tpu.memory_space<vmem>>, vector<1x16xf32>,
      %swap3A_38 = arith.index_cast %add3A_23 : i32 to index
      %swap3A_39 = arith.constant 48 : index
      %swap3A_40 = tpu.vector_load %arg10[%swap3A_38, %swap3A_39] {strides = array<i32>} : memref<512x64xf32, #tpu.memory_space<vmem>>, vector<1x16xf32>,
      %swap3A_41 = vector.shape_cast %swap3A_40 : vector<1x16xf32> to vector<16xf32>
      %swap3A_42 = vector.shape_cast %broadcast_in_dim3A_0 : vector<16xf32> to vector<1x16xf32>
      tpu.vector_store %arg10[%swap3A_38, %swap3A_39], %swap3A_42 {strides = array<i32>} : memref<512x64xf32, #tpu.memory_space<vmem>>, vector<1x16xf32>,
    }
    %scan3A_5 = arith.constant 256 : i32
    "tpu.region"() ({
      %run_scoped3A = tpu.sem_alloc : memref<!tpu.dma_semaphore, #tpu.memory_space<semaphore_mem>>
      %dma_start3A = arith.constant 0 : i32
      %dma_start3A_19 = arith.constant 0 : i32
      %dma_start3A_20 = tpu.memref_slice %arg10[%dma_start3A, %dma_start3A_19] : memref<512x64xf32, #tpu.memory_space<vmem>> -> memref<256x64xf32, #tpu.memory_space<vmem>>
      %dma_start3A_21 = arith.constant 0 : i32
      %dma_start3A_22 = tpu.memref_slice %arg12[%mul3A_1, %dma_start3A_21] : memref<4096x64xf32, #tpu.memory_space<vmem_shared>> -> memref<256x64xf32, #tpu.memory_space<vmem_shared>>
      %dma_start3A_23 = arith.constant 0 : i32
      %dma_start3A_24 = tpu.memref_slice %arg12[%mul3A_1, %dma_start3A_23] : memref<4096x64xf32, #tpu.memory_space<vmem_shared>> -> memref<256x64xf32, #tpu.memory_space<vmem_shared>>
      %dma_start3A_25 = arith.constant 0 : i32
      %dma_start3A_26 = arith.constant 0 : i32
      %dma_start3A_27 = tpu.memref_slice %arg10[%dma_start3A_25, %dma_start3A_26] : memref<512x64xf32, #tpu.memory_space<vmem>> -> memref<256x64xf32, #tpu.memory_space<vmem>>
      tpu.enqueue_dma source(%dma_start3A_27 : memref<256x64xf32, #tpu.memory_space<vmem>>) target(%dma_start3A_24 : memref<256x64xf32, #tpu.memory_space<vmem_shared>>) target_semaphore(%run_scoped3A : memref<!tpu.dma_semaphore, #tpu.memory_space<semaphore_mem>>)
      %dma_wait3A = arith.constant 0 : i32
      %dma_wait3A_28 = arith.constant 0 : i32
      %dma_wait3A_29 = tpu.memref_slice %arg10[%dma_wait3A, %dma_wait3A_28] : memref<512x64xf32, #tpu.memory_space<vmem>> -> memref<256x64xf32, #tpu.memory_space<vmem>>
      %dma_wait3A_30 = arith.constant 0 : i32
      %dma_wait3A_31 = tpu.memref_slice %arg12[%mul3A_1, %dma_wait3A_30] : memref<4096x64xf32, #tpu.memory_space<vmem_shared>> -> memref<256x64xf32, #tpu.memory_space<vmem_shared>>
      %dma_wait3A_32 = arith.constant 0 : i32
      %dma_wait3A_33 = tpu.memref_slice %arg12[%mul3A_1, %dma_wait3A_32] : memref<4096x64xf32, #tpu.memory_space<vmem_shared>> -> memref<256x64xf32, #tpu.memory_space<vmem_shared>>
      %dma_wait3A_34 = arith.constant 0 : i32
      %dma_wait3A_35 = arith.constant 0 : i32
      %dma_wait3A_36 = tpu.memref_slice %arg10[%dma_wait3A_34, %dma_wait3A_35] : memref<512x64xf32, #tpu.memory_space<vmem>> -> memref<256x64xf32, #tpu.memory_space<vmem>>
      tpu.wait_dma2 semaphore(%run_scoped3A : memref<!tpu.dma_semaphore, #tpu.memory_space<semaphore_mem>>) src(%dma_wait3A_36 : memref<256x64xf32, #tpu.memory_space<vmem>>) dst(%dma_wait3A_33 : memref<256x64xf32, #tpu.memory_space<vmem_shared>>)
      tpu.yield
    }) : () -> ()
    %barrier3A = arith.constant 0 : index
    tpu.barrier barrier_id(%barrier3A)
    %mul3A_6 = arith.constant 16 : i32
    %mul3A_7 = arith.muli %arg0, %mul3A_6 : i32
    %add3A = arith.addi %mul3A_7, %arg1 : i32
    %mul3A_8 = arith.constant 64 : i32
    %mul3A_9 = arith.muli %add3A, %mul3A_8 : i32
    %mul3A_10 = arith.constant 4096 : i32
    %mul3A_11 = arith.muli %arg0, %mul3A_10 : i32
    %scan3A_12 = arith.constant 0 : i32
    %scan3A_13 = arith.constant 16 : i32
    %scan3A_14 = arith.addi %scan3A_12, %scan3A_13 : i32
    %scan3A_15 = arith.constant 1 : i32
    scf.for %scan3A_19 = %scan3A_12 to %scan3A_14 step %scan3A_15  : i32 {
      %mul3A_20 = arith.constant 1 : i32
      %mul3A_21 = arith.muli %scan3A_19, %mul3A_20 : i32
      %add3A_22 = arith.constant 0 : i32
      %add3A_23 = arith.addi %add3A_22, %mul3A_21 : i32
      %mul3A_24 = arith.constant 4 : i32
      %mul3A_25 = arith.muli %add3A_23, %mul3A_24 : i32
      %add3A_26 = arith.addi %mul3A_9, %mul3A_25 : i32
      "tpu.region"() ({
        %run_scoped3A_606 = tpu.sem_alloc : memref<!tpu.dma_semaphore, #tpu.memory_space<semaphore_mem>>
        %dma_start3A_607 = arith.constant 0 : i32
        %dma_start3A_608 = tpu.memref_slice %arg4[%add3A_26, %dma_start3A_607] : memref<2048x128xi32, #tpu.memory_space<hbm>> -> memref<4x128xi32, #tpu.memory_space<hbm>>
        %dma_start3A_609 = arith.constant 0 : i32
        %dma_start3A_610 = tpu.memref_slice %arg4[%add3A_26, %dma_start3A_609] : memref<2048x128xi32, #tpu.memory_space<hbm>> -> memref<4x128xi32, #tpu.memory_space<hbm>>
        tpu.enqueue_dma source(%dma_start3A_610 : memref<4x128xi32, #tpu.memory_space<hbm>>) target(%arg7 : memref<4x128xi32, #tpu.memory_space<vmem>>) target_semaphore(%run_scoped3A_606 : memref<!tpu.dma_semaphore, #tpu.memory_space<semaphore_mem>>)
        %dma_wait3A_611 = arith.constant 0 : i32
        %dma_wait3A_612 = tpu.memref_slice %arg4[%add3A_26, %dma_wait3A_611] : memref<2048x128xi32, #tpu.memory_space<hbm>> -> memref<4x128xi32, #tpu.memory_space<hbm>>
        %dma_wait3A_613 = arith.constant 0 : i32
        %dma_wait3A_614 = tpu.memref_slice %arg4[%add3A_26, %dma_wait3A_613] : memref<2048x128xi32, #tpu.memory_space<hbm>> -> memref<4x128xi32, #tpu.memory_space<hbm>>
        tpu.wait_dma2 semaphore(%run_scoped3A_606 : memref<!tpu.dma_semaphore, #tpu.memory_space<semaphore_mem>>) src(%dma_wait3A_614 : memref<4x128xi32, #tpu.memory_space<hbm>>) dst(%arg7 : memref<4x128xi32, #tpu.memory_space<vmem>>)
        tpu.yield
      }) : () -> ()
      "tpu.region"() ({
        %run_scoped3A_606 = tpu.sem_alloc : memref<!tpu.dma_semaphore, #tpu.memory_space<semaphore_mem>>
        %dma_start3A_607 = arith.constant 0 : i32
        %dma_start3A_608 = tpu.memref_slice %arg5[%add3A_26, %dma_start3A_607] : memref<2048x128xi32, #tpu.memory_space<hbm>> -> memref<4x128xi32, #tpu.memory_space<hbm>>
        %dma_start3A_609 = arith.constant 0 : i32
        %dma_start3A_610 = tpu.memref_slice %arg5[%add3A_26, %dma_start3A_609] : memref<2048x128xi32, #tpu.memory_space<hbm>> -> memref<4x128xi32, #tpu.memory_space<hbm>>
        tpu.enqueue_dma source(%dma_start3A_610 : memref<4x128xi32, #tpu.memory_space<hbm>>) target(%arg8 : memref<4x128xi32, #tpu.memory_space<vmem>>) target_semaphore(%run_scoped3A_606 : memref<!tpu.dma_semaphore, #tpu.memory_space<semaphore_mem>>)
        %dma_wait3A_611 = arith.constant 0 : i32
        %dma_wait3A_612 = tpu.memref_slice %arg5[%add3A_26, %dma_wait3A_611] : memref<2048x128xi32, #tpu.memory_space<hbm>> -> memref<4x128xi32, #tpu.memory_space<hbm>>
        %dma_wait3A_613 = arith.constant 0 : i32
        %dma_wait3A_614 = tpu.memref_slice %arg5[%add3A_26, %dma_wait3A_613] : memref<2048x128xi32, #tpu.memory_space<hbm>> -> memref<4x128xi32, #tpu.memory_space<hbm>>
        tpu.wait_dma2 semaphore(%run_scoped3A_606 : memref<!tpu.dma_semaphore, #tpu.memory_space<semaphore_mem>>) src(%dma_wait3A_614 : memref<4x128xi32, #tpu.memory_space<hbm>>) dst(%arg8 : memref<4x128xi32, #tpu.memory_space<vmem>>)
        tpu.yield
      }) : () -> ()
      %get3A = arith.constant 0 : i32
      %get3A_27 = arith.index_cast %get3A : i32 to index
      %get3A_28 = arith.constant 0 : index
      %get3A_29 = tpu.vector_load %arg8[%get3A_27, %get3A_28] {strides = array<i32>} : memref<4x128xi32, #tpu.memory_space<vmem>>, vector<1x16xi32>,
      %get3A_30 = vector.shape_cast %get3A_29 : vector<1x16xi32> to vector<16xi32>
      %sub3A = vector.broadcast %mul3A_11 : i32 to vector<16xi32>
      %sub3A_31 = arith.subi %get3A_30, %sub3A : vector<16xi32>
      %swap3A = arith.constant 0 : i32
      %swap3A_32 = arith.index_cast %swap3A : i32 to index
      %swap3A_33 = arith.constant 0 : index
      %swap3A_34 = tpu.vector_load %arg9[%swap3A_32, %swap3A_33] {strides = array<i32>} : memref<4x128xi32, #tpu.memory_space<vmem>>, vector<1x16xi32>,
      %swap3A_35 = vector.shape_cast %swap3A_34 : vector<1x16xi32> to vector<16xi32>
      %swap3A_36 = vector.shape_cast %sub3A_31 : vector<16xi32> to vector<1x16xi32>
      tpu.vector_store %arg9[%swap3A_32, %swap3A_33], %swap3A_36 {strides = array<i32>} : memref<4x128xi32, #tpu.memory_space<vmem>>, vector<1x16xi32>,
      %get3A_37 = arith.constant 0 : i32
      %get3A_38 = arith.index_cast %get3A_37 : i32 to index
      %get3A_39 = arith.constant 16 : index
      %get3A_40 = tpu.vector_load %arg8[%get3A_38, %get3A_39] {strides = array<i32>} : memref<4x128xi32, #tpu.memory_space<vmem>>, vector<1x16xi32>,
      %get3A_41 = vector.shape_cast %get3A_40 : vector<1x16xi32> to vector<16xi32>
      %sub3A_42 = vector.broadcast %mul3A_11 : i32 to vector<16xi32>
      %sub3A_43 = arith.subi %get3A_41, %sub3A_42 : vector<16xi32>
      %swap3A_44 = arith.constant 0 : i32
      %swap3A_45 = arith.index_cast %swap3A_44 : i32 to index
      %swap3A_46 = arith.constant 16 : index
      %swap3A_47 = tpu.vector_load %arg9[%swap3A_45, %swap3A_46] {strides = array<i32>} : memref<4x128xi32, #tpu.memory_space<vmem>>, vector<1x16xi32>,
      %swap3A_48 = vector.shape_cast %swap3A_47 : vector<1x16xi32> to vector<16xi32>
      %swap3A_49 = vector.shape_cast %sub3A_43 : vector<16xi32> to vector<1x16xi32>
      tpu.vector_store %arg9[%swap3A_45, %swap3A_46], %swap3A_49 {strides = array<i32>} : memref<4x128xi32, #tpu.memory_space<vmem>>, vector<1x16xi32>,
      %get3A_50 = arith.constant 0 : i32
      %get3A_51 = arith.index_cast %get3A_50 : i32 to index
      %get3A_52 = arith.constant 32 : index
      %get3A_53 = tpu.vector_load %arg8[%get3A_51, %get3A_52] {strides = array<i32>} : memref<4x128xi32, #tpu.memory_space<vmem>>, vector<1x16xi32>,
      %get3A_54 = vector.shape_cast %get3A_53 : vector<1x16xi32> to vector<16xi32>
      %sub3A_55 = vector.broadcast %mul3A_11 : i32 to vector<16xi32>
      %sub3A_56 = arith.subi %get3A_54, %sub3A_55 : vector<16xi32>
      %swap3A_57 = arith.constant 0 : i32
      %swap3A_58 = arith.index_cast %swap3A_57 : i32 to index
      %swap3A_59 = arith.constant 32 : index
      %swap3A_60 = tpu.vector_load %arg9[%swap3A_58, %swap3A_59] {strides = array<i32>} : memref<4x128xi32, #tpu.memory_space<vmem>>, vector<1x16xi32>,
      %swap3A_61 = vector.shape_cast %swap3A_60 : vector<1x16xi32> to vector<16xi32>
      %swap3A_62 = vector.shape_cast %sub3A_56 : vector<16xi32> to vector<1x16xi32>
      tpu.vector_store %arg9[%swap3A_58, %swap3A_59], %swap3A_62 {strides = array<i32>} : memref<4x128xi32, #tpu.memory_space<vmem>>, vector<1x16xi32>,
      %get3A_63 = arith.constant 0 : i32
      %get3A_64 = arith.index_cast %get3A_63 : i32 to index
      %get3A_65 = arith.constant 48 : index
      %get3A_66 = tpu.vector_load %arg8[%get3A_64, %get3A_65] {strides = array<i32>} : memref<4x128xi32, #tpu.memory_space<vmem>>, vector<1x16xi32>,
      %get3A_67 = vector.shape_cast %get3A_66 : vector<1x16xi32> to vector<16xi32>
      %sub3A_68 = vector.broadcast %mul3A_11 : i32 to vector<16xi32>
      %sub3A_69 = arith.subi %get3A_67, %sub3A_68 : vector<16xi32>
      %swap3A_70 = arith.constant 0 : i32
      %swap3A_71 = arith.index_cast %swap3A_70 : i32 to index
      %swap3A_72 = arith.constant 48 : index
      %swap3A_73 = tpu.vector_load %arg9[%swap3A_71, %swap3A_72] {strides = array<i32>} : memref<4x128xi32, #tpu.memory_space<vmem>>, vector<1x16xi32>,
      %swap3A_74 = vector.shape_cast %swap3A_73 : vector<1x16xi32> to vector<16xi32>
      %swap3A_75 = vector.shape_cast %sub3A_69 : vector<16xi32> to vector<1x16xi32>
      tpu.vector_store %arg9[%swap3A_71, %swap3A_72], %swap3A_75 {strides = array<i32>} : memref<4x128xi32, #tpu.memory_space<vmem>>, vector<1x16xi32>,
      %get3A_76 = arith.constant 0 : i32
      %get3A_77 = arith.index_cast %get3A_76 : i32 to index
      %get3A_78 = arith.constant 64 : index
      %get3A_79 = tpu.vector_load %arg8[%get3A_77, %get3A_78] {strides = array<i32>} : memref<4x128xi32, #tpu.memory_space<vmem>>, vector<1x16xi32>,
      %get3A_80 = vector.shape_cast %get3A_79 : vector<1x16xi32> to vector<16xi32>
      %sub3A_81 = vector.broadcast %mul3A_11 : i32 to vector<16xi32>
      %sub3A_82 = arith.subi %get3A_80, %sub3A_81 : vector<16xi32>
      %swap3A_83 = arith.constant 0 : i32
      %swap3A_84 = arith.index_cast %swap3A_83 : i32 to index
      %swap3A_85 = arith.constant 64 : index
      %swap3A_86 = tpu.vector_load %arg9[%swap3A_84, %swap3A_85] {strides = array<i32>} : memref<4x128xi32, #tpu.memory_space<vmem>>, vector<1x16xi32>,
      %swap3A_87 = vector.shape_cast %swap3A_86 : vector<1x16xi32> to vector<16xi32>
      %swap3A_88 = vector.shape_cast %sub3A_82 : vector<16xi32> to vector<1x16xi32>
      tpu.vector_store %arg9[%swap3A_84, %swap3A_85], %swap3A_88 {strides = array<i32>} : memref<4x128xi32, #tpu.memory_space<vmem>>, vector<1x16xi32>,
      %get3A_89 = arith.constant 0 : i32
      %get3A_90 = arith.index_cast %get3A_89 : i32 to index
      %get3A_91 = arith.constant 80 : index
      %get3A_92 = tpu.vector_load %arg8[%get3A_90, %get3A_91] {strides = array<i32>} : memref<4x128xi32, #tpu.memory_space<vmem>>, vector<1x16xi32>,
      %get3A_93 = vector.shape_cast %get3A_92 : vector<1x16xi32> to vector<16xi32>
      %sub3A_94 = vector.broadcast %mul3A_11 : i32 to vector<16xi32>
      %sub3A_95 = arith.subi %get3A_93, %sub3A_94 : vector<16xi32>
      %swap3A_96 = arith.constant 0 : i32
      %swap3A_97 = arith.index_cast %swap3A_96 : i32 to index
      %swap3A_98 = arith.constant 80 : index
      %swap3A_99 = tpu.vector_load %arg9[%swap3A_97, %swap3A_98] {strides = array<i32>} : memref<4x128xi32, #tpu.memory_space<vmem>>, vector<1x16xi32>,
      %swap3A_100 = vector.shape_cast %swap3A_99 : vector<1x16xi32> to vector<16xi32>
      %swap3A_101 = vector.shape_cast %sub3A_95 : vector<16xi32> to vector<1x16xi32>
      tpu.vector_store %arg9[%swap3A_97, %swap3A_98], %swap3A_101 {strides = array<i32>} : memref<4x128xi32, #tpu.memory_space<vmem>>, vector<1x16xi32>,
      %get3A_102 = arith.constant 0 : i32
      %get3A_103 = arith.index_cast %get3A_102 : i32 to index
      %get3A_104 = arith.constant 96 : index
      %get3A_105 = tpu.vector_load %arg8[%get3A_103, %get3A_104] {strides = array<i32>} : memref<4x128xi32, #tpu.memory_space<vmem>>, vector<1x16xi32>,
      %get3A_106 = vector.shape_cast %get3A_105 : vector<1x16xi32> to vector<16xi32>
      %sub3A_107 = vector.broadcast %mul3A_11 : i32 to vector<16xi32>
      %sub3A_108 = arith.subi %get3A_106, %sub3A_107 : vector<16xi32>
      %swap3A_109 = arith.constant 0 : i32
      %swap3A_110 = arith.index_cast %swap3A_109 : i32 to index
      %swap3A_111 = arith.constant 96 : index
      %swap3A_112 = tpu.vector_load %arg9[%swap3A_110, %swap3A_111] {strides = array<i32>} : memref<4x128xi32, #tpu.memory_space<vmem>>, vector<1x16xi32>,
      %swap3A_113 = vector.shape_cast %swap3A_112 : vector<1x16xi32> to vector<16xi32>
      %swap3A_114 = vector.shape_cast %sub3A_108 : vector<16xi32> to vector<1x16xi32>
      tpu.vector_store %arg9[%swap3A_110, %swap3A_111], %swap3A_114 {strides = array<i32>} : memref<4x128xi32, #tpu.memory_space<vmem>>, vector<1x16xi32>,
      %get3A_115 = arith.constant 0 : i32
      %get3A_116 = arith.index_cast %get3A_115 : i32 to index
      %get3A_117 = arith.constant 112 : index
      %get3A_118 = tpu.vector_load %arg8[%get3A_116, %get3A_117] {strides = array<i32>} : memref<4x128xi32, #tpu.memory_space<vmem>>, vector<1x16xi32>,
      %get3A_119 = vector.shape_cast %get3A_118 : vector<1x16xi32> to vector<16xi32>
      %sub3A_120 = vector.broadcast %mul3A_11 : i32 to vector<16xi32>
      %sub3A_121 = arith.subi %get3A_119, %sub3A_120 : vector<16xi32>
      %swap3A_122 = arith.constant 0 : i32
      %swap3A_123 = arith.index_cast %swap3A_122 : i32 to index
      %swap3A_124 = arith.constant 112 : index
      %swap3A_125 = tpu.vector_load %arg9[%swap3A_123, %swap3A_124] {strides = array<i32>} : memref<4x128xi32, #tpu.memory_space<vmem>>, vector<1x16xi32>,
      %swap3A_126 = vector.shape_cast %swap3A_125 : vector<1x16xi32> to vector<16xi32>
      %swap3A_127 = vector.shape_cast %sub3A_121 : vector<16xi32> to vector<1x16xi32>
      tpu.vector_store %arg9[%swap3A_123, %swap3A_124], %swap3A_127 {strides = array<i32>} : memref<4x128xi32, #tpu.memory_space<vmem>>, vector<1x16xi32>,
      %get3A_128 = arith.constant 1 : i32
      %get3A_129 = arith.index_cast %get3A_128 : i32 to index
      %get3A_130 = arith.constant 0 : index
      %get3A_131 = tpu.vector_load %arg8[%get3A_129, %get3A_130] {strides = array<i32>} : memref<4x128xi32, #tpu.memory_space<vmem>>, vector<1x16xi32>,
      %get3A_132 = vector.shape_cast %get3A_131 : vector<1x16xi32> to vector<16xi32>
      %sub3A_133 = vector.broadcast %mul3A_11 : i32 to vector<16xi32>
      %sub3A_134 = arith.subi %get3A_132, %sub3A_133 : vector<16xi32>
      %swap3A_135 = arith.constant 1 : i32
      %swap3A_136 = arith.index_cast %swap3A_135 : i32 to index
      %swap3A_137 = arith.constant 0 : index
      %swap3A_138 = tpu.vector_load %arg9[%swap3A_136, %swap3A_137] {strides = array<i32>} : memref<4x128xi32, #tpu.memory_space<vmem>>, vector<1x16xi32>,
      %swap3A_139 = vector.shape_cast %swap3A_138 : vector<1x16xi32> to vector<16xi32>
      %swap3A_140 = vector.shape_cast %sub3A_134 : vector<16xi32> to vector<1x16xi32>
      tpu.vector_store %arg9[%swap3A_136, %swap3A_137], %swap3A_140 {strides = array<i32>} : memref<4x128xi32, #tpu.memory_space<vmem>>, vector<1x16xi32>,
      %get3A_141 = arith.constant 1 : i32
      %get3A_142 = arith.index_cast %get3A_141 : i32 to index
      %get3A_143 = arith.constant 16 : index
      %get3A_144 = tpu.vector_load %arg8[%get3A_142, %get3A_143] {strides = array<i32>} : memref<4x128xi32, #tpu.memory_space<vmem>>, vector<1x16xi32>,
      %get3A_145 = vector.shape_cast %get3A_144 : vector<1x16xi32> to vector<16xi32>
      %sub3A_146 = vector.broadcast %mul3A_11 : i32 to vector<16xi32>
      %sub3A_147 = arith.subi %get3A_145, %sub3A_146 : vector<16xi32>
      %swap3A_148 = arith.constant 1 : i32
      %swap3A_149 = arith.index_cast %swap3A_148 : i32 to index
      %swap3A_150 = arith.constant 16 : index
      %swap3A_151 = tpu.vector_load %arg9[%swap3A_149, %swap3A_150] {strides = array<i32>} : memref<4x128xi32, #tpu.memory_space<vmem>>, vector<1x16xi32>,
      %swap3A_152 = vector.shape_cast %swap3A_151 : vector<1x16xi32> to vector<16xi32>
      %swap3A_153 = vector.shape_cast %sub3A_147 : vector<16xi32> to vector<1x16xi32>
      tpu.vector_store %arg9[%swap3A_149, %swap3A_150], %swap3A_153 {strides = array<i32>} : memref<4x128xi32, #tpu.memory_space<vmem>>, vector<1x16xi32>,
      %get3A_154 = arith.constant 1 : i32
      %get3A_155 = arith.index_cast %get3A_154 : i32 to index
      %get3A_156 = arith.constant 32 : index
      %get3A_157 = tpu.vector_load %arg8[%get3A_155, %get3A_156] {strides = array<i32>} : memref<4x128xi32, #tpu.memory_space<vmem>>, vector<1x16xi32>,
      %get3A_158 = vector.shape_cast %get3A_157 : vector<1x16xi32> to vector<16xi32>
      %sub3A_159 = vector.broadcast %mul3A_11 : i32 to vector<16xi32>
      %sub3A_160 = arith.subi %get3A_158, %sub3A_159 : vector<16xi32>
      %swap3A_161 = arith.constant 1 : i32
      %swap3A_162 = arith.index_cast %swap3A_161 : i32 to index
      %swap3A_163 = arith.constant 32 : index
      %swap3A_164 = tpu.vector_load %arg9[%swap3A_162, %swap3A_163] {strides = array<i32>} : memref<4x128xi32, #tpu.memory_space<vmem>>, vector<1x16xi32>,
      %swap3A_165 = vector.shape_cast %swap3A_164 : vector<1x16xi32> to vector<16xi32>
      %swap3A_166 = vector.shape_cast %sub3A_160 : vector<16xi32> to vector<1x16xi32>
      tpu.vector_store %arg9[%swap3A_162, %swap3A_163], %swap3A_166 {strides = array<i32>} : memref<4x128xi32, #tpu.memory_space<vmem>>, vector<1x16xi32>,
      %get3A_167 = arith.constant 1 : i32
      %get3A_168 = arith.index_cast %get3A_167 : i32 to index
      %get3A_169 = arith.constant 48 : index
      %get3A_170 = tpu.vector_load %arg8[%get3A_168, %get3A_169] {strides = array<i32>} : memref<4x128xi32, #tpu.memory_space<vmem>>, vector<1x16xi32>,
      %get3A_171 = vector.shape_cast %get3A_170 : vector<1x16xi32> to vector<16xi32>
      %sub3A_172 = vector.broadcast %mul3A_11 : i32 to vector<16xi32>
      %sub3A_173 = arith.subi %get3A_171, %sub3A_172 : vector<16xi32>
      %swap3A_174 = arith.constant 1 : i32
      %swap3A_175 = arith.index_cast %swap3A_174 : i32 to index
      %swap3A_176 = arith.constant 48 : index
      %swap3A_177 = tpu.vector_load %arg9[%swap3A_175, %swap3A_176] {strides = array<i32>} : memref<4x128xi32, #tpu.memory_space<vmem>>, vector<1x16xi32>,
      %swap3A_178 = vector.shape_cast %swap3A_177 : vector<1x16xi32> to vector<16xi32>
      %swap3A_179 = vector.shape_cast %sub3A_173 : vector<16xi32> to vector<1x16xi32>
      tpu.vector_store %arg9[%swap3A_175, %swap3A_176], %swap3A_179 {strides = array<i32>} : memref<4x128xi32, #tpu.memory_space<vmem>>, vector<1x16xi32>,
      %get3A_180 = arith.constant 1 : i32
      %get3A_181 = arith.index_cast %get3A_180 : i32 to index
      %get3A_182 = arith.constant 64 : index
      %get3A_183 = tpu.vector_load %arg8[%get3A_181, %get3A_182] {strides = array<i32>} : memref<4x128xi32, #tpu.memory_space<vmem>>, vector<1x16xi32>,
      %get3A_184 = vector.shape_cast %get3A_183 : vector<1x16xi32> to vector<16xi32>
      %sub3A_185 = vector.broadcast %mul3A_11 : i32 to vector<16xi32>
      %sub3A_186 = arith.subi %get3A_184, %sub3A_185 : vector<16xi32>
      %swap3A_187 = arith.constant 1 : i32
      %swap3A_188 = arith.index_cast %swap3A_187 : i32 to index
      %swap3A_189 = arith.constant 64 : index
      %swap3A_190 = tpu.vector_load %arg9[%swap3A_188, %swap3A_189] {strides = array<i32>} : memref<4x128xi32, #tpu.memory_space<vmem>>, vector<1x16xi32>,
      %swap3A_191 = vector.shape_cast %swap3A_190 : vector<1x16xi32> to vector<16xi32>
      %swap3A_192 = vector.shape_cast %sub3A_186 : vector<16xi32> to vector<1x16xi32>
      tpu.vector_store %arg9[%swap3A_188, %swap3A_189], %swap3A_192 {strides = array<i32>} : memref<4x128xi32, #tpu.memory_space<vmem>>, vector<1x16xi32>,
      %get3A_193 = arith.constant 1 : i32
      %get3A_194 = arith.index_cast %get3A_193 : i32 to index
      %get3A_195 = arith.constant 80 : index
      %get3A_196 = tpu.vector_load %arg8[%get3A_194, %get3A_195] {strides = array<i32>} : memref<4x128xi32, #tpu.memory_space<vmem>>, vector<1x16xi32>,
      %get3A_197 = vector.shape_cast %get3A_196 : vector<1x16xi32> to vector<16xi32>
      %sub3A_198 = vector.broadcast %mul3A_11 : i32 to vector<16xi32>
      %sub3A_199 = arith.subi %get3A_197, %sub3A_198 : vector<16xi32>
      %swap3A_200 = arith.constant 1 : i32
      %swap3A_201 = arith.index_cast %swap3A_200 : i32 to index
      %swap3A_202 = arith.constant 80 : index
      %swap3A_203 = tpu.vector_load %arg9[%swap3A_201, %swap3A_202] {strides = array<i32>} : memref<4x128xi32, #tpu.memory_space<vmem>>, vector<1x16xi32>,
      %swap3A_204 = vector.shape_cast %swap3A_203 : vector<1x16xi32> to vector<16xi32>
      %swap3A_205 = vector.shape_cast %sub3A_199 : vector<16xi32> to vector<1x16xi32>
      tpu.vector_store %arg9[%swap3A_201, %swap3A_202], %swap3A_205 {strides = array<i32>} : memref<4x128xi32, #tpu.memory_space<vmem>>, vector<1x16xi32>,
      %get3A_206 = arith.constant 1 : i32
      %get3A_207 = arith.index_cast %get3A_206 : i32 to index
      %get3A_208 = arith.constant 96 : index
      %get3A_209 = tpu.vector_load %arg8[%get3A_207, %get3A_208] {strides = array<i32>} : memref<4x128xi32, #tpu.memory_space<vmem>>, vector<1x16xi32>,
      %get3A_210 = vector.shape_cast %get3A_209 : vector<1x16xi32> to vector<16xi32>
      %sub3A_211 = vector.broadcast %mul3A_11 : i32 to vector<16xi32>
      %sub3A_212 = arith.subi %get3A_210, %sub3A_211 : vector<16xi32>
      %swap3A_213 = arith.constant 1 : i32
      %swap3A_214 = arith.index_cast %swap3A_213 : i32 to index
      %swap3A_215 = arith.constant 96 : index
      %swap3A_216 = tpu.vector_load %arg9[%swap3A_214, %swap3A_215] {strides = array<i32>} : memref<4x128xi32, #tpu.memory_space<vmem>>, vector<1x16xi32>,
      %swap3A_217 = vector.shape_cast %swap3A_216 : vector<1x16xi32> to vector<16xi32>
      %swap3A_218 = vector.shape_cast %sub3A_212 : vector<16xi32> to vector<1x16xi32>
      tpu.vector_store %arg9[%swap3A_214, %swap3A_215], %swap3A_218 {strides = array<i32>} : memref<4x128xi32, #tpu.memory_space<vmem>>, vector<1x16xi32>,
      %get3A_219 = arith.constant 1 : i32
      %get3A_220 = arith.index_cast %get3A_219 : i32 to index
      %get3A_221 = arith.constant 112 : index
      %get3A_222 = tpu.vector_load %arg8[%get3A_220, %get3A_221] {strides = array<i32>} : memref<4x128xi32, #tpu.memory_space<vmem>>, vector<1x16xi32>,
      %get3A_223 = vector.shape_cast %get3A_222 : vector<1x16xi32> to vector<16xi32>
      %sub3A_224 = vector.broadcast %mul3A_11 : i32 to vector<16xi32>
      %sub3A_225 = arith.subi %get3A_223, %sub3A_224 : vector<16xi32>
      %swap3A_226 = arith.constant 1 : i32
      %swap3A_227 = arith.index_cast %swap3A_226 : i32 to index
      %swap3A_228 = arith.constant 112 : index
      %swap3A_229 = tpu.vector_load %arg9[%swap3A_227, %swap3A_228] {strides = array<i32>} : memref<4x128xi32, #tpu.memory_space<vmem>>, vector<1x16xi32>,
      %swap3A_230 = vector.shape_cast %swap3A_229 : vector<1x16xi32> to vector<16xi32>
      %swap3A_231 = vector.shape_cast %sub3A_225 : vector<16xi32> to vector<1x16xi32>
      tpu.vector_store %arg9[%swap3A_227, %swap3A_228], %swap3A_231 {strides = array<i32>} : memref<4x128xi32, #tpu.memory_space<vmem>>, vector<1x16xi32>,
      %get3A_232 = arith.constant 2 : i32
      %get3A_233 = arith.index_cast %get3A_232 : i32 to index
      %get3A_234 = arith.constant 0 : index
      %get3A_235 = tpu.vector_load %arg8[%get3A_233, %get3A_234] {strides = array<i32>} : memref<4x128xi32, #tpu.memory_space<vmem>>, vector<1x16xi32>,
      %get3A_236 = vector.shape_cast %get3A_235 : vector<1x16xi32> to vector<16xi32>
      %sub3A_237 = vector.broadcast %mul3A_11 : i32 to vector<16xi32>
      %sub3A_238 = arith.subi %get3A_236, %sub3A_237 : vector<16xi32>
      %swap3A_239 = arith.constant 2 : i32
      %swap3A_240 = arith.index_cast %swap3A_239 : i32 to index
      %swap3A_241 = arith.constant 0 : index
      %swap3A_242 = tpu.vector_load %arg9[%swap3A_240, %swap3A_241] {strides = array<i32>} : memref<4x128xi32, #tpu.memory_space<vmem>>, vector<1x16xi32>,
      %swap3A_243 = vector.shape_cast %swap3A_242 : vector<1x16xi32> to vector<16xi32>
      %swap3A_244 = vector.shape_cast %sub3A_238 : vector<16xi32> to vector<1x16xi32>
      tpu.vector_store %arg9[%swap3A_240, %swap3A_241], %swap3A_244 {strides = array<i32>} : memref<4x128xi32, #tpu.memory_space<vmem>>, vector<1x16xi32>,
      %get3A_245 = arith.constant 2 : i32
      %get3A_246 = arith.index_cast %get3A_245 : i32 to index
      %get3A_247 = arith.constant 16 : index
      %get3A_248 = tpu.vector_load %arg8[%get3A_246, %get3A_247] {strides = array<i32>} : memref<4x128xi32, #tpu.memory_space<vmem>>, vector<1x16xi32>,
      %get3A_249 = vector.shape_cast %get3A_248 : vector<1x16xi32> to vector<16xi32>
      %sub3A_250 = vector.broadcast %mul3A_11 : i32 to vector<16xi32>
      %sub3A_251 = arith.subi %get3A_249, %sub3A_250 : vector<16xi32>
      %swap3A_252 = arith.constant 2 : i32
      %swap3A_253 = arith.index_cast %swap3A_252 : i32 to index
      %swap3A_254 = arith.constant 16 : index
      %swap3A_255 = tpu.vector_load %arg9[%swap3A_253, %swap3A_254] {strides = array<i32>} : memref<4x128xi32, #tpu.memory_space<vmem>>, vector<1x16xi32>,
      %swap3A_256 = vector.shape_cast %swap3A_255 : vector<1x16xi32> to vector<16xi32>
      %swap3A_257 = vector.shape_cast %sub3A_251 : vector<16xi32> to vector<1x16xi32>
      tpu.vector_store %arg9[%swap3A_253, %swap3A_254], %swap3A_257 {strides = array<i32>} : memref<4x128xi32, #tpu.memory_space<vmem>>, vector<1x16xi32>,
      %get3A_258 = arith.constant 2 : i32
      %get3A_259 = arith.index_cast %get3A_258 : i32 to index
      %get3A_260 = arith.constant 32 : index
      %get3A_261 = tpu.vector_load %arg8[%get3A_259, %get3A_260] {strides = array<i32>} : memref<4x128xi32, #tpu.memory_space<vmem>>, vector<1x16xi32>,
      %get3A_262 = vector.shape_cast %get3A_261 : vector<1x16xi32> to vector<16xi32>
      %sub3A_263 = vector.broadcast %mul3A_11 : i32 to vector<16xi32>
      %sub3A_264 = arith.subi %get3A_262, %sub3A_263 : vector<16xi32>
      %swap3A_265 = arith.constant 2 : i32
      %swap3A_266 = arith.index_cast %swap3A_265 : i32 to index
      %swap3A_267 = arith.constant 32 : index
      %swap3A_268 = tpu.vector_load %arg9[%swap3A_266, %swap3A_267] {strides = array<i32>} : memref<4x128xi32, #tpu.memory_space<vmem>>, vector<1x16xi32>,
      %swap3A_269 = vector.shape_cast %swap3A_268 : vector<1x16xi32> to vector<16xi32>
      %swap3A_270 = vector.shape_cast %sub3A_264 : vector<16xi32> to vector<1x16xi32>
      tpu.vector_store %arg9[%swap3A_266, %swap3A_267], %swap3A_270 {strides = array<i32>} : memref<4x128xi32, #tpu.memory_space<vmem>>, vector<1x16xi32>,
      %get3A_271 = arith.constant 2 : i32
      %get3A_272 = arith.index_cast %get3A_271 : i32 to index
      %get3A_273 = arith.constant 48 : index
      %get3A_274 = tpu.vector_load %arg8[%get3A_272, %get3A_273] {strides = array<i32>} : memref<4x128xi32, #tpu.memory_space<vmem>>, vector<1x16xi32>,
      %get3A_275 = vector.shape_cast %get3A_274 : vector<1x16xi32> to vector<16xi32>
      %sub3A_276 = vector.broadcast %mul3A_11 : i32 to vector<16xi32>
      %sub3A_277 = arith.subi %get3A_275, %sub3A_276 : vector<16xi32>
      %swap3A_278 = arith.constant 2 : i32
      %swap3A_279 = arith.index_cast %swap3A_278 : i32 to index
      %swap3A_280 = arith.constant 48 : index
      %swap3A_281 = tpu.vector_load %arg9[%swap3A_279, %swap3A_280] {strides = array<i32>} : memref<4x128xi32, #tpu.memory_space<vmem>>, vector<1x16xi32>,
      %swap3A_282 = vector.shape_cast %swap3A_281 : vector<1x16xi32> to vector<16xi32>
      %swap3A_283 = vector.shape_cast %sub3A_277 : vector<16xi32> to vector<1x16xi32>
      tpu.vector_store %arg9[%swap3A_279, %swap3A_280], %swap3A_283 {strides = array<i32>} : memref<4x128xi32, #tpu.memory_space<vmem>>, vector<1x16xi32>,
      %get3A_284 = arith.constant 2 : i32
      %get3A_285 = arith.index_cast %get3A_284 : i32 to index
      %get3A_286 = arith.constant 64 : index
      %get3A_287 = tpu.vector_load %arg8[%get3A_285, %get3A_286] {strides = array<i32>} : memref<4x128xi32, #tpu.memory_space<vmem>>, vector<1x16xi32>,
      %get3A_288 = vector.shape_cast %get3A_287 : vector<1x16xi32> to vector<16xi32>
      %sub3A_289 = vector.broadcast %mul3A_11 : i32 to vector<16xi32>
      %sub3A_290 = arith.subi %get3A_288, %sub3A_289 : vector<16xi32>
      %swap3A_291 = arith.constant 2 : i32
      %swap3A_292 = arith.index_cast %swap3A_291 : i32 to index
      %swap3A_293 = arith.constant 64 : index
      %swap3A_294 = tpu.vector_load %arg9[%swap3A_292, %swap3A_293] {strides = array<i32>} : memref<4x128xi32, #tpu.memory_space<vmem>>, vector<1x16xi32>,
      %swap3A_295 = vector.shape_cast %swap3A_294 : vector<1x16xi32> to vector<16xi32>
      %swap3A_296 = vector.shape_cast %sub3A_290 : vector<16xi32> to vector<1x16xi32>
      tpu.vector_store %arg9[%swap3A_292, %swap3A_293], %swap3A_296 {strides = array<i32>} : memref<4x128xi32, #tpu.memory_space<vmem>>, vector<1x16xi32>,
      %get3A_297 = arith.constant 2 : i32
      %get3A_298 = arith.index_cast %get3A_297 : i32 to index
      %get3A_299 = arith.constant 80 : index
      %get3A_300 = tpu.vector_load %arg8[%get3A_298, %get3A_299] {strides = array<i32>} : memref<4x128xi32, #tpu.memory_space<vmem>>, vector<1x16xi32>,
      %get3A_301 = vector.shape_cast %get3A_300 : vector<1x16xi32> to vector<16xi32>
      %sub3A_302 = vector.broadcast %mul3A_11 : i32 to vector<16xi32>
      %sub3A_303 = arith.subi %get3A_301, %sub3A_302 : vector<16xi32>
      %swap3A_304 = arith.constant 2 : i32
      %swap3A_305 = arith.index_cast %swap3A_304 : i32 to index
      %swap3A_306 = arith.constant 80 : index
      %swap3A_307 = tpu.vector_load %arg9[%swap3A_305, %swap3A_306] {strides = array<i32>} : memref<4x128xi32, #tpu.memory_space<vmem>>, vector<1x16xi32>,
      %swap3A_308 = vector.shape_cast %swap3A_307 : vector<1x16xi32> to vector<16xi32>
      %swap3A_309 = vector.shape_cast %sub3A_303 : vector<16xi32> to vector<1x16xi32>
      tpu.vector_store %arg9[%swap3A_305, %swap3A_306], %swap3A_309 {strides = array<i32>} : memref<4x128xi32, #tpu.memory_space<vmem>>, vector<1x16xi32>,
      %get3A_310 = arith.constant 2 : i32
      %get3A_311 = arith.index_cast %get3A_310 : i32 to index
      %get3A_312 = arith.constant 96 : index
      %get3A_313 = tpu.vector_load %arg8[%get3A_311, %get3A_312] {strides = array<i32>} : memref<4x128xi32, #tpu.memory_space<vmem>>, vector<1x16xi32>,
      %get3A_314 = vector.shape_cast %get3A_313 : vector<1x16xi32> to vector<16xi32>
      %sub3A_315 = vector.broadcast %mul3A_11 : i32 to vector<16xi32>
      %sub3A_316 = arith.subi %get3A_314, %sub3A_315 : vector<16xi32>
      %swap3A_317 = arith.constant 2 : i32
      %swap3A_318 = arith.index_cast %swap3A_317 : i32 to index
      %swap3A_319 = arith.constant 96 : index
      %swap3A_320 = tpu.vector_load %arg9[%swap3A_318, %swap3A_319] {strides = array<i32>} : memref<4x128xi32, #tpu.memory_space<vmem>>, vector<1x16xi32>,
      %swap3A_321 = vector.shape_cast %swap3A_320 : vector<1x16xi32> to vector<16xi32>
      %swap3A_322 = vector.shape_cast %sub3A_316 : vector<16xi32> to vector<1x16xi32>
      tpu.vector_store %arg9[%swap3A_318, %swap3A_319], %swap3A_322 {strides = array<i32>} : memref<4x128xi32, #tpu.memory_space<vmem>>, vector<1x16xi32>,
      %get3A_323 = arith.constant 2 : i32
      %get3A_324 = arith.index_cast %get3A_323 : i32 to index
      %get3A_325 = arith.constant 112 : index
      %get3A_326 = tpu.vector_load %arg8[%get3A_324, %get3A_325] {strides = array<i32>} : memref<4x128xi32, #tpu.memory_space<vmem>>, vector<1x16xi32>,
      %get3A_327 = vector.shape_cast %get3A_326 : vector<1x16xi32> to vector<16xi32>
      %sub3A_328 = vector.broadcast %mul3A_11 : i32 to vector<16xi32>
      %sub3A_329 = arith.subi %get3A_327, %sub3A_328 : vector<16xi32>
      %swap3A_330 = arith.constant 2 : i32
      %swap3A_331 = arith.index_cast %swap3A_330 : i32 to index
      %swap3A_332 = arith.constant 112 : index
      %swap3A_333 = tpu.vector_load %arg9[%swap3A_331, %swap3A_332] {strides = array<i32>} : memref<4x128xi32, #tpu.memory_space<vmem>>, vector<1x16xi32>,
      %swap3A_334 = vector.shape_cast %swap3A_333 : vector<1x16xi32> to vector<16xi32>
      %swap3A_335 = vector.shape_cast %sub3A_329 : vector<16xi32> to vector<1x16xi32>
      tpu.vector_store %arg9[%swap3A_331, %swap3A_332], %swap3A_335 {strides = array<i32>} : memref<4x128xi32, #tpu.memory_space<vmem>>, vector<1x16xi32>,
      %get3A_336 = arith.constant 3 : i32
      %get3A_337 = arith.index_cast %get3A_336 : i32 to index
      %get3A_338 = arith.constant 0 : index
      %get3A_339 = tpu.vector_load %arg8[%get3A_337, %get3A_338] {strides = array<i32>} : memref<4x128xi32, #tpu.memory_space<vmem>>, vector<1x16xi32>,
      %get3A_340 = vector.shape_cast %get3A_339 : vector<1x16xi32> to vector<16xi32>
      %sub3A_341 = vector.broadcast %mul3A_11 : i32 to vector<16xi32>
      %sub3A_342 = arith.subi %get3A_340, %sub3A_341 : vector<16xi32>
      %swap3A_343 = arith.constant 3 : i32
      %swap3A_344 = arith.index_cast %swap3A_343 : i32 to index
      %swap3A_345 = arith.constant 0 : index
      %swap3A_346 = tpu.vector_load %arg9[%swap3A_344, %swap3A_345] {strides = array<i32>} : memref<4x128xi32, #tpu.memory_space<vmem>>, vector<1x16xi32>,
      %swap3A_347 = vector.shape_cast %swap3A_346 : vector<1x16xi32> to vector<16xi32>
      %swap3A_348 = vector.shape_cast %sub3A_342 : vector<16xi32> to vector<1x16xi32>
      tpu.vector_store %arg9[%swap3A_344, %swap3A_345], %swap3A_348 {strides = array<i32>} : memref<4x128xi32, #tpu.memory_space<vmem>>, vector<1x16xi32>,
      %get3A_349 = arith.constant 3 : i32
      %get3A_350 = arith.index_cast %get3A_349 : i32 to index
      %get3A_351 = arith.constant 16 : index
      %get3A_352 = tpu.vector_load %arg8[%get3A_350, %get3A_351] {strides = array<i32>} : memref<4x128xi32, #tpu.memory_space<vmem>>, vector<1x16xi32>,
      %get3A_353 = vector.shape_cast %get3A_352 : vector<1x16xi32> to vector<16xi32>
      %sub3A_354 = vector.broadcast %mul3A_11 : i32 to vector<16xi32>
      %sub3A_355 = arith.subi %get3A_353, %sub3A_354 : vector<16xi32>
      %swap3A_356 = arith.constant 3 : i32
      %swap3A_357 = arith.index_cast %swap3A_356 : i32 to index
      %swap3A_358 = arith.constant 16 : index
      %swap3A_359 = tpu.vector_load %arg9[%swap3A_357, %swap3A_358] {strides = array<i32>} : memref<4x128xi32, #tpu.memory_space<vmem>>, vector<1x16xi32>,
      %swap3A_360 = vector.shape_cast %swap3A_359 : vector<1x16xi32> to vector<16xi32>
      %swap3A_361 = vector.shape_cast %sub3A_355 : vector<16xi32> to vector<1x16xi32>
      tpu.vector_store %arg9[%swap3A_357, %swap3A_358], %swap3A_361 {strides = array<i32>} : memref<4x128xi32, #tpu.memory_space<vmem>>, vector<1x16xi32>,
      %get3A_362 = arith.constant 3 : i32
      %get3A_363 = arith.index_cast %get3A_362 : i32 to index
      %get3A_364 = arith.constant 32 : index
      %get3A_365 = tpu.vector_load %arg8[%get3A_363, %get3A_364] {strides = array<i32>} : memref<4x128xi32, #tpu.memory_space<vmem>>, vector<1x16xi32>,
      %get3A_366 = vector.shape_cast %get3A_365 : vector<1x16xi32> to vector<16xi32>
      %sub3A_367 = vector.broadcast %mul3A_11 : i32 to vector<16xi32>
      %sub3A_368 = arith.subi %get3A_366, %sub3A_367 : vector<16xi32>
      %swap3A_369 = arith.constant 3 : i32
      %swap3A_370 = arith.index_cast %swap3A_369 : i32 to index
      %swap3A_371 = arith.constant 32 : index
      %swap3A_372 = tpu.vector_load %arg9[%swap3A_370, %swap3A_371] {strides = array<i32>} : memref<4x128xi32, #tpu.memory_space<vmem>>, vector<1x16xi32>,
      %swap3A_373 = vector.shape_cast %swap3A_372 : vector<1x16xi32> to vector<16xi32>
      %swap3A_374 = vector.shape_cast %sub3A_368 : vector<16xi32> to vector<1x16xi32>
      tpu.vector_store %arg9[%swap3A_370, %swap3A_371], %swap3A_374 {strides = array<i32>} : memref<4x128xi32, #tpu.memory_space<vmem>>, vector<1x16xi32>,
      %get3A_375 = arith.constant 3 : i32
      %get3A_376 = arith.index_cast %get3A_375 : i32 to index
      %get3A_377 = arith.constant 48 : index
      %get3A_378 = tpu.vector_load %arg8[%get3A_376, %get3A_377] {strides = array<i32>} : memref<4x128xi32, #tpu.memory_space<vmem>>, vector<1x16xi32>,
      %get3A_379 = vector.shape_cast %get3A_378 : vector<1x16xi32> to vector<16xi32>
      %sub3A_380 = vector.broadcast %mul3A_11 : i32 to vector<16xi32>
      %sub3A_381 = arith.subi %get3A_379, %sub3A_380 : vector<16xi32>
      %swap3A_382 = arith.constant 3 : i32
      %swap3A_383 = arith.index_cast %swap3A_382 : i32 to index
      %swap3A_384 = arith.constant 48 : index
      %swap3A_385 = tpu.vector_load %arg9[%swap3A_383, %swap3A_384] {strides = array<i32>} : memref<4x128xi32, #tpu.memory_space<vmem>>, vector<1x16xi32>,
      %swap3A_386 = vector.shape_cast %swap3A_385 : vector<1x16xi32> to vector<16xi32>
      %swap3A_387 = vector.shape_cast %sub3A_381 : vector<16xi32> to vector<1x16xi32>
      tpu.vector_store %arg9[%swap3A_383, %swap3A_384], %swap3A_387 {strides = array<i32>} : memref<4x128xi32, #tpu.memory_space<vmem>>, vector<1x16xi32>,
      %get3A_388 = arith.constant 3 : i32
      %get3A_389 = arith.index_cast %get3A_388 : i32 to index
      %get3A_390 = arith.constant 64 : index
      %get3A_391 = tpu.vector_load %arg8[%get3A_389, %get3A_390] {strides = array<i32>} : memref<4x128xi32, #tpu.memory_space<vmem>>, vector<1x16xi32>,
      %get3A_392 = vector.shape_cast %get3A_391 : vector<1x16xi32> to vector<16xi32>
      %sub3A_393 = vector.broadcast %mul3A_11 : i32 to vector<16xi32>
      %sub3A_394 = arith.subi %get3A_392, %sub3A_393 : vector<16xi32>
      %swap3A_395 = arith.constant 3 : i32
      %swap3A_396 = arith.index_cast %swap3A_395 : i32 to index
      %swap3A_397 = arith.constant 64 : index
      %swap3A_398 = tpu.vector_load %arg9[%swap3A_396, %swap3A_397] {strides = array<i32>} : memref<4x128xi32, #tpu.memory_space<vmem>>, vector<1x16xi32>,
      %swap3A_399 = vector.shape_cast %swap3A_398 : vector<1x16xi32> to vector<16xi32>
      %swap3A_400 = vector.shape_cast %sub3A_394 : vector<16xi32> to vector<1x16xi32>
      tpu.vector_store %arg9[%swap3A_396, %swap3A_397], %swap3A_400 {strides = array<i32>} : memref<4x128xi32, #tpu.memory_space<vmem>>, vector<1x16xi32>,
      %get3A_401 = arith.constant 3 : i32
      %get3A_402 = arith.index_cast %get3A_401 : i32 to index
      %get3A_403 = arith.constant 80 : index
      %get3A_404 = tpu.vector_load %arg8[%get3A_402, %get3A_403] {strides = array<i32>} : memref<4x128xi32, #tpu.memory_space<vmem>>, vector<1x16xi32>,
      %get3A_405 = vector.shape_cast %get3A_404 : vector<1x16xi32> to vector<16xi32>
      %sub3A_406 = vector.broadcast %mul3A_11 : i32 to vector<16xi32>
      %sub3A_407 = arith.subi %get3A_405, %sub3A_406 : vector<16xi32>
      %swap3A_408 = arith.constant 3 : i32
      %swap3A_409 = arith.index_cast %swap3A_408 : i32 to index
      %swap3A_410 = arith.constant 80 : index
      %swap3A_411 = tpu.vector_load %arg9[%swap3A_409, %swap3A_410] {strides = array<i32>} : memref<4x128xi32, #tpu.memory_space<vmem>>, vector<1x16xi32>,
      %swap3A_412 = vector.shape_cast %swap3A_411 : vector<1x16xi32> to vector<16xi32>
      %swap3A_413 = vector.shape_cast %sub3A_407 : vector<16xi32> to vector<1x16xi32>
      tpu.vector_store %arg9[%swap3A_409, %swap3A_410], %swap3A_413 {strides = array<i32>} : memref<4x128xi32, #tpu.memory_space<vmem>>, vector<1x16xi32>,
      %get3A_414 = arith.constant 3 : i32
      %get3A_415 = arith.index_cast %get3A_414 : i32 to index
      %get3A_416 = arith.constant 96 : index
      %get3A_417 = tpu.vector_load %arg8[%get3A_415, %get3A_416] {strides = array<i32>} : memref<4x128xi32, #tpu.memory_space<vmem>>, vector<1x16xi32>,
      %get3A_418 = vector.shape_cast %get3A_417 : vector<1x16xi32> to vector<16xi32>
      %sub3A_419 = vector.broadcast %mul3A_11 : i32 to vector<16xi32>
      %sub3A_420 = arith.subi %get3A_418, %sub3A_419 : vector<16xi32>
      %swap3A_421 = arith.constant 3 : i32
      %swap3A_422 = arith.index_cast %swap3A_421 : i32 to index
      %swap3A_423 = arith.constant 96 : index
      %swap3A_424 = tpu.vector_load %arg9[%swap3A_422, %swap3A_423] {strides = array<i32>} : memref<4x128xi32, #tpu.memory_space<vmem>>, vector<1x16xi32>,
      %swap3A_425 = vector.shape_cast %swap3A_424 : vector<1x16xi32> to vector<16xi32>
      %swap3A_426 = vector.shape_cast %sub3A_420 : vector<16xi32> to vector<1x16xi32>
      tpu.vector_store %arg9[%swap3A_422, %swap3A_423], %swap3A_426 {strides = array<i32>} : memref<4x128xi32, #tpu.memory_space<vmem>>, vector<1x16xi32>,
      %get3A_427 = arith.constant 3 : i32
      %get3A_428 = arith.index_cast %get3A_427 : i32 to index
      %get3A_429 = arith.constant 112 : index
      %get3A_430 = tpu.vector_load %arg8[%get3A_428, %get3A_429] {strides = array<i32>} : memref<4x128xi32, #tpu.memory_space<vmem>>, vector<1x16xi32>,
      %get3A_431 = vector.shape_cast %get3A_430 : vector<1x16xi32> to vector<16xi32>
      %sub3A_432 = vector.broadcast %mul3A_11 : i32 to vector<16xi32>
      %sub3A_433 = arith.subi %get3A_431, %sub3A_432 : vector<16xi32>
      %swap3A_434 = arith.constant 3 : i32
      %swap3A_435 = arith.index_cast %swap3A_434 : i32 to index
      %swap3A_436 = arith.constant 112 : index
      %swap3A_437 = tpu.vector_load %arg9[%swap3A_435, %swap3A_436] {strides = array<i32>} : memref<4x128xi32, #tpu.memory_space<vmem>>, vector<1x16xi32>,
      %swap3A_438 = vector.shape_cast %swap3A_437 : vector<1x16xi32> to vector<16xi32>
      %swap3A_439 = vector.shape_cast %sub3A_433 : vector<16xi32> to vector<1x16xi32>
      tpu.vector_store %arg9[%swap3A_435, %swap3A_436], %swap3A_439 {strides = array<i32>} : memref<4x128xi32, #tpu.memory_space<vmem>>, vector<1x16xi32>,
      %dma_start3A = arith.constant 0 : i32
      %dma_start3A_440 = arith.constant 0 : i32
      %dma_start3A_441 = arith.constant 0 : i32
      %dma_start3A_442 = tpu.memref_slice %arg10[%dma_start3A_440, %dma_start3A_441] : memref<512x64xf32, #tpu.memory_space<vmem>> -> memref<128x64xf32, #tpu.memory_space<vmem>>
      %dma_start3A_443 = arith.constant 0 : i32
      %dma_start3A_444 = tpu.memref_slice %arg7[%dma_start3A, %dma_start3A_443] : memref<4x128xi32, #tpu.memory_space<vmem>> -> memref<1x128xi32, #tpu.memory_space<vmem>>
      %dma_start3A_445 = tpu.memref_squeeze %dma_start3A_444 : memref<1x128xi32, #tpu.memory_space<vmem>> -> memref<128xi32, #tpu.memory_space<vmem>>
      %dma_start3A_446 = arith.constant 0 : i32
      %dma_start3A_447 = arith.constant 0 : i32
      %dma_start3A_448 = tpu.memref_slice %arg2[%dma_start3A_446, %dma_start3A_447] : memref<8192x64xf32, #tpu.memory_space<hbm>> -> memref<8192x64xf32, #tpu.memory_space<hbm>>
      tpu.enqueue_indirect_dma source(%dma_start3A_448 : memref<8192x64xf32, #tpu.memory_space<hbm>>) target(%dma_start3A_442 : memref<128x64xf32, #tpu.memory_space<vmem>>) offsets(%dma_start3A_445 : memref<128xi32, #tpu.memory_space<vmem>>) semaphore(%arg13 : memref<!tpu.dma_semaphore, #tpu.memory_space<semaphore_mem>>)
      %dma_start3A_449 = arith.constant 0 : i32
      %dma_start3A_450 = arith.constant 0 : i32
      %dma_start3A_451 = arith.constant 0 : i32
      %dma_start3A_452 = tpu.memref_slice %arg11[%dma_start3A_450, %dma_start3A_451] : memref<512x64xf32, #tpu.memory_space<vmem>> -> memref<128x64xf32, #tpu.memory_space<vmem>>
      %dma_start3A_453 = arith.constant 0 : i32
      %dma_start3A_454 = tpu.memref_slice %arg8[%dma_start3A_449, %dma_start3A_453] : memref<4x128xi32, #tpu.memory_space<vmem>> -> memref<1x128xi32, #tpu.memory_space<vmem>>
      %dma_start3A_455 = tpu.memref_squeeze %dma_start3A_454 : memref<1x128xi32, #tpu.memory_space<vmem>> -> memref<128xi32, #tpu.memory_space<vmem>>
      %dma_start3A_456 = arith.constant 0 : i32
      %dma_start3A_457 = arith.constant 0 : i32
      %dma_start3A_458 = tpu.memref_slice %arg3[%dma_start3A_456, %dma_start3A_457] : memref<8192x64xf32, #tpu.memory_space<hbm>> -> memref<8192x64xf32, #tpu.memory_space<hbm>>
      tpu.enqueue_indirect_dma source(%dma_start3A_458 : memref<8192x64xf32, #tpu.memory_space<hbm>>) target(%dma_start3A_452 : memref<128x64xf32, #tpu.memory_space<vmem>>) offsets(%dma_start3A_455 : memref<128xi32, #tpu.memory_space<vmem>>) semaphore(%arg14 : memref<!tpu.dma_semaphore, #tpu.memory_space<semaphore_mem>>)
      %dma_start3A_459 = arith.constant 1 : i32
      %dma_start3A_460 = arith.constant 128 : i32
      %dma_start3A_461 = arith.constant 0 : i32
      %dma_start3A_462 = tpu.memref_slice %arg10[%dma_start3A_460, %dma_start3A_461] : memref<512x64xf32, #tpu.memory_space<vmem>> -> memref<128x64xf32, #tpu.memory_space<vmem>>
      %dma_start3A_463 = arith.constant 0 : i32
      %dma_start3A_464 = tpu.memref_slice %arg7[%dma_start3A_459, %dma_start3A_463] : memref<4x128xi32, #tpu.memory_space<vmem>> -> memref<1x128xi32, #tpu.memory_space<vmem>>
      %dma_start3A_465 = tpu.memref_squeeze %dma_start3A_464 : memref<1x128xi32, #tpu.memory_space<vmem>> -> memref<128xi32, #tpu.memory_space<vmem>>
      %dma_start3A_466 = arith.constant 0 : i32
      %dma_start3A_467 = arith.constant 0 : i32
      %dma_start3A_468 = tpu.memref_slice %arg2[%dma_start3A_466, %dma_start3A_467] : memref<8192x64xf32, #tpu.memory_space<hbm>> -> memref<8192x64xf32, #tpu.memory_space<hbm>>
      tpu.enqueue_indirect_dma source(%dma_start3A_468 : memref<8192x64xf32, #tpu.memory_space<hbm>>) target(%dma_start3A_462 : memref<128x64xf32, #tpu.memory_space<vmem>>) offsets(%dma_start3A_465 : memref<128xi32, #tpu.memory_space<vmem>>) semaphore(%arg13 : memref<!tpu.dma_semaphore, #tpu.memory_space<semaphore_mem>>)
      %dma_start3A_469 = arith.constant 1 : i32
      %dma_start3A_470 = arith.constant 128 : i32
      %dma_start3A_471 = arith.constant 0 : i32
      %dma_start3A_472 = tpu.memref_slice %arg11[%dma_start3A_470, %dma_start3A_471] : memref<512x64xf32, #tpu.memory_space<vmem>> -> memref<128x64xf32, #tpu.memory_space<vmem>>
      %dma_start3A_473 = arith.constant 0 : i32
      %dma_start3A_474 = tpu.memref_slice %arg8[%dma_start3A_469, %dma_start3A_473] : memref<4x128xi32, #tpu.memory_space<vmem>> -> memref<1x128xi32, #tpu.memory_space<vmem>>
      %dma_start3A_475 = tpu.memref_squeeze %dma_start3A_474 : memref<1x128xi32, #tpu.memory_space<vmem>> -> memref<128xi32, #tpu.memory_space<vmem>>
      %dma_start3A_476 = arith.constant 0 : i32
      %dma_start3A_477 = arith.constant 0 : i32
      %dma_start3A_478 = tpu.memref_slice %arg3[%dma_start3A_476, %dma_start3A_477] : memref<8192x64xf32, #tpu.memory_space<hbm>> -> memref<8192x64xf32, #tpu.memory_space<hbm>>
      tpu.enqueue_indirect_dma source(%dma_start3A_478 : memref<8192x64xf32, #tpu.memory_space<hbm>>) target(%dma_start3A_472 : memref<128x64xf32, #tpu.memory_space<vmem>>) offsets(%dma_start3A_475 : memref<128xi32, #tpu.memory_space<vmem>>) semaphore(%arg14 : memref<!tpu.dma_semaphore, #tpu.memory_space<semaphore_mem>>)
      %dma_start3A_479 = arith.constant 2 : i32
      %dma_start3A_480 = arith.constant 256 : i32
      %dma_start3A_481 = arith.constant 0 : i32
      %dma_start3A_482 = tpu.memref_slice %arg10[%dma_start3A_480, %dma_start3A_481] : memref<512x64xf32, #tpu.memory_space<vmem>> -> memref<128x64xf32, #tpu.memory_space<vmem>>
      %dma_start3A_483 = arith.constant 0 : i32
      %dma_start3A_484 = tpu.memref_slice %arg7[%dma_start3A_479, %dma_start3A_483] : memref<4x128xi32, #tpu.memory_space<vmem>> -> memref<1x128xi32, #tpu.memory_space<vmem>>
      %dma_start3A_485 = tpu.memref_squeeze %dma_start3A_484 : memref<1x128xi32, #tpu.memory_space<vmem>> -> memref<128xi32, #tpu.memory_space<vmem>>
      %dma_start3A_486 = arith.constant 0 : i32
      %dma_start3A_487 = arith.constant 0 : i32
      %dma_start3A_488 = tpu.memref_slice %arg2[%dma_start3A_486, %dma_start3A_487] : memref<8192x64xf32, #tpu.memory_space<hbm>> -> memref<8192x64xf32, #tpu.memory_space<hbm>>
      tpu.enqueue_indirect_dma source(%dma_start3A_488 : memref<8192x64xf32, #tpu.memory_space<hbm>>) target(%dma_start3A_482 : memref<128x64xf32, #tpu.memory_space<vmem>>) offsets(%dma_start3A_485 : memref<128xi32, #tpu.memory_space<vmem>>) semaphore(%arg13 : memref<!tpu.dma_semaphore, #tpu.memory_space<semaphore_mem>>)
      %dma_start3A_489 = arith.constant 2 : i32
      %dma_start3A_490 = arith.constant 256 : i32
      %dma_start3A_491 = arith.constant 0 : i32
      %dma_start3A_492 = tpu.memref_slice %arg11[%dma_start3A_490, %dma_start3A_491] : memref<512x64xf32, #tpu.memory_space<vmem>> -> memref<128x64xf32, #tpu.memory_space<vmem>>
      %dma_start3A_493 = arith.constant 0 : i32
      %dma_start3A_494 = tpu.memref_slice %arg8[%dma_start3A_489, %dma_start3A_493] : memref<4x128xi32, #tpu.memory_space<vmem>> -> memref<1x128xi32, #tpu.memory_space<vmem>>
      %dma_start3A_495 = tpu.memref_squeeze %dma_start3A_494 : memref<1x128xi32, #tpu.memory_space<vmem>> -> memref<128xi32, #tpu.memory_space<vmem>>
      %dma_start3A_496 = arith.constant 0 : i32
      %dma_start3A_497 = arith.constant 0 : i32
      %dma_start3A_498 = tpu.memref_slice %arg3[%dma_start3A_496, %dma_start3A_497] : memref<8192x64xf32, #tpu.memory_space<hbm>> -> memref<8192x64xf32, #tpu.memory_space<hbm>>
      tpu.enqueue_indirect_dma source(%dma_start3A_498 : memref<8192x64xf32, #tpu.memory_space<hbm>>) target(%dma_start3A_492 : memref<128x64xf32, #tpu.memory_space<vmem>>) offsets(%dma_start3A_495 : memref<128xi32, #tpu.memory_space<vmem>>) semaphore(%arg14 : memref<!tpu.dma_semaphore, #tpu.memory_space<semaphore_mem>>)
      %dma_start3A_499 = arith.constant 3 : i32
      %dma_start3A_500 = arith.constant 384 : i32
      %dma_start3A_501 = arith.constant 0 : i32
      %dma_start3A_502 = tpu.memref_slice %arg10[%dma_start3A_500, %dma_start3A_501] : memref<512x64xf32, #tpu.memory_space<vmem>> -> memref<128x64xf32, #tpu.memory_space<vmem>>
      %dma_start3A_503 = arith.constant 0 : i32
      %dma_start3A_504 = tpu.memref_slice %arg7[%dma_start3A_499, %dma_start3A_503] : memref<4x128xi32, #tpu.memory_space<vmem>> -> memref<1x128xi32, #tpu.memory_space<vmem>>
      %dma_start3A_505 = tpu.memref_squeeze %dma_start3A_504 : memref<1x128xi32, #tpu.memory_space<vmem>> -> memref<128xi32, #tpu.memory_space<vmem>>
      %dma_start3A_506 = arith.constant 0 : i32
      %dma_start3A_507 = arith.constant 0 : i32
      %dma_start3A_508 = tpu.memref_slice %arg2[%dma_start3A_506, %dma_start3A_507] : memref<8192x64xf32, #tpu.memory_space<hbm>> -> memref<8192x64xf32, #tpu.memory_space<hbm>>
      tpu.enqueue_indirect_dma source(%dma_start3A_508 : memref<8192x64xf32, #tpu.memory_space<hbm>>) target(%dma_start3A_502 : memref<128x64xf32, #tpu.memory_space<vmem>>) offsets(%dma_start3A_505 : memref<128xi32, #tpu.memory_space<vmem>>) semaphore(%arg13 : memref<!tpu.dma_semaphore, #tpu.memory_space<semaphore_mem>>)
      %dma_start3A_509 = arith.constant 3 : i32
      %dma_start3A_510 = arith.constant 384 : i32
      %dma_start3A_511 = arith.constant 0 : i32
      %dma_start3A_512 = tpu.memref_slice %arg11[%dma_start3A_510, %dma_start3A_511] : memref<512x64xf32, #tpu.memory_space<vmem>> -> memref<128x64xf32, #tpu.memory_space<vmem>>
      %dma_start3A_513 = arith.constant 0 : i32
      %dma_start3A_514 = tpu.memref_slice %arg8[%dma_start3A_509, %dma_start3A_513] : memref<4x128xi32, #tpu.memory_space<vmem>> -> memref<1x128xi32, #tpu.memory_space<vmem>>
      %dma_start3A_515 = tpu.memref_squeeze %dma_start3A_514 : memref<1x128xi32, #tpu.memory_space<vmem>> -> memref<128xi32, #tpu.memory_space<vmem>>
      %dma_start3A_516 = arith.constant 0 : i32
      %dma_start3A_517 = arith.constant 0 : i32
      %dma_start3A_518 = tpu.memref_slice %arg3[%dma_start3A_516, %dma_start3A_517] : memref<8192x64xf32, #tpu.memory_space<hbm>> -> memref<8192x64xf32, #tpu.memory_space<hbm>>
      tpu.enqueue_indirect_dma source(%dma_start3A_518 : memref<8192x64xf32, #tpu.memory_space<hbm>>) target(%dma_start3A_512 : memref<128x64xf32, #tpu.memory_space<vmem>>) offsets(%dma_start3A_515 : memref<128xi32, #tpu.memory_space<vmem>>) semaphore(%arg14 : memref<!tpu.dma_semaphore, #tpu.memory_space<semaphore_mem>>)
      %dma_wait3A = arith.constant 0 : i32
      %dma_wait3A_519 = arith.constant 0 : i32
      %dma_wait3A_520 = arith.constant 0 : i32
      %dma_wait3A_521 = tpu.memref_slice %arg10[%dma_wait3A_519, %dma_wait3A_520] : memref<512x64xf32, #tpu.memory_space<vmem>> -> memref<128x64xf32, #tpu.memory_space<vmem>>
      %dma_wait3A_522 = arith.constant 0 : i32
      %dma_wait3A_523 = tpu.memref_slice %arg7[%dma_wait3A, %dma_wait3A_522] : memref<4x128xi32, #tpu.memory_space<vmem>> -> memref<1x128xi32, #tpu.memory_space<vmem>>
      %dma_wait3A_524 = tpu.memref_squeeze %dma_wait3A_523 : memref<1x128xi32, #tpu.memory_space<vmem>> -> memref<128xi32, #tpu.memory_space<vmem>>
      %dma_wait3A_525 = arith.constant 0 : i32
      %dma_wait3A_526 = arith.constant 0 : i32
      %dma_wait3A_527 = tpu.memref_slice %arg2[%dma_wait3A_525, %dma_wait3A_526] : memref<8192x64xf32, #tpu.memory_space<hbm>> -> memref<8192x64xf32, #tpu.memory_space<hbm>>
      tpu.wait_indirect_dma semaphore(%arg13 : memref<!tpu.dma_semaphore, #tpu.memory_space<semaphore_mem>>) src(%dma_wait3A_527 : memref<8192x64xf32, #tpu.memory_space<hbm>>) dst(%dma_wait3A_521 : memref<128x64xf32, #tpu.memory_space<vmem>>)
      %dma_wait3A_528 = arith.constant 0 : i32
      %dma_wait3A_529 = arith.constant 0 : i32
      %dma_wait3A_530 = arith.constant 0 : i32
      %dma_wait3A_531 = tpu.memref_slice %arg11[%dma_wait3A_529, %dma_wait3A_530] : memref<512x64xf32, #tpu.memory_space<vmem>> -> memref<128x64xf32, #tpu.memory_space<vmem>>
      %dma_wait3A_532 = arith.constant 0 : i32
      %dma_wait3A_533 = tpu.memref_slice %arg8[%dma_wait3A_528, %dma_wait3A_532] : memref<4x128xi32, #tpu.memory_space<vmem>> -> memref<1x128xi32, #tpu.memory_space<vmem>>
      %dma_wait3A_534 = tpu.memref_squeeze %dma_wait3A_533 : memref<1x128xi32, #tpu.memory_space<vmem>> -> memref<128xi32, #tpu.memory_space<vmem>>
      %dma_wait3A_535 = arith.constant 0 : i32
      %dma_wait3A_536 = arith.constant 0 : i32
      %dma_wait3A_537 = tpu.memref_slice %arg3[%dma_wait3A_535, %dma_wait3A_536] : memref<8192x64xf32, #tpu.memory_space<hbm>> -> memref<8192x64xf32, #tpu.memory_space<hbm>>
      tpu.wait_indirect_dma semaphore(%arg14 : memref<!tpu.dma_semaphore, #tpu.memory_space<semaphore_mem>>) src(%dma_wait3A_537 : memref<8192x64xf32, #tpu.memory_space<hbm>>) dst(%dma_wait3A_531 : memref<128x64xf32, #tpu.memory_space<vmem>>)
      %dma_wait3A_538 = arith.constant 1 : i32
      %dma_wait3A_539 = arith.constant 128 : i32
      %dma_wait3A_540 = arith.constant 0 : i32
      %dma_wait3A_541 = tpu.memref_slice %arg10[%dma_wait3A_539, %dma_wait3A_540] : memref<512x64xf32, #tpu.memory_space<vmem>> -> memref<128x64xf32, #tpu.memory_space<vmem>>
      %dma_wait3A_542 = arith.constant 0 : i32
      %dma_wait3A_543 = tpu.memref_slice %arg7[%dma_wait3A_538, %dma_wait3A_542] : memref<4x128xi32, #tpu.memory_space<vmem>> -> memref<1x128xi32, #tpu.memory_space<vmem>>
      %dma_wait3A_544 = tpu.memref_squeeze %dma_wait3A_543 : memref<1x128xi32, #tpu.memory_space<vmem>> -> memref<128xi32, #tpu.memory_space<vmem>>
      %dma_wait3A_545 = arith.constant 0 : i32
      %dma_wait3A_546 = arith.constant 0 : i32
      %dma_wait3A_547 = tpu.memref_slice %arg2[%dma_wait3A_545, %dma_wait3A_546] : memref<8192x64xf32, #tpu.memory_space<hbm>> -> memref<8192x64xf32, #tpu.memory_space<hbm>>
      tpu.wait_indirect_dma semaphore(%arg13 : memref<!tpu.dma_semaphore, #tpu.memory_space<semaphore_mem>>) src(%dma_wait3A_547 : memref<8192x64xf32, #tpu.memory_space<hbm>>) dst(%dma_wait3A_541 : memref<128x64xf32, #tpu.memory_space<vmem>>)
      %dma_wait3A_548 = arith.constant 1 : i32
      %dma_wait3A_549 = arith.constant 128 : i32
      %dma_wait3A_550 = arith.constant 0 : i32
      %dma_wait3A_551 = tpu.memref_slice %arg11[%dma_wait3A_549, %dma_wait3A_550] : memref<512x64xf32, #tpu.memory_space<vmem>> -> memref<128x64xf32, #tpu.memory_space<vmem>>
      %dma_wait3A_552 = arith.constant 0 : i32
      %dma_wait3A_553 = tpu.memref_slice %arg8[%dma_wait3A_548, %dma_wait3A_552] : memref<4x128xi32, #tpu.memory_space<vmem>> -> memref<1x128xi32, #tpu.memory_space<vmem>>
      %dma_wait3A_554 = tpu.memref_squeeze %dma_wait3A_553 : memref<1x128xi32, #tpu.memory_space<vmem>> -> memref<128xi32, #tpu.memory_space<vmem>>
      %dma_wait3A_555 = arith.constant 0 : i32
      %dma_wait3A_556 = arith.constant 0 : i32
      %dma_wait3A_557 = tpu.memref_slice %arg3[%dma_wait3A_555, %dma_wait3A_556] : memref<8192x64xf32, #tpu.memory_space<hbm>> -> memref<8192x64xf32, #tpu.memory_space<hbm>>
      tpu.wait_indirect_dma semaphore(%arg14 : memref<!tpu.dma_semaphore, #tpu.memory_space<semaphore_mem>>) src(%dma_wait3A_557 : memref<8192x64xf32, #tpu.memory_space<hbm>>) dst(%dma_wait3A_551 : memref<128x64xf32, #tpu.memory_space<vmem>>)
      %dma_wait3A_558 = arith.constant 2 : i32
      %dma_wait3A_559 = arith.constant 256 : i32
      %dma_wait3A_560 = arith.constant 0 : i32
      %dma_wait3A_561 = tpu.memref_slice %arg10[%dma_wait3A_559, %dma_wait3A_560] : memref<512x64xf32, #tpu.memory_space<vmem>> -> memref<128x64xf32, #tpu.memory_space<vmem>>
      %dma_wait3A_562 = arith.constant 0 : i32
      %dma_wait3A_563 = tpu.memref_slice %arg7[%dma_wait3A_558, %dma_wait3A_562] : memref<4x128xi32, #tpu.memory_space<vmem>> -> memref<1x128xi32, #tpu.memory_space<vmem>>
      %dma_wait3A_564 = tpu.memref_squeeze %dma_wait3A_563 : memref<1x128xi32, #tpu.memory_space<vmem>> -> memref<128xi32, #tpu.memory_space<vmem>>
      %dma_wait3A_565 = arith.constant 0 : i32
      %dma_wait3A_566 = arith.constant 0 : i32
      %dma_wait3A_567 = tpu.memref_slice %arg2[%dma_wait3A_565, %dma_wait3A_566] : memref<8192x64xf32, #tpu.memory_space<hbm>> -> memref<8192x64xf32, #tpu.memory_space<hbm>>
      tpu.wait_indirect_dma semaphore(%arg13 : memref<!tpu.dma_semaphore, #tpu.memory_space<semaphore_mem>>) src(%dma_wait3A_567 : memref<8192x64xf32, #tpu.memory_space<hbm>>) dst(%dma_wait3A_561 : memref<128x64xf32, #tpu.memory_space<vmem>>)
      %dma_wait3A_568 = arith.constant 2 : i32
      %dma_wait3A_569 = arith.constant 256 : i32
      %dma_wait3A_570 = arith.constant 0 : i32
      %dma_wait3A_571 = tpu.memref_slice %arg11[%dma_wait3A_569, %dma_wait3A_570] : memref<512x64xf32, #tpu.memory_space<vmem>> -> memref<128x64xf32, #tpu.memory_space<vmem>>
      %dma_wait3A_572 = arith.constant 0 : i32
      %dma_wait3A_573 = tpu.memref_slice %arg8[%dma_wait3A_568, %dma_wait3A_572] : memref<4x128xi32, #tpu.memory_space<vmem>> -> memref<1x128xi32, #tpu.memory_space<vmem>>
      %dma_wait3A_574 = tpu.memref_squeeze %dma_wait3A_573 : memref<1x128xi32, #tpu.memory_space<vmem>> -> memref<128xi32, #tpu.memory_space<vmem>>
      %dma_wait3A_575 = arith.constant 0 : i32
      %dma_wait3A_576 = arith.constant 0 : i32
      %dma_wait3A_577 = tpu.memref_slice %arg3[%dma_wait3A_575, %dma_wait3A_576] : memref<8192x64xf32, #tpu.memory_space<hbm>> -> memref<8192x64xf32, #tpu.memory_space<hbm>>
      tpu.wait_indirect_dma semaphore(%arg14 : memref<!tpu.dma_semaphore, #tpu.memory_space<semaphore_mem>>) src(%dma_wait3A_577 : memref<8192x64xf32, #tpu.memory_space<hbm>>) dst(%dma_wait3A_571 : memref<128x64xf32, #tpu.memory_space<vmem>>)
      %dma_wait3A_578 = arith.constant 3 : i32
      %dma_wait3A_579 = arith.constant 384 : i32
      %dma_wait3A_580 = arith.constant 0 : i32
      %dma_wait3A_581 = tpu.memref_slice %arg10[%dma_wait3A_579, %dma_wait3A_580] : memref<512x64xf32, #tpu.memory_space<vmem>> -> memref<128x64xf32, #tpu.memory_space<vmem>>
      %dma_wait3A_582 = arith.constant 0 : i32
      %dma_wait3A_583 = tpu.memref_slice %arg7[%dma_wait3A_578, %dma_wait3A_582] : memref<4x128xi32, #tpu.memory_space<vmem>> -> memref<1x128xi32, #tpu.memory_space<vmem>>
      %dma_wait3A_584 = tpu.memref_squeeze %dma_wait3A_583 : memref<1x128xi32, #tpu.memory_space<vmem>> -> memref<128xi32, #tpu.memory_space<vmem>>
      %dma_wait3A_585 = arith.constant 0 : i32
      %dma_wait3A_586 = arith.constant 0 : i32
      %dma_wait3A_587 = tpu.memref_slice %arg2[%dma_wait3A_585, %dma_wait3A_586] : memref<8192x64xf32, #tpu.memory_space<hbm>> -> memref<8192x64xf32, #tpu.memory_space<hbm>>
      tpu.wait_indirect_dma semaphore(%arg13 : memref<!tpu.dma_semaphore, #tpu.memory_space<semaphore_mem>>) src(%dma_wait3A_587 : memref<8192x64xf32, #tpu.memory_space<hbm>>) dst(%dma_wait3A_581 : memref<128x64xf32, #tpu.memory_space<vmem>>)
      %dma_wait3A_588 = arith.constant 3 : i32
      %dma_wait3A_589 = arith.constant 384 : i32
      %dma_wait3A_590 = arith.constant 0 : i32
      %dma_wait3A_591 = tpu.memref_slice %arg11[%dma_wait3A_589, %dma_wait3A_590] : memref<512x64xf32, #tpu.memory_space<vmem>> -> memref<128x64xf32, #tpu.memory_space<vmem>>
      %dma_wait3A_592 = arith.constant 0 : i32
      %dma_wait3A_593 = tpu.memref_slice %arg8[%dma_wait3A_588, %dma_wait3A_592] : memref<4x128xi32, #tpu.memory_space<vmem>> -> memref<1x128xi32, #tpu.memory_space<vmem>>
      %dma_wait3A_594 = tpu.memref_squeeze %dma_wait3A_593 : memref<1x128xi32, #tpu.memory_space<vmem>> -> memref<128xi32, #tpu.memory_space<vmem>>
      %dma_wait3A_595 = arith.constant 0 : i32
      %dma_wait3A_596 = arith.constant 0 : i32
      %dma_wait3A_597 = tpu.memref_slice %arg3[%dma_wait3A_595, %dma_wait3A_596] : memref<8192x64xf32, #tpu.memory_space<hbm>> -> memref<8192x64xf32, #tpu.memory_space<hbm>>
      tpu.wait_indirect_dma semaphore(%arg14 : memref<!tpu.dma_semaphore, #tpu.memory_space<semaphore_mem>>) src(%dma_wait3A_597 : memref<8192x64xf32, #tpu.memory_space<hbm>>) dst(%dma_wait3A_591 : memref<128x64xf32, #tpu.memory_space<vmem>>)
      %scan3A_598 = arith.constant 0 : i32
      %scan3A_599 = arith.constant 512 : i32
      %scan3A_600 = arith.addi %scan3A_598, %scan3A_599 : i32
      %scan3A_601 = arith.constant 1 : i32
      scf.for %scan3A_606 = %scan3A_598 to %scan3A_600 step %scan3A_601  : i32 {
        %mul3A_607 = arith.constant 1 : i32
        %mul3A_608 = arith.muli %scan3A_606, %mul3A_607 : i32
        %add3A_609 = arith.constant 0 : i32
        %add3A_610 = arith.addi %add3A_609, %mul3A_608 : i32
        %get3A_611 = arith.index_cast %add3A_610 : i32 to index
        %get3A_612 = arith.constant 0 : index
        %get3A_613 = tpu.vector_load %arg10[%get3A_611, %get3A_612] {strides = array<i32>} : memref<512x64xf32, #tpu.memory_space<vmem>>, vector<1x16xf32>,
        %get3A_614 = vector.shape_cast %get3A_613 : vector<1x16xf32> to vector<16xf32>
        %get3A_615 = arith.index_cast %add3A_610 : i32 to index
        %get3A_616 = arith.constant 0 : index
        %get3A_617 = tpu.vector_load %arg11[%get3A_615, %get3A_616] {strides = array<i32>} : memref<512x64xf32, #tpu.memory_space<vmem>>, vector<1x16xf32>,
        %get3A_618 = vector.shape_cast %get3A_617 : vector<1x16xf32> to vector<16xf32>
        %add3A_619 = arith.addf %get3A_614, %get3A_618 : vector<16xf32>
        %neg3A = arith.constant 0.000000e+00 : f32
        %neg3A_620 = vector.broadcast %neg3A : f32 to vector<16xf32>
        %neg3A_621 = arith.subf %neg3A_620, %add3A_619 : vector<16xf32>
        %exp3A = math.exp %neg3A_621 : vector<16xf32>
        %add3A_622 = arith.constant 1.000000e+00 : f32
        %add3A_623 = vector.broadcast %add3A_622 : f32 to vector<16xf32>
        %add3A_624 = arith.addf %add3A_623, %exp3A : vector<16xf32>
        %div3A = arith.constant 1.000000e+00 : f32
        %div3A_625 = vector.broadcast %div3A : f32 to vector<16xf32>
        %div3A_626 = arith.divf %div3A_625, %add3A_624 : vector<16xf32>
        %mul3A_627 = arith.mulf %add3A_619, %div3A_626 : vector<16xf32>
        %swap3A_628 = arith.index_cast %add3A_610 : i32 to index
        %swap3A_629 = arith.constant 0 : index
        %swap3A_630 = tpu.vector_load %arg10[%swap3A_628, %swap3A_629] {strides = array<i32>} : memref<512x64xf32, #tpu.memory_space<vmem>>, vector<1x16xf32>,
        %swap3A_631 = vector.shape_cast %swap3A_630 : vector<1x16xf32> to vector<16xf32>
        %swap3A_632 = vector.shape_cast %mul3A_627 : vector<16xf32> to vector<1x16xf32>
        tpu.vector_store %arg10[%swap3A_628, %swap3A_629], %swap3A_632 {strides = array<i32>} : memref<512x64xf32, #tpu.memory_space<vmem>>, vector<1x16xf32>,
        %get3A_633 = arith.index_cast %add3A_610 : i32 to index
        %get3A_634 = arith.constant 16 : index
        %get3A_635 = tpu.vector_load %arg10[%get3A_633, %get3A_634] {strides = array<i32>} : memref<512x64xf32, #tpu.memory_space<vmem>>, vector<1x16xf32>,
        %get3A_636 = vector.shape_cast %get3A_635 : vector<1x16xf32> to vector<16xf32>
        %get3A_637 = arith.index_cast %add3A_610 : i32 to index
        %get3A_638 = arith.constant 16 : index
        %get3A_639 = tpu.vector_load %arg11[%get3A_637, %get3A_638] {strides = array<i32>} : memref<512x64xf32, #tpu.memory_space<vmem>>, vector<1x16xf32>,
        %get3A_640 = vector.shape_cast %get3A_639 : vector<1x16xf32> to vector<16xf32>
        %add3A_641 = arith.addf %get3A_636, %get3A_640 : vector<16xf32>
        %neg3A_642 = arith.constant 0.000000e+00 : f32
        %neg3A_643 = vector.broadcast %neg3A_642 : f32 to vector<16xf32>
        %neg3A_644 = arith.subf %neg3A_643, %add3A_641 : vector<16xf32>
        %exp3A_645 = math.exp %neg3A_644 : vector<16xf32>
        %add3A_646 = arith.constant 1.000000e+00 : f32
        %add3A_647 = vector.broadcast %add3A_646 : f32 to vector<16xf32>
        %add3A_648 = arith.addf %add3A_647, %exp3A_645 : vector<16xf32>
        %div3A_649 = arith.constant 1.000000e+00 : f32
        %div3A_650 = vector.broadcast %div3A_649 : f32 to vector<16xf32>
        %div3A_651 = arith.divf %div3A_650, %add3A_648 : vector<16xf32>
        %mul3A_652 = arith.mulf %add3A_641, %div3A_651 : vector<16xf32>
        %swap3A_653 = arith.index_cast %add3A_610 : i32 to index
        %swap3A_654 = arith.constant 16 : index
        %swap3A_655 = tpu.vector_load %arg10[%swap3A_653, %swap3A_654] {strides = array<i32>} : memref<512x64xf32, #tpu.memory_space<vmem>>, vector<1x16xf32>,
        %swap3A_656 = vector.shape_cast %swap3A_655 : vector<1x16xf32> to vector<16xf32>
        %swap3A_657 = vector.shape_cast %mul3A_652 : vector<16xf32> to vector<1x16xf32>
        tpu.vector_store %arg10[%swap3A_653, %swap3A_654], %swap3A_657 {strides = array<i32>} : memref<512x64xf32, #tpu.memory_space<vmem>>, vector<1x16xf32>,
        %get3A_658 = arith.index_cast %add3A_610 : i32 to index
        %get3A_659 = arith.constant 32 : index
        %get3A_660 = tpu.vector_load %arg10[%get3A_658, %get3A_659] {strides = array<i32>} : memref<512x64xf32, #tpu.memory_space<vmem>>, vector<1x16xf32>,
        %get3A_661 = vector.shape_cast %get3A_660 : vector<1x16xf32> to vector<16xf32>
        %get3A_662 = arith.index_cast %add3A_610 : i32 to index
        %get3A_663 = arith.constant 32 : index
        %get3A_664 = tpu.vector_load %arg11[%get3A_662, %get3A_663] {strides = array<i32>} : memref<512x64xf32, #tpu.memory_space<vmem>>, vector<1x16xf32>,
        %get3A_665 = vector.shape_cast %get3A_664 : vector<1x16xf32> to vector<16xf32>
        %add3A_666 = arith.addf %get3A_661, %get3A_665 : vector<16xf32>
        %neg3A_667 = arith.constant 0.000000e+00 : f32
        %neg3A_668 = vector.broadcast %neg3A_667 : f32 to vector<16xf32>
        %neg3A_669 = arith.subf %neg3A_668, %add3A_666 : vector<16xf32>
        %exp3A_670 = math.exp %neg3A_669 : vector<16xf32>
        %add3A_671 = arith.constant 1.000000e+00 : f32
        %add3A_672 = vector.broadcast %add3A_671 : f32 to vector<16xf32>
        %add3A_673 = arith.addf %add3A_672, %exp3A_670 : vector<16xf32>
        %div3A_674 = arith.constant 1.000000e+00 : f32
        %div3A_675 = vector.broadcast %div3A_674 : f32 to vector<16xf32>
        %div3A_676 = arith.divf %div3A_675, %add3A_673 : vector<16xf32>
        %mul3A_677 = arith.mulf %add3A_666, %div3A_676 : vector<16xf32>
        %swap3A_678 = arith.index_cast %add3A_610 : i32 to index
        %swap3A_679 = arith.constant 32 : index
        %swap3A_680 = tpu.vector_load %arg10[%swap3A_678, %swap3A_679] {strides = array<i32>} : memref<512x64xf32, #tpu.memory_space<vmem>>, vector<1x16xf32>,
        %swap3A_681 = vector.shape_cast %swap3A_680 : vector<1x16xf32> to vector<16xf32>
        %swap3A_682 = vector.shape_cast %mul3A_677 : vector<16xf32> to vector<1x16xf32>
        tpu.vector_store %arg10[%swap3A_678, %swap3A_679], %swap3A_682 {strides = array<i32>} : memref<512x64xf32, #tpu.memory_space<vmem>>, vector<1x16xf32>,
        %get3A_683 = arith.index_cast %add3A_610 : i32 to index
        %get3A_684 = arith.constant 48 : index
        %get3A_685 = tpu.vector_load %arg10[%get3A_683, %get3A_684] {strides = array<i32>} : memref<512x64xf32, #tpu.memory_space<vmem>>, vector<1x16xf32>,
        %get3A_686 = vector.shape_cast %get3A_685 : vector<1x16xf32> to vector<16xf32>
        %get3A_687 = arith.index_cast %add3A_610 : i32 to index
        %get3A_688 = arith.constant 48 : index
        %get3A_689 = tpu.vector_load %arg11[%get3A_687, %get3A_688] {strides = array<i32>} : memref<512x64xf32, #tpu.memory_space<vmem>>, vector<1x16xf32>,
        %get3A_690 = vector.shape_cast %get3A_689 : vector<1x16xf32> to vector<16xf32>
        %add3A_691 = arith.addf %get3A_686, %get3A_690 : vector<16xf32>
        %neg3A_692 = arith.constant 0.000000e+00 : f32
        %neg3A_693 = vector.broadcast %neg3A_692 : f32 to vector<16xf32>
        %neg3A_694 = arith.subf %neg3A_693, %add3A_691 : vector<16xf32>
        %exp3A_695 = math.exp %neg3A_694 : vector<16xf32>
        %add3A_696 = arith.constant 1.000000e+00 : f32
        %add3A_697 = vector.broadcast %add3A_696 : f32 to vector<16xf32>
        %add3A_698 = arith.addf %add3A_697, %exp3A_695 : vector<16xf32>
        %div3A_699 = arith.constant 1.000000e+00 : f32
        %div3A_700 = vector.broadcast %div3A_699 : f32 to vector<16xf32>
        %div3A_701 = arith.divf %div3A_700, %add3A_698 : vector<16xf32>
        %mul3A_702 = arith.mulf %add3A_691, %div3A_701 : vector<16xf32>
        %swap3A_703 = arith.index_cast %add3A_610 : i32 to index
        %swap3A_704 = arith.constant 48 : index
        %swap3A_705 = tpu.vector_load %arg10[%swap3A_703, %swap3A_704] {strides = array<i32>} : memref<512x64xf32, #tpu.memory_space<vmem>>, vector<1x16xf32>,
        %swap3A_706 = vector.shape_cast %swap3A_705 : vector<1x16xf32> to vector<16xf32>
        %swap3A_707 = vector.shape_cast %mul3A_702 : vector<16xf32> to vector<1x16xf32>
        tpu.vector_store %arg10[%swap3A_703, %swap3A_704], %swap3A_707 {strides = array<i32>} : memref<512x64xf32, #tpu.memory_space<vmem>>, vector<1x16xf32>,
      }
      %scan3A_602 = arith.constant 512 : i32
      %run_scoped3A = arith.constant 0 : i32
      "tpu.region"() ({
        %run_scoped3A_606 = tpu.sem_alloc : memref<!tpu.dma_semaphore, #tpu.memory_space<semaphore_mem>>
        %dma_start3A_607 = arith.constant 0 : i32
        %dma_start3A_608 = arith.constant 0 : i32
        %dma_start3A_609 = tpu.memref_slice %arg10[%dma_start3A_607, %dma_start3A_608] : memref<512x64xf32, #tpu.memory_space<vmem>> -> memref<128x64xf32, #tpu.memory_space<vmem>>
        %dma_start3A_610 = arith.constant 0 : i32
        %dma_start3A_611 = tpu.memref_slice %arg9[%run_scoped3A, %dma_start3A_610] : memref<4x128xi32, #tpu.memory_space<vmem>> -> memref<1x128xi32, #tpu.memory_space<vmem>>
        %dma_start3A_612 = tpu.memref_squeeze %dma_start3A_611 : memref<1x128xi32, #tpu.memory_space<vmem>> -> memref<128xi32, #tpu.memory_space<vmem>>
        %dma_start3A_613 = arith.constant 0 : i32
        %dma_start3A_614 = arith.constant 0 : i32
        %dma_start3A_615 = tpu.memref_slice %arg12[%dma_start3A_613, %dma_start3A_614] : memref<4096x64xf32, #tpu.memory_space<vmem_shared>> -> memref<4096x64xf32, #tpu.memory_space<vmem_shared>>
        tpu.enqueue_indirect_dma source(%dma_start3A_609 : memref<128x64xf32, #tpu.memory_space<vmem>>) target(%dma_start3A_615 : memref<4096x64xf32, #tpu.memory_space<vmem_shared>>) offsets(%dma_start3A_612 : memref<128xi32, #tpu.memory_space<vmem>>) semaphore(%run_scoped3A_606 : memref<!tpu.dma_semaphore, #tpu.memory_space<semaphore_mem>>) {add = true}
        %dma_wait3A_616 = arith.constant 0 : i32
        %dma_wait3A_617 = arith.constant 0 : i32
        %dma_wait3A_618 = tpu.memref_slice %arg10[%dma_wait3A_616, %dma_wait3A_617] : memref<512x64xf32, #tpu.memory_space<vmem>> -> memref<128x64xf32, #tpu.memory_space<vmem>>
        %dma_wait3A_619 = arith.constant 0 : i32
        %dma_wait3A_620 = tpu.memref_slice %arg9[%run_scoped3A, %dma_wait3A_619] : memref<4x128xi32, #tpu.memory_space<vmem>> -> memref<1x128xi32, #tpu.memory_space<vmem>>
        %dma_wait3A_621 = tpu.memref_squeeze %dma_wait3A_620 : memref<1x128xi32, #tpu.memory_space<vmem>> -> memref<128xi32, #tpu.memory_space<vmem>>
        %dma_wait3A_622 = arith.constant 0 : i32
        %dma_wait3A_623 = arith.constant 0 : i32
        %dma_wait3A_624 = tpu.memref_slice %arg12[%dma_wait3A_622, %dma_wait3A_623] : memref<4096x64xf32, #tpu.memory_space<vmem_shared>> -> memref<4096x64xf32, #tpu.memory_space<vmem_shared>>
        tpu.wait_indirect_dma semaphore(%run_scoped3A_606 : memref<!tpu.dma_semaphore, #tpu.memory_space<semaphore_mem>>) src(%dma_wait3A_618 : memref<128x64xf32, #tpu.memory_space<vmem>>) dst(%dma_wait3A_624 : memref<4096x64xf32, #tpu.memory_space<vmem_shared>>)
        tpu.yield
      }) : () -> ()
      %run_scoped3A_603 = arith.constant 1 : i32
      "tpu.region"() ({
        %run_scoped3A_606 = tpu.sem_alloc : memref<!tpu.dma_semaphore, #tpu.memory_space<semaphore_mem>>
        %dma_start3A_607 = arith.constant 128 : i32
        %dma_start3A_608 = arith.constant 0 : i32
        %dma_start3A_609 = tpu.memref_slice %arg10[%dma_start3A_607, %dma_start3A_608] : memref<512x64xf32, #tpu.memory_space<vmem>> -> memref<128x64xf32, #tpu.memory_space<vmem>>
        %dma_start3A_610 = arith.constant 0 : i32
        %dma_start3A_611 = tpu.memref_slice %arg9[%run_scoped3A_603, %dma_start3A_610] : memref<4x128xi32, #tpu.memory_space<vmem>> -> memref<1x128xi32, #tpu.memory_space<vmem>>
        %dma_start3A_612 = tpu.memref_squeeze %dma_start3A_611 : memref<1x128xi32, #tpu.memory_space<vmem>> -> memref<128xi32, #tpu.memory_space<vmem>>
        %dma_start3A_613 = arith.constant 0 : i32
        %dma_start3A_614 = arith.constant 0 : i32
        %dma_start3A_615 = tpu.memref_slice %arg12[%dma_start3A_613, %dma_start3A_614] : memref<4096x64xf32, #tpu.memory_space<vmem_shared>> -> memref<4096x64xf32, #tpu.memory_space<vmem_shared>>
        tpu.enqueue_indirect_dma source(%dma_start3A_609 : memref<128x64xf32, #tpu.memory_space<vmem>>) target(%dma_start3A_615 : memref<4096x64xf32, #tpu.memory_space<vmem_shared>>) offsets(%dma_start3A_612 : memref<128xi32, #tpu.memory_space<vmem>>) semaphore(%run_scoped3A_606 : memref<!tpu.dma_semaphore, #tpu.memory_space<semaphore_mem>>) {add = true}
        %dma_wait3A_616 = arith.constant 128 : i32
        %dma_wait3A_617 = arith.constant 0 : i32
        %dma_wait3A_618 = tpu.memref_slice %arg10[%dma_wait3A_616, %dma_wait3A_617] : memref<512x64xf32, #tpu.memory_space<vmem>> -> memref<128x64xf32, #tpu.memory_space<vmem>>
        %dma_wait3A_619 = arith.constant 0 : i32
        %dma_wait3A_620 = tpu.memref_slice %arg9[%run_scoped3A_603, %dma_wait3A_619] : memref<4x128xi32, #tpu.memory_space<vmem>> -> memref<1x128xi32, #tpu.memory_space<vmem>>
        %dma_wait3A_621 = tpu.memref_squeeze %dma_wait3A_620 : memref<1x128xi32, #tpu.memory_space<vmem>> -> memref<128xi32, #tpu.memory_space<vmem>>
        %dma_wait3A_622 = arith.constant 0 : i32
        %dma_wait3A_623 = arith.constant 0 : i32
        %dma_wait3A_624 = tpu.memref_slice %arg12[%dma_wait3A_622, %dma_wait3A_623] : memref<4096x64xf32, #tpu.memory_space<vmem_shared>> -> memref<4096x64xf32, #tpu.memory_space<vmem_shared>>
        tpu.wait_indirect_dma semaphore(%run_scoped3A_606 : memref<!tpu.dma_semaphore, #tpu.memory_space<semaphore_mem>>) src(%dma_wait3A_618 : memref<128x64xf32, #tpu.memory_space<vmem>>) dst(%dma_wait3A_624 : memref<4096x64xf32, #tpu.memory_space<vmem_shared>>)
        tpu.yield
      }) : () -> ()
      %run_scoped3A_604 = arith.constant 2 : i32
      "tpu.region"() ({
        %run_scoped3A_606 = tpu.sem_alloc : memref<!tpu.dma_semaphore, #tpu.memory_space<semaphore_mem>>
        %dma_start3A_607 = arith.constant 256 : i32
        %dma_start3A_608 = arith.constant 0 : i32
        %dma_start3A_609 = tpu.memref_slice %arg10[%dma_start3A_607, %dma_start3A_608] : memref<512x64xf32, #tpu.memory_space<vmem>> -> memref<128x64xf32, #tpu.memory_space<vmem>>
        %dma_start3A_610 = arith.constant 0 : i32
        %dma_start3A_611 = tpu.memref_slice %arg9[%run_scoped3A_604, %dma_start3A_610] : memref<4x128xi32, #tpu.memory_space<vmem>> -> memref<1x128xi32, #tpu.memory_space<vmem>>
        %dma_start3A_612 = tpu.memref_squeeze %dma_start3A_611 : memref<1x128xi32, #tpu.memory_space<vmem>> -> memref<128xi32, #tpu.memory_space<vmem>>
        %dma_start3A_613 = arith.constant 0 : i32
        %dma_start3A_614 = arith.constant 0 : i32
        %dma_start3A_615 = tpu.memref_slice %arg12[%dma_start3A_613, %dma_start3A_614] : memref<4096x64xf32, #tpu.memory_space<vmem_shared>> -> memref<4096x64xf32, #tpu.memory_space<vmem_shared>>
        tpu.enqueue_indirect_dma source(%dma_start3A_609 : memref<128x64xf32, #tpu.memory_space<vmem>>) target(%dma_start3A_615 : memref<4096x64xf32, #tpu.memory_space<vmem_shared>>) offsets(%dma_start3A_612 : memref<128xi32, #tpu.memory_space<vmem>>) semaphore(%run_scoped3A_606 : memref<!tpu.dma_semaphore, #tpu.memory_space<semaphore_mem>>) {add = true}
        %dma_wait3A_616 = arith.constant 256 : i32
        %dma_wait3A_617 = arith.constant 0 : i32
        %dma_wait3A_618 = tpu.memref_slice %arg10[%dma_wait3A_616, %dma_wait3A_617] : memref<512x64xf32, #tpu.memory_space<vmem>> -> memref<128x64xf32, #tpu.memory_space<vmem>>
        %dma_wait3A_619 = arith.constant 0 : i32
        %dma_wait3A_620 = tpu.memref_slice %arg9[%run_scoped3A_604, %dma_wait3A_619] : memref<4x128xi32, #tpu.memory_space<vmem>> -> memref<1x128xi32, #tpu.memory_space<vmem>>
        %dma_wait3A_621 = tpu.memref_squeeze %dma_wait3A_620 : memref<1x128xi32, #tpu.memory_space<vmem>> -> memref<128xi32, #tpu.memory_space<vmem>>
        %dma_wait3A_622 = arith.constant 0 : i32
        %dma_wait3A_623 = arith.constant 0 : i32
        %dma_wait3A_624 = tpu.memref_slice %arg12[%dma_wait3A_622, %dma_wait3A_623] : memref<4096x64xf32, #tpu.memory_space<vmem_shared>> -> memref<4096x64xf32, #tpu.memory_space<vmem_shared>>
        tpu.wait_indirect_dma semaphore(%run_scoped3A_606 : memref<!tpu.dma_semaphore, #tpu.memory_space<semaphore_mem>>) src(%dma_wait3A_618 : memref<128x64xf32, #tpu.memory_space<vmem>>) dst(%dma_wait3A_624 : memref<4096x64xf32, #tpu.memory_space<vmem_shared>>)
        tpu.yield
      }) : () -> ()
      %run_scoped3A_605 = arith.constant 3 : i32
      "tpu.region"() ({
        %run_scoped3A_606 = tpu.sem_alloc : memref<!tpu.dma_semaphore, #tpu.memory_space<semaphore_mem>>
        %dma_start3A_607 = arith.constant 384 : i32
        %dma_start3A_608 = arith.constant 0 : i32
        %dma_start3A_609 = tpu.memref_slice %arg10[%dma_start3A_607, %dma_start3A_608] : memref<512x64xf32, #tpu.memory_space<vmem>> -> memref<128x64xf32, #tpu.memory_space<vmem>>
        %dma_start3A_610 = arith.constant 0 : i32
        %dma_start3A_611 = tpu.memref_slice %arg9[%run_scoped3A_605, %dma_start3A_610] : memref<4x128xi32, #tpu.memory_space<vmem>> -> memref<1x128xi32, #tpu.memory_space<vmem>>
        %dma_start3A_612 = tpu.memref_squeeze %dma_start3A_611 : memref<1x128xi32, #tpu.memory_space<vmem>> -> memref<128xi32, #tpu.memory_space<vmem>>
        %dma_start3A_613 = arith.constant 0 : i32
        %dma_start3A_614 = arith.constant 0 : i32
        %dma_start3A_615 = tpu.memref_slice %arg12[%dma_start3A_613, %dma_start3A_614] : memref<4096x64xf32, #tpu.memory_space<vmem_shared>> -> memref<4096x64xf32, #tpu.memory_space<vmem_shared>>
        tpu.enqueue_indirect_dma source(%dma_start3A_609 : memref<128x64xf32, #tpu.memory_space<vmem>>) target(%dma_start3A_615 : memref<4096x64xf32, #tpu.memory_space<vmem_shared>>) offsets(%dma_start3A_612 : memref<128xi32, #tpu.memory_space<vmem>>) semaphore(%run_scoped3A_606 : memref<!tpu.dma_semaphore, #tpu.memory_space<semaphore_mem>>) {add = true}
        %dma_wait3A_616 = arith.constant 384 : i32
        %dma_wait3A_617 = arith.constant 0 : i32
        %dma_wait3A_618 = tpu.memref_slice %arg10[%dma_wait3A_616, %dma_wait3A_617] : memref<512x64xf32, #tpu.memory_space<vmem>> -> memref<128x64xf32, #tpu.memory_space<vmem>>
        %dma_wait3A_619 = arith.constant 0 : i32
        %dma_wait3A_620 = tpu.memref_slice %arg9[%run_scoped3A_605, %dma_wait3A_619] : memref<4x128xi32, #tpu.memory_space<vmem>> -> memref<1x128xi32, #tpu.memory_space<vmem>>
        %dma_wait3A_621 = tpu.memref_squeeze %dma_wait3A_620 : memref<1x128xi32, #tpu.memory_space<vmem>> -> memref<128xi32, #tpu.memory_space<vmem>>
        %dma_wait3A_622 = arith.constant 0 : i32
        %dma_wait3A_623 = arith.constant 0 : i32
        %dma_wait3A_624 = tpu.memref_slice %arg12[%dma_wait3A_622, %dma_wait3A_623] : memref<4096x64xf32, #tpu.memory_space<vmem_shared>> -> memref<4096x64xf32, #tpu.memory_space<vmem_shared>>
        tpu.wait_indirect_dma semaphore(%run_scoped3A_606 : memref<!tpu.dma_semaphore, #tpu.memory_space<semaphore_mem>>) src(%dma_wait3A_618 : memref<128x64xf32, #tpu.memory_space<vmem>>) dst(%dma_wait3A_624 : memref<4096x64xf32, #tpu.memory_space<vmem_shared>>)
        tpu.yield
      }) : () -> ()
    }
    %scan3A_16 = arith.constant 16 : i32
    %barrier3A_17 = arith.constant 0 : index
    tpu.barrier barrier_id(%barrier3A_17)
    %add3A_18 = arith.addi %mul3A_11, %mul3A_1 : i32
    "tpu.region"() ({
      %run_scoped3A = tpu.sem_alloc : memref<!tpu.dma_semaphore, #tpu.memory_space<semaphore_mem>>
      %dma_start3A = arith.constant 0 : i32
      %dma_start3A_19 = tpu.memref_slice %arg6[%add3A_18, %dma_start3A] : memref<8192x64xf32, #tpu.memory_space<hbm>> -> memref<256x64xf32, #tpu.memory_space<hbm>>
      %dma_start3A_20 = arith.constant 0 : i32
      %dma_start3A_21 = tpu.memref_slice %arg12[%mul3A_1, %dma_start3A_20] : memref<4096x64xf32, #tpu.memory_space<vmem_shared>> -> memref<256x64xf32, #tpu.memory_space<vmem_shared>>
      tpu.enqueue_dma source(%dma_start3A_21 : memref<256x64xf32, #tpu.memory_space<vmem_shared>>) target(%dma_start3A_19 : memref<256x64xf32, #tpu.memory_space<hbm>>) target_semaphore(%run_scoped3A : memref<!tpu.dma_semaphore, #tpu.memory_space<semaphore_mem>>)
      %dma_wait3A = arith.constant 0 : i32
      %dma_wait3A_22 = tpu.memref_slice %arg6[%add3A_18, %dma_wait3A] : memref<8192x64xf32, #tpu.memory_space<hbm>> -> memref<256x64xf32, #tpu.memory_space<hbm>>
      %dma_wait3A_23 = arith.constant 0 : i32
      %dma_wait3A_24 = tpu.memref_slice %arg12[%mul3A_1, %dma_wait3A_23] : memref<4096x64xf32, #tpu.memory_space<vmem_shared>> -> memref<256x64xf32, #tpu.memory_space<vmem_shared>>
      tpu.wait_dma2 semaphore(%run_scoped3A : memref<!tpu.dma_semaphore, #tpu.memory_space<semaphore_mem>>) src(%dma_wait3A_24 : memref<256x64xf32, #tpu.memory_space<vmem_shared>>) dst(%dma_wait3A_22 : memref<256x64xf32, #tpu.memory_space<hbm>>)
      tpu.yield
    }) : () -> ()
    return
  }
}

#map = affine_map<(d0, d1) -> (0, 0)>
module attributes {stable_mosaic.version = 14 : i64} {
  func.func @_edge_agg_body(%arg0: i32, %arg1: i32, %arg2: memref<8192x64xf32, #tpu.memory_space<hbm>>, %arg3: memref<8192x64xf32, #tpu.memory_space<hbm>>, %arg4: memref<2048x128xi32, #tpu.memory_space<hbm>>, %arg5: memref<2048x128xi32, #tpu.memory_space<hbm>>, %arg6: memref<8192x64xf32, #tpu.memory_space<hbm>>, %arg7: memref<4x128xi32, #tpu.memory_space<vmem>>, %arg8: memref<4x128xi32, #tpu.memory_space<vmem>>, %arg9: memref<4x128xi32, #tpu.memory_space<vmem>>, %arg10: memref<512x64xf32, #tpu.memory_space<vmem>>, %arg11: memref<512x64xf32, #tpu.memory_space<vmem>>, %arg12: memref<4096x64xf32, #tpu.memory_space<vmem_shared>>, %arg13: memref<!tpu.dma_semaphore, #tpu.memory_space<semaphore_mem>>, %arg14: memref<!tpu.dma_semaphore, #tpu.memory_space<semaphore_mem>>) attributes {dimension_semantics = [#tpu.dimension_semantics<core_parallel>, #tpu.dimension_semantics<subcore_parallel>], iteration_bounds = array<i64: 2, 16>, scalar_prefetch = 0 : i64, scratch_operands = 8 : i64, tpu.core_type = #tpu.core_type<sc_vector_subcore>, window_params = [{transform_indices = #map}, {transform_indices = #map}, {transform_indices = #map}, {transform_indices = #map}, {transform_indices = #map}]} {
    %broadcast_in_dim3A = arith.constant 0.000000e+00 : f32
    %broadcast_in_dim3A_0 = vector.broadcast %broadcast_in_dim3A : f32 to vector<16xf32>
    %mul3A = arith.constant 256 : i32
    %mul3A_1 = arith.muli %arg1, %mul3A : i32
    %scan3A = arith.constant 0 : i32
    %scan3A_2 = arith.constant 256 : i32
    %scan3A_3 = arith.addi %scan3A, %scan3A_2 : i32
    %scan3A_4 = arith.constant 1 : i32
    scf.for %scan3A_19 = %scan3A to %scan3A_3 step %scan3A_4  : i32 {
      %mul3A_20 = arith.constant 1 : i32
      %mul3A_21 = arith.muli %scan3A_19, %mul3A_20 : i32
      %add3A_22 = arith.constant 0 : i32
      %add3A_23 = arith.addi %add3A_22, %mul3A_21 : i32
      %swap3A = arith.index_cast %add3A_23 : i32 to index
      %swap3A_24 = arith.constant 0 : index
      %swap3A_25 = tpu.vector_load %arg10[%swap3A, %swap3A_24] {strides = array<i32>} : memref<512x64xf32, #tpu.memory_space<vmem>>, vector<1x16xf32>,
      %swap3A_26 = vector.shape_cast %swap3A_25 : vector<1x16xf32> to vector<16xf32>
      %swap3A_27 = vector.shape_cast %broadcast_in_dim3A_0 : vector<16xf32> to vector<1x16xf32>
      tpu.vector_store %arg10[%swap3A, %swap3A_24], %swap3A_27 {strides = array<i32>} : memref<512x64xf32, #tpu.memory_space<vmem>>, vector<1x16xf32>,
      %swap3A_28 = arith.index_cast %add3A_23 : i32 to index
      %swap3A_29 = arith.constant 16 : index
      %swap3A_30 = tpu.vector_load %arg10[%swap3A_28, %swap3A_29] {strides = array<i32>} : memref<512x64xf32, #tpu.memory_space<vmem>>, vector<1x16xf32>,
      %swap3A_31 = vector.shape_cast %swap3A_30 : vector<1x16xf32> to vector<16xf32>
      %swap3A_32 = vector.shape_cast %broadcast_in_dim3A_0 : vector<16xf32> to vector<1x16xf32>
      tpu.vector_store %arg10[%swap3A_28, %swap3A_29], %swap3A_32 {strides = array<i32>} : memref<512x64xf32, #tpu.memory_space<vmem>>, vector<1x16xf32>,
      %swap3A_33 = arith.index_cast %add3A_23 : i32 to index
      %swap3A_34 = arith.constant 32 : index
      %swap3A_35 = tpu.vector_load %arg10[%swap3A_33, %swap3A_34] {strides = array<i32>} : memref<512x64xf32, #tpu.memory_space<vmem>>, vector<1x16xf32>,
      %swap3A_36 = vector.shape_cast %swap3A_35 : vector<1x16xf32> to vector<16xf32>
      %swap3A_37 = vector.shape_cast %broadcast_in_dim3A_0 : vector<16xf32> to vector<1x16xf32>
      tpu.vector_store %arg10[%swap3A_33, %swap3A_34], %swap3A_37 {strides = array<i32>} : memref<512x64xf32, #tpu.memory_space<vmem>>, vector<1x16xf32>,
      %swap3A_38 = arith.index_cast %add3A_23 : i32 to index
      %swap3A_39 = arith.constant 48 : index
      %swap3A_40 = tpu.vector_load %arg10[%swap3A_38, %swap3A_39] {strides = array<i32>} : memref<512x64xf32, #tpu.memory_space<vmem>>, vector<1x16xf32>,
      %swap3A_41 = vector.shape_cast %swap3A_40 : vector<1x16xf32> to vector<16xf32>
      %swap3A_42 = vector.shape_cast %broadcast_in_dim3A_0 : vector<16xf32> to vector<1x16xf32>
      tpu.vector_store %arg10[%swap3A_38, %swap3A_39], %swap3A_42 {strides = array<i32>} : memref<512x64xf32, #tpu.memory_space<vmem>>, vector<1x16xf32>,
    }
    %scan3A_5 = arith.constant 256 : i32
    "tpu.region"() ({
      %run_scoped3A = tpu.sem_alloc : memref<!tpu.dma_semaphore, #tpu.memory_space<semaphore_mem>>
      %dma_start3A = arith.constant 0 : i32
      %dma_start3A_19 = arith.constant 0 : i32
      %dma_start3A_20 = tpu.memref_slice %arg10[%dma_start3A, %dma_start3A_19] : memref<512x64xf32, #tpu.memory_space<vmem>> -> memref<256x64xf32, #tpu.memory_space<vmem>>
      %dma_start3A_21 = arith.constant 0 : i32
      %dma_start3A_22 = tpu.memref_slice %arg12[%mul3A_1, %dma_start3A_21] : memref<4096x64xf32, #tpu.memory_space<vmem_shared>> -> memref<256x64xf32, #tpu.memory_space<vmem_shared>>
      %dma_start3A_23 = arith.constant 0 : i32
      %dma_start3A_24 = tpu.memref_slice %arg12[%mul3A_1, %dma_start3A_23] : memref<4096x64xf32, #tpu.memory_space<vmem_shared>> -> memref<256x64xf32, #tpu.memory_space<vmem_shared>>
      %dma_start3A_25 = arith.constant 0 : i32
      %dma_start3A_26 = arith.constant 0 : i32
      %dma_start3A_27 = tpu.memref_slice %arg10[%dma_start3A_25, %dma_start3A_26] : memref<512x64xf32, #tpu.memory_space<vmem>> -> memref<256x64xf32, #tpu.memory_space<vmem>>
      tpu.enqueue_dma source(%dma_start3A_27 : memref<256x64xf32, #tpu.memory_space<vmem>>) target(%dma_start3A_24 : memref<256x64xf32, #tpu.memory_space<vmem_shared>>) target_semaphore(%run_scoped3A : memref<!tpu.dma_semaphore, #tpu.memory_space<semaphore_mem>>)
      %dma_wait3A = arith.constant 0 : i32
      %dma_wait3A_28 = arith.constant 0 : i32
      %dma_wait3A_29 = tpu.memref_slice %arg10[%dma_wait3A, %dma_wait3A_28] : memref<512x64xf32, #tpu.memory_space<vmem>> -> memref<256x64xf32, #tpu.memory_space<vmem>>
      %dma_wait3A_30 = arith.constant 0 : i32
      %dma_wait3A_31 = tpu.memref_slice %arg12[%mul3A_1, %dma_wait3A_30] : memref<4096x64xf32, #tpu.memory_space<vmem_shared>> -> memref<256x64xf32, #tpu.memory_space<vmem_shared>>
      %dma_wait3A_32 = arith.constant 0 : i32
      %dma_wait3A_33 = tpu.memref_slice %arg12[%mul3A_1, %dma_wait3A_32] : memref<4096x64xf32, #tpu.memory_space<vmem_shared>> -> memref<256x64xf32, #tpu.memory_space<vmem_shared>>
      %dma_wait3A_34 = arith.constant 0 : i32
      %dma_wait3A_35 = arith.constant 0 : i32
      %dma_wait3A_36 = tpu.memref_slice %arg10[%dma_wait3A_34, %dma_wait3A_35] : memref<512x64xf32, #tpu.memory_space<vmem>> -> memref<256x64xf32, #tpu.memory_space<vmem>>
      tpu.wait_dma2 semaphore(%run_scoped3A : memref<!tpu.dma_semaphore, #tpu.memory_space<semaphore_mem>>) src(%dma_wait3A_36 : memref<256x64xf32, #tpu.memory_space<vmem>>) dst(%dma_wait3A_33 : memref<256x64xf32, #tpu.memory_space<vmem_shared>>)
      tpu.yield
    }) : () -> ()
    %barrier3A = arith.constant 0 : index
    tpu.barrier barrier_id(%barrier3A)
    %mul3A_6 = arith.constant 16 : i32
    %mul3A_7 = arith.muli %arg0, %mul3A_6 : i32
    %add3A = arith.addi %mul3A_7, %arg1 : i32
    %mul3A_8 = arith.constant 64 : i32
    %mul3A_9 = arith.muli %add3A, %mul3A_8 : i32
    %mul3A_10 = arith.constant 4096 : i32
    %mul3A_11 = arith.muli %arg0, %mul3A_10 : i32
    %scan3A_12 = arith.constant 0 : i32
    %scan3A_13 = arith.constant 16 : i32
    %scan3A_14 = arith.addi %scan3A_12, %scan3A_13 : i32
    %scan3A_15 = arith.constant 1 : i32
    scf.for %scan3A_19 = %scan3A_12 to %scan3A_14 step %scan3A_15  : i32 {
      %mul3A_20 = arith.constant 1 : i32
      %mul3A_21 = arith.muli %scan3A_19, %mul3A_20 : i32
      %add3A_22 = arith.constant 0 : i32
      %add3A_23 = arith.addi %add3A_22, %mul3A_21 : i32
      %mul3A_24 = arith.constant 4 : i32
      %mul3A_25 = arith.muli %add3A_23, %mul3A_24 : i32
      %add3A_26 = arith.addi %mul3A_9, %mul3A_25 : i32
      "tpu.region"() ({
        %run_scoped3A_606 = tpu.sem_alloc : memref<!tpu.dma_semaphore, #tpu.memory_space<semaphore_mem>>
        %dma_start3A_607 = arith.constant 0 : i32
        %dma_start3A_608 = tpu.memref_slice %arg4[%add3A_26, %dma_start3A_607] : memref<2048x128xi32, #tpu.memory_space<hbm>> -> memref<4x128xi32, #tpu.memory_space<hbm>>
        %dma_start3A_609 = arith.constant 0 : i32
        %dma_start3A_610 = tpu.memref_slice %arg4[%add3A_26, %dma_start3A_609] : memref<2048x128xi32, #tpu.memory_space<hbm>> -> memref<4x128xi32, #tpu.memory_space<hbm>>
        tpu.enqueue_dma source(%dma_start3A_610 : memref<4x128xi32, #tpu.memory_space<hbm>>) target(%arg7 : memref<4x128xi32, #tpu.memory_space<vmem>>) target_semaphore(%run_scoped3A_606 : memref<!tpu.dma_semaphore, #tpu.memory_space<semaphore_mem>>)
        %dma_wait3A_611 = arith.constant 0 : i32
        %dma_wait3A_612 = tpu.memref_slice %arg4[%add3A_26, %dma_wait3A_611] : memref<2048x128xi32, #tpu.memory_space<hbm>> -> memref<4x128xi32, #tpu.memory_space<hbm>>
        %dma_wait3A_613 = arith.constant 0 : i32
        %dma_wait3A_614 = tpu.memref_slice %arg4[%add3A_26, %dma_wait3A_613] : memref<2048x128xi32, #tpu.memory_space<hbm>> -> memref<4x128xi32, #tpu.memory_space<hbm>>
        tpu.wait_dma2 semaphore(%run_scoped3A_606 : memref<!tpu.dma_semaphore, #tpu.memory_space<semaphore_mem>>) src(%dma_wait3A_614 : memref<4x128xi32, #tpu.memory_space<hbm>>) dst(%arg7 : memref<4x128xi32, #tpu.memory_space<vmem>>)
        tpu.yield
      }) : () -> ()
      "tpu.region"() ({
        %run_scoped3A_606 = tpu.sem_alloc : memref<!tpu.dma_semaphore, #tpu.memory_space<semaphore_mem>>
        %dma_start3A_607 = arith.constant 0 : i32
        %dma_start3A_608 = tpu.memref_slice %arg5[%add3A_26, %dma_start3A_607] : memref<2048x128xi32, #tpu.memory_space<hbm>> -> memref<4x128xi32, #tpu.memory_space<hbm>>
        %dma_start3A_609 = arith.constant 0 : i32
        %dma_start3A_610 = tpu.memref_slice %arg5[%add3A_26, %dma_start3A_609] : memref<2048x128xi32, #tpu.memory_space<hbm>> -> memref<4x128xi32, #tpu.memory_space<hbm>>
        tpu.enqueue_dma source(%dma_start3A_610 : memref<4x128xi32, #tpu.memory_space<hbm>>) target(%arg8 : memref<4x128xi32, #tpu.memory_space<vmem>>) target_semaphore(%run_scoped3A_606 : memref<!tpu.dma_semaphore, #tpu.memory_space<semaphore_mem>>)
        %dma_wait3A_611 = arith.constant 0 : i32
        %dma_wait3A_612 = tpu.memref_slice %arg5[%add3A_26, %dma_wait3A_611] : memref<2048x128xi32, #tpu.memory_space<hbm>> -> memref<4x128xi32, #tpu.memory_space<hbm>>
        %dma_wait3A_613 = arith.constant 0 : i32
        %dma_wait3A_614 = tpu.memref_slice %arg5[%add3A_26, %dma_wait3A_613] : memref<2048x128xi32, #tpu.memory_space<hbm>> -> memref<4x128xi32, #tpu.memory_space<hbm>>
        tpu.wait_dma2 semaphore(%run_scoped3A_606 : memref<!tpu.dma_semaphore, #tpu.memory_space<semaphore_mem>>) src(%dma_wait3A_614 : memref<4x128xi32, #tpu.memory_space<hbm>>) dst(%arg8 : memref<4x128xi32, #tpu.memory_space<vmem>>)
        tpu.yield
      }) : () -> ()
      %get3A = arith.constant 0 : i32
      %get3A_27 = arith.index_cast %get3A : i32 to index
      %get3A_28 = arith.constant 0 : index
      %get3A_29 = tpu.vector_load %arg8[%get3A_27, %get3A_28] {strides = array<i32>} : memref<4x128xi32, #tpu.memory_space<vmem>>, vector<1x16xi32>,
      %get3A_30 = vector.shape_cast %get3A_29 : vector<1x16xi32> to vector<16xi32>
      %sub3A = vector.broadcast %mul3A_11 : i32 to vector<16xi32>
      %sub3A_31 = arith.subi %get3A_30, %sub3A : vector<16xi32>
      %swap3A = arith.constant 0 : i32
      %swap3A_32 = arith.index_cast %swap3A : i32 to index
      %swap3A_33 = arith.constant 0 : index
      %swap3A_34 = tpu.vector_load %arg9[%swap3A_32, %swap3A_33] {strides = array<i32>} : memref<4x128xi32, #tpu.memory_space<vmem>>, vector<1x16xi32>,
      %swap3A_35 = vector.shape_cast %swap3A_34 : vector<1x16xi32> to vector<16xi32>
      %swap3A_36 = vector.shape_cast %sub3A_31 : vector<16xi32> to vector<1x16xi32>
      tpu.vector_store %arg9[%swap3A_32, %swap3A_33], %swap3A_36 {strides = array<i32>} : memref<4x128xi32, #tpu.memory_space<vmem>>, vector<1x16xi32>,
      %get3A_37 = arith.constant 0 : i32
      %get3A_38 = arith.index_cast %get3A_37 : i32 to index
      %get3A_39 = arith.constant 16 : index
      %get3A_40 = tpu.vector_load %arg8[%get3A_38, %get3A_39] {strides = array<i32>} : memref<4x128xi32, #tpu.memory_space<vmem>>, vector<1x16xi32>,
      %get3A_41 = vector.shape_cast %get3A_40 : vector<1x16xi32> to vector<16xi32>
      %sub3A_42 = vector.broadcast %mul3A_11 : i32 to vector<16xi32>
      %sub3A_43 = arith.subi %get3A_41, %sub3A_42 : vector<16xi32>
      %swap3A_44 = arith.constant 0 : i32
      %swap3A_45 = arith.index_cast %swap3A_44 : i32 to index
      %swap3A_46 = arith.constant 16 : index
      %swap3A_47 = tpu.vector_load %arg9[%swap3A_45, %swap3A_46] {strides = array<i32>} : memref<4x128xi32, #tpu.memory_space<vmem>>, vector<1x16xi32>,
      %swap3A_48 = vector.shape_cast %swap3A_47 : vector<1x16xi32> to vector<16xi32>
      %swap3A_49 = vector.shape_cast %sub3A_43 : vector<16xi32> to vector<1x16xi32>
      tpu.vector_store %arg9[%swap3A_45, %swap3A_46], %swap3A_49 {strides = array<i32>} : memref<4x128xi32, #tpu.memory_space<vmem>>, vector<1x16xi32>,
      %get3A_50 = arith.constant 0 : i32
      %get3A_51 = arith.index_cast %get3A_50 : i32 to index
      %get3A_52 = arith.constant 32 : index
      %get3A_53 = tpu.vector_load %arg8[%get3A_51, %get3A_52] {strides = array<i32>} : memref<4x128xi32, #tpu.memory_space<vmem>>, vector<1x16xi32>,
      %get3A_54 = vector.shape_cast %get3A_53 : vector<1x16xi32> to vector<16xi32>
      %sub3A_55 = vector.broadcast %mul3A_11 : i32 to vector<16xi32>
      %sub3A_56 = arith.subi %get3A_54, %sub3A_55 : vector<16xi32>
      %swap3A_57 = arith.constant 0 : i32
      %swap3A_58 = arith.index_cast %swap3A_57 : i32 to index
      %swap3A_59 = arith.constant 32 : index
      %swap3A_60 = tpu.vector_load %arg9[%swap3A_58, %swap3A_59] {strides = array<i32>} : memref<4x128xi32, #tpu.memory_space<vmem>>, vector<1x16xi32>,
      %swap3A_61 = vector.shape_cast %swap3A_60 : vector<1x16xi32> to vector<16xi32>
      %swap3A_62 = vector.shape_cast %sub3A_56 : vector<16xi32> to vector<1x16xi32>
      tpu.vector_store %arg9[%swap3A_58, %swap3A_59], %swap3A_62 {strides = array<i32>} : memref<4x128xi32, #tpu.memory_space<vmem>>, vector<1x16xi32>,
      %get3A_63 = arith.constant 0 : i32
      %get3A_64 = arith.index_cast %get3A_63 : i32 to index
      %get3A_65 = arith.constant 48 : index
      %get3A_66 = tpu.vector_load %arg8[%get3A_64, %get3A_65] {strides = array<i32>} : memref<4x128xi32, #tpu.memory_space<vmem>>, vector<1x16xi32>,
      %get3A_67 = vector.shape_cast %get3A_66 : vector<1x16xi32> to vector<16xi32>
      %sub3A_68 = vector.broadcast %mul3A_11 : i32 to vector<16xi32>
      %sub3A_69 = arith.subi %get3A_67, %sub3A_68 : vector<16xi32>
      %swap3A_70 = arith.constant 0 : i32
      %swap3A_71 = arith.index_cast %swap3A_70 : i32 to index
      %swap3A_72 = arith.constant 48 : index
      %swap3A_73 = tpu.vector_load %arg9[%swap3A_71, %swap3A_72] {strides = array<i32>} : memref<4x128xi32, #tpu.memory_space<vmem>>, vector<1x16xi32>,
      %swap3A_74 = vector.shape_cast %swap3A_73 : vector<1x16xi32> to vector<16xi32>
      %swap3A_75 = vector.shape_cast %sub3A_69 : vector<16xi32> to vector<1x16xi32>
      tpu.vector_store %arg9[%swap3A_71, %swap3A_72], %swap3A_75 {strides = array<i32>} : memref<4x128xi32, #tpu.memory_space<vmem>>, vector<1x16xi32>,
      %get3A_76 = arith.constant 0 : i32
      %get3A_77 = arith.index_cast %get3A_76 : i32 to index
      %get3A_78 = arith.constant 64 : index
      %get3A_79 = tpu.vector_load %arg8[%get3A_77, %get3A_78] {strides = array<i32>} : memref<4x128xi32, #tpu.memory_space<vmem>>, vector<1x16xi32>,
      %get3A_80 = vector.shape_cast %get3A_79 : vector<1x16xi32> to vector<16xi32>
      %sub3A_81 = vector.broadcast %mul3A_11 : i32 to vector<16xi32>
      %sub3A_82 = arith.subi %get3A_80, %sub3A_81 : vector<16xi32>
      %swap3A_83 = arith.constant 0 : i32
      %swap3A_84 = arith.index_cast %swap3A_83 : i32 to index
      %swap3A_85 = arith.constant 64 : index
      %swap3A_86 = tpu.vector_load %arg9[%swap3A_84, %swap3A_85] {strides = array<i32>} : memref<4x128xi32, #tpu.memory_space<vmem>>, vector<1x16xi32>,
      %swap3A_87 = vector.shape_cast %swap3A_86 : vector<1x16xi32> to vector<16xi32>
      %swap3A_88 = vector.shape_cast %sub3A_82 : vector<16xi32> to vector<1x16xi32>
      tpu.vector_store %arg9[%swap3A_84, %swap3A_85], %swap3A_88 {strides = array<i32>} : memref<4x128xi32, #tpu.memory_space<vmem>>, vector<1x16xi32>,
      %get3A_89 = arith.constant 0 : i32
      %get3A_90 = arith.index_cast %get3A_89 : i32 to index
      %get3A_91 = arith.constant 80 : index
      %get3A_92 = tpu.vector_load %arg8[%get3A_90, %get3A_91] {strides = array<i32>} : memref<4x128xi32, #tpu.memory_space<vmem>>, vector<1x16xi32>,
      %get3A_93 = vector.shape_cast %get3A_92 : vector<1x16xi32> to vector<16xi32>
      %sub3A_94 = vector.broadcast %mul3A_11 : i32 to vector<16xi32>
      %sub3A_95 = arith.subi %get3A_93, %sub3A_94 : vector<16xi32>
      %swap3A_96 = arith.constant 0 : i32
      %swap3A_97 = arith.index_cast %swap3A_96 : i32 to index
      %swap3A_98 = arith.constant 80 : index
      %swap3A_99 = tpu.vector_load %arg9[%swap3A_97, %swap3A_98] {strides = array<i32>} : memref<4x128xi32, #tpu.memory_space<vmem>>, vector<1x16xi32>,
      %swap3A_100 = vector.shape_cast %swap3A_99 : vector<1x16xi32> to vector<16xi32>
      %swap3A_101 = vector.shape_cast %sub3A_95 : vector<16xi32> to vector<1x16xi32>
      tpu.vector_store %arg9[%swap3A_97, %swap3A_98], %swap3A_101 {strides = array<i32>} : memref<4x128xi32, #tpu.memory_space<vmem>>, vector<1x16xi32>,
      %get3A_102 = arith.constant 0 : i32
      %get3A_103 = arith.index_cast %get3A_102 : i32 to index
      %get3A_104 = arith.constant 96 : index
      %get3A_105 = tpu.vector_load %arg8[%get3A_103, %get3A_104] {strides = array<i32>} : memref<4x128xi32, #tpu.memory_space<vmem>>, vector<1x16xi32>,
      %get3A_106 = vector.shape_cast %get3A_105 : vector<1x16xi32> to vector<16xi32>
      %sub3A_107 = vector.broadcast %mul3A_11 : i32 to vector<16xi32>
      %sub3A_108 = arith.subi %get3A_106, %sub3A_107 : vector<16xi32>
      %swap3A_109 = arith.constant 0 : i32
      %swap3A_110 = arith.index_cast %swap3A_109 : i32 to index
      %swap3A_111 = arith.constant 96 : index
      %swap3A_112 = tpu.vector_load %arg9[%swap3A_110, %swap3A_111] {strides = array<i32>} : memref<4x128xi32, #tpu.memory_space<vmem>>, vector<1x16xi32>,
      %swap3A_113 = vector.shape_cast %swap3A_112 : vector<1x16xi32> to vector<16xi32>
      %swap3A_114 = vector.shape_cast %sub3A_108 : vector<16xi32> to vector<1x16xi32>
      tpu.vector_store %arg9[%swap3A_110, %swap3A_111], %swap3A_114 {strides = array<i32>} : memref<4x128xi32, #tpu.memory_space<vmem>>, vector<1x16xi32>,
      %get3A_115 = arith.constant 0 : i32
      %get3A_116 = arith.index_cast %get3A_115 : i32 to index
      %get3A_117 = arith.constant 112 : index
      %get3A_118 = tpu.vector_load %arg8[%get3A_116, %get3A_117] {strides = array<i32>} : memref<4x128xi32, #tpu.memory_space<vmem>>, vector<1x16xi32>,
      %get3A_119 = vector.shape_cast %get3A_118 : vector<1x16xi32> to vector<16xi32>
      %sub3A_120 = vector.broadcast %mul3A_11 : i32 to vector<16xi32>
      %sub3A_121 = arith.subi %get3A_119, %sub3A_120 : vector<16xi32>
      %swap3A_122 = arith.constant 0 : i32
      %swap3A_123 = arith.index_cast %swap3A_122 : i32 to index
      %swap3A_124 = arith.constant 112 : index
      %swap3A_125 = tpu.vector_load %arg9[%swap3A_123, %swap3A_124] {strides = array<i32>} : memref<4x128xi32, #tpu.memory_space<vmem>>, vector<1x16xi32>,
      %swap3A_126 = vector.shape_cast %swap3A_125 : vector<1x16xi32> to vector<16xi32>
      %swap3A_127 = vector.shape_cast %sub3A_121 : vector<16xi32> to vector<1x16xi32>
      tpu.vector_store %arg9[%swap3A_123, %swap3A_124], %swap3A_127 {strides = array<i32>} : memref<4x128xi32, #tpu.memory_space<vmem>>, vector<1x16xi32>,
      %get3A_128 = arith.constant 1 : i32
      %get3A_129 = arith.index_cast %get3A_128 : i32 to index
      %get3A_130 = arith.constant 0 : index
      %get3A_131 = tpu.vector_load %arg8[%get3A_129, %get3A_130] {strides = array<i32>} : memref<4x128xi32, #tpu.memory_space<vmem>>, vector<1x16xi32>,
      %get3A_132 = vector.shape_cast %get3A_131 : vector<1x16xi32> to vector<16xi32>
      %sub3A_133 = vector.broadcast %mul3A_11 : i32 to vector<16xi32>
      %sub3A_134 = arith.subi %get3A_132, %sub3A_133 : vector<16xi32>
      %swap3A_135 = arith.constant 1 : i32
      %swap3A_136 = arith.index_cast %swap3A_135 : i32 to index
      %swap3A_137 = arith.constant 0 : index
      %swap3A_138 = tpu.vector_load %arg9[%swap3A_136, %swap3A_137] {strides = array<i32>} : memref<4x128xi32, #tpu.memory_space<vmem>>, vector<1x16xi32>,
      %swap3A_139 = vector.shape_cast %swap3A_138 : vector<1x16xi32> to vector<16xi32>
      %swap3A_140 = vector.shape_cast %sub3A_134 : vector<16xi32> to vector<1x16xi32>
      tpu.vector_store %arg9[%swap3A_136, %swap3A_137], %swap3A_140 {strides = array<i32>} : memref<4x128xi32, #tpu.memory_space<vmem>>, vector<1x16xi32>,
      %get3A_141 = arith.constant 1 : i32
      %get3A_142 = arith.index_cast %get3A_141 : i32 to index
      %get3A_143 = arith.constant 16 : index
      %get3A_144 = tpu.vector_load %arg8[%get3A_142, %get3A_143] {strides = array<i32>} : memref<4x128xi32, #tpu.memory_space<vmem>>, vector<1x16xi32>,
      %get3A_145 = vector.shape_cast %get3A_144 : vector<1x16xi32> to vector<16xi32>
      %sub3A_146 = vector.broadcast %mul3A_11 : i32 to vector<16xi32>
      %sub3A_147 = arith.subi %get3A_145, %sub3A_146 : vector<16xi32>
      %swap3A_148 = arith.constant 1 : i32
      %swap3A_149 = arith.index_cast %swap3A_148 : i32 to index
      %swap3A_150 = arith.constant 16 : index
      %swap3A_151 = tpu.vector_load %arg9[%swap3A_149, %swap3A_150] {strides = array<i32>} : memref<4x128xi32, #tpu.memory_space<vmem>>, vector<1x16xi32>,
      %swap3A_152 = vector.shape_cast %swap3A_151 : vector<1x16xi32> to vector<16xi32>
      %swap3A_153 = vector.shape_cast %sub3A_147 : vector<16xi32> to vector<1x16xi32>
      tpu.vector_store %arg9[%swap3A_149, %swap3A_150], %swap3A_153 {strides = array<i32>} : memref<4x128xi32, #tpu.memory_space<vmem>>, vector<1x16xi32>,
      %get3A_154 = arith.constant 1 : i32
      %get3A_155 = arith.index_cast %get3A_154 : i32 to index
      %get3A_156 = arith.constant 32 : index
      %get3A_157 = tpu.vector_load %arg8[%get3A_155, %get3A_156] {strides = array<i32>} : memref<4x128xi32, #tpu.memory_space<vmem>>, vector<1x16xi32>,
      %get3A_158 = vector.shape_cast %get3A_157 : vector<1x16xi32> to vector<16xi32>
      %sub3A_159 = vector.broadcast %mul3A_11 : i32 to vector<16xi32>
      %sub3A_160 = arith.subi %get3A_158, %sub3A_159 : vector<16xi32>
      %swap3A_161 = arith.constant 1 : i32
      %swap3A_162 = arith.index_cast %swap3A_161 : i32 to index
      %swap3A_163 = arith.constant 32 : index
      %swap3A_164 = tpu.vector_load %arg9[%swap3A_162, %swap3A_163] {strides = array<i32>} : memref<4x128xi32, #tpu.memory_space<vmem>>, vector<1x16xi32>,
      %swap3A_165 = vector.shape_cast %swap3A_164 : vector<1x16xi32> to vector<16xi32>
      %swap3A_166 = vector.shape_cast %sub3A_160 : vector<16xi32> to vector<1x16xi32>
      tpu.vector_store %arg9[%swap3A_162, %swap3A_163], %swap3A_166 {strides = array<i32>} : memref<4x128xi32, #tpu.memory_space<vmem>>, vector<1x16xi32>,
      %get3A_167 = arith.constant 1 : i32
      %get3A_168 = arith.index_cast %get3A_167 : i32 to index
      %get3A_169 = arith.constant 48 : index
      %get3A_170 = tpu.vector_load %arg8[%get3A_168, %get3A_169] {strides = array<i32>} : memref<4x128xi32, #tpu.memory_space<vmem>>, vector<1x16xi32>,
      %get3A_171 = vector.shape_cast %get3A_170 : vector<1x16xi32> to vector<16xi32>
      %sub3A_172 = vector.broadcast %mul3A_11 : i32 to vector<16xi32>
      %sub3A_173 = arith.subi %get3A_171, %sub3A_172 : vector<16xi32>
      %swap3A_174 = arith.constant 1 : i32
      %swap3A_175 = arith.index_cast %swap3A_174 : i32 to index
      %swap3A_176 = arith.constant 48 : index
      %swap3A_177 = tpu.vector_load %arg9[%swap3A_175, %swap3A_176] {strides = array<i32>} : memref<4x128xi32, #tpu.memory_space<vmem>>, vector<1x16xi32>,
      %swap3A_178 = vector.shape_cast %swap3A_177 : vector<1x16xi32> to vector<16xi32>
      %swap3A_179 = vector.shape_cast %sub3A_173 : vector<16xi32> to vector<1x16xi32>
      tpu.vector_store %arg9[%swap3A_175, %swap3A_176], %swap3A_179 {strides = array<i32>} : memref<4x128xi32, #tpu.memory_space<vmem>>, vector<1x16xi32>,
      %get3A_180 = arith.constant 1 : i32
      %get3A_181 = arith.index_cast %get3A_180 : i32 to index
      %get3A_182 = arith.constant 64 : index
      %get3A_183 = tpu.vector_load %arg8[%get3A_181, %get3A_182] {strides = array<i32>} : memref<4x128xi32, #tpu.memory_space<vmem>>, vector<1x16xi32>,
      %get3A_184 = vector.shape_cast %get3A_183 : vector<1x16xi32> to vector<16xi32>
      %sub3A_185 = vector.broadcast %mul3A_11 : i32 to vector<16xi32>
      %sub3A_186 = arith.subi %get3A_184, %sub3A_185 : vector<16xi32>
      %swap3A_187 = arith.constant 1 : i32
      %swap3A_188 = arith.index_cast %swap3A_187 : i32 to index
      %swap3A_189 = arith.constant 64 : index
      %swap3A_190 = tpu.vector_load %arg9[%swap3A_188, %swap3A_189] {strides = array<i32>} : memref<4x128xi32, #tpu.memory_space<vmem>>, vector<1x16xi32>,
      %swap3A_191 = vector.shape_cast %swap3A_190 : vector<1x16xi32> to vector<16xi32>
      %swap3A_192 = vector.shape_cast %sub3A_186 : vector<16xi32> to vector<1x16xi32>
      tpu.vector_store %arg9[%swap3A_188, %swap3A_189], %swap3A_192 {strides = array<i32>} : memref<4x128xi32, #tpu.memory_space<vmem>>, vector<1x16xi32>,
      %get3A_193 = arith.constant 1 : i32
      %get3A_194 = arith.index_cast %get3A_193 : i32 to index
      %get3A_195 = arith.constant 80 : index
      %get3A_196 = tpu.vector_load %arg8[%get3A_194, %get3A_195] {strides = array<i32>} : memref<4x128xi32, #tpu.memory_space<vmem>>, vector<1x16xi32>,
      %get3A_197 = vector.shape_cast %get3A_196 : vector<1x16xi32> to vector<16xi32>
      %sub3A_198 = vector.broadcast %mul3A_11 : i32 to vector<16xi32>
      %sub3A_199 = arith.subi %get3A_197, %sub3A_198 : vector<16xi32>
      %swap3A_200 = arith.constant 1 : i32
      %swap3A_201 = arith.index_cast %swap3A_200 : i32 to index
      %swap3A_202 = arith.constant 80 : index
      %swap3A_203 = tpu.vector_load %arg9[%swap3A_201, %swap3A_202] {strides = array<i32>} : memref<4x128xi32, #tpu.memory_space<vmem>>, vector<1x16xi32>,
      %swap3A_204 = vector.shape_cast %swap3A_203 : vector<1x16xi32> to vector<16xi32>
      %swap3A_205 = vector.shape_cast %sub3A_199 : vector<16xi32> to vector<1x16xi32>
      tpu.vector_store %arg9[%swap3A_201, %swap3A_202], %swap3A_205 {strides = array<i32>} : memref<4x128xi32, #tpu.memory_space<vmem>>, vector<1x16xi32>,
      %get3A_206 = arith.constant 1 : i32
      %get3A_207 = arith.index_cast %get3A_206 : i32 to index
      %get3A_208 = arith.constant 96 : index
      %get3A_209 = tpu.vector_load %arg8[%get3A_207, %get3A_208] {strides = array<i32>} : memref<4x128xi32, #tpu.memory_space<vmem>>, vector<1x16xi32>,
      %get3A_210 = vector.shape_cast %get3A_209 : vector<1x16xi32> to vector<16xi32>
      %sub3A_211 = vector.broadcast %mul3A_11 : i32 to vector<16xi32>
      %sub3A_212 = arith.subi %get3A_210, %sub3A_211 : vector<16xi32>
      %swap3A_213 = arith.constant 1 : i32
      %swap3A_214 = arith.index_cast %swap3A_213 : i32 to index
      %swap3A_215 = arith.constant 96 : index
      %swap3A_216 = tpu.vector_load %arg9[%swap3A_214, %swap3A_215] {strides = array<i32>} : memref<4x128xi32, #tpu.memory_space<vmem>>, vector<1x16xi32>,
      %swap3A_217 = vector.shape_cast %swap3A_216 : vector<1x16xi32> to vector<16xi32>
      %swap3A_218 = vector.shape_cast %sub3A_212 : vector<16xi32> to vector<1x16xi32>
      tpu.vector_store %arg9[%swap3A_214, %swap3A_215], %swap3A_218 {strides = array<i32>} : memref<4x128xi32, #tpu.memory_space<vmem>>, vector<1x16xi32>,
      %get3A_219 = arith.constant 1 : i32
      %get3A_220 = arith.index_cast %get3A_219 : i32 to index
      %get3A_221 = arith.constant 112 : index
      %get3A_222 = tpu.vector_load %arg8[%get3A_220, %get3A_221] {strides = array<i32>} : memref<4x128xi32, #tpu.memory_space<vmem>>, vector<1x16xi32>,
      %get3A_223 = vector.shape_cast %get3A_222 : vector<1x16xi32> to vector<16xi32>
      %sub3A_224 = vector.broadcast %mul3A_11 : i32 to vector<16xi32>
      %sub3A_225 = arith.subi %get3A_223, %sub3A_224 : vector<16xi32>
      %swap3A_226 = arith.constant 1 : i32
      %swap3A_227 = arith.index_cast %swap3A_226 : i32 to index
      %swap3A_228 = arith.constant 112 : index
      %swap3A_229 = tpu.vector_load %arg9[%swap3A_227, %swap3A_228] {strides = array<i32>} : memref<4x128xi32, #tpu.memory_space<vmem>>, vector<1x16xi32>,
      %swap3A_230 = vector.shape_cast %swap3A_229 : vector<1x16xi32> to vector<16xi32>
      %swap3A_231 = vector.shape_cast %sub3A_225 : vector<16xi32> to vector<1x16xi32>
      tpu.vector_store %arg9[%swap3A_227, %swap3A_228], %swap3A_231 {strides = array<i32>} : memref<4x128xi32, #tpu.memory_space<vmem>>, vector<1x16xi32>,
      %get3A_232 = arith.constant 2 : i32
      %get3A_233 = arith.index_cast %get3A_232 : i32 to index
      %get3A_234 = arith.constant 0 : index
      %get3A_235 = tpu.vector_load %arg8[%get3A_233, %get3A_234] {strides = array<i32>} : memref<4x128xi32, #tpu.memory_space<vmem>>, vector<1x16xi32>,
      %get3A_236 = vector.shape_cast %get3A_235 : vector<1x16xi32> to vector<16xi32>
      %sub3A_237 = vector.broadcast %mul3A_11 : i32 to vector<16xi32>
      %sub3A_238 = arith.subi %get3A_236, %sub3A_237 : vector<16xi32>
      %swap3A_239 = arith.constant 2 : i32
      %swap3A_240 = arith.index_cast %swap3A_239 : i32 to index
      %swap3A_241 = arith.constant 0 : index
      %swap3A_242 = tpu.vector_load %arg9[%swap3A_240, %swap3A_241] {strides = array<i32>} : memref<4x128xi32, #tpu.memory_space<vmem>>, vector<1x16xi32>,
      %swap3A_243 = vector.shape_cast %swap3A_242 : vector<1x16xi32> to vector<16xi32>
      %swap3A_244 = vector.shape_cast %sub3A_238 : vector<16xi32> to vector<1x16xi32>
      tpu.vector_store %arg9[%swap3A_240, %swap3A_241], %swap3A_244 {strides = array<i32>} : memref<4x128xi32, #tpu.memory_space<vmem>>, vector<1x16xi32>,
      %get3A_245 = arith.constant 2 : i32
      %get3A_246 = arith.index_cast %get3A_245 : i32 to index
      %get3A_247 = arith.constant 16 : index
      %get3A_248 = tpu.vector_load %arg8[%get3A_246, %get3A_247] {strides = array<i32>} : memref<4x128xi32, #tpu.memory_space<vmem>>, vector<1x16xi32>,
      %get3A_249 = vector.shape_cast %get3A_248 : vector<1x16xi32> to vector<16xi32>
      %sub3A_250 = vector.broadcast %mul3A_11 : i32 to vector<16xi32>
      %sub3A_251 = arith.subi %get3A_249, %sub3A_250 : vector<16xi32>
      %swap3A_252 = arith.constant 2 : i32
      %swap3A_253 = arith.index_cast %swap3A_252 : i32 to index
      %swap3A_254 = arith.constant 16 : index
      %swap3A_255 = tpu.vector_load %arg9[%swap3A_253, %swap3A_254] {strides = array<i32>} : memref<4x128xi32, #tpu.memory_space<vmem>>, vector<1x16xi32>,
      %swap3A_256 = vector.shape_cast %swap3A_255 : vector<1x16xi32> to vector<16xi32>
      %swap3A_257 = vector.shape_cast %sub3A_251 : vector<16xi32> to vector<1x16xi32>
      tpu.vector_store %arg9[%swap3A_253, %swap3A_254], %swap3A_257 {strides = array<i32>} : memref<4x128xi32, #tpu.memory_space<vmem>>, vector<1x16xi32>,
      %get3A_258 = arith.constant 2 : i32
      %get3A_259 = arith.index_cast %get3A_258 : i32 to index
      %get3A_260 = arith.constant 32 : index
      %get3A_261 = tpu.vector_load %arg8[%get3A_259, %get3A_260] {strides = array<i32>} : memref<4x128xi32, #tpu.memory_space<vmem>>, vector<1x16xi32>,
      %get3A_262 = vector.shape_cast %get3A_261 : vector<1x16xi32> to vector<16xi32>
      %sub3A_263 = vector.broadcast %mul3A_11 : i32 to vector<16xi32>
      %sub3A_264 = arith.subi %get3A_262, %sub3A_263 : vector<16xi32>
      %swap3A_265 = arith.constant 2 : i32
      %swap3A_266 = arith.index_cast %swap3A_265 : i32 to index
      %swap3A_267 = arith.constant 32 : index
      %swap3A_268 = tpu.vector_load %arg9[%swap3A_266, %swap3A_267] {strides = array<i32>} : memref<4x128xi32, #tpu.memory_space<vmem>>, vector<1x16xi32>,
      %swap3A_269 = vector.shape_cast %swap3A_268 : vector<1x16xi32> to vector<16xi32>
      %swap3A_270 = vector.shape_cast %sub3A_264 : vector<16xi32> to vector<1x16xi32>
      tpu.vector_store %arg9[%swap3A_266, %swap3A_267], %swap3A_270 {strides = array<i32>} : memref<4x128xi32, #tpu.memory_space<vmem>>, vector<1x16xi32>,
      %get3A_271 = arith.constant 2 : i32
      %get3A_272 = arith.index_cast %get3A_271 : i32 to index
      %get3A_273 = arith.constant 48 : index
      %get3A_274 = tpu.vector_load %arg8[%get3A_272, %get3A_273] {strides = array<i32>} : memref<4x128xi32, #tpu.memory_space<vmem>>, vector<1x16xi32>,
      %get3A_275 = vector.shape_cast %get3A_274 : vector<1x16xi32> to vector<16xi32>
      %sub3A_276 = vector.broadcast %mul3A_11 : i32 to vector<16xi32>
      %sub3A_277 = arith.subi %get3A_275, %sub3A_276 : vector<16xi32>
      %swap3A_278 = arith.constant 2 : i32
      %swap3A_279 = arith.index_cast %swap3A_278 : i32 to index
      %swap3A_280 = arith.constant 48 : index
      %swap3A_281 = tpu.vector_load %arg9[%swap3A_279, %swap3A_280] {strides = array<i32>} : memref<4x128xi32, #tpu.memory_space<vmem>>, vector<1x16xi32>,
      %swap3A_282 = vector.shape_cast %swap3A_281 : vector<1x16xi32> to vector<16xi32>
      %swap3A_283 = vector.shape_cast %sub3A_277 : vector<16xi32> to vector<1x16xi32>
      tpu.vector_store %arg9[%swap3A_279, %swap3A_280], %swap3A_283 {strides = array<i32>} : memref<4x128xi32, #tpu.memory_space<vmem>>, vector<1x16xi32>,
      %get3A_284 = arith.constant 2 : i32
      %get3A_285 = arith.index_cast %get3A_284 : i32 to index
      %get3A_286 = arith.constant 64 : index
      %get3A_287 = tpu.vector_load %arg8[%get3A_285, %get3A_286] {strides = array<i32>} : memref<4x128xi32, #tpu.memory_space<vmem>>, vector<1x16xi32>,
      %get3A_288 = vector.shape_cast %get3A_287 : vector<1x16xi32> to vector<16xi32>
      %sub3A_289 = vector.broadcast %mul3A_11 : i32 to vector<16xi32>
      %sub3A_290 = arith.subi %get3A_288, %sub3A_289 : vector<16xi32>
      %swap3A_291 = arith.constant 2 : i32
      %swap3A_292 = arith.index_cast %swap3A_291 : i32 to index
      %swap3A_293 = arith.constant 64 : index
      %swap3A_294 = tpu.vector_load %arg9[%swap3A_292, %swap3A_293] {strides = array<i32>} : memref<4x128xi32, #tpu.memory_space<vmem>>, vector<1x16xi32>,
      %swap3A_295 = vector.shape_cast %swap3A_294 : vector<1x16xi32> to vector<16xi32>
      %swap3A_296 = vector.shape_cast %sub3A_290 : vector<16xi32> to vector<1x16xi32>
      tpu.vector_store %arg9[%swap3A_292, %swap3A_293], %swap3A_296 {strides = array<i32>} : memref<4x128xi32, #tpu.memory_space<vmem>>, vector<1x16xi32>,
      %get3A_297 = arith.constant 2 : i32
      %get3A_298 = arith.index_cast %get3A_297 : i32 to index
      %get3A_299 = arith.constant 80 : index
      %get3A_300 = tpu.vector_load %arg8[%get3A_298, %get3A_299] {strides = array<i32>} : memref<4x128xi32, #tpu.memory_space<vmem>>, vector<1x16xi32>,
      %get3A_301 = vector.shape_cast %get3A_300 : vector<1x16xi32> to vector<16xi32>
      %sub3A_302 = vector.broadcast %mul3A_11 : i32 to vector<16xi32>
      %sub3A_303 = arith.subi %get3A_301, %sub3A_302 : vector<16xi32>
      %swap3A_304 = arith.constant 2 : i32
      %swap3A_305 = arith.index_cast %swap3A_304 : i32 to index
      %swap3A_306 = arith.constant 80 : index
      %swap3A_307 = tpu.vector_load %arg9[%swap3A_305, %swap3A_306] {strides = array<i32>} : memref<4x128xi32, #tpu.memory_space<vmem>>, vector<1x16xi32>,
      %swap3A_308 = vector.shape_cast %swap3A_307 : vector<1x16xi32> to vector<16xi32>
      %swap3A_309 = vector.shape_cast %sub3A_303 : vector<16xi32> to vector<1x16xi32>
      tpu.vector_store %arg9[%swap3A_305, %swap3A_306], %swap3A_309 {strides = array<i32>} : memref<4x128xi32, #tpu.memory_space<vmem>>, vector<1x16xi32>,
      %get3A_310 = arith.constant 2 : i32
      %get3A_311 = arith.index_cast %get3A_310 : i32 to index
      %get3A_312 = arith.constant 96 : index
      %get3A_313 = tpu.vector_load %arg8[%get3A_311, %get3A_312] {strides = array<i32>} : memref<4x128xi32, #tpu.memory_space<vmem>>, vector<1x16xi32>,
      %get3A_314 = vector.shape_cast %get3A_313 : vector<1x16xi32> to vector<16xi32>
      %sub3A_315 = vector.broadcast %mul3A_11 : i32 to vector<16xi32>
      %sub3A_316 = arith.subi %get3A_314, %sub3A_315 : vector<16xi32>
      %swap3A_317 = arith.constant 2 : i32
      %swap3A_318 = arith.index_cast %swap3A_317 : i32 to index
      %swap3A_319 = arith.constant 96 : index
      %swap3A_320 = tpu.vector_load %arg9[%swap3A_318, %swap3A_319] {strides = array<i32>} : memref<4x128xi32, #tpu.memory_space<vmem>>, vector<1x16xi32>,
      %swap3A_321 = vector.shape_cast %swap3A_320 : vector<1x16xi32> to vector<16xi32>
      %swap3A_322 = vector.shape_cast %sub3A_316 : vector<16xi32> to vector<1x16xi32>
      tpu.vector_store %arg9[%swap3A_318, %swap3A_319], %swap3A_322 {strides = array<i32>} : memref<4x128xi32, #tpu.memory_space<vmem>>, vector<1x16xi32>,
      %get3A_323 = arith.constant 2 : i32
      %get3A_324 = arith.index_cast %get3A_323 : i32 to index
      %get3A_325 = arith.constant 112 : index
      %get3A_326 = tpu.vector_load %arg8[%get3A_324, %get3A_325] {strides = array<i32>} : memref<4x128xi32, #tpu.memory_space<vmem>>, vector<1x16xi32>,
      %get3A_327 = vector.shape_cast %get3A_326 : vector<1x16xi32> to vector<16xi32>
      %sub3A_328 = vector.broadcast %mul3A_11 : i32 to vector<16xi32>
      %sub3A_329 = arith.subi %get3A_327, %sub3A_328 : vector<16xi32>
      %swap3A_330 = arith.constant 2 : i32
      %swap3A_331 = arith.index_cast %swap3A_330 : i32 to index
      %swap3A_332 = arith.constant 112 : index
      %swap3A_333 = tpu.vector_load %arg9[%swap3A_331, %swap3A_332] {strides = array<i32>} : memref<4x128xi32, #tpu.memory_space<vmem>>, vector<1x16xi32>,
      %swap3A_334 = vector.shape_cast %swap3A_333 : vector<1x16xi32> to vector<16xi32>
      %swap3A_335 = vector.shape_cast %sub3A_329 : vector<16xi32> to vector<1x16xi32>
      tpu.vector_store %arg9[%swap3A_331, %swap3A_332], %swap3A_335 {strides = array<i32>} : memref<4x128xi32, #tpu.memory_space<vmem>>, vector<1x16xi32>,
      %get3A_336 = arith.constant 3 : i32
      %get3A_337 = arith.index_cast %get3A_336 : i32 to index
      %get3A_338 = arith.constant 0 : index
      %get3A_339 = tpu.vector_load %arg8[%get3A_337, %get3A_338] {strides = array<i32>} : memref<4x128xi32, #tpu.memory_space<vmem>>, vector<1x16xi32>,
      %get3A_340 = vector.shape_cast %get3A_339 : vector<1x16xi32> to vector<16xi32>
      %sub3A_341 = vector.broadcast %mul3A_11 : i32 to vector<16xi32>
      %sub3A_342 = arith.subi %get3A_340, %sub3A_341 : vector<16xi32>
      %swap3A_343 = arith.constant 3 : i32
      %swap3A_344 = arith.index_cast %swap3A_343 : i32 to index
      %swap3A_345 = arith.constant 0 : index
      %swap3A_346 = tpu.vector_load %arg9[%swap3A_344, %swap3A_345] {strides = array<i32>} : memref<4x128xi32, #tpu.memory_space<vmem>>, vector<1x16xi32>,
      %swap3A_347 = vector.shape_cast %swap3A_346 : vector<1x16xi32> to vector<16xi32>
      %swap3A_348 = vector.shape_cast %sub3A_342 : vector<16xi32> to vector<1x16xi32>
      tpu.vector_store %arg9[%swap3A_344, %swap3A_345], %swap3A_348 {strides = array<i32>} : memref<4x128xi32, #tpu.memory_space<vmem>>, vector<1x16xi32>,
      %get3A_349 = arith.constant 3 : i32
      %get3A_350 = arith.index_cast %get3A_349 : i32 to index
      %get3A_351 = arith.constant 16 : index
      %get3A_352 = tpu.vector_load %arg8[%get3A_350, %get3A_351] {strides = array<i32>} : memref<4x128xi32, #tpu.memory_space<vmem>>, vector<1x16xi32>,
      %get3A_353 = vector.shape_cast %get3A_352 : vector<1x16xi32> to vector<16xi32>
      %sub3A_354 = vector.broadcast %mul3A_11 : i32 to vector<16xi32>
      %sub3A_355 = arith.subi %get3A_353, %sub3A_354 : vector<16xi32>
      %swap3A_356 = arith.constant 3 : i32
      %swap3A_357 = arith.index_cast %swap3A_356 : i32 to index
      %swap3A_358 = arith.constant 16 : index
      %swap3A_359 = tpu.vector_load %arg9[%swap3A_357, %swap3A_358] {strides = array<i32>} : memref<4x128xi32, #tpu.memory_space<vmem>>, vector<1x16xi32>,
      %swap3A_360 = vector.shape_cast %swap3A_359 : vector<1x16xi32> to vector<16xi32>
      %swap3A_361 = vector.shape_cast %sub3A_355 : vector<16xi32> to vector<1x16xi32>
      tpu.vector_store %arg9[%swap3A_357, %swap3A_358], %swap3A_361 {strides = array<i32>} : memref<4x128xi32, #tpu.memory_space<vmem>>, vector<1x16xi32>,
      %get3A_362 = arith.constant 3 : i32
      %get3A_363 = arith.index_cast %get3A_362 : i32 to index
      %get3A_364 = arith.constant 32 : index
      %get3A_365 = tpu.vector_load %arg8[%get3A_363, %get3A_364] {strides = array<i32>} : memref<4x128xi32, #tpu.memory_space<vmem>>, vector<1x16xi32>,
      %get3A_366 = vector.shape_cast %get3A_365 : vector<1x16xi32> to vector<16xi32>
      %sub3A_367 = vector.broadcast %mul3A_11 : i32 to vector<16xi32>
      %sub3A_368 = arith.subi %get3A_366, %sub3A_367 : vector<16xi32>
      %swap3A_369 = arith.constant 3 : i32
      %swap3A_370 = arith.index_cast %swap3A_369 : i32 to index
      %swap3A_371 = arith.constant 32 : index
      %swap3A_372 = tpu.vector_load %arg9[%swap3A_370, %swap3A_371] {strides = array<i32>} : memref<4x128xi32, #tpu.memory_space<vmem>>, vector<1x16xi32>,
      %swap3A_373 = vector.shape_cast %swap3A_372 : vector<1x16xi32> to vector<16xi32>
      %swap3A_374 = vector.shape_cast %sub3A_368 : vector<16xi32> to vector<1x16xi32>
      tpu.vector_store %arg9[%swap3A_370, %swap3A_371], %swap3A_374 {strides = array<i32>} : memref<4x128xi32, #tpu.memory_space<vmem>>, vector<1x16xi32>,
      %get3A_375 = arith.constant 3 : i32
      %get3A_376 = arith.index_cast %get3A_375 : i32 to index
      %get3A_377 = arith.constant 48 : index
      %get3A_378 = tpu.vector_load %arg8[%get3A_376, %get3A_377] {strides = array<i32>} : memref<4x128xi32, #tpu.memory_space<vmem>>, vector<1x16xi32>,
      %get3A_379 = vector.shape_cast %get3A_378 : vector<1x16xi32> to vector<16xi32>
      %sub3A_380 = vector.broadcast %mul3A_11 : i32 to vector<16xi32>
      %sub3A_381 = arith.subi %get3A_379, %sub3A_380 : vector<16xi32>
      %swap3A_382 = arith.constant 3 : i32
      %swap3A_383 = arith.index_cast %swap3A_382 : i32 to index
      %swap3A_384 = arith.constant 48 : index
      %swap3A_385 = tpu.vector_load %arg9[%swap3A_383, %swap3A_384] {strides = array<i32>} : memref<4x128xi32, #tpu.memory_space<vmem>>, vector<1x16xi32>,
      %swap3A_386 = vector.shape_cast %swap3A_385 : vector<1x16xi32> to vector<16xi32>
      %swap3A_387 = vector.shape_cast %sub3A_381 : vector<16xi32> to vector<1x16xi32>
      tpu.vector_store %arg9[%swap3A_383, %swap3A_384], %swap3A_387 {strides = array<i32>} : memref<4x128xi32, #tpu.memory_space<vmem>>, vector<1x16xi32>,
      %get3A_388 = arith.constant 3 : i32
      %get3A_389 = arith.index_cast %get3A_388 : i32 to index
      %get3A_390 = arith.constant 64 : index
      %get3A_391 = tpu.vector_load %arg8[%get3A_389, %get3A_390] {strides = array<i32>} : memref<4x128xi32, #tpu.memory_space<vmem>>, vector<1x16xi32>,
      %get3A_392 = vector.shape_cast %get3A_391 : vector<1x16xi32> to vector<16xi32>
      %sub3A_393 = vector.broadcast %mul3A_11 : i32 to vector<16xi32>
      %sub3A_394 = arith.subi %get3A_392, %sub3A_393 : vector<16xi32>
      %swap3A_395 = arith.constant 3 : i32
      %swap3A_396 = arith.index_cast %swap3A_395 : i32 to index
      %swap3A_397 = arith.constant 64 : index
      %swap3A_398 = tpu.vector_load %arg9[%swap3A_396, %swap3A_397] {strides = array<i32>} : memref<4x128xi32, #tpu.memory_space<vmem>>, vector<1x16xi32>,
      %swap3A_399 = vector.shape_cast %swap3A_398 : vector<1x16xi32> to vector<16xi32>
      %swap3A_400 = vector.shape_cast %sub3A_394 : vector<16xi32> to vector<1x16xi32>
      tpu.vector_store %arg9[%swap3A_396, %swap3A_397], %swap3A_400 {strides = array<i32>} : memref<4x128xi32, #tpu.memory_space<vmem>>, vector<1x16xi32>,
      %get3A_401 = arith.constant 3 : i32
      %get3A_402 = arith.index_cast %get3A_401 : i32 to index
      %get3A_403 = arith.constant 80 : index
      %get3A_404 = tpu.vector_load %arg8[%get3A_402, %get3A_403] {strides = array<i32>} : memref<4x128xi32, #tpu.memory_space<vmem>>, vector<1x16xi32>,
      %get3A_405 = vector.shape_cast %get3A_404 : vector<1x16xi32> to vector<16xi32>
      %sub3A_406 = vector.broadcast %mul3A_11 : i32 to vector<16xi32>
      %sub3A_407 = arith.subi %get3A_405, %sub3A_406 : vector<16xi32>
      %swap3A_408 = arith.constant 3 : i32
      %swap3A_409 = arith.index_cast %swap3A_408 : i32 to index
      %swap3A_410 = arith.constant 80 : index
      %swap3A_411 = tpu.vector_load %arg9[%swap3A_409, %swap3A_410] {strides = array<i32>} : memref<4x128xi32, #tpu.memory_space<vmem>>, vector<1x16xi32>,
      %swap3A_412 = vector.shape_cast %swap3A_411 : vector<1x16xi32> to vector<16xi32>
      %swap3A_413 = vector.shape_cast %sub3A_407 : vector<16xi32> to vector<1x16xi32>
      tpu.vector_store %arg9[%swap3A_409, %swap3A_410], %swap3A_413 {strides = array<i32>} : memref<4x128xi32, #tpu.memory_space<vmem>>, vector<1x16xi32>,
      %get3A_414 = arith.constant 3 : i32
      %get3A_415 = arith.index_cast %get3A_414 : i32 to index
      %get3A_416 = arith.constant 96 : index
      %get3A_417 = tpu.vector_load %arg8[%get3A_415, %get3A_416] {strides = array<i32>} : memref<4x128xi32, #tpu.memory_space<vmem>>, vector<1x16xi32>,
      %get3A_418 = vector.shape_cast %get3A_417 : vector<1x16xi32> to vector<16xi32>
      %sub3A_419 = vector.broadcast %mul3A_11 : i32 to vector<16xi32>
      %sub3A_420 = arith.subi %get3A_418, %sub3A_419 : vector<16xi32>
      %swap3A_421 = arith.constant 3 : i32
      %swap3A_422 = arith.index_cast %swap3A_421 : i32 to index
      %swap3A_423 = arith.constant 96 : index
      %swap3A_424 = tpu.vector_load %arg9[%swap3A_422, %swap3A_423] {strides = array<i32>} : memref<4x128xi32, #tpu.memory_space<vmem>>, vector<1x16xi32>,
      %swap3A_425 = vector.shape_cast %swap3A_424 : vector<1x16xi32> to vector<16xi32>
      %swap3A_426 = vector.shape_cast %sub3A_420 : vector<16xi32> to vector<1x16xi32>
      tpu.vector_store %arg9[%swap3A_422, %swap3A_423], %swap3A_426 {strides = array<i32>} : memref<4x128xi32, #tpu.memory_space<vmem>>, vector<1x16xi32>,
      %get3A_427 = arith.constant 3 : i32
      %get3A_428 = arith.index_cast %get3A_427 : i32 to index
      %get3A_429 = arith.constant 112 : index
      %get3A_430 = tpu.vector_load %arg8[%get3A_428, %get3A_429] {strides = array<i32>} : memref<4x128xi32, #tpu.memory_space<vmem>>, vector<1x16xi32>,
      %get3A_431 = vector.shape_cast %get3A_430 : vector<1x16xi32> to vector<16xi32>
      %sub3A_432 = vector.broadcast %mul3A_11 : i32 to vector<16xi32>
      %sub3A_433 = arith.subi %get3A_431, %sub3A_432 : vector<16xi32>
      %swap3A_434 = arith.constant 3 : i32
      %swap3A_435 = arith.index_cast %swap3A_434 : i32 to index
      %swap3A_436 = arith.constant 112 : index
      %swap3A_437 = tpu.vector_load %arg9[%swap3A_435, %swap3A_436] {strides = array<i32>} : memref<4x128xi32, #tpu.memory_space<vmem>>, vector<1x16xi32>,
      %swap3A_438 = vector.shape_cast %swap3A_437 : vector<1x16xi32> to vector<16xi32>
      %swap3A_439 = vector.shape_cast %sub3A_433 : vector<16xi32> to vector<1x16xi32>
      tpu.vector_store %arg9[%swap3A_435, %swap3A_436], %swap3A_439 {strides = array<i32>} : memref<4x128xi32, #tpu.memory_space<vmem>>, vector<1x16xi32>,
      %dma_start3A = arith.constant 0 : i32
      %dma_start3A_440 = arith.constant 0 : i32
      %dma_start3A_441 = arith.constant 0 : i32
      %dma_start3A_442 = tpu.memref_slice %arg10[%dma_start3A_440, %dma_start3A_441] : memref<512x64xf32, #tpu.memory_space<vmem>> -> memref<128x64xf32, #tpu.memory_space<vmem>>
      %dma_start3A_443 = arith.constant 0 : i32
      %dma_start3A_444 = tpu.memref_slice %arg7[%dma_start3A, %dma_start3A_443] : memref<4x128xi32, #tpu.memory_space<vmem>> -> memref<1x128xi32, #tpu.memory_space<vmem>>
      %dma_start3A_445 = tpu.memref_squeeze %dma_start3A_444 : memref<1x128xi32, #tpu.memory_space<vmem>> -> memref<128xi32, #tpu.memory_space<vmem>>
      %dma_start3A_446 = arith.constant 0 : i32
      %dma_start3A_447 = arith.constant 0 : i32
      %dma_start3A_448 = tpu.memref_slice %arg2[%dma_start3A_446, %dma_start3A_447] : memref<8192x64xf32, #tpu.memory_space<hbm>> -> memref<8192x64xf32, #tpu.memory_space<hbm>>
      tpu.enqueue_indirect_dma source(%dma_start3A_448 : memref<8192x64xf32, #tpu.memory_space<hbm>>) target(%dma_start3A_442 : memref<128x64xf32, #tpu.memory_space<vmem>>) offsets(%dma_start3A_445 : memref<128xi32, #tpu.memory_space<vmem>>) semaphore(%arg13 : memref<!tpu.dma_semaphore, #tpu.memory_space<semaphore_mem>>)
      %dma_start3A_449 = arith.constant 0 : i32
      %dma_start3A_450 = arith.constant 0 : i32
      %dma_start3A_451 = arith.constant 0 : i32
      %dma_start3A_452 = tpu.memref_slice %arg11[%dma_start3A_450, %dma_start3A_451] : memref<512x64xf32, #tpu.memory_space<vmem>> -> memref<128x64xf32, #tpu.memory_space<vmem>>
      %dma_start3A_453 = arith.constant 0 : i32
      %dma_start3A_454 = tpu.memref_slice %arg8[%dma_start3A_449, %dma_start3A_453] : memref<4x128xi32, #tpu.memory_space<vmem>> -> memref<1x128xi32, #tpu.memory_space<vmem>>
      %dma_start3A_455 = tpu.memref_squeeze %dma_start3A_454 : memref<1x128xi32, #tpu.memory_space<vmem>> -> memref<128xi32, #tpu.memory_space<vmem>>
      %dma_start3A_456 = arith.constant 0 : i32
      %dma_start3A_457 = arith.constant 0 : i32
      %dma_start3A_458 = tpu.memref_slice %arg3[%dma_start3A_456, %dma_start3A_457] : memref<8192x64xf32, #tpu.memory_space<hbm>> -> memref<8192x64xf32, #tpu.memory_space<hbm>>
      tpu.enqueue_indirect_dma source(%dma_start3A_458 : memref<8192x64xf32, #tpu.memory_space<hbm>>) target(%dma_start3A_452 : memref<128x64xf32, #tpu.memory_space<vmem>>) offsets(%dma_start3A_455 : memref<128xi32, #tpu.memory_space<vmem>>) semaphore(%arg14 : memref<!tpu.dma_semaphore, #tpu.memory_space<semaphore_mem>>)
      %dma_start3A_459 = arith.constant 1 : i32
      %dma_start3A_460 = arith.constant 128 : i32
      %dma_start3A_461 = arith.constant 0 : i32
      %dma_start3A_462 = tpu.memref_slice %arg10[%dma_start3A_460, %dma_start3A_461] : memref<512x64xf32, #tpu.memory_space<vmem>> -> memref<128x64xf32, #tpu.memory_space<vmem>>
      %dma_start3A_463 = arith.constant 0 : i32
      %dma_start3A_464 = tpu.memref_slice %arg7[%dma_start3A_459, %dma_start3A_463] : memref<4x128xi32, #tpu.memory_space<vmem>> -> memref<1x128xi32, #tpu.memory_space<vmem>>
      %dma_start3A_465 = tpu.memref_squeeze %dma_start3A_464 : memref<1x128xi32, #tpu.memory_space<vmem>> -> memref<128xi32, #tpu.memory_space<vmem>>
      %dma_start3A_466 = arith.constant 0 : i32
      %dma_start3A_467 = arith.constant 0 : i32
      %dma_start3A_468 = tpu.memref_slice %arg2[%dma_start3A_466, %dma_start3A_467] : memref<8192x64xf32, #tpu.memory_space<hbm>> -> memref<8192x64xf32, #tpu.memory_space<hbm>>
      tpu.enqueue_indirect_dma source(%dma_start3A_468 : memref<8192x64xf32, #tpu.memory_space<hbm>>) target(%dma_start3A_462 : memref<128x64xf32, #tpu.memory_space<vmem>>) offsets(%dma_start3A_465 : memref<128xi32, #tpu.memory_space<vmem>>) semaphore(%arg13 : memref<!tpu.dma_semaphore, #tpu.memory_space<semaphore_mem>>)
      %dma_start3A_469 = arith.constant 1 : i32
      %dma_start3A_470 = arith.constant 128 : i32
      %dma_start3A_471 = arith.constant 0 : i32
      %dma_start3A_472 = tpu.memref_slice %arg11[%dma_start3A_470, %dma_start3A_471] : memref<512x64xf32, #tpu.memory_space<vmem>> -> memref<128x64xf32, #tpu.memory_space<vmem>>
      %dma_start3A_473 = arith.constant 0 : i32
      %dma_start3A_474 = tpu.memref_slice %arg8[%dma_start3A_469, %dma_start3A_473] : memref<4x128xi32, #tpu.memory_space<vmem>> -> memref<1x128xi32, #tpu.memory_space<vmem>>
      %dma_start3A_475 = tpu.memref_squeeze %dma_start3A_474 : memref<1x128xi32, #tpu.memory_space<vmem>> -> memref<128xi32, #tpu.memory_space<vmem>>
      %dma_start3A_476 = arith.constant 0 : i32
      %dma_start3A_477 = arith.constant 0 : i32
      %dma_start3A_478 = tpu.memref_slice %arg3[%dma_start3A_476, %dma_start3A_477] : memref<8192x64xf32, #tpu.memory_space<hbm>> -> memref<8192x64xf32, #tpu.memory_space<hbm>>
      tpu.enqueue_indirect_dma source(%dma_start3A_478 : memref<8192x64xf32, #tpu.memory_space<hbm>>) target(%dma_start3A_472 : memref<128x64xf32, #tpu.memory_space<vmem>>) offsets(%dma_start3A_475 : memref<128xi32, #tpu.memory_space<vmem>>) semaphore(%arg14 : memref<!tpu.dma_semaphore, #tpu.memory_space<semaphore_mem>>)
      %dma_start3A_479 = arith.constant 2 : i32
      %dma_start3A_480 = arith.constant 256 : i32
      %dma_start3A_481 = arith.constant 0 : i32
      %dma_start3A_482 = tpu.memref_slice %arg10[%dma_start3A_480, %dma_start3A_481] : memref<512x64xf32, #tpu.memory_space<vmem>> -> memref<128x64xf32, #tpu.memory_space<vmem>>
      %dma_start3A_483 = arith.constant 0 : i32
      %dma_start3A_484 = tpu.memref_slice %arg7[%dma_start3A_479, %dma_start3A_483] : memref<4x128xi32, #tpu.memory_space<vmem>> -> memref<1x128xi32, #tpu.memory_space<vmem>>
      %dma_start3A_485 = tpu.memref_squeeze %dma_start3A_484 : memref<1x128xi32, #tpu.memory_space<vmem>> -> memref<128xi32, #tpu.memory_space<vmem>>
      %dma_start3A_486 = arith.constant 0 : i32
      %dma_start3A_487 = arith.constant 0 : i32
      %dma_start3A_488 = tpu.memref_slice %arg2[%dma_start3A_486, %dma_start3A_487] : memref<8192x64xf32, #tpu.memory_space<hbm>> -> memref<8192x64xf32, #tpu.memory_space<hbm>>
      tpu.enqueue_indirect_dma source(%dma_start3A_488 : memref<8192x64xf32, #tpu.memory_space<hbm>>) target(%dma_start3A_482 : memref<128x64xf32, #tpu.memory_space<vmem>>) offsets(%dma_start3A_485 : memref<128xi32, #tpu.memory_space<vmem>>) semaphore(%arg13 : memref<!tpu.dma_semaphore, #tpu.memory_space<semaphore_mem>>)
      %dma_start3A_489 = arith.constant 2 : i32
      %dma_start3A_490 = arith.constant 256 : i32
      %dma_start3A_491 = arith.constant 0 : i32
      %dma_start3A_492 = tpu.memref_slice %arg11[%dma_start3A_490, %dma_start3A_491] : memref<512x64xf32, #tpu.memory_space<vmem>> -> memref<128x64xf32, #tpu.memory_space<vmem>>
      %dma_start3A_493 = arith.constant 0 : i32
      %dma_start3A_494 = tpu.memref_slice %arg8[%dma_start3A_489, %dma_start3A_493] : memref<4x128xi32, #tpu.memory_space<vmem>> -> memref<1x128xi32, #tpu.memory_space<vmem>>
      %dma_start3A_495 = tpu.memref_squeeze %dma_start3A_494 : memref<1x128xi32, #tpu.memory_space<vmem>> -> memref<128xi32, #tpu.memory_space<vmem>>
      %dma_start3A_496 = arith.constant 0 : i32
      %dma_start3A_497 = arith.constant 0 : i32
      %dma_start3A_498 = tpu.memref_slice %arg3[%dma_start3A_496, %dma_start3A_497] : memref<8192x64xf32, #tpu.memory_space<hbm>> -> memref<8192x64xf32, #tpu.memory_space<hbm>>
      tpu.enqueue_indirect_dma source(%dma_start3A_498 : memref<8192x64xf32, #tpu.memory_space<hbm>>) target(%dma_start3A_492 : memref<128x64xf32, #tpu.memory_space<vmem>>) offsets(%dma_start3A_495 : memref<128xi32, #tpu.memory_space<vmem>>) semaphore(%arg14 : memref<!tpu.dma_semaphore, #tpu.memory_space<semaphore_mem>>)
      %dma_start3A_499 = arith.constant 3 : i32
      %dma_start3A_500 = arith.constant 384 : i32
      %dma_start3A_501 = arith.constant 0 : i32
      %dma_start3A_502 = tpu.memref_slice %arg10[%dma_start3A_500, %dma_start3A_501] : memref<512x64xf32, #tpu.memory_space<vmem>> -> memref<128x64xf32, #tpu.memory_space<vmem>>
      %dma_start3A_503 = arith.constant 0 : i32
      %dma_start3A_504 = tpu.memref_slice %arg7[%dma_start3A_499, %dma_start3A_503] : memref<4x128xi32, #tpu.memory_space<vmem>> -> memref<1x128xi32, #tpu.memory_space<vmem>>
      %dma_start3A_505 = tpu.memref_squeeze %dma_start3A_504 : memref<1x128xi32, #tpu.memory_space<vmem>> -> memref<128xi32, #tpu.memory_space<vmem>>
      %dma_start3A_506 = arith.constant 0 : i32
      %dma_start3A_507 = arith.constant 0 : i32
      %dma_start3A_508 = tpu.memref_slice %arg2[%dma_start3A_506, %dma_start3A_507] : memref<8192x64xf32, #tpu.memory_space<hbm>> -> memref<8192x64xf32, #tpu.memory_space<hbm>>
      tpu.enqueue_indirect_dma source(%dma_start3A_508 : memref<8192x64xf32, #tpu.memory_space<hbm>>) target(%dma_start3A_502 : memref<128x64xf32, #tpu.memory_space<vmem>>) offsets(%dma_start3A_505 : memref<128xi32, #tpu.memory_space<vmem>>) semaphore(%arg13 : memref<!tpu.dma_semaphore, #tpu.memory_space<semaphore_mem>>)
      %dma_start3A_509 = arith.constant 3 : i32
      %dma_start3A_510 = arith.constant 384 : i32
      %dma_start3A_511 = arith.constant 0 : i32
      %dma_start3A_512 = tpu.memref_slice %arg11[%dma_start3A_510, %dma_start3A_511] : memref<512x64xf32, #tpu.memory_space<vmem>> -> memref<128x64xf32, #tpu.memory_space<vmem>>
      %dma_start3A_513 = arith.constant 0 : i32
      %dma_start3A_514 = tpu.memref_slice %arg8[%dma_start3A_509, %dma_start3A_513] : memref<4x128xi32, #tpu.memory_space<vmem>> -> memref<1x128xi32, #tpu.memory_space<vmem>>
      %dma_start3A_515 = tpu.memref_squeeze %dma_start3A_514 : memref<1x128xi32, #tpu.memory_space<vmem>> -> memref<128xi32, #tpu.memory_space<vmem>>
      %dma_start3A_516 = arith.constant 0 : i32
      %dma_start3A_517 = arith.constant 0 : i32
      %dma_start3A_518 = tpu.memref_slice %arg3[%dma_start3A_516, %dma_start3A_517] : memref<8192x64xf32, #tpu.memory_space<hbm>> -> memref<8192x64xf32, #tpu.memory_space<hbm>>
      tpu.enqueue_indirect_dma source(%dma_start3A_518 : memref<8192x64xf32, #tpu.memory_space<hbm>>) target(%dma_start3A_512 : memref<128x64xf32, #tpu.memory_space<vmem>>) offsets(%dma_start3A_515 : memref<128xi32, #tpu.memory_space<vmem>>) semaphore(%arg14 : memref<!tpu.dma_semaphore, #tpu.memory_space<semaphore_mem>>)
      %dma_wait3A = arith.constant 0 : i32
      %dma_wait3A_519 = arith.constant 0 : i32
      %dma_wait3A_520 = arith.constant 0 : i32
      %dma_wait3A_521 = tpu.memref_slice %arg10[%dma_wait3A_519, %dma_wait3A_520] : memref<512x64xf32, #tpu.memory_space<vmem>> -> memref<128x64xf32, #tpu.memory_space<vmem>>
      %dma_wait3A_522 = arith.constant 0 : i32
      %dma_wait3A_523 = tpu.memref_slice %arg7[%dma_wait3A, %dma_wait3A_522] : memref<4x128xi32, #tpu.memory_space<vmem>> -> memref<1x128xi32, #tpu.memory_space<vmem>>
      %dma_wait3A_524 = tpu.memref_squeeze %dma_wait3A_523 : memref<1x128xi32, #tpu.memory_space<vmem>> -> memref<128xi32, #tpu.memory_space<vmem>>
      %dma_wait3A_525 = arith.constant 0 : i32
      %dma_wait3A_526 = arith.constant 0 : i32
      %dma_wait3A_527 = tpu.memref_slice %arg2[%dma_wait3A_525, %dma_wait3A_526] : memref<8192x64xf32, #tpu.memory_space<hbm>> -> memref<8192x64xf32, #tpu.memory_space<hbm>>
      tpu.wait_indirect_dma semaphore(%arg13 : memref<!tpu.dma_semaphore, #tpu.memory_space<semaphore_mem>>) src(%dma_wait3A_527 : memref<8192x64xf32, #tpu.memory_space<hbm>>) dst(%dma_wait3A_521 : memref<128x64xf32, #tpu.memory_space<vmem>>)
      %dma_wait3A_528 = arith.constant 0 : i32
      %dma_wait3A_529 = arith.constant 0 : i32
      %dma_wait3A_530 = arith.constant 0 : i32
      %dma_wait3A_531 = tpu.memref_slice %arg11[%dma_wait3A_529, %dma_wait3A_530] : memref<512x64xf32, #tpu.memory_space<vmem>> -> memref<128x64xf32, #tpu.memory_space<vmem>>
      %dma_wait3A_532 = arith.constant 0 : i32
      %dma_wait3A_533 = tpu.memref_slice %arg8[%dma_wait3A_528, %dma_wait3A_532] : memref<4x128xi32, #tpu.memory_space<vmem>> -> memref<1x128xi32, #tpu.memory_space<vmem>>
      %dma_wait3A_534 = tpu.memref_squeeze %dma_wait3A_533 : memref<1x128xi32, #tpu.memory_space<vmem>> -> memref<128xi32, #tpu.memory_space<vmem>>
      %dma_wait3A_535 = arith.constant 0 : i32
      %dma_wait3A_536 = arith.constant 0 : i32
      %dma_wait3A_537 = tpu.memref_slice %arg3[%dma_wait3A_535, %dma_wait3A_536] : memref<8192x64xf32, #tpu.memory_space<hbm>> -> memref<8192x64xf32, #tpu.memory_space<hbm>>
      tpu.wait_indirect_dma semaphore(%arg14 : memref<!tpu.dma_semaphore, #tpu.memory_space<semaphore_mem>>) src(%dma_wait3A_537 : memref<8192x64xf32, #tpu.memory_space<hbm>>) dst(%dma_wait3A_531 : memref<128x64xf32, #tpu.memory_space<vmem>>)
      %dma_wait3A_538 = arith.constant 1 : i32
      %dma_wait3A_539 = arith.constant 128 : i32
      %dma_wait3A_540 = arith.constant 0 : i32
      %dma_wait3A_541 = tpu.memref_slice %arg10[%dma_wait3A_539, %dma_wait3A_540] : memref<512x64xf32, #tpu.memory_space<vmem>> -> memref<128x64xf32, #tpu.memory_space<vmem>>
      %dma_wait3A_542 = arith.constant 0 : i32
      %dma_wait3A_543 = tpu.memref_slice %arg7[%dma_wait3A_538, %dma_wait3A_542] : memref<4x128xi32, #tpu.memory_space<vmem>> -> memref<1x128xi32, #tpu.memory_space<vmem>>
      %dma_wait3A_544 = tpu.memref_squeeze %dma_wait3A_543 : memref<1x128xi32, #tpu.memory_space<vmem>> -> memref<128xi32, #tpu.memory_space<vmem>>
      %dma_wait3A_545 = arith.constant 0 : i32
      %dma_wait3A_546 = arith.constant 0 : i32
      %dma_wait3A_547 = tpu.memref_slice %arg2[%dma_wait3A_545, %dma_wait3A_546] : memref<8192x64xf32, #tpu.memory_space<hbm>> -> memref<8192x64xf32, #tpu.memory_space<hbm>>
      tpu.wait_indirect_dma semaphore(%arg13 : memref<!tpu.dma_semaphore, #tpu.memory_space<semaphore_mem>>) src(%dma_wait3A_547 : memref<8192x64xf32, #tpu.memory_space<hbm>>) dst(%dma_wait3A_541 : memref<128x64xf32, #tpu.memory_space<vmem>>)
      %dma_wait3A_548 = arith.constant 1 : i32
      %dma_wait3A_549 = arith.constant 128 : i32
      %dma_wait3A_550 = arith.constant 0 : i32
      %dma_wait3A_551 = tpu.memref_slice %arg11[%dma_wait3A_549, %dma_wait3A_550] : memref<512x64xf32, #tpu.memory_space<vmem>> -> memref<128x64xf32, #tpu.memory_space<vmem>>
      %dma_wait3A_552 = arith.constant 0 : i32
      %dma_wait3A_553 = tpu.memref_slice %arg8[%dma_wait3A_548, %dma_wait3A_552] : memref<4x128xi32, #tpu.memory_space<vmem>> -> memref<1x128xi32, #tpu.memory_space<vmem>>
      %dma_wait3A_554 = tpu.memref_squeeze %dma_wait3A_553 : memref<1x128xi32, #tpu.memory_space<vmem>> -> memref<128xi32, #tpu.memory_space<vmem>>
      %dma_wait3A_555 = arith.constant 0 : i32
      %dma_wait3A_556 = arith.constant 0 : i32
      %dma_wait3A_557 = tpu.memref_slice %arg3[%dma_wait3A_555, %dma_wait3A_556] : memref<8192x64xf32, #tpu.memory_space<hbm>> -> memref<8192x64xf32, #tpu.memory_space<hbm>>
      tpu.wait_indirect_dma semaphore(%arg14 : memref<!tpu.dma_semaphore, #tpu.memory_space<semaphore_mem>>) src(%dma_wait3A_557 : memref<8192x64xf32, #tpu.memory_space<hbm>>) dst(%dma_wait3A_551 : memref<128x64xf32, #tpu.memory_space<vmem>>)
      %dma_wait3A_558 = arith.constant 2 : i32
      %dma_wait3A_559 = arith.constant 256 : i32
      %dma_wait3A_560 = arith.constant 0 : i32
      %dma_wait3A_561 = tpu.memref_slice %arg10[%dma_wait3A_559, %dma_wait3A_560] : memref<512x64xf32, #tpu.memory_space<vmem>> -> memref<128x64xf32, #tpu.memory_space<vmem>>
      %dma_wait3A_562 = arith.constant 0 : i32
      %dma_wait3A_563 = tpu.memref_slice %arg7[%dma_wait3A_558, %dma_wait3A_562] : memref<4x128xi32, #tpu.memory_space<vmem>> -> memref<1x128xi32, #tpu.memory_space<vmem>>
      %dma_wait3A_564 = tpu.memref_squeeze %dma_wait3A_563 : memref<1x128xi32, #tpu.memory_space<vmem>> -> memref<128xi32, #tpu.memory_space<vmem>>
      %dma_wait3A_565 = arith.constant 0 : i32
      %dma_wait3A_566 = arith.constant 0 : i32
      %dma_wait3A_567 = tpu.memref_slice %arg2[%dma_wait3A_565, %dma_wait3A_566] : memref<8192x64xf32, #tpu.memory_space<hbm>> -> memref<8192x64xf32, #tpu.memory_space<hbm>>
      tpu.wait_indirect_dma semaphore(%arg13 : memref<!tpu.dma_semaphore, #tpu.memory_space<semaphore_mem>>) src(%dma_wait3A_567 : memref<8192x64xf32, #tpu.memory_space<hbm>>) dst(%dma_wait3A_561 : memref<128x64xf32, #tpu.memory_space<vmem>>)
      %dma_wait3A_568 = arith.constant 2 : i32
      %dma_wait3A_569 = arith.constant 256 : i32
      %dma_wait3A_570 = arith.constant 0 : i32
      %dma_wait3A_571 = tpu.memref_slice %arg11[%dma_wait3A_569, %dma_wait3A_570] : memref<512x64xf32, #tpu.memory_space<vmem>> -> memref<128x64xf32, #tpu.memory_space<vmem>>
      %dma_wait3A_572 = arith.constant 0 : i32
      %dma_wait3A_573 = tpu.memref_slice %arg8[%dma_wait3A_568, %dma_wait3A_572] : memref<4x128xi32, #tpu.memory_space<vmem>> -> memref<1x128xi32, #tpu.memory_space<vmem>>
      %dma_wait3A_574 = tpu.memref_squeeze %dma_wait3A_573 : memref<1x128xi32, #tpu.memory_space<vmem>> -> memref<128xi32, #tpu.memory_space<vmem>>
      %dma_wait3A_575 = arith.constant 0 : i32
      %dma_wait3A_576 = arith.constant 0 : i32
      %dma_wait3A_577 = tpu.memref_slice %arg3[%dma_wait3A_575, %dma_wait3A_576] : memref<8192x64xf32, #tpu.memory_space<hbm>> -> memref<8192x64xf32, #tpu.memory_space<hbm>>
      tpu.wait_indirect_dma semaphore(%arg14 : memref<!tpu.dma_semaphore, #tpu.memory_space<semaphore_mem>>) src(%dma_wait3A_577 : memref<8192x64xf32, #tpu.memory_space<hbm>>) dst(%dma_wait3A_571 : memref<128x64xf32, #tpu.memory_space<vmem>>)
      %dma_wait3A_578 = arith.constant 3 : i32
      %dma_wait3A_579 = arith.constant 384 : i32
      %dma_wait3A_580 = arith.constant 0 : i32
      %dma_wait3A_581 = tpu.memref_slice %arg10[%dma_wait3A_579, %dma_wait3A_580] : memref<512x64xf32, #tpu.memory_space<vmem>> -> memref<128x64xf32, #tpu.memory_space<vmem>>
      %dma_wait3A_582 = arith.constant 0 : i32
      %dma_wait3A_583 = tpu.memref_slice %arg7[%dma_wait3A_578, %dma_wait3A_582] : memref<4x128xi32, #tpu.memory_space<vmem>> -> memref<1x128xi32, #tpu.memory_space<vmem>>
      %dma_wait3A_584 = tpu.memref_squeeze %dma_wait3A_583 : memref<1x128xi32, #tpu.memory_space<vmem>> -> memref<128xi32, #tpu.memory_space<vmem>>
      %dma_wait3A_585 = arith.constant 0 : i32
      %dma_wait3A_586 = arith.constant 0 : i32
      %dma_wait3A_587 = tpu.memref_slice %arg2[%dma_wait3A_585, %dma_wait3A_586] : memref<8192x64xf32, #tpu.memory_space<hbm>> -> memref<8192x64xf32, #tpu.memory_space<hbm>>
      tpu.wait_indirect_dma semaphore(%arg13 : memref<!tpu.dma_semaphore, #tpu.memory_space<semaphore_mem>>) src(%dma_wait3A_587 : memref<8192x64xf32, #tpu.memory_space<hbm>>) dst(%dma_wait3A_581 : memref<128x64xf32, #tpu.memory_space<vmem>>)
      %dma_wait3A_588 = arith.constant 3 : i32
      %dma_wait3A_589 = arith.constant 384 : i32
      %dma_wait3A_590 = arith.constant 0 : i32
      %dma_wait3A_591 = tpu.memref_slice %arg11[%dma_wait3A_589, %dma_wait3A_590] : memref<512x64xf32, #tpu.memory_space<vmem>> -> memref<128x64xf32, #tpu.memory_space<vmem>>
      %dma_wait3A_592 = arith.constant 0 : i32
      %dma_wait3A_593 = tpu.memref_slice %arg8[%dma_wait3A_588, %dma_wait3A_592] : memref<4x128xi32, #tpu.memory_space<vmem>> -> memref<1x128xi32, #tpu.memory_space<vmem>>
      %dma_wait3A_594 = tpu.memref_squeeze %dma_wait3A_593 : memref<1x128xi32, #tpu.memory_space<vmem>> -> memref<128xi32, #tpu.memory_space<vmem>>
      %dma_wait3A_595 = arith.constant 0 : i32
      %dma_wait3A_596 = arith.constant 0 : i32
      %dma_wait3A_597 = tpu.memref_slice %arg3[%dma_wait3A_595, %dma_wait3A_596] : memref<8192x64xf32, #tpu.memory_space<hbm>> -> memref<8192x64xf32, #tpu.memory_space<hbm>>
      tpu.wait_indirect_dma semaphore(%arg14 : memref<!tpu.dma_semaphore, #tpu.memory_space<semaphore_mem>>) src(%dma_wait3A_597 : memref<8192x64xf32, #tpu.memory_space<hbm>>) dst(%dma_wait3A_591 : memref<128x64xf32, #tpu.memory_space<vmem>>)
      %scan3A_598 = arith.constant 0 : i32
      %scan3A_599 = arith.constant 512 : i32
      %scan3A_600 = arith.addi %scan3A_598, %scan3A_599 : i32
      %scan3A_601 = arith.constant 1 : i32
      scf.for %scan3A_606 = %scan3A_598 to %scan3A_600 step %scan3A_601  : i32 {
        %mul3A_607 = arith.constant 1 : i32
        %mul3A_608 = arith.muli %scan3A_606, %mul3A_607 : i32
        %add3A_609 = arith.constant 0 : i32
        %add3A_610 = arith.addi %add3A_609, %mul3A_608 : i32
        %get3A_611 = arith.index_cast %add3A_610 : i32 to index
        %get3A_612 = arith.constant 0 : index
        %get3A_613 = tpu.vector_load %arg10[%get3A_611, %get3A_612] {strides = array<i32>} : memref<512x64xf32, #tpu.memory_space<vmem>>, vector<1x16xf32>,
        %get3A_614 = vector.shape_cast %get3A_613 : vector<1x16xf32> to vector<16xf32>
        %get3A_615 = arith.index_cast %add3A_610 : i32 to index
        %get3A_616 = arith.constant 0 : index
        %get3A_617 = tpu.vector_load %arg11[%get3A_615, %get3A_616] {strides = array<i32>} : memref<512x64xf32, #tpu.memory_space<vmem>>, vector<1x16xf32>,
        %get3A_618 = vector.shape_cast %get3A_617 : vector<1x16xf32> to vector<16xf32>
        %add3A_619 = arith.addf %get3A_614, %get3A_618 : vector<16xf32>
        %neg3A = arith.constant 0.000000e+00 : f32
        %neg3A_620 = vector.broadcast %neg3A : f32 to vector<16xf32>
        %neg3A_621 = arith.subf %neg3A_620, %add3A_619 : vector<16xf32>
        %exp3A = math.exp %neg3A_621 : vector<16xf32>
        %add3A_622 = arith.constant 1.000000e+00 : f32
        %add3A_623 = vector.broadcast %add3A_622 : f32 to vector<16xf32>
        %add3A_624 = arith.addf %add3A_623, %exp3A : vector<16xf32>
        %div3A = arith.constant 1.000000e+00 : f32
        %div3A_625 = vector.broadcast %div3A : f32 to vector<16xf32>
        %div3A_626 = arith.divf %div3A_625, %add3A_624 : vector<16xf32>
        %mul3A_627 = arith.mulf %add3A_619, %div3A_626 : vector<16xf32>
        %swap3A_628 = arith.index_cast %add3A_610 : i32 to index
        %swap3A_629 = arith.constant 0 : index
        %swap3A_630 = tpu.vector_load %arg10[%swap3A_628, %swap3A_629] {strides = array<i32>} : memref<512x64xf32, #tpu.memory_space<vmem>>, vector<1x16xf32>,
        %swap3A_631 = vector.shape_cast %swap3A_630 : vector<1x16xf32> to vector<16xf32>
        %swap3A_632 = vector.shape_cast %mul3A_627 : vector<16xf32> to vector<1x16xf32>
        tpu.vector_store %arg10[%swap3A_628, %swap3A_629], %swap3A_632 {strides = array<i32>} : memref<512x64xf32, #tpu.memory_space<vmem>>, vector<1x16xf32>,
        %get3A_633 = arith.index_cast %add3A_610 : i32 to index
        %get3A_634 = arith.constant 16 : index
        %get3A_635 = tpu.vector_load %arg10[%get3A_633, %get3A_634] {strides = array<i32>} : memref<512x64xf32, #tpu.memory_space<vmem>>, vector<1x16xf32>,
        %get3A_636 = vector.shape_cast %get3A_635 : vector<1x16xf32> to vector<16xf32>
        %get3A_637 = arith.index_cast %add3A_610 : i32 to index
        %get3A_638 = arith.constant 16 : index
        %get3A_639 = tpu.vector_load %arg11[%get3A_637, %get3A_638] {strides = array<i32>} : memref<512x64xf32, #tpu.memory_space<vmem>>, vector<1x16xf32>,
        %get3A_640 = vector.shape_cast %get3A_639 : vector<1x16xf32> to vector<16xf32>
        %add3A_641 = arith.addf %get3A_636, %get3A_640 : vector<16xf32>
        %neg3A_642 = arith.constant 0.000000e+00 : f32
        %neg3A_643 = vector.broadcast %neg3A_642 : f32 to vector<16xf32>
        %neg3A_644 = arith.subf %neg3A_643, %add3A_641 : vector<16xf32>
        %exp3A_645 = math.exp %neg3A_644 : vector<16xf32>
        %add3A_646 = arith.constant 1.000000e+00 : f32
        %add3A_647 = vector.broadcast %add3A_646 : f32 to vector<16xf32>
        %add3A_648 = arith.addf %add3A_647, %exp3A_645 : vector<16xf32>
        %div3A_649 = arith.constant 1.000000e+00 : f32
        %div3A_650 = vector.broadcast %div3A_649 : f32 to vector<16xf32>
        %div3A_651 = arith.divf %div3A_650, %add3A_648 : vector<16xf32>
        %mul3A_652 = arith.mulf %add3A_641, %div3A_651 : vector<16xf32>
        %swap3A_653 = arith.index_cast %add3A_610 : i32 to index
        %swap3A_654 = arith.constant 16 : index
        %swap3A_655 = tpu.vector_load %arg10[%swap3A_653, %swap3A_654] {strides = array<i32>} : memref<512x64xf32, #tpu.memory_space<vmem>>, vector<1x16xf32>,
        %swap3A_656 = vector.shape_cast %swap3A_655 : vector<1x16xf32> to vector<16xf32>
        %swap3A_657 = vector.shape_cast %mul3A_652 : vector<16xf32> to vector<1x16xf32>
        tpu.vector_store %arg10[%swap3A_653, %swap3A_654], %swap3A_657 {strides = array<i32>} : memref<512x64xf32, #tpu.memory_space<vmem>>, vector<1x16xf32>,
        %get3A_658 = arith.index_cast %add3A_610 : i32 to index
        %get3A_659 = arith.constant 32 : index
        %get3A_660 = tpu.vector_load %arg10[%get3A_658, %get3A_659] {strides = array<i32>} : memref<512x64xf32, #tpu.memory_space<vmem>>, vector<1x16xf32>,
        %get3A_661 = vector.shape_cast %get3A_660 : vector<1x16xf32> to vector<16xf32>
        %get3A_662 = arith.index_cast %add3A_610 : i32 to index
        %get3A_663 = arith.constant 32 : index
        %get3A_664 = tpu.vector_load %arg11[%get3A_662, %get3A_663] {strides = array<i32>} : memref<512x64xf32, #tpu.memory_space<vmem>>, vector<1x16xf32>,
        %get3A_665 = vector.shape_cast %get3A_664 : vector<1x16xf32> to vector<16xf32>
        %add3A_666 = arith.addf %get3A_661, %get3A_665 : vector<16xf32>
        %neg3A_667 = arith.constant 0.000000e+00 : f32
        %neg3A_668 = vector.broadcast %neg3A_667 : f32 to vector<16xf32>
        %neg3A_669 = arith.subf %neg3A_668, %add3A_666 : vector<16xf32>
        %exp3A_670 = math.exp %neg3A_669 : vector<16xf32>
        %add3A_671 = arith.constant 1.000000e+00 : f32
        %add3A_672 = vector.broadcast %add3A_671 : f32 to vector<16xf32>
        %add3A_673 = arith.addf %add3A_672, %exp3A_670 : vector<16xf32>
        %div3A_674 = arith.constant 1.000000e+00 : f32
        %div3A_675 = vector.broadcast %div3A_674 : f32 to vector<16xf32>
        %div3A_676 = arith.divf %div3A_675, %add3A_673 : vector<16xf32>
        %mul3A_677 = arith.mulf %add3A_666, %div3A_676 : vector<16xf32>
        %swap3A_678 = arith.index_cast %add3A_610 : i32 to index
        %swap3A_679 = arith.constant 32 : index
        %swap3A_680 = tpu.vector_load %arg10[%swap3A_678, %swap3A_679] {strides = array<i32>} : memref<512x64xf32, #tpu.memory_space<vmem>>, vector<1x16xf32>,
        %swap3A_681 = vector.shape_cast %swap3A_680 : vector<1x16xf32> to vector<16xf32>
        %swap3A_682 = vector.shape_cast %mul3A_677 : vector<16xf32> to vector<1x16xf32>
        tpu.vector_store %arg10[%swap3A_678, %swap3A_679], %swap3A_682 {strides = array<i32>} : memref<512x64xf32, #tpu.memory_space<vmem>>, vector<1x16xf32>,
        %get3A_683 = arith.index_cast %add3A_610 : i32 to index
        %get3A_684 = arith.constant 48 : index
        %get3A_685 = tpu.vector_load %arg10[%get3A_683, %get3A_684] {strides = array<i32>} : memref<512x64xf32, #tpu.memory_space<vmem>>, vector<1x16xf32>,
        %get3A_686 = vector.shape_cast %get3A_685 : vector<1x16xf32> to vector<16xf32>
        %get3A_687 = arith.index_cast %add3A_610 : i32 to index
        %get3A_688 = arith.constant 48 : index
        %get3A_689 = tpu.vector_load %arg11[%get3A_687, %get3A_688] {strides = array<i32>} : memref<512x64xf32, #tpu.memory_space<vmem>>, vector<1x16xf32>,
        %get3A_690 = vector.shape_cast %get3A_689 : vector<1x16xf32> to vector<16xf32>
        %add3A_691 = arith.addf %get3A_686, %get3A_690 : vector<16xf32>
        %neg3A_692 = arith.constant 0.000000e+00 : f32
        %neg3A_693 = vector.broadcast %neg3A_692 : f32 to vector<16xf32>
        %neg3A_694 = arith.subf %neg3A_693, %add3A_691 : vector<16xf32>
        %exp3A_695 = math.exp %neg3A_694 : vector<16xf32>
        %add3A_696 = arith.constant 1.000000e+00 : f32
        %add3A_697 = vector.broadcast %add3A_696 : f32 to vector<16xf32>
        %add3A_698 = arith.addf %add3A_697, %exp3A_695 : vector<16xf32>
        %div3A_699 = arith.constant 1.000000e+00 : f32
        %div3A_700 = vector.broadcast %div3A_699 : f32 to vector<16xf32>
        %div3A_701 = arith.divf %div3A_700, %add3A_698 : vector<16xf32>
        %mul3A_702 = arith.mulf %add3A_691, %div3A_701 : vector<16xf32>
        %swap3A_703 = arith.index_cast %add3A_610 : i32 to index
        %swap3A_704 = arith.constant 48 : index
        %swap3A_705 = tpu.vector_load %arg10[%swap3A_703, %swap3A_704] {strides = array<i32>} : memref<512x64xf32, #tpu.memory_space<vmem>>, vector<1x16xf32>,
        %swap3A_706 = vector.shape_cast %swap3A_705 : vector<1x16xf32> to vector<16xf32>
        %swap3A_707 = vector.shape_cast %mul3A_702 : vector<16xf32> to vector<1x16xf32>
        tpu.vector_store %arg10[%swap3A_703, %swap3A_704], %swap3A_707 {strides = array<i32>} : memref<512x64xf32, #tpu.memory_space<vmem>>, vector<1x16xf32>,
      }
      %scan3A_602 = arith.constant 512 : i32
      %run_scoped3A = arith.constant 0 : i32
      "tpu.region"() ({
        %run_scoped3A_606 = tpu.sem_alloc : memref<!tpu.dma_semaphore, #tpu.memory_space<semaphore_mem>>
        %dma_start3A_607 = arith.constant 0 : i32
        %dma_start3A_608 = arith.constant 0 : i32
        %dma_start3A_609 = tpu.memref_slice %arg10[%dma_start3A_607, %dma_start3A_608] : memref<512x64xf32, #tpu.memory_space<vmem>> -> memref<128x64xf32, #tpu.memory_space<vmem>>
        %dma_start3A_610 = arith.constant 0 : i32
        %dma_start3A_611 = tpu.memref_slice %arg9[%run_scoped3A, %dma_start3A_610] : memref<4x128xi32, #tpu.memory_space<vmem>> -> memref<1x128xi32, #tpu.memory_space<vmem>>
        %dma_start3A_612 = tpu.memref_squeeze %dma_start3A_611 : memref<1x128xi32, #tpu.memory_space<vmem>> -> memref<128xi32, #tpu.memory_space<vmem>>
        %dma_start3A_613 = arith.constant 0 : i32
        %dma_start3A_614 = arith.constant 0 : i32
        %dma_start3A_615 = tpu.memref_slice %arg12[%dma_start3A_613, %dma_start3A_614] : memref<4096x64xf32, #tpu.memory_space<vmem_shared>> -> memref<4096x64xf32, #tpu.memory_space<vmem_shared>>
        tpu.enqueue_indirect_dma source(%dma_start3A_609 : memref<128x64xf32, #tpu.memory_space<vmem>>) target(%dma_start3A_615 : memref<4096x64xf32, #tpu.memory_space<vmem_shared>>) offsets(%dma_start3A_612 : memref<128xi32, #tpu.memory_space<vmem>>) semaphore(%run_scoped3A_606 : memref<!tpu.dma_semaphore, #tpu.memory_space<semaphore_mem>>) {add = true}
        %dma_wait3A_616 = arith.constant 0 : i32
        %dma_wait3A_617 = arith.constant 0 : i32
        %dma_wait3A_618 = tpu.memref_slice %arg10[%dma_wait3A_616, %dma_wait3A_617] : memref<512x64xf32, #tpu.memory_space<vmem>> -> memref<128x64xf32, #tpu.memory_space<vmem>>
        %dma_wait3A_619 = arith.constant 0 : i32
        %dma_wait3A_620 = tpu.memref_slice %arg9[%run_scoped3A, %dma_wait3A_619] : memref<4x128xi32, #tpu.memory_space<vmem>> -> memref<1x128xi32, #tpu.memory_space<vmem>>
        %dma_wait3A_621 = tpu.memref_squeeze %dma_wait3A_620 : memref<1x128xi32, #tpu.memory_space<vmem>> -> memref<128xi32, #tpu.memory_space<vmem>>
        %dma_wait3A_622 = arith.constant 0 : i32
        %dma_wait3A_623 = arith.constant 0 : i32
        %dma_wait3A_624 = tpu.memref_slice %arg12[%dma_wait3A_622, %dma_wait3A_623] : memref<4096x64xf32, #tpu.memory_space<vmem_shared>> -> memref<4096x64xf32, #tpu.memory_space<vmem_shared>>
        tpu.wait_indirect_dma semaphore(%run_scoped3A_606 : memref<!tpu.dma_semaphore, #tpu.memory_space<semaphore_mem>>) src(%dma_wait3A_618 : memref<128x64xf32, #tpu.memory_space<vmem>>) dst(%dma_wait3A_624 : memref<4096x64xf32, #tpu.memory_space<vmem_shared>>)
        tpu.yield
      }) : () -> ()
      %run_scoped3A_603 = arith.constant 1 : i32
      "tpu.region"() ({
        %run_scoped3A_606 = tpu.sem_alloc : memref<!tpu.dma_semaphore, #tpu.memory_space<semaphore_mem>>
        %dma_start3A_607 = arith.constant 128 : i32
        %dma_start3A_608 = arith.constant 0 : i32
        %dma_start3A_609 = tpu.memref_slice %arg10[%dma_start3A_607, %dma_start3A_608] : memref<512x64xf32, #tpu.memory_space<vmem>> -> memref<128x64xf32, #tpu.memory_space<vmem>>
        %dma_start3A_610 = arith.constant 0 : i32
        %dma_start3A_611 = tpu.memref_slice %arg9[%run_scoped3A_603, %dma_start3A_610] : memref<4x128xi32, #tpu.memory_space<vmem>> -> memref<1x128xi32, #tpu.memory_space<vmem>>
        %dma_start3A_612 = tpu.memref_squeeze %dma_start3A_611 : memref<1x128xi32, #tpu.memory_space<vmem>> -> memref<128xi32, #tpu.memory_space<vmem>>
        %dma_start3A_613 = arith.constant 0 : i32
        %dma_start3A_614 = arith.constant 0 : i32
        %dma_start3A_615 = tpu.memref_slice %arg12[%dma_start3A_613, %dma_start3A_614] : memref<4096x64xf32, #tpu.memory_space<vmem_shared>> -> memref<4096x64xf32, #tpu.memory_space<vmem_shared>>
        tpu.enqueue_indirect_dma source(%dma_start3A_609 : memref<128x64xf32, #tpu.memory_space<vmem>>) target(%dma_start3A_615 : memref<4096x64xf32, #tpu.memory_space<vmem_shared>>) offsets(%dma_start3A_612 : memref<128xi32, #tpu.memory_space<vmem>>) semaphore(%run_scoped3A_606 : memref<!tpu.dma_semaphore, #tpu.memory_space<semaphore_mem>>) {add = true}
        %dma_wait3A_616 = arith.constant 128 : i32
        %dma_wait3A_617 = arith.constant 0 : i32
        %dma_wait3A_618 = tpu.memref_slice %arg10[%dma_wait3A_616, %dma_wait3A_617] : memref<512x64xf32, #tpu.memory_space<vmem>> -> memref<128x64xf32, #tpu.memory_space<vmem>>
        %dma_wait3A_619 = arith.constant 0 : i32
        %dma_wait3A_620 = tpu.memref_slice %arg9[%run_scoped3A_603, %dma_wait3A_619] : memref<4x128xi32, #tpu.memory_space<vmem>> -> memref<1x128xi32, #tpu.memory_space<vmem>>
        %dma_wait3A_621 = tpu.memref_squeeze %dma_wait3A_620 : memref<1x128xi32, #tpu.memory_space<vmem>> -> memref<128xi32, #tpu.memory_space<vmem>>
        %dma_wait3A_622 = arith.constant 0 : i32
        %dma_wait3A_623 = arith.constant 0 : i32
        %dma_wait3A_624 = tpu.memref_slice %arg12[%dma_wait3A_622, %dma_wait3A_623] : memref<4096x64xf32, #tpu.memory_space<vmem_shared>> -> memref<4096x64xf32, #tpu.memory_space<vmem_shared>>
        tpu.wait_indirect_dma semaphore(%run_scoped3A_606 : memref<!tpu.dma_semaphore, #tpu.memory_space<semaphore_mem>>) src(%dma_wait3A_618 : memref<128x64xf32, #tpu.memory_space<vmem>>) dst(%dma_wait3A_624 : memref<4096x64xf32, #tpu.memory_space<vmem_shared>>)
        tpu.yield
      }) : () -> ()
      %run_scoped3A_604 = arith.constant 2 : i32
      "tpu.region"() ({
        %run_scoped3A_606 = tpu.sem_alloc : memref<!tpu.dma_semaphore, #tpu.memory_space<semaphore_mem>>
        %dma_start3A_607 = arith.constant 256 : i32
        %dma_start3A_608 = arith.constant 0 : i32
        %dma_start3A_609 = tpu.memref_slice %arg10[%dma_start3A_607, %dma_start3A_608] : memref<512x64xf32, #tpu.memory_space<vmem>> -> memref<128x64xf32, #tpu.memory_space<vmem>>
        %dma_start3A_610 = arith.constant 0 : i32
        %dma_start3A_611 = tpu.memref_slice %arg9[%run_scoped3A_604, %dma_start3A_610] : memref<4x128xi32, #tpu.memory_space<vmem>> -> memref<1x128xi32, #tpu.memory_space<vmem>>
        %dma_start3A_612 = tpu.memref_squeeze %dma_start3A_611 : memref<1x128xi32, #tpu.memory_space<vmem>> -> memref<128xi32, #tpu.memory_space<vmem>>
        %dma_start3A_613 = arith.constant 0 : i32
        %dma_start3A_614 = arith.constant 0 : i32
        %dma_start3A_615 = tpu.memref_slice %arg12[%dma_start3A_613, %dma_start3A_614] : memref<4096x64xf32, #tpu.memory_space<vmem_shared>> -> memref<4096x64xf32, #tpu.memory_space<vmem_shared>>
        tpu.enqueue_indirect_dma source(%dma_start3A_609 : memref<128x64xf32, #tpu.memory_space<vmem>>) target(%dma_start3A_615 : memref<4096x64xf32, #tpu.memory_space<vmem_shared>>) offsets(%dma_start3A_612 : memref<128xi32, #tpu.memory_space<vmem>>) semaphore(%run_scoped3A_606 : memref<!tpu.dma_semaphore, #tpu.memory_space<semaphore_mem>>) {add = true}
        %dma_wait3A_616 = arith.constant 256 : i32
        %dma_wait3A_617 = arith.constant 0 : i32
        %dma_wait3A_618 = tpu.memref_slice %arg10[%dma_wait3A_616, %dma_wait3A_617] : memref<512x64xf32, #tpu.memory_space<vmem>> -> memref<128x64xf32, #tpu.memory_space<vmem>>
        %dma_wait3A_619 = arith.constant 0 : i32
        %dma_wait3A_620 = tpu.memref_slice %arg9[%run_scoped3A_604, %dma_wait3A_619] : memref<4x128xi32, #tpu.memory_space<vmem>> -> memref<1x128xi32, #tpu.memory_space<vmem>>
        %dma_wait3A_621 = tpu.memref_squeeze %dma_wait3A_620 : memref<1x128xi32, #tpu.memory_space<vmem>> -> memref<128xi32, #tpu.memory_space<vmem>>
        %dma_wait3A_622 = arith.constant 0 : i32
        %dma_wait3A_623 = arith.constant 0 : i32
        %dma_wait3A_624 = tpu.memref_slice %arg12[%dma_wait3A_622, %dma_wait3A_623] : memref<4096x64xf32, #tpu.memory_space<vmem_shared>> -> memref<4096x64xf32, #tpu.memory_space<vmem_shared>>
        tpu.wait_indirect_dma semaphore(%run_scoped3A_606 : memref<!tpu.dma_semaphore, #tpu.memory_space<semaphore_mem>>) src(%dma_wait3A_618 : memref<128x64xf32, #tpu.memory_space<vmem>>) dst(%dma_wait3A_624 : memref<4096x64xf32, #tpu.memory_space<vmem_shared>>)
        tpu.yield
      }) : () -> ()
      %run_scoped3A_605 = arith.constant 3 : i32
      "tpu.region"() ({
        %run_scoped3A_606 = tpu.sem_alloc : memref<!tpu.dma_semaphore, #tpu.memory_space<semaphore_mem>>
        %dma_start3A_607 = arith.constant 384 : i32
        %dma_start3A_608 = arith.constant 0 : i32
        %dma_start3A_609 = tpu.memref_slice %arg10[%dma_start3A_607, %dma_start3A_608] : memref<512x64xf32, #tpu.memory_space<vmem>> -> memref<128x64xf32, #tpu.memory_space<vmem>>
        %dma_start3A_610 = arith.constant 0 : i32
        %dma_start3A_611 = tpu.memref_slice %arg9[%run_scoped3A_605, %dma_start3A_610] : memref<4x128xi32, #tpu.memory_space<vmem>> -> memref<1x128xi32, #tpu.memory_space<vmem>>
        %dma_start3A_612 = tpu.memref_squeeze %dma_start3A_611 : memref<1x128xi32, #tpu.memory_space<vmem>> -> memref<128xi32, #tpu.memory_space<vmem>>
        %dma_start3A_613 = arith.constant 0 : i32
        %dma_start3A_614 = arith.constant 0 : i32
        %dma_start3A_615 = tpu.memref_slice %arg12[%dma_start3A_613, %dma_start3A_614] : memref<4096x64xf32, #tpu.memory_space<vmem_shared>> -> memref<4096x64xf32, #tpu.memory_space<vmem_shared>>
        tpu.enqueue_indirect_dma source(%dma_start3A_609 : memref<128x64xf32, #tpu.memory_space<vmem>>) target(%dma_start3A_615 : memref<4096x64xf32, #tpu.memory_space<vmem_shared>>) offsets(%dma_start3A_612 : memref<128xi32, #tpu.memory_space<vmem>>) semaphore(%run_scoped3A_606 : memref<!tpu.dma_semaphore, #tpu.memory_space<semaphore_mem>>) {add = true}
        %dma_wait3A_616 = arith.constant 384 : i32
        %dma_wait3A_617 = arith.constant 0 : i32
        %dma_wait3A_618 = tpu.memref_slice %arg10[%dma_wait3A_616, %dma_wait3A_617] : memref<512x64xf32, #tpu.memory_space<vmem>> -> memref<128x64xf32, #tpu.memory_space<vmem>>
        %dma_wait3A_619 = arith.constant 0 : i32
        %dma_wait3A_620 = tpu.memref_slice %arg9[%run_scoped3A_605, %dma_wait3A_619] : memref<4x128xi32, #tpu.memory_space<vmem>> -> memref<1x128xi32, #tpu.memory_space<vmem>>
        %dma_wait3A_621 = tpu.memref_squeeze %dma_wait3A_620 : memref<1x128xi32, #tpu.memory_space<vmem>> -> memref<128xi32, #tpu.memory_space<vmem>>
        %dma_wait3A_622 = arith.constant 0 : i32
        %dma_wait3A_623 = arith.constant 0 : i32
        %dma_wait3A_624 = tpu.memref_slice %arg12[%dma_wait3A_622, %dma_wait3A_623] : memref<4096x64xf32, #tpu.memory_space<vmem_shared>> -> memref<4096x64xf32, #tpu.memory_space<vmem_shared>>
        tpu.wait_indirect_dma semaphore(%run_scoped3A_606 : memref<!tpu.dma_semaphore, #tpu.memory_space<semaphore_mem>>) src(%dma_wait3A_618 : memref<128x64xf32, #tpu.memory_space<vmem>>) dst(%dma_wait3A_624 : memref<4096x64xf32, #tpu.memory_space<vmem_shared>>)
        tpu.yield
      }) : () -> ()
    }
    %scan3A_16 = arith.constant 16 : i32
    %barrier3A_17 = arith.constant 0 : index
    tpu.barrier barrier_id(%barrier3A_17)
    %add3A_18 = arith.addi %mul3A_11, %mul3A_1 : i32
    "tpu.region"() ({
      %run_scoped3A = tpu.sem_alloc : memref<!tpu.dma_semaphore, #tpu.memory_space<semaphore_mem>>
      %dma_start3A = arith.constant 0 : i32
      %dma_start3A_19 = tpu.memref_slice %arg6[%add3A_18, %dma_start3A] : memref<8192x64xf32, #tpu.memory_space<hbm>> -> memref<256x64xf32, #tpu.memory_space<hbm>>
      %dma_start3A_20 = arith.constant 0 : i32
      %dma_start3A_21 = tpu.memref_slice %arg12[%mul3A_1, %dma_start3A_20] : memref<4096x64xf32, #tpu.memory_space<vmem_shared>> -> memref<256x64xf32, #tpu.memory_space<vmem_shared>>
      tpu.enqueue_dma source(%dma_start3A_21 : memref<256x64xf32, #tpu.memory_space<vmem_shared>>) target(%dma_start3A_19 : memref<256x64xf32, #tpu.memory_space<hbm>>) target_semaphore(%run_scoped3A : memref<!tpu.dma_semaphore, #tpu.memory_space<semaphore_mem>>)
      %dma_wait3A = arith.constant 0 : i32
      %dma_wait3A_22 = tpu.memref_slice %arg6[%add3A_18, %dma_wait3A] : memref<8192x64xf32, #tpu.memory_space<hbm>> -> memref<256x64xf32, #tpu.memory_space<hbm>>
      %dma_wait3A_23 = arith.constant 0 : i32
      %dma_wait3A_24 = tpu.memref_slice %arg12[%mul3A_1, %dma_wait3A_23] : memref<4096x64xf32, #tpu.memory_space<vmem_shared>> -> memref<256x64xf32, #tpu.memory_space<vmem_shared>>
      tpu.wait_dma2 semaphore(%run_scoped3A : memref<!tpu.dma_semaphore, #tpu.memory_space<semaphore_mem>>) src(%dma_wait3A_24 : memref<256x64xf32, #tpu.memory_space<vmem_shared>>) dst(%dma_wait3A_22 : memref<256x64xf32, #tpu.memory_space<hbm>>)
      tpu.yield
    }) : () -> ()
    return
  }
}

#map = affine_map<(d0, d1) -> (0, 0)>
module attributes {stable_mosaic.version = 14 : i64} {
  func.func @_edge_agg_body(%arg0: i32, %arg1: i32, %arg2: memref<8192x64xf32, #tpu.memory_space<hbm>>, %arg3: memref<8192x64xf32, #tpu.memory_space<hbm>>, %arg4: memref<2048x128xi32, #tpu.memory_space<hbm>>, %arg5: memref<2048x128xi32, #tpu.memory_space<hbm>>, %arg6: memref<8192x64xf32, #tpu.memory_space<hbm>>, %arg7: memref<4x128xi32, #tpu.memory_space<vmem>>, %arg8: memref<4x128xi32, #tpu.memory_space<vmem>>, %arg9: memref<4x128xi32, #tpu.memory_space<vmem>>, %arg10: memref<512x64xf32, #tpu.memory_space<vmem>>, %arg11: memref<512x64xf32, #tpu.memory_space<vmem>>, %arg12: memref<4096x64xf32, #tpu.memory_space<vmem_shared>>, %arg13: memref<!tpu.dma_semaphore, #tpu.memory_space<semaphore_mem>>, %arg14: memref<!tpu.dma_semaphore, #tpu.memory_space<semaphore_mem>>) attributes {dimension_semantics = [#tpu.dimension_semantics<core_parallel>, #tpu.dimension_semantics<subcore_parallel>], iteration_bounds = array<i64: 2, 16>, scalar_prefetch = 0 : i64, scratch_operands = 8 : i64, tpu.core_type = #tpu.core_type<sc_vector_subcore>, window_params = [{transform_indices = #map}, {transform_indices = #map}, {transform_indices = #map}, {transform_indices = #map}, {transform_indices = #map}]} {
    %broadcast_in_dim3A = arith.constant 0.000000e+00 : f32
    %broadcast_in_dim3A_0 = vector.broadcast %broadcast_in_dim3A : f32 to vector<16xf32>
    %mul3A = arith.constant 256 : i32
    %mul3A_1 = arith.muli %arg1, %mul3A : i32
    %scan3A = arith.constant 0 : i32
    %scan3A_2 = arith.constant 256 : i32
    %scan3A_3 = arith.addi %scan3A, %scan3A_2 : i32
    %scan3A_4 = arith.constant 1 : i32
    scf.for %scan3A_19 = %scan3A to %scan3A_3 step %scan3A_4  : i32 {
      %mul3A_20 = arith.constant 1 : i32
      %mul3A_21 = arith.muli %scan3A_19, %mul3A_20 : i32
      %add3A_22 = arith.constant 0 : i32
      %add3A_23 = arith.addi %add3A_22, %mul3A_21 : i32
      %swap3A = arith.index_cast %add3A_23 : i32 to index
      %swap3A_24 = arith.constant 0 : index
      %swap3A_25 = tpu.vector_load %arg10[%swap3A, %swap3A_24] {strides = array<i32>} : memref<512x64xf32, #tpu.memory_space<vmem>>, vector<1x16xf32>,
      %swap3A_26 = vector.shape_cast %swap3A_25 : vector<1x16xf32> to vector<16xf32>
      %swap3A_27 = vector.shape_cast %broadcast_in_dim3A_0 : vector<16xf32> to vector<1x16xf32>
      tpu.vector_store %arg10[%swap3A, %swap3A_24], %swap3A_27 {strides = array<i32>} : memref<512x64xf32, #tpu.memory_space<vmem>>, vector<1x16xf32>,
      %swap3A_28 = arith.index_cast %add3A_23 : i32 to index
      %swap3A_29 = arith.constant 16 : index
      %swap3A_30 = tpu.vector_load %arg10[%swap3A_28, %swap3A_29] {strides = array<i32>} : memref<512x64xf32, #tpu.memory_space<vmem>>, vector<1x16xf32>,
      %swap3A_31 = vector.shape_cast %swap3A_30 : vector<1x16xf32> to vector<16xf32>
      %swap3A_32 = vector.shape_cast %broadcast_in_dim3A_0 : vector<16xf32> to vector<1x16xf32>
      tpu.vector_store %arg10[%swap3A_28, %swap3A_29], %swap3A_32 {strides = array<i32>} : memref<512x64xf32, #tpu.memory_space<vmem>>, vector<1x16xf32>,
      %swap3A_33 = arith.index_cast %add3A_23 : i32 to index
      %swap3A_34 = arith.constant 32 : index
      %swap3A_35 = tpu.vector_load %arg10[%swap3A_33, %swap3A_34] {strides = array<i32>} : memref<512x64xf32, #tpu.memory_space<vmem>>, vector<1x16xf32>,
      %swap3A_36 = vector.shape_cast %swap3A_35 : vector<1x16xf32> to vector<16xf32>
      %swap3A_37 = vector.shape_cast %broadcast_in_dim3A_0 : vector<16xf32> to vector<1x16xf32>
      tpu.vector_store %arg10[%swap3A_33, %swap3A_34], %swap3A_37 {strides = array<i32>} : memref<512x64xf32, #tpu.memory_space<vmem>>, vector<1x16xf32>,
      %swap3A_38 = arith.index_cast %add3A_23 : i32 to index
      %swap3A_39 = arith.constant 48 : index
      %swap3A_40 = tpu.vector_load %arg10[%swap3A_38, %swap3A_39] {strides = array<i32>} : memref<512x64xf32, #tpu.memory_space<vmem>>, vector<1x16xf32>,
      %swap3A_41 = vector.shape_cast %swap3A_40 : vector<1x16xf32> to vector<16xf32>
      %swap3A_42 = vector.shape_cast %broadcast_in_dim3A_0 : vector<16xf32> to vector<1x16xf32>
      tpu.vector_store %arg10[%swap3A_38, %swap3A_39], %swap3A_42 {strides = array<i32>} : memref<512x64xf32, #tpu.memory_space<vmem>>, vector<1x16xf32>,
    }
    %scan3A_5 = arith.constant 256 : i32
    "tpu.region"() ({
      %run_scoped3A = tpu.sem_alloc : memref<!tpu.dma_semaphore, #tpu.memory_space<semaphore_mem>>
      %dma_start3A = arith.constant 0 : i32
      %dma_start3A_19 = arith.constant 0 : i32
      %dma_start3A_20 = tpu.memref_slice %arg10[%dma_start3A, %dma_start3A_19] : memref<512x64xf32, #tpu.memory_space<vmem>> -> memref<256x64xf32, #tpu.memory_space<vmem>>
      %dma_start3A_21 = arith.constant 0 : i32
      %dma_start3A_22 = tpu.memref_slice %arg12[%mul3A_1, %dma_start3A_21] : memref<4096x64xf32, #tpu.memory_space<vmem_shared>> -> memref<256x64xf32, #tpu.memory_space<vmem_shared>>
      %dma_start3A_23 = arith.constant 0 : i32
      %dma_start3A_24 = tpu.memref_slice %arg12[%mul3A_1, %dma_start3A_23] : memref<4096x64xf32, #tpu.memory_space<vmem_shared>> -> memref<256x64xf32, #tpu.memory_space<vmem_shared>>
      %dma_start3A_25 = arith.constant 0 : i32
      %dma_start3A_26 = arith.constant 0 : i32
      %dma_start3A_27 = tpu.memref_slice %arg10[%dma_start3A_25, %dma_start3A_26] : memref<512x64xf32, #tpu.memory_space<vmem>> -> memref<256x64xf32, #tpu.memory_space<vmem>>
      tpu.enqueue_dma source(%dma_start3A_27 : memref<256x64xf32, #tpu.memory_space<vmem>>) target(%dma_start3A_24 : memref<256x64xf32, #tpu.memory_space<vmem_shared>>) target_semaphore(%run_scoped3A : memref<!tpu.dma_semaphore, #tpu.memory_space<semaphore_mem>>)
      %dma_wait3A = arith.constant 0 : i32
      %dma_wait3A_28 = arith.constant 0 : i32
      %dma_wait3A_29 = tpu.memref_slice %arg10[%dma_wait3A, %dma_wait3A_28] : memref<512x64xf32, #tpu.memory_space<vmem>> -> memref<256x64xf32, #tpu.memory_space<vmem>>
      %dma_wait3A_30 = arith.constant 0 : i32
      %dma_wait3A_31 = tpu.memref_slice %arg12[%mul3A_1, %dma_wait3A_30] : memref<4096x64xf32, #tpu.memory_space<vmem_shared>> -> memref<256x64xf32, #tpu.memory_space<vmem_shared>>
      %dma_wait3A_32 = arith.constant 0 : i32
      %dma_wait3A_33 = tpu.memref_slice %arg12[%mul3A_1, %dma_wait3A_32] : memref<4096x64xf32, #tpu.memory_space<vmem_shared>> -> memref<256x64xf32, #tpu.memory_space<vmem_shared>>
      %dma_wait3A_34 = arith.constant 0 : i32
      %dma_wait3A_35 = arith.constant 0 : i32
      %dma_wait3A_36 = tpu.memref_slice %arg10[%dma_wait3A_34, %dma_wait3A_35] : memref<512x64xf32, #tpu.memory_space<vmem>> -> memref<256x64xf32, #tpu.memory_space<vmem>>
      tpu.wait_dma2 semaphore(%run_scoped3A : memref<!tpu.dma_semaphore, #tpu.memory_space<semaphore_mem>>) src(%dma_wait3A_36 : memref<256x64xf32, #tpu.memory_space<vmem>>) dst(%dma_wait3A_33 : memref<256x64xf32, #tpu.memory_space<vmem_shared>>)
      tpu.yield
    }) : () -> ()
    %barrier3A = arith.constant 0 : index
    tpu.barrier barrier_id(%barrier3A)
    %mul3A_6 = arith.constant 16 : i32
    %mul3A_7 = arith.muli %arg0, %mul3A_6 : i32
    %add3A = arith.addi %mul3A_7, %arg1 : i32
    %mul3A_8 = arith.constant 64 : i32
    %mul3A_9 = arith.muli %add3A, %mul3A_8 : i32
    %mul3A_10 = arith.constant 4096 : i32
    %mul3A_11 = arith.muli %arg0, %mul3A_10 : i32
    %scan3A_12 = arith.constant 0 : i32
    %scan3A_13 = arith.constant 16 : i32
    %scan3A_14 = arith.addi %scan3A_12, %scan3A_13 : i32
    %scan3A_15 = arith.constant 1 : i32
    scf.for %scan3A_19 = %scan3A_12 to %scan3A_14 step %scan3A_15  : i32 {
      %mul3A_20 = arith.constant 1 : i32
      %mul3A_21 = arith.muli %scan3A_19, %mul3A_20 : i32
      %add3A_22 = arith.constant 0 : i32
      %add3A_23 = arith.addi %add3A_22, %mul3A_21 : i32
      %mul3A_24 = arith.constant 4 : i32
      %mul3A_25 = arith.muli %add3A_23, %mul3A_24 : i32
      %add3A_26 = arith.addi %mul3A_9, %mul3A_25 : i32
      "tpu.region"() ({
        %run_scoped3A_606 = tpu.sem_alloc : memref<!tpu.dma_semaphore, #tpu.memory_space<semaphore_mem>>
        %dma_start3A_607 = arith.constant 0 : i32
        %dma_start3A_608 = tpu.memref_slice %arg4[%add3A_26, %dma_start3A_607] : memref<2048x128xi32, #tpu.memory_space<hbm>> -> memref<4x128xi32, #tpu.memory_space<hbm>>
        %dma_start3A_609 = arith.constant 0 : i32
        %dma_start3A_610 = tpu.memref_slice %arg4[%add3A_26, %dma_start3A_609] : memref<2048x128xi32, #tpu.memory_space<hbm>> -> memref<4x128xi32, #tpu.memory_space<hbm>>
        tpu.enqueue_dma source(%dma_start3A_610 : memref<4x128xi32, #tpu.memory_space<hbm>>) target(%arg7 : memref<4x128xi32, #tpu.memory_space<vmem>>) target_semaphore(%run_scoped3A_606 : memref<!tpu.dma_semaphore, #tpu.memory_space<semaphore_mem>>)
        %dma_wait3A_611 = arith.constant 0 : i32
        %dma_wait3A_612 = tpu.memref_slice %arg4[%add3A_26, %dma_wait3A_611] : memref<2048x128xi32, #tpu.memory_space<hbm>> -> memref<4x128xi32, #tpu.memory_space<hbm>>
        %dma_wait3A_613 = arith.constant 0 : i32
        %dma_wait3A_614 = tpu.memref_slice %arg4[%add3A_26, %dma_wait3A_613] : memref<2048x128xi32, #tpu.memory_space<hbm>> -> memref<4x128xi32, #tpu.memory_space<hbm>>
        tpu.wait_dma2 semaphore(%run_scoped3A_606 : memref<!tpu.dma_semaphore, #tpu.memory_space<semaphore_mem>>) src(%dma_wait3A_614 : memref<4x128xi32, #tpu.memory_space<hbm>>) dst(%arg7 : memref<4x128xi32, #tpu.memory_space<vmem>>)
        tpu.yield
      }) : () -> ()
      "tpu.region"() ({
        %run_scoped3A_606 = tpu.sem_alloc : memref<!tpu.dma_semaphore, #tpu.memory_space<semaphore_mem>>
        %dma_start3A_607 = arith.constant 0 : i32
        %dma_start3A_608 = tpu.memref_slice %arg5[%add3A_26, %dma_start3A_607] : memref<2048x128xi32, #tpu.memory_space<hbm>> -> memref<4x128xi32, #tpu.memory_space<hbm>>
        %dma_start3A_609 = arith.constant 0 : i32
        %dma_start3A_610 = tpu.memref_slice %arg5[%add3A_26, %dma_start3A_609] : memref<2048x128xi32, #tpu.memory_space<hbm>> -> memref<4x128xi32, #tpu.memory_space<hbm>>
        tpu.enqueue_dma source(%dma_start3A_610 : memref<4x128xi32, #tpu.memory_space<hbm>>) target(%arg8 : memref<4x128xi32, #tpu.memory_space<vmem>>) target_semaphore(%run_scoped3A_606 : memref<!tpu.dma_semaphore, #tpu.memory_space<semaphore_mem>>)
        %dma_wait3A_611 = arith.constant 0 : i32
        %dma_wait3A_612 = tpu.memref_slice %arg5[%add3A_26, %dma_wait3A_611] : memref<2048x128xi32, #tpu.memory_space<hbm>> -> memref<4x128xi32, #tpu.memory_space<hbm>>
        %dma_wait3A_613 = arith.constant 0 : i32
        %dma_wait3A_614 = tpu.memref_slice %arg5[%add3A_26, %dma_wait3A_613] : memref<2048x128xi32, #tpu.memory_space<hbm>> -> memref<4x128xi32, #tpu.memory_space<hbm>>
        tpu.wait_dma2 semaphore(%run_scoped3A_606 : memref<!tpu.dma_semaphore, #tpu.memory_space<semaphore_mem>>) src(%dma_wait3A_614 : memref<4x128xi32, #tpu.memory_space<hbm>>) dst(%arg8 : memref<4x128xi32, #tpu.memory_space<vmem>>)
        tpu.yield
      }) : () -> ()
      %get3A = arith.constant 0 : i32
      %get3A_27 = arith.index_cast %get3A : i32 to index
      %get3A_28 = arith.constant 0 : index
      %get3A_29 = tpu.vector_load %arg8[%get3A_27, %get3A_28] {strides = array<i32>} : memref<4x128xi32, #tpu.memory_space<vmem>>, vector<1x16xi32>,
      %get3A_30 = vector.shape_cast %get3A_29 : vector<1x16xi32> to vector<16xi32>
      %sub3A = vector.broadcast %mul3A_11 : i32 to vector<16xi32>
      %sub3A_31 = arith.subi %get3A_30, %sub3A : vector<16xi32>
      %swap3A = arith.constant 0 : i32
      %swap3A_32 = arith.index_cast %swap3A : i32 to index
      %swap3A_33 = arith.constant 0 : index
      %swap3A_34 = tpu.vector_load %arg9[%swap3A_32, %swap3A_33] {strides = array<i32>} : memref<4x128xi32, #tpu.memory_space<vmem>>, vector<1x16xi32>,
      %swap3A_35 = vector.shape_cast %swap3A_34 : vector<1x16xi32> to vector<16xi32>
      %swap3A_36 = vector.shape_cast %sub3A_31 : vector<16xi32> to vector<1x16xi32>
      tpu.vector_store %arg9[%swap3A_32, %swap3A_33], %swap3A_36 {strides = array<i32>} : memref<4x128xi32, #tpu.memory_space<vmem>>, vector<1x16xi32>,
      %get3A_37 = arith.constant 0 : i32
      %get3A_38 = arith.index_cast %get3A_37 : i32 to index
      %get3A_39 = arith.constant 16 : index
      %get3A_40 = tpu.vector_load %arg8[%get3A_38, %get3A_39] {strides = array<i32>} : memref<4x128xi32, #tpu.memory_space<vmem>>, vector<1x16xi32>,
      %get3A_41 = vector.shape_cast %get3A_40 : vector<1x16xi32> to vector<16xi32>
      %sub3A_42 = vector.broadcast %mul3A_11 : i32 to vector<16xi32>
      %sub3A_43 = arith.subi %get3A_41, %sub3A_42 : vector<16xi32>
      %swap3A_44 = arith.constant 0 : i32
      %swap3A_45 = arith.index_cast %swap3A_44 : i32 to index
      %swap3A_46 = arith.constant 16 : index
      %swap3A_47 = tpu.vector_load %arg9[%swap3A_45, %swap3A_46] {strides = array<i32>} : memref<4x128xi32, #tpu.memory_space<vmem>>, vector<1x16xi32>,
      %swap3A_48 = vector.shape_cast %swap3A_47 : vector<1x16xi32> to vector<16xi32>
      %swap3A_49 = vector.shape_cast %sub3A_43 : vector<16xi32> to vector<1x16xi32>
      tpu.vector_store %arg9[%swap3A_45, %swap3A_46], %swap3A_49 {strides = array<i32>} : memref<4x128xi32, #tpu.memory_space<vmem>>, vector<1x16xi32>,
      %get3A_50 = arith.constant 0 : i32
      %get3A_51 = arith.index_cast %get3A_50 : i32 to index
      %get3A_52 = arith.constant 32 : index
      %get3A_53 = tpu.vector_load %arg8[%get3A_51, %get3A_52] {strides = array<i32>} : memref<4x128xi32, #tpu.memory_space<vmem>>, vector<1x16xi32>,
      %get3A_54 = vector.shape_cast %get3A_53 : vector<1x16xi32> to vector<16xi32>
      %sub3A_55 = vector.broadcast %mul3A_11 : i32 to vector<16xi32>
      %sub3A_56 = arith.subi %get3A_54, %sub3A_55 : vector<16xi32>
      %swap3A_57 = arith.constant 0 : i32
      %swap3A_58 = arith.index_cast %swap3A_57 : i32 to index
      %swap3A_59 = arith.constant 32 : index
      %swap3A_60 = tpu.vector_load %arg9[%swap3A_58, %swap3A_59] {strides = array<i32>} : memref<4x128xi32, #tpu.memory_space<vmem>>, vector<1x16xi32>,
      %swap3A_61 = vector.shape_cast %swap3A_60 : vector<1x16xi32> to vector<16xi32>
      %swap3A_62 = vector.shape_cast %sub3A_56 : vector<16xi32> to vector<1x16xi32>
      tpu.vector_store %arg9[%swap3A_58, %swap3A_59], %swap3A_62 {strides = array<i32>} : memref<4x128xi32, #tpu.memory_space<vmem>>, vector<1x16xi32>,
      %get3A_63 = arith.constant 0 : i32
      %get3A_64 = arith.index_cast %get3A_63 : i32 to index
      %get3A_65 = arith.constant 48 : index
      %get3A_66 = tpu.vector_load %arg8[%get3A_64, %get3A_65] {strides = array<i32>} : memref<4x128xi32, #tpu.memory_space<vmem>>, vector<1x16xi32>,
      %get3A_67 = vector.shape_cast %get3A_66 : vector<1x16xi32> to vector<16xi32>
      %sub3A_68 = vector.broadcast %mul3A_11 : i32 to vector<16xi32>
      %sub3A_69 = arith.subi %get3A_67, %sub3A_68 : vector<16xi32>
      %swap3A_70 = arith.constant 0 : i32
      %swap3A_71 = arith.index_cast %swap3A_70 : i32 to index
      %swap3A_72 = arith.constant 48 : index
      %swap3A_73 = tpu.vector_load %arg9[%swap3A_71, %swap3A_72] {strides = array<i32>} : memref<4x128xi32, #tpu.memory_space<vmem>>, vector<1x16xi32>,
      %swap3A_74 = vector.shape_cast %swap3A_73 : vector<1x16xi32> to vector<16xi32>
      %swap3A_75 = vector.shape_cast %sub3A_69 : vector<16xi32> to vector<1x16xi32>
      tpu.vector_store %arg9[%swap3A_71, %swap3A_72], %swap3A_75 {strides = array<i32>} : memref<4x128xi32, #tpu.memory_space<vmem>>, vector<1x16xi32>,
      %get3A_76 = arith.constant 0 : i32
      %get3A_77 = arith.index_cast %get3A_76 : i32 to index
      %get3A_78 = arith.constant 64 : index
      %get3A_79 = tpu.vector_load %arg8[%get3A_77, %get3A_78] {strides = array<i32>} : memref<4x128xi32, #tpu.memory_space<vmem>>, vector<1x16xi32>,
      %get3A_80 = vector.shape_cast %get3A_79 : vector<1x16xi32> to vector<16xi32>
      %sub3A_81 = vector.broadcast %mul3A_11 : i32 to vector<16xi32>
      %sub3A_82 = arith.subi %get3A_80, %sub3A_81 : vector<16xi32>
      %swap3A_83 = arith.constant 0 : i32
      %swap3A_84 = arith.index_cast %swap3A_83 : i32 to index
      %swap3A_85 = arith.constant 64 : index
      %swap3A_86 = tpu.vector_load %arg9[%swap3A_84, %swap3A_85] {strides = array<i32>} : memref<4x128xi32, #tpu.memory_space<vmem>>, vector<1x16xi32>,
      %swap3A_87 = vector.shape_cast %swap3A_86 : vector<1x16xi32> to vector<16xi32>
      %swap3A_88 = vector.shape_cast %sub3A_82 : vector<16xi32> to vector<1x16xi32>
      tpu.vector_store %arg9[%swap3A_84, %swap3A_85], %swap3A_88 {strides = array<i32>} : memref<4x128xi32, #tpu.memory_space<vmem>>, vector<1x16xi32>,
      %get3A_89 = arith.constant 0 : i32
      %get3A_90 = arith.index_cast %get3A_89 : i32 to index
      %get3A_91 = arith.constant 80 : index
      %get3A_92 = tpu.vector_load %arg8[%get3A_90, %get3A_91] {strides = array<i32>} : memref<4x128xi32, #tpu.memory_space<vmem>>, vector<1x16xi32>,
      %get3A_93 = vector.shape_cast %get3A_92 : vector<1x16xi32> to vector<16xi32>
      %sub3A_94 = vector.broadcast %mul3A_11 : i32 to vector<16xi32>
      %sub3A_95 = arith.subi %get3A_93, %sub3A_94 : vector<16xi32>
      %swap3A_96 = arith.constant 0 : i32
      %swap3A_97 = arith.index_cast %swap3A_96 : i32 to index
      %swap3A_98 = arith.constant 80 : index
      %swap3A_99 = tpu.vector_load %arg9[%swap3A_97, %swap3A_98] {strides = array<i32>} : memref<4x128xi32, #tpu.memory_space<vmem>>, vector<1x16xi32>,
      %swap3A_100 = vector.shape_cast %swap3A_99 : vector<1x16xi32> to vector<16xi32>
      %swap3A_101 = vector.shape_cast %sub3A_95 : vector<16xi32> to vector<1x16xi32>
      tpu.vector_store %arg9[%swap3A_97, %swap3A_98], %swap3A_101 {strides = array<i32>} : memref<4x128xi32, #tpu.memory_space<vmem>>, vector<1x16xi32>,
      %get3A_102 = arith.constant 0 : i32
      %get3A_103 = arith.index_cast %get3A_102 : i32 to index
      %get3A_104 = arith.constant 96 : index
      %get3A_105 = tpu.vector_load %arg8[%get3A_103, %get3A_104] {strides = array<i32>} : memref<4x128xi32, #tpu.memory_space<vmem>>, vector<1x16xi32>,
      %get3A_106 = vector.shape_cast %get3A_105 : vector<1x16xi32> to vector<16xi32>
      %sub3A_107 = vector.broadcast %mul3A_11 : i32 to vector<16xi32>
      %sub3A_108 = arith.subi %get3A_106, %sub3A_107 : vector<16xi32>
      %swap3A_109 = arith.constant 0 : i32
      %swap3A_110 = arith.index_cast %swap3A_109 : i32 to index
      %swap3A_111 = arith.constant 96 : index
      %swap3A_112 = tpu.vector_load %arg9[%swap3A_110, %swap3A_111] {strides = array<i32>} : memref<4x128xi32, #tpu.memory_space<vmem>>, vector<1x16xi32>,
      %swap3A_113 = vector.shape_cast %swap3A_112 : vector<1x16xi32> to vector<16xi32>
      %swap3A_114 = vector.shape_cast %sub3A_108 : vector<16xi32> to vector<1x16xi32>
      tpu.vector_store %arg9[%swap3A_110, %swap3A_111], %swap3A_114 {strides = array<i32>} : memref<4x128xi32, #tpu.memory_space<vmem>>, vector<1x16xi32>,
      %get3A_115 = arith.constant 0 : i32
      %get3A_116 = arith.index_cast %get3A_115 : i32 to index
      %get3A_117 = arith.constant 112 : index
      %get3A_118 = tpu.vector_load %arg8[%get3A_116, %get3A_117] {strides = array<i32>} : memref<4x128xi32, #tpu.memory_space<vmem>>, vector<1x16xi32>,
      %get3A_119 = vector.shape_cast %get3A_118 : vector<1x16xi32> to vector<16xi32>
      %sub3A_120 = vector.broadcast %mul3A_11 : i32 to vector<16xi32>
      %sub3A_121 = arith.subi %get3A_119, %sub3A_120 : vector<16xi32>
      %swap3A_122 = arith.constant 0 : i32
      %swap3A_123 = arith.index_cast %swap3A_122 : i32 to index
      %swap3A_124 = arith.constant 112 : index
      %swap3A_125 = tpu.vector_load %arg9[%swap3A_123, %swap3A_124] {strides = array<i32>} : memref<4x128xi32, #tpu.memory_space<vmem>>, vector<1x16xi32>,
      %swap3A_126 = vector.shape_cast %swap3A_125 : vector<1x16xi32> to vector<16xi32>
      %swap3A_127 = vector.shape_cast %sub3A_121 : vector<16xi32> to vector<1x16xi32>
      tpu.vector_store %arg9[%swap3A_123, %swap3A_124], %swap3A_127 {strides = array<i32>} : memref<4x128xi32, #tpu.memory_space<vmem>>, vector<1x16xi32>,
      %get3A_128 = arith.constant 1 : i32
      %get3A_129 = arith.index_cast %get3A_128 : i32 to index
      %get3A_130 = arith.constant 0 : index
      %get3A_131 = tpu.vector_load %arg8[%get3A_129, %get3A_130] {strides = array<i32>} : memref<4x128xi32, #tpu.memory_space<vmem>>, vector<1x16xi32>,
      %get3A_132 = vector.shape_cast %get3A_131 : vector<1x16xi32> to vector<16xi32>
      %sub3A_133 = vector.broadcast %mul3A_11 : i32 to vector<16xi32>
      %sub3A_134 = arith.subi %get3A_132, %sub3A_133 : vector<16xi32>
      %swap3A_135 = arith.constant 1 : i32
      %swap3A_136 = arith.index_cast %swap3A_135 : i32 to index
      %swap3A_137 = arith.constant 0 : index
      %swap3A_138 = tpu.vector_load %arg9[%swap3A_136, %swap3A_137] {strides = array<i32>} : memref<4x128xi32, #tpu.memory_space<vmem>>, vector<1x16xi32>,
      %swap3A_139 = vector.shape_cast %swap3A_138 : vector<1x16xi32> to vector<16xi32>
      %swap3A_140 = vector.shape_cast %sub3A_134 : vector<16xi32> to vector<1x16xi32>
      tpu.vector_store %arg9[%swap3A_136, %swap3A_137], %swap3A_140 {strides = array<i32>} : memref<4x128xi32, #tpu.memory_space<vmem>>, vector<1x16xi32>,
      %get3A_141 = arith.constant 1 : i32
      %get3A_142 = arith.index_cast %get3A_141 : i32 to index
      %get3A_143 = arith.constant 16 : index
      %get3A_144 = tpu.vector_load %arg8[%get3A_142, %get3A_143] {strides = array<i32>} : memref<4x128xi32, #tpu.memory_space<vmem>>, vector<1x16xi32>,
      %get3A_145 = vector.shape_cast %get3A_144 : vector<1x16xi32> to vector<16xi32>
      %sub3A_146 = vector.broadcast %mul3A_11 : i32 to vector<16xi32>
      %sub3A_147 = arith.subi %get3A_145, %sub3A_146 : vector<16xi32>
      %swap3A_148 = arith.constant 1 : i32
      %swap3A_149 = arith.index_cast %swap3A_148 : i32 to index
      %swap3A_150 = arith.constant 16 : index
      %swap3A_151 = tpu.vector_load %arg9[%swap3A_149, %swap3A_150] {strides = array<i32>} : memref<4x128xi32, #tpu.memory_space<vmem>>, vector<1x16xi32>,
      %swap3A_152 = vector.shape_cast %swap3A_151 : vector<1x16xi32> to vector<16xi32>
      %swap3A_153 = vector.shape_cast %sub3A_147 : vector<16xi32> to vector<1x16xi32>
      tpu.vector_store %arg9[%swap3A_149, %swap3A_150], %swap3A_153 {strides = array<i32>} : memref<4x128xi32, #tpu.memory_space<vmem>>, vector<1x16xi32>,
      %get3A_154 = arith.constant 1 : i32
      %get3A_155 = arith.index_cast %get3A_154 : i32 to index
      %get3A_156 = arith.constant 32 : index
      %get3A_157 = tpu.vector_load %arg8[%get3A_155, %get3A_156] {strides = array<i32>} : memref<4x128xi32, #tpu.memory_space<vmem>>, vector<1x16xi32>,
      %get3A_158 = vector.shape_cast %get3A_157 : vector<1x16xi32> to vector<16xi32>
      %sub3A_159 = vector.broadcast %mul3A_11 : i32 to vector<16xi32>
      %sub3A_160 = arith.subi %get3A_158, %sub3A_159 : vector<16xi32>
      %swap3A_161 = arith.constant 1 : i32
      %swap3A_162 = arith.index_cast %swap3A_161 : i32 to index
      %swap3A_163 = arith.constant 32 : index
      %swap3A_164 = tpu.vector_load %arg9[%swap3A_162, %swap3A_163] {strides = array<i32>} : memref<4x128xi32, #tpu.memory_space<vmem>>, vector<1x16xi32>,
      %swap3A_165 = vector.shape_cast %swap3A_164 : vector<1x16xi32> to vector<16xi32>
      %swap3A_166 = vector.shape_cast %sub3A_160 : vector<16xi32> to vector<1x16xi32>
      tpu.vector_store %arg9[%swap3A_162, %swap3A_163], %swap3A_166 {strides = array<i32>} : memref<4x128xi32, #tpu.memory_space<vmem>>, vector<1x16xi32>,
      %get3A_167 = arith.constant 1 : i32
      %get3A_168 = arith.index_cast %get3A_167 : i32 to index
      %get3A_169 = arith.constant 48 : index
      %get3A_170 = tpu.vector_load %arg8[%get3A_168, %get3A_169] {strides = array<i32>} : memref<4x128xi32, #tpu.memory_space<vmem>>, vector<1x16xi32>,
      %get3A_171 = vector.shape_cast %get3A_170 : vector<1x16xi32> to vector<16xi32>
      %sub3A_172 = vector.broadcast %mul3A_11 : i32 to vector<16xi32>
      %sub3A_173 = arith.subi %get3A_171, %sub3A_172 : vector<16xi32>
      %swap3A_174 = arith.constant 1 : i32
      %swap3A_175 = arith.index_cast %swap3A_174 : i32 to index
      %swap3A_176 = arith.constant 48 : index
      %swap3A_177 = tpu.vector_load %arg9[%swap3A_175, %swap3A_176] {strides = array<i32>} : memref<4x128xi32, #tpu.memory_space<vmem>>, vector<1x16xi32>,
      %swap3A_178 = vector.shape_cast %swap3A_177 : vector<1x16xi32> to vector<16xi32>
      %swap3A_179 = vector.shape_cast %sub3A_173 : vector<16xi32> to vector<1x16xi32>
      tpu.vector_store %arg9[%swap3A_175, %swap3A_176], %swap3A_179 {strides = array<i32>} : memref<4x128xi32, #tpu.memory_space<vmem>>, vector<1x16xi32>,
      %get3A_180 = arith.constant 1 : i32
      %get3A_181 = arith.index_cast %get3A_180 : i32 to index
      %get3A_182 = arith.constant 64 : index
      %get3A_183 = tpu.vector_load %arg8[%get3A_181, %get3A_182] {strides = array<i32>} : memref<4x128xi32, #tpu.memory_space<vmem>>, vector<1x16xi32>,
      %get3A_184 = vector.shape_cast %get3A_183 : vector<1x16xi32> to vector<16xi32>
      %sub3A_185 = vector.broadcast %mul3A_11 : i32 to vector<16xi32>
      %sub3A_186 = arith.subi %get3A_184, %sub3A_185 : vector<16xi32>
      %swap3A_187 = arith.constant 1 : i32
      %swap3A_188 = arith.index_cast %swap3A_187 : i32 to index
      %swap3A_189 = arith.constant 64 : index
      %swap3A_190 = tpu.vector_load %arg9[%swap3A_188, %swap3A_189] {strides = array<i32>} : memref<4x128xi32, #tpu.memory_space<vmem>>, vector<1x16xi32>,
      %swap3A_191 = vector.shape_cast %swap3A_190 : vector<1x16xi32> to vector<16xi32>
      %swap3A_192 = vector.shape_cast %sub3A_186 : vector<16xi32> to vector<1x16xi32>
      tpu.vector_store %arg9[%swap3A_188, %swap3A_189], %swap3A_192 {strides = array<i32>} : memref<4x128xi32, #tpu.memory_space<vmem>>, vector<1x16xi32>,
      %get3A_193 = arith.constant 1 : i32
      %get3A_194 = arith.index_cast %get3A_193 : i32 to index
      %get3A_195 = arith.constant 80 : index
      %get3A_196 = tpu.vector_load %arg8[%get3A_194, %get3A_195] {strides = array<i32>} : memref<4x128xi32, #tpu.memory_space<vmem>>, vector<1x16xi32>,
      %get3A_197 = vector.shape_cast %get3A_196 : vector<1x16xi32> to vector<16xi32>
      %sub3A_198 = vector.broadcast %mul3A_11 : i32 to vector<16xi32>
      %sub3A_199 = arith.subi %get3A_197, %sub3A_198 : vector<16xi32>
      %swap3A_200 = arith.constant 1 : i32
      %swap3A_201 = arith.index_cast %swap3A_200 : i32 to index
      %swap3A_202 = arith.constant 80 : index
      %swap3A_203 = tpu.vector_load %arg9[%swap3A_201, %swap3A_202] {strides = array<i32>} : memref<4x128xi32, #tpu.memory_space<vmem>>, vector<1x16xi32>,
      %swap3A_204 = vector.shape_cast %swap3A_203 : vector<1x16xi32> to vector<16xi32>
      %swap3A_205 = vector.shape_cast %sub3A_199 : vector<16xi32> to vector<1x16xi32>
      tpu.vector_store %arg9[%swap3A_201, %swap3A_202], %swap3A_205 {strides = array<i32>} : memref<4x128xi32, #tpu.memory_space<vmem>>, vector<1x16xi32>,
      %get3A_206 = arith.constant 1 : i32
      %get3A_207 = arith.index_cast %get3A_206 : i32 to index
      %get3A_208 = arith.constant 96 : index
      %get3A_209 = tpu.vector_load %arg8[%get3A_207, %get3A_208] {strides = array<i32>} : memref<4x128xi32, #tpu.memory_space<vmem>>, vector<1x16xi32>,
      %get3A_210 = vector.shape_cast %get3A_209 : vector<1x16xi32> to vector<16xi32>
      %sub3A_211 = vector.broadcast %mul3A_11 : i32 to vector<16xi32>
      %sub3A_212 = arith.subi %get3A_210, %sub3A_211 : vector<16xi32>
      %swap3A_213 = arith.constant 1 : i32
      %swap3A_214 = arith.index_cast %swap3A_213 : i32 to index
      %swap3A_215 = arith.constant 96 : index
      %swap3A_216 = tpu.vector_load %arg9[%swap3A_214, %swap3A_215] {strides = array<i32>} : memref<4x128xi32, #tpu.memory_space<vmem>>, vector<1x16xi32>,
      %swap3A_217 = vector.shape_cast %swap3A_216 : vector<1x16xi32> to vector<16xi32>
      %swap3A_218 = vector.shape_cast %sub3A_212 : vector<16xi32> to vector<1x16xi32>
      tpu.vector_store %arg9[%swap3A_214, %swap3A_215], %swap3A_218 {strides = array<i32>} : memref<4x128xi32, #tpu.memory_space<vmem>>, vector<1x16xi32>,
      %get3A_219 = arith.constant 1 : i32
      %get3A_220 = arith.index_cast %get3A_219 : i32 to index
      %get3A_221 = arith.constant 112 : index
      %get3A_222 = tpu.vector_load %arg8[%get3A_220, %get3A_221] {strides = array<i32>} : memref<4x128xi32, #tpu.memory_space<vmem>>, vector<1x16xi32>,
      %get3A_223 = vector.shape_cast %get3A_222 : vector<1x16xi32> to vector<16xi32>
      %sub3A_224 = vector.broadcast %mul3A_11 : i32 to vector<16xi32>
      %sub3A_225 = arith.subi %get3A_223, %sub3A_224 : vector<16xi32>
      %swap3A_226 = arith.constant 1 : i32
      %swap3A_227 = arith.index_cast %swap3A_226 : i32 to index
      %swap3A_228 = arith.constant 112 : index
      %swap3A_229 = tpu.vector_load %arg9[%swap3A_227, %swap3A_228] {strides = array<i32>} : memref<4x128xi32, #tpu.memory_space<vmem>>, vector<1x16xi32>,
      %swap3A_230 = vector.shape_cast %swap3A_229 : vector<1x16xi32> to vector<16xi32>
      %swap3A_231 = vector.shape_cast %sub3A_225 : vector<16xi32> to vector<1x16xi32>
      tpu.vector_store %arg9[%swap3A_227, %swap3A_228], %swap3A_231 {strides = array<i32>} : memref<4x128xi32, #tpu.memory_space<vmem>>, vector<1x16xi32>,
      %get3A_232 = arith.constant 2 : i32
      %get3A_233 = arith.index_cast %get3A_232 : i32 to index
      %get3A_234 = arith.constant 0 : index
      %get3A_235 = tpu.vector_load %arg8[%get3A_233, %get3A_234] {strides = array<i32>} : memref<4x128xi32, #tpu.memory_space<vmem>>, vector<1x16xi32>,
      %get3A_236 = vector.shape_cast %get3A_235 : vector<1x16xi32> to vector<16xi32>
      %sub3A_237 = vector.broadcast %mul3A_11 : i32 to vector<16xi32>
      %sub3A_238 = arith.subi %get3A_236, %sub3A_237 : vector<16xi32>
      %swap3A_239 = arith.constant 2 : i32
      %swap3A_240 = arith.index_cast %swap3A_239 : i32 to index
      %swap3A_241 = arith.constant 0 : index
      %swap3A_242 = tpu.vector_load %arg9[%swap3A_240, %swap3A_241] {strides = array<i32>} : memref<4x128xi32, #tpu.memory_space<vmem>>, vector<1x16xi32>,
      %swap3A_243 = vector.shape_cast %swap3A_242 : vector<1x16xi32> to vector<16xi32>
      %swap3A_244 = vector.shape_cast %sub3A_238 : vector<16xi32> to vector<1x16xi32>
      tpu.vector_store %arg9[%swap3A_240, %swap3A_241], %swap3A_244 {strides = array<i32>} : memref<4x128xi32, #tpu.memory_space<vmem>>, vector<1x16xi32>,
      %get3A_245 = arith.constant 2 : i32
      %get3A_246 = arith.index_cast %get3A_245 : i32 to index
      %get3A_247 = arith.constant 16 : index
      %get3A_248 = tpu.vector_load %arg8[%get3A_246, %get3A_247] {strides = array<i32>} : memref<4x128xi32, #tpu.memory_space<vmem>>, vector<1x16xi32>,
      %get3A_249 = vector.shape_cast %get3A_248 : vector<1x16xi32> to vector<16xi32>
      %sub3A_250 = vector.broadcast %mul3A_11 : i32 to vector<16xi32>
      %sub3A_251 = arith.subi %get3A_249, %sub3A_250 : vector<16xi32>
      %swap3A_252 = arith.constant 2 : i32
      %swap3A_253 = arith.index_cast %swap3A_252 : i32 to index
      %swap3A_254 = arith.constant 16 : index
      %swap3A_255 = tpu.vector_load %arg9[%swap3A_253, %swap3A_254] {strides = array<i32>} : memref<4x128xi32, #tpu.memory_space<vmem>>, vector<1x16xi32>,
      %swap3A_256 = vector.shape_cast %swap3A_255 : vector<1x16xi32> to vector<16xi32>
      %swap3A_257 = vector.shape_cast %sub3A_251 : vector<16xi32> to vector<1x16xi32>
      tpu.vector_store %arg9[%swap3A_253, %swap3A_254], %swap3A_257 {strides = array<i32>} : memref<4x128xi32, #tpu.memory_space<vmem>>, vector<1x16xi32>,
      %get3A_258 = arith.constant 2 : i32
      %get3A_259 = arith.index_cast %get3A_258 : i32 to index
      %get3A_260 = arith.constant 32 : index
      %get3A_261 = tpu.vector_load %arg8[%get3A_259, %get3A_260] {strides = array<i32>} : memref<4x128xi32, #tpu.memory_space<vmem>>, vector<1x16xi32>,
      %get3A_262 = vector.shape_cast %get3A_261 : vector<1x16xi32> to vector<16xi32>
      %sub3A_263 = vector.broadcast %mul3A_11 : i32 to vector<16xi32>
      %sub3A_264 = arith.subi %get3A_262, %sub3A_263 : vector<16xi32>
      %swap3A_265 = arith.constant 2 : i32
      %swap3A_266 = arith.index_cast %swap3A_265 : i32 to index
      %swap3A_267 = arith.constant 32 : index
      %swap3A_268 = tpu.vector_load %arg9[%swap3A_266, %swap3A_267] {strides = array<i32>} : memref<4x128xi32, #tpu.memory_space<vmem>>, vector<1x16xi32>,
      %swap3A_269 = vector.shape_cast %swap3A_268 : vector<1x16xi32> to vector<16xi32>
      %swap3A_270 = vector.shape_cast %sub3A_264 : vector<16xi32> to vector<1x16xi32>
      tpu.vector_store %arg9[%swap3A_266, %swap3A_267], %swap3A_270 {strides = array<i32>} : memref<4x128xi32, #tpu.memory_space<vmem>>, vector<1x16xi32>,
      %get3A_271 = arith.constant 2 : i32
      %get3A_272 = arith.index_cast %get3A_271 : i32 to index
      %get3A_273 = arith.constant 48 : index
      %get3A_274 = tpu.vector_load %arg8[%get3A_272, %get3A_273] {strides = array<i32>} : memref<4x128xi32, #tpu.memory_space<vmem>>, vector<1x16xi32>,
      %get3A_275 = vector.shape_cast %get3A_274 : vector<1x16xi32> to vector<16xi32>
      %sub3A_276 = vector.broadcast %mul3A_11 : i32 to vector<16xi32>
      %sub3A_277 = arith.subi %get3A_275, %sub3A_276 : vector<16xi32>
      %swap3A_278 = arith.constant 2 : i32
      %swap3A_279 = arith.index_cast %swap3A_278 : i32 to index
      %swap3A_280 = arith.constant 48 : index
      %swap3A_281 = tpu.vector_load %arg9[%swap3A_279, %swap3A_280] {strides = array<i32>} : memref<4x128xi32, #tpu.memory_space<vmem>>, vector<1x16xi32>,
      %swap3A_282 = vector.shape_cast %swap3A_281 : vector<1x16xi32> to vector<16xi32>
      %swap3A_283 = vector.shape_cast %sub3A_277 : vector<16xi32> to vector<1x16xi32>
      tpu.vector_store %arg9[%swap3A_279, %swap3A_280], %swap3A_283 {strides = array<i32>} : memref<4x128xi32, #tpu.memory_space<vmem>>, vector<1x16xi32>,
      %get3A_284 = arith.constant 2 : i32
      %get3A_285 = arith.index_cast %get3A_284 : i32 to index
      %get3A_286 = arith.constant 64 : index
      %get3A_287 = tpu.vector_load %arg8[%get3A_285, %get3A_286] {strides = array<i32>} : memref<4x128xi32, #tpu.memory_space<vmem>>, vector<1x16xi32>,
      %get3A_288 = vector.shape_cast %get3A_287 : vector<1x16xi32> to vector<16xi32>
      %sub3A_289 = vector.broadcast %mul3A_11 : i32 to vector<16xi32>
      %sub3A_290 = arith.subi %get3A_288, %sub3A_289 : vector<16xi32>
      %swap3A_291 = arith.constant 2 : i32
      %swap3A_292 = arith.index_cast %swap3A_291 : i32 to index
      %swap3A_293 = arith.constant 64 : index
      %swap3A_294 = tpu.vector_load %arg9[%swap3A_292, %swap3A_293] {strides = array<i32>} : memref<4x128xi32, #tpu.memory_space<vmem>>, vector<1x16xi32>,
      %swap3A_295 = vector.shape_cast %swap3A_294 : vector<1x16xi32> to vector<16xi32>
      %swap3A_296 = vector.shape_cast %sub3A_290 : vector<16xi32> to vector<1x16xi32>
      tpu.vector_store %arg9[%swap3A_292, %swap3A_293], %swap3A_296 {strides = array<i32>} : memref<4x128xi32, #tpu.memory_space<vmem>>, vector<1x16xi32>,
      %get3A_297 = arith.constant 2 : i32
      %get3A_298 = arith.index_cast %get3A_297 : i32 to index
      %get3A_299 = arith.constant 80 : index
      %get3A_300 = tpu.vector_load %arg8[%get3A_298, %get3A_299] {strides = array<i32>} : memref<4x128xi32, #tpu.memory_space<vmem>>, vector<1x16xi32>,
      %get3A_301 = vector.shape_cast %get3A_300 : vector<1x16xi32> to vector<16xi32>
      %sub3A_302 = vector.broadcast %mul3A_11 : i32 to vector<16xi32>
      %sub3A_303 = arith.subi %get3A_301, %sub3A_302 : vector<16xi32>
      %swap3A_304 = arith.constant 2 : i32
      %swap3A_305 = arith.index_cast %swap3A_304 : i32 to index
      %swap3A_306 = arith.constant 80 : index
      %swap3A_307 = tpu.vector_load %arg9[%swap3A_305, %swap3A_306] {strides = array<i32>} : memref<4x128xi32, #tpu.memory_space<vmem>>, vector<1x16xi32>,
      %swap3A_308 = vector.shape_cast %swap3A_307 : vector<1x16xi32> to vector<16xi32>
      %swap3A_309 = vector.shape_cast %sub3A_303 : vector<16xi32> to vector<1x16xi32>
      tpu.vector_store %arg9[%swap3A_305, %swap3A_306], %swap3A_309 {strides = array<i32>} : memref<4x128xi32, #tpu.memory_space<vmem>>, vector<1x16xi32>,
      %get3A_310 = arith.constant 2 : i32
      %get3A_311 = arith.index_cast %get3A_310 : i32 to index
      %get3A_312 = arith.constant 96 : index
      %get3A_313 = tpu.vector_load %arg8[%get3A_311, %get3A_312] {strides = array<i32>} : memref<4x128xi32, #tpu.memory_space<vmem>>, vector<1x16xi32>,
      %get3A_314 = vector.shape_cast %get3A_313 : vector<1x16xi32> to vector<16xi32>
      %sub3A_315 = vector.broadcast %mul3A_11 : i32 to vector<16xi32>
      %sub3A_316 = arith.subi %get3A_314, %sub3A_315 : vector<16xi32>
      %swap3A_317 = arith.constant 2 : i32
      %swap3A_318 = arith.index_cast %swap3A_317 : i32 to index
      %swap3A_319 = arith.constant 96 : index
      %swap3A_320 = tpu.vector_load %arg9[%swap3A_318, %swap3A_319] {strides = array<i32>} : memref<4x128xi32, #tpu.memory_space<vmem>>, vector<1x16xi32>,
      %swap3A_321 = vector.shape_cast %swap3A_320 : vector<1x16xi32> to vector<16xi32>
      %swap3A_322 = vector.shape_cast %sub3A_316 : vector<16xi32> to vector<1x16xi32>
      tpu.vector_store %arg9[%swap3A_318, %swap3A_319], %swap3A_322 {strides = array<i32>} : memref<4x128xi32, #tpu.memory_space<vmem>>, vector<1x16xi32>,
      %get3A_323 = arith.constant 2 : i32
      %get3A_324 = arith.index_cast %get3A_323 : i32 to index
      %get3A_325 = arith.constant 112 : index
      %get3A_326 = tpu.vector_load %arg8[%get3A_324, %get3A_325] {strides = array<i32>} : memref<4x128xi32, #tpu.memory_space<vmem>>, vector<1x16xi32>,
      %get3A_327 = vector.shape_cast %get3A_326 : vector<1x16xi32> to vector<16xi32>
      %sub3A_328 = vector.broadcast %mul3A_11 : i32 to vector<16xi32>
      %sub3A_329 = arith.subi %get3A_327, %sub3A_328 : vector<16xi32>
      %swap3A_330 = arith.constant 2 : i32
      %swap3A_331 = arith.index_cast %swap3A_330 : i32 to index
      %swap3A_332 = arith.constant 112 : index
      %swap3A_333 = tpu.vector_load %arg9[%swap3A_331, %swap3A_332] {strides = array<i32>} : memref<4x128xi32, #tpu.memory_space<vmem>>, vector<1x16xi32>,
      %swap3A_334 = vector.shape_cast %swap3A_333 : vector<1x16xi32> to vector<16xi32>
      %swap3A_335 = vector.shape_cast %sub3A_329 : vector<16xi32> to vector<1x16xi32>
      tpu.vector_store %arg9[%swap3A_331, %swap3A_332], %swap3A_335 {strides = array<i32>} : memref<4x128xi32, #tpu.memory_space<vmem>>, vector<1x16xi32>,
      %get3A_336 = arith.constant 3 : i32
      %get3A_337 = arith.index_cast %get3A_336 : i32 to index
      %get3A_338 = arith.constant 0 : index
      %get3A_339 = tpu.vector_load %arg8[%get3A_337, %get3A_338] {strides = array<i32>} : memref<4x128xi32, #tpu.memory_space<vmem>>, vector<1x16xi32>,
      %get3A_340 = vector.shape_cast %get3A_339 : vector<1x16xi32> to vector<16xi32>
      %sub3A_341 = vector.broadcast %mul3A_11 : i32 to vector<16xi32>
      %sub3A_342 = arith.subi %get3A_340, %sub3A_341 : vector<16xi32>
      %swap3A_343 = arith.constant 3 : i32
      %swap3A_344 = arith.index_cast %swap3A_343 : i32 to index
      %swap3A_345 = arith.constant 0 : index
      %swap3A_346 = tpu.vector_load %arg9[%swap3A_344, %swap3A_345] {strides = array<i32>} : memref<4x128xi32, #tpu.memory_space<vmem>>, vector<1x16xi32>,
      %swap3A_347 = vector.shape_cast %swap3A_346 : vector<1x16xi32> to vector<16xi32>
      %swap3A_348 = vector.shape_cast %sub3A_342 : vector<16xi32> to vector<1x16xi32>
      tpu.vector_store %arg9[%swap3A_344, %swap3A_345], %swap3A_348 {strides = array<i32>} : memref<4x128xi32, #tpu.memory_space<vmem>>, vector<1x16xi32>,
      %get3A_349 = arith.constant 3 : i32
      %get3A_350 = arith.index_cast %get3A_349 : i32 to index
      %get3A_351 = arith.constant 16 : index
      %get3A_352 = tpu.vector_load %arg8[%get3A_350, %get3A_351] {strides = array<i32>} : memref<4x128xi32, #tpu.memory_space<vmem>>, vector<1x16xi32>,
      %get3A_353 = vector.shape_cast %get3A_352 : vector<1x16xi32> to vector<16xi32>
      %sub3A_354 = vector.broadcast %mul3A_11 : i32 to vector<16xi32>
      %sub3A_355 = arith.subi %get3A_353, %sub3A_354 : vector<16xi32>
      %swap3A_356 = arith.constant 3 : i32
      %swap3A_357 = arith.index_cast %swap3A_356 : i32 to index
      %swap3A_358 = arith.constant 16 : index
      %swap3A_359 = tpu.vector_load %arg9[%swap3A_357, %swap3A_358] {strides = array<i32>} : memref<4x128xi32, #tpu.memory_space<vmem>>, vector<1x16xi32>,
      %swap3A_360 = vector.shape_cast %swap3A_359 : vector<1x16xi32> to vector<16xi32>
      %swap3A_361 = vector.shape_cast %sub3A_355 : vector<16xi32> to vector<1x16xi32>
      tpu.vector_store %arg9[%swap3A_357, %swap3A_358], %swap3A_361 {strides = array<i32>} : memref<4x128xi32, #tpu.memory_space<vmem>>, vector<1x16xi32>,
      %get3A_362 = arith.constant 3 : i32
      %get3A_363 = arith.index_cast %get3A_362 : i32 to index
      %get3A_364 = arith.constant 32 : index
      %get3A_365 = tpu.vector_load %arg8[%get3A_363, %get3A_364] {strides = array<i32>} : memref<4x128xi32, #tpu.memory_space<vmem>>, vector<1x16xi32>,
      %get3A_366 = vector.shape_cast %get3A_365 : vector<1x16xi32> to vector<16xi32>
      %sub3A_367 = vector.broadcast %mul3A_11 : i32 to vector<16xi32>
      %sub3A_368 = arith.subi %get3A_366, %sub3A_367 : vector<16xi32>
      %swap3A_369 = arith.constant 3 : i32
      %swap3A_370 = arith.index_cast %swap3A_369 : i32 to index
      %swap3A_371 = arith.constant 32 : index
      %swap3A_372 = tpu.vector_load %arg9[%swap3A_370, %swap3A_371] {strides = array<i32>} : memref<4x128xi32, #tpu.memory_space<vmem>>, vector<1x16xi32>,
      %swap3A_373 = vector.shape_cast %swap3A_372 : vector<1x16xi32> to vector<16xi32>
      %swap3A_374 = vector.shape_cast %sub3A_368 : vector<16xi32> to vector<1x16xi32>
      tpu.vector_store %arg9[%swap3A_370, %swap3A_371], %swap3A_374 {strides = array<i32>} : memref<4x128xi32, #tpu.memory_space<vmem>>, vector<1x16xi32>,
      %get3A_375 = arith.constant 3 : i32
      %get3A_376 = arith.index_cast %get3A_375 : i32 to index
      %get3A_377 = arith.constant 48 : index
      %get3A_378 = tpu.vector_load %arg8[%get3A_376, %get3A_377] {strides = array<i32>} : memref<4x128xi32, #tpu.memory_space<vmem>>, vector<1x16xi32>,
      %get3A_379 = vector.shape_cast %get3A_378 : vector<1x16xi32> to vector<16xi32>
      %sub3A_380 = vector.broadcast %mul3A_11 : i32 to vector<16xi32>
      %sub3A_381 = arith.subi %get3A_379, %sub3A_380 : vector<16xi32>
      %swap3A_382 = arith.constant 3 : i32
      %swap3A_383 = arith.index_cast %swap3A_382 : i32 to index
      %swap3A_384 = arith.constant 48 : index
      %swap3A_385 = tpu.vector_load %arg9[%swap3A_383, %swap3A_384] {strides = array<i32>} : memref<4x128xi32, #tpu.memory_space<vmem>>, vector<1x16xi32>,
      %swap3A_386 = vector.shape_cast %swap3A_385 : vector<1x16xi32> to vector<16xi32>
      %swap3A_387 = vector.shape_cast %sub3A_381 : vector<16xi32> to vector<1x16xi32>
      tpu.vector_store %arg9[%swap3A_383, %swap3A_384], %swap3A_387 {strides = array<i32>} : memref<4x128xi32, #tpu.memory_space<vmem>>, vector<1x16xi32>,
      %get3A_388 = arith.constant 3 : i32
      %get3A_389 = arith.index_cast %get3A_388 : i32 to index
      %get3A_390 = arith.constant 64 : index
      %get3A_391 = tpu.vector_load %arg8[%get3A_389, %get3A_390] {strides = array<i32>} : memref<4x128xi32, #tpu.memory_space<vmem>>, vector<1x16xi32>,
      %get3A_392 = vector.shape_cast %get3A_391 : vector<1x16xi32> to vector<16xi32>
      %sub3A_393 = vector.broadcast %mul3A_11 : i32 to vector<16xi32>
      %sub3A_394 = arith.subi %get3A_392, %sub3A_393 : vector<16xi32>
      %swap3A_395 = arith.constant 3 : i32
      %swap3A_396 = arith.index_cast %swap3A_395 : i32 to index
      %swap3A_397 = arith.constant 64 : index
      %swap3A_398 = tpu.vector_load %arg9[%swap3A_396, %swap3A_397] {strides = array<i32>} : memref<4x128xi32, #tpu.memory_space<vmem>>, vector<1x16xi32>,
      %swap3A_399 = vector.shape_cast %swap3A_398 : vector<1x16xi32> to vector<16xi32>
      %swap3A_400 = vector.shape_cast %sub3A_394 : vector<16xi32> to vector<1x16xi32>
      tpu.vector_store %arg9[%swap3A_396, %swap3A_397], %swap3A_400 {strides = array<i32>} : memref<4x128xi32, #tpu.memory_space<vmem>>, vector<1x16xi32>,
      %get3A_401 = arith.constant 3 : i32
      %get3A_402 = arith.index_cast %get3A_401 : i32 to index
      %get3A_403 = arith.constant 80 : index
      %get3A_404 = tpu.vector_load %arg8[%get3A_402, %get3A_403] {strides = array<i32>} : memref<4x128xi32, #tpu.memory_space<vmem>>, vector<1x16xi32>,
      %get3A_405 = vector.shape_cast %get3A_404 : vector<1x16xi32> to vector<16xi32>
      %sub3A_406 = vector.broadcast %mul3A_11 : i32 to vector<16xi32>
      %sub3A_407 = arith.subi %get3A_405, %sub3A_406 : vector<16xi32>
      %swap3A_408 = arith.constant 3 : i32
      %swap3A_409 = arith.index_cast %swap3A_408 : i32 to index
      %swap3A_410 = arith.constant 80 : index
      %swap3A_411 = tpu.vector_load %arg9[%swap3A_409, %swap3A_410] {strides = array<i32>} : memref<4x128xi32, #tpu.memory_space<vmem>>, vector<1x16xi32>,
      %swap3A_412 = vector.shape_cast %swap3A_411 : vector<1x16xi32> to vector<16xi32>
      %swap3A_413 = vector.shape_cast %sub3A_407 : vector<16xi32> to vector<1x16xi32>
      tpu.vector_store %arg9[%swap3A_409, %swap3A_410], %swap3A_413 {strides = array<i32>} : memref<4x128xi32, #tpu.memory_space<vmem>>, vector<1x16xi32>,
      %get3A_414 = arith.constant 3 : i32
      %get3A_415 = arith.index_cast %get3A_414 : i32 to index
      %get3A_416 = arith.constant 96 : index
      %get3A_417 = tpu.vector_load %arg8[%get3A_415, %get3A_416] {strides = array<i32>} : memref<4x128xi32, #tpu.memory_space<vmem>>, vector<1x16xi32>,
      %get3A_418 = vector.shape_cast %get3A_417 : vector<1x16xi32> to vector<16xi32>
      %sub3A_419 = vector.broadcast %mul3A_11 : i32 to vector<16xi32>
      %sub3A_420 = arith.subi %get3A_418, %sub3A_419 : vector<16xi32>
      %swap3A_421 = arith.constant 3 : i32
      %swap3A_422 = arith.index_cast %swap3A_421 : i32 to index
      %swap3A_423 = arith.constant 96 : index
      %swap3A_424 = tpu.vector_load %arg9[%swap3A_422, %swap3A_423] {strides = array<i32>} : memref<4x128xi32, #tpu.memory_space<vmem>>, vector<1x16xi32>,
      %swap3A_425 = vector.shape_cast %swap3A_424 : vector<1x16xi32> to vector<16xi32>
      %swap3A_426 = vector.shape_cast %sub3A_420 : vector<16xi32> to vector<1x16xi32>
      tpu.vector_store %arg9[%swap3A_422, %swap3A_423], %swap3A_426 {strides = array<i32>} : memref<4x128xi32, #tpu.memory_space<vmem>>, vector<1x16xi32>,
      %get3A_427 = arith.constant 3 : i32
      %get3A_428 = arith.index_cast %get3A_427 : i32 to index
      %get3A_429 = arith.constant 112 : index
      %get3A_430 = tpu.vector_load %arg8[%get3A_428, %get3A_429] {strides = array<i32>} : memref<4x128xi32, #tpu.memory_space<vmem>>, vector<1x16xi32>,
      %get3A_431 = vector.shape_cast %get3A_430 : vector<1x16xi32> to vector<16xi32>
      %sub3A_432 = vector.broadcast %mul3A_11 : i32 to vector<16xi32>
      %sub3A_433 = arith.subi %get3A_431, %sub3A_432 : vector<16xi32>
      %swap3A_434 = arith.constant 3 : i32
      %swap3A_435 = arith.index_cast %swap3A_434 : i32 to index
      %swap3A_436 = arith.constant 112 : index
      %swap3A_437 = tpu.vector_load %arg9[%swap3A_435, %swap3A_436] {strides = array<i32>} : memref<4x128xi32, #tpu.memory_space<vmem>>, vector<1x16xi32>,
      %swap3A_438 = vector.shape_cast %swap3A_437 : vector<1x16xi32> to vector<16xi32>
      %swap3A_439 = vector.shape_cast %sub3A_433 : vector<16xi32> to vector<1x16xi32>
      tpu.vector_store %arg9[%swap3A_435, %swap3A_436], %swap3A_439 {strides = array<i32>} : memref<4x128xi32, #tpu.memory_space<vmem>>, vector<1x16xi32>,
      %dma_start3A = arith.constant 0 : i32
      %dma_start3A_440 = arith.constant 0 : i32
      %dma_start3A_441 = arith.constant 0 : i32
      %dma_start3A_442 = tpu.memref_slice %arg10[%dma_start3A_440, %dma_start3A_441] : memref<512x64xf32, #tpu.memory_space<vmem>> -> memref<128x64xf32, #tpu.memory_space<vmem>>
      %dma_start3A_443 = arith.constant 0 : i32
      %dma_start3A_444 = tpu.memref_slice %arg7[%dma_start3A, %dma_start3A_443] : memref<4x128xi32, #tpu.memory_space<vmem>> -> memref<1x128xi32, #tpu.memory_space<vmem>>
      %dma_start3A_445 = tpu.memref_squeeze %dma_start3A_444 : memref<1x128xi32, #tpu.memory_space<vmem>> -> memref<128xi32, #tpu.memory_space<vmem>>
      %dma_start3A_446 = arith.constant 0 : i32
      %dma_start3A_447 = arith.constant 0 : i32
      %dma_start3A_448 = tpu.memref_slice %arg2[%dma_start3A_446, %dma_start3A_447] : memref<8192x64xf32, #tpu.memory_space<hbm>> -> memref<8192x64xf32, #tpu.memory_space<hbm>>
      tpu.enqueue_indirect_dma source(%dma_start3A_448 : memref<8192x64xf32, #tpu.memory_space<hbm>>) target(%dma_start3A_442 : memref<128x64xf32, #tpu.memory_space<vmem>>) offsets(%dma_start3A_445 : memref<128xi32, #tpu.memory_space<vmem>>) semaphore(%arg13 : memref<!tpu.dma_semaphore, #tpu.memory_space<semaphore_mem>>)
      %dma_start3A_449 = arith.constant 0 : i32
      %dma_start3A_450 = arith.constant 0 : i32
      %dma_start3A_451 = arith.constant 0 : i32
      %dma_start3A_452 = tpu.memref_slice %arg11[%dma_start3A_450, %dma_start3A_451] : memref<512x64xf32, #tpu.memory_space<vmem>> -> memref<128x64xf32, #tpu.memory_space<vmem>>
      %dma_start3A_453 = arith.constant 0 : i32
      %dma_start3A_454 = tpu.memref_slice %arg8[%dma_start3A_449, %dma_start3A_453] : memref<4x128xi32, #tpu.memory_space<vmem>> -> memref<1x128xi32, #tpu.memory_space<vmem>>
      %dma_start3A_455 = tpu.memref_squeeze %dma_start3A_454 : memref<1x128xi32, #tpu.memory_space<vmem>> -> memref<128xi32, #tpu.memory_space<vmem>>
      %dma_start3A_456 = arith.constant 0 : i32
      %dma_start3A_457 = arith.constant 0 : i32
      %dma_start3A_458 = tpu.memref_slice %arg3[%dma_start3A_456, %dma_start3A_457] : memref<8192x64xf32, #tpu.memory_space<hbm>> -> memref<8192x64xf32, #tpu.memory_space<hbm>>
      tpu.enqueue_indirect_dma source(%dma_start3A_458 : memref<8192x64xf32, #tpu.memory_space<hbm>>) target(%dma_start3A_452 : memref<128x64xf32, #tpu.memory_space<vmem>>) offsets(%dma_start3A_455 : memref<128xi32, #tpu.memory_space<vmem>>) semaphore(%arg14 : memref<!tpu.dma_semaphore, #tpu.memory_space<semaphore_mem>>)
      %dma_start3A_459 = arith.constant 1 : i32
      %dma_start3A_460 = arith.constant 128 : i32
      %dma_start3A_461 = arith.constant 0 : i32
      %dma_start3A_462 = tpu.memref_slice %arg10[%dma_start3A_460, %dma_start3A_461] : memref<512x64xf32, #tpu.memory_space<vmem>> -> memref<128x64xf32, #tpu.memory_space<vmem>>
      %dma_start3A_463 = arith.constant 0 : i32
      %dma_start3A_464 = tpu.memref_slice %arg7[%dma_start3A_459, %dma_start3A_463] : memref<4x128xi32, #tpu.memory_space<vmem>> -> memref<1x128xi32, #tpu.memory_space<vmem>>
      %dma_start3A_465 = tpu.memref_squeeze %dma_start3A_464 : memref<1x128xi32, #tpu.memory_space<vmem>> -> memref<128xi32, #tpu.memory_space<vmem>>
      %dma_start3A_466 = arith.constant 0 : i32
      %dma_start3A_467 = arith.constant 0 : i32
      %dma_start3A_468 = tpu.memref_slice %arg2[%dma_start3A_466, %dma_start3A_467] : memref<8192x64xf32, #tpu.memory_space<hbm>> -> memref<8192x64xf32, #tpu.memory_space<hbm>>
      tpu.enqueue_indirect_dma source(%dma_start3A_468 : memref<8192x64xf32, #tpu.memory_space<hbm>>) target(%dma_start3A_462 : memref<128x64xf32, #tpu.memory_space<vmem>>) offsets(%dma_start3A_465 : memref<128xi32, #tpu.memory_space<vmem>>) semaphore(%arg13 : memref<!tpu.dma_semaphore, #tpu.memory_space<semaphore_mem>>)
      %dma_start3A_469 = arith.constant 1 : i32
      %dma_start3A_470 = arith.constant 128 : i32
      %dma_start3A_471 = arith.constant 0 : i32
      %dma_start3A_472 = tpu.memref_slice %arg11[%dma_start3A_470, %dma_start3A_471] : memref<512x64xf32, #tpu.memory_space<vmem>> -> memref<128x64xf32, #tpu.memory_space<vmem>>
      %dma_start3A_473 = arith.constant 0 : i32
      %dma_start3A_474 = tpu.memref_slice %arg8[%dma_start3A_469, %dma_start3A_473] : memref<4x128xi32, #tpu.memory_space<vmem>> -> memref<1x128xi32, #tpu.memory_space<vmem>>
      %dma_start3A_475 = tpu.memref_squeeze %dma_start3A_474 : memref<1x128xi32, #tpu.memory_space<vmem>> -> memref<128xi32, #tpu.memory_space<vmem>>
      %dma_start3A_476 = arith.constant 0 : i32
      %dma_start3A_477 = arith.constant 0 : i32
      %dma_start3A_478 = tpu.memref_slice %arg3[%dma_start3A_476, %dma_start3A_477] : memref<8192x64xf32, #tpu.memory_space<hbm>> -> memref<8192x64xf32, #tpu.memory_space<hbm>>
      tpu.enqueue_indirect_dma source(%dma_start3A_478 : memref<8192x64xf32, #tpu.memory_space<hbm>>) target(%dma_start3A_472 : memref<128x64xf32, #tpu.memory_space<vmem>>) offsets(%dma_start3A_475 : memref<128xi32, #tpu.memory_space<vmem>>) semaphore(%arg14 : memref<!tpu.dma_semaphore, #tpu.memory_space<semaphore_mem>>)
      %dma_start3A_479 = arith.constant 2 : i32
      %dma_start3A_480 = arith.constant 256 : i32
      %dma_start3A_481 = arith.constant 0 : i32
      %dma_start3A_482 = tpu.memref_slice %arg10[%dma_start3A_480, %dma_start3A_481] : memref<512x64xf32, #tpu.memory_space<vmem>> -> memref<128x64xf32, #tpu.memory_space<vmem>>
      %dma_start3A_483 = arith.constant 0 : i32
      %dma_start3A_484 = tpu.memref_slice %arg7[%dma_start3A_479, %dma_start3A_483] : memref<4x128xi32, #tpu.memory_space<vmem>> -> memref<1x128xi32, #tpu.memory_space<vmem>>
      %dma_start3A_485 = tpu.memref_squeeze %dma_start3A_484 : memref<1x128xi32, #tpu.memory_space<vmem>> -> memref<128xi32, #tpu.memory_space<vmem>>
      %dma_start3A_486 = arith.constant 0 : i32
      %dma_start3A_487 = arith.constant 0 : i32
      %dma_start3A_488 = tpu.memref_slice %arg2[%dma_start3A_486, %dma_start3A_487] : memref<8192x64xf32, #tpu.memory_space<hbm>> -> memref<8192x64xf32, #tpu.memory_space<hbm>>
      tpu.enqueue_indirect_dma source(%dma_start3A_488 : memref<8192x64xf32, #tpu.memory_space<hbm>>) target(%dma_start3A_482 : memref<128x64xf32, #tpu.memory_space<vmem>>) offsets(%dma_start3A_485 : memref<128xi32, #tpu.memory_space<vmem>>) semaphore(%arg13 : memref<!tpu.dma_semaphore, #tpu.memory_space<semaphore_mem>>)
      %dma_start3A_489 = arith.constant 2 : i32
      %dma_start3A_490 = arith.constant 256 : i32
      %dma_start3A_491 = arith.constant 0 : i32
      %dma_start3A_492 = tpu.memref_slice %arg11[%dma_start3A_490, %dma_start3A_491] : memref<512x64xf32, #tpu.memory_space<vmem>> -> memref<128x64xf32, #tpu.memory_space<vmem>>
      %dma_start3A_493 = arith.constant 0 : i32
      %dma_start3A_494 = tpu.memref_slice %arg8[%dma_start3A_489, %dma_start3A_493] : memref<4x128xi32, #tpu.memory_space<vmem>> -> memref<1x128xi32, #tpu.memory_space<vmem>>
      %dma_start3A_495 = tpu.memref_squeeze %dma_start3A_494 : memref<1x128xi32, #tpu.memory_space<vmem>> -> memref<128xi32, #tpu.memory_space<vmem>>
      %dma_start3A_496 = arith.constant 0 : i32
      %dma_start3A_497 = arith.constant 0 : i32
      %dma_start3A_498 = tpu.memref_slice %arg3[%dma_start3A_496, %dma_start3A_497] : memref<8192x64xf32, #tpu.memory_space<hbm>> -> memref<8192x64xf32, #tpu.memory_space<hbm>>
      tpu.enqueue_indirect_dma source(%dma_start3A_498 : memref<8192x64xf32, #tpu.memory_space<hbm>>) target(%dma_start3A_492 : memref<128x64xf32, #tpu.memory_space<vmem>>) offsets(%dma_start3A_495 : memref<128xi32, #tpu.memory_space<vmem>>) semaphore(%arg14 : memref<!tpu.dma_semaphore, #tpu.memory_space<semaphore_mem>>)
      %dma_start3A_499 = arith.constant 3 : i32
      %dma_start3A_500 = arith.constant 384 : i32
      %dma_start3A_501 = arith.constant 0 : i32
      %dma_start3A_502 = tpu.memref_slice %arg10[%dma_start3A_500, %dma_start3A_501] : memref<512x64xf32, #tpu.memory_space<vmem>> -> memref<128x64xf32, #tpu.memory_space<vmem>>
      %dma_start3A_503 = arith.constant 0 : i32
      %dma_start3A_504 = tpu.memref_slice %arg7[%dma_start3A_499, %dma_start3A_503] : memref<4x128xi32, #tpu.memory_space<vmem>> -> memref<1x128xi32, #tpu.memory_space<vmem>>
      %dma_start3A_505 = tpu.memref_squeeze %dma_start3A_504 : memref<1x128xi32, #tpu.memory_space<vmem>> -> memref<128xi32, #tpu.memory_space<vmem>>
      %dma_start3A_506 = arith.constant 0 : i32
      %dma_start3A_507 = arith.constant 0 : i32
      %dma_start3A_508 = tpu.memref_slice %arg2[%dma_start3A_506, %dma_start3A_507] : memref<8192x64xf32, #tpu.memory_space<hbm>> -> memref<8192x64xf32, #tpu.memory_space<hbm>>
      tpu.enqueue_indirect_dma source(%dma_start3A_508 : memref<8192x64xf32, #tpu.memory_space<hbm>>) target(%dma_start3A_502 : memref<128x64xf32, #tpu.memory_space<vmem>>) offsets(%dma_start3A_505 : memref<128xi32, #tpu.memory_space<vmem>>) semaphore(%arg13 : memref<!tpu.dma_semaphore, #tpu.memory_space<semaphore_mem>>)
      %dma_start3A_509 = arith.constant 3 : i32
      %dma_start3A_510 = arith.constant 384 : i32
      %dma_start3A_511 = arith.constant 0 : i32
      %dma_start3A_512 = tpu.memref_slice %arg11[%dma_start3A_510, %dma_start3A_511] : memref<512x64xf32, #tpu.memory_space<vmem>> -> memref<128x64xf32, #tpu.memory_space<vmem>>
      %dma_start3A_513 = arith.constant 0 : i32
      %dma_start3A_514 = tpu.memref_slice %arg8[%dma_start3A_509, %dma_start3A_513] : memref<4x128xi32, #tpu.memory_space<vmem>> -> memref<1x128xi32, #tpu.memory_space<vmem>>
      %dma_start3A_515 = tpu.memref_squeeze %dma_start3A_514 : memref<1x128xi32, #tpu.memory_space<vmem>> -> memref<128xi32, #tpu.memory_space<vmem>>
      %dma_start3A_516 = arith.constant 0 : i32
      %dma_start3A_517 = arith.constant 0 : i32
      %dma_start3A_518 = tpu.memref_slice %arg3[%dma_start3A_516, %dma_start3A_517] : memref<8192x64xf32, #tpu.memory_space<hbm>> -> memref<8192x64xf32, #tpu.memory_space<hbm>>
      tpu.enqueue_indirect_dma source(%dma_start3A_518 : memref<8192x64xf32, #tpu.memory_space<hbm>>) target(%dma_start3A_512 : memref<128x64xf32, #tpu.memory_space<vmem>>) offsets(%dma_start3A_515 : memref<128xi32, #tpu.memory_space<vmem>>) semaphore(%arg14 : memref<!tpu.dma_semaphore, #tpu.memory_space<semaphore_mem>>)
      %dma_wait3A = arith.constant 0 : i32
      %dma_wait3A_519 = arith.constant 0 : i32
      %dma_wait3A_520 = arith.constant 0 : i32
      %dma_wait3A_521 = tpu.memref_slice %arg10[%dma_wait3A_519, %dma_wait3A_520] : memref<512x64xf32, #tpu.memory_space<vmem>> -> memref<128x64xf32, #tpu.memory_space<vmem>>
      %dma_wait3A_522 = arith.constant 0 : i32
      %dma_wait3A_523 = tpu.memref_slice %arg7[%dma_wait3A, %dma_wait3A_522] : memref<4x128xi32, #tpu.memory_space<vmem>> -> memref<1x128xi32, #tpu.memory_space<vmem>>
      %dma_wait3A_524 = tpu.memref_squeeze %dma_wait3A_523 : memref<1x128xi32, #tpu.memory_space<vmem>> -> memref<128xi32, #tpu.memory_space<vmem>>
      %dma_wait3A_525 = arith.constant 0 : i32
      %dma_wait3A_526 = arith.constant 0 : i32
      %dma_wait3A_527 = tpu.memref_slice %arg2[%dma_wait3A_525, %dma_wait3A_526] : memref<8192x64xf32, #tpu.memory_space<hbm>> -> memref<8192x64xf32, #tpu.memory_space<hbm>>
      tpu.wait_indirect_dma semaphore(%arg13 : memref<!tpu.dma_semaphore, #tpu.memory_space<semaphore_mem>>) src(%dma_wait3A_527 : memref<8192x64xf32, #tpu.memory_space<hbm>>) dst(%dma_wait3A_521 : memref<128x64xf32, #tpu.memory_space<vmem>>)
      %dma_wait3A_528 = arith.constant 0 : i32
      %dma_wait3A_529 = arith.constant 0 : i32
      %dma_wait3A_530 = arith.constant 0 : i32
      %dma_wait3A_531 = tpu.memref_slice %arg11[%dma_wait3A_529, %dma_wait3A_530] : memref<512x64xf32, #tpu.memory_space<vmem>> -> memref<128x64xf32, #tpu.memory_space<vmem>>
      %dma_wait3A_532 = arith.constant 0 : i32
      %dma_wait3A_533 = tpu.memref_slice %arg8[%dma_wait3A_528, %dma_wait3A_532] : memref<4x128xi32, #tpu.memory_space<vmem>> -> memref<1x128xi32, #tpu.memory_space<vmem>>
      %dma_wait3A_534 = tpu.memref_squeeze %dma_wait3A_533 : memref<1x128xi32, #tpu.memory_space<vmem>> -> memref<128xi32, #tpu.memory_space<vmem>>
      %dma_wait3A_535 = arith.constant 0 : i32
      %dma_wait3A_536 = arith.constant 0 : i32
      %dma_wait3A_537 = tpu.memref_slice %arg3[%dma_wait3A_535, %dma_wait3A_536] : memref<8192x64xf32, #tpu.memory_space<hbm>> -> memref<8192x64xf32, #tpu.memory_space<hbm>>
      tpu.wait_indirect_dma semaphore(%arg14 : memref<!tpu.dma_semaphore, #tpu.memory_space<semaphore_mem>>) src(%dma_wait3A_537 : memref<8192x64xf32, #tpu.memory_space<hbm>>) dst(%dma_wait3A_531 : memref<128x64xf32, #tpu.memory_space<vmem>>)
      %dma_wait3A_538 = arith.constant 1 : i32
      %dma_wait3A_539 = arith.constant 128 : i32
      %dma_wait3A_540 = arith.constant 0 : i32
      %dma_wait3A_541 = tpu.memref_slice %arg10[%dma_wait3A_539, %dma_wait3A_540] : memref<512x64xf32, #tpu.memory_space<vmem>> -> memref<128x64xf32, #tpu.memory_space<vmem>>
      %dma_wait3A_542 = arith.constant 0 : i32
      %dma_wait3A_543 = tpu.memref_slice %arg7[%dma_wait3A_538, %dma_wait3A_542] : memref<4x128xi32, #tpu.memory_space<vmem>> -> memref<1x128xi32, #tpu.memory_space<vmem>>
      %dma_wait3A_544 = tpu.memref_squeeze %dma_wait3A_543 : memref<1x128xi32, #tpu.memory_space<vmem>> -> memref<128xi32, #tpu.memory_space<vmem>>
      %dma_wait3A_545 = arith.constant 0 : i32
      %dma_wait3A_546 = arith.constant 0 : i32
      %dma_wait3A_547 = tpu.memref_slice %arg2[%dma_wait3A_545, %dma_wait3A_546] : memref<8192x64xf32, #tpu.memory_space<hbm>> -> memref<8192x64xf32, #tpu.memory_space<hbm>>
      tpu.wait_indirect_dma semaphore(%arg13 : memref<!tpu.dma_semaphore, #tpu.memory_space<semaphore_mem>>) src(%dma_wait3A_547 : memref<8192x64xf32, #tpu.memory_space<hbm>>) dst(%dma_wait3A_541 : memref<128x64xf32, #tpu.memory_space<vmem>>)
      %dma_wait3A_548 = arith.constant 1 : i32
      %dma_wait3A_549 = arith.constant 128 : i32
      %dma_wait3A_550 = arith.constant 0 : i32
      %dma_wait3A_551 = tpu.memref_slice %arg11[%dma_wait3A_549, %dma_wait3A_550] : memref<512x64xf32, #tpu.memory_space<vmem>> -> memref<128x64xf32, #tpu.memory_space<vmem>>
      %dma_wait3A_552 = arith.constant 0 : i32
      %dma_wait3A_553 = tpu.memref_slice %arg8[%dma_wait3A_548, %dma_wait3A_552] : memref<4x128xi32, #tpu.memory_space<vmem>> -> memref<1x128xi32, #tpu.memory_space<vmem>>
      %dma_wait3A_554 = tpu.memref_squeeze %dma_wait3A_553 : memref<1x128xi32, #tpu.memory_space<vmem>> -> memref<128xi32, #tpu.memory_space<vmem>>
      %dma_wait3A_555 = arith.constant 0 : i32
      %dma_wait3A_556 = arith.constant 0 : i32
      %dma_wait3A_557 = tpu.memref_slice %arg3[%dma_wait3A_555, %dma_wait3A_556] : memref<8192x64xf32, #tpu.memory_space<hbm>> -> memref<8192x64xf32, #tpu.memory_space<hbm>>
      tpu.wait_indirect_dma semaphore(%arg14 : memref<!tpu.dma_semaphore, #tpu.memory_space<semaphore_mem>>) src(%dma_wait3A_557 : memref<8192x64xf32, #tpu.memory_space<hbm>>) dst(%dma_wait3A_551 : memref<128x64xf32, #tpu.memory_space<vmem>>)
      %dma_wait3A_558 = arith.constant 2 : i32
      %dma_wait3A_559 = arith.constant 256 : i32
      %dma_wait3A_560 = arith.constant 0 : i32
      %dma_wait3A_561 = tpu.memref_slice %arg10[%dma_wait3A_559, %dma_wait3A_560] : memref<512x64xf32, #tpu.memory_space<vmem>> -> memref<128x64xf32, #tpu.memory_space<vmem>>
      %dma_wait3A_562 = arith.constant 0 : i32
      %dma_wait3A_563 = tpu.memref_slice %arg7[%dma_wait3A_558, %dma_wait3A_562] : memref<4x128xi32, #tpu.memory_space<vmem>> -> memref<1x128xi32, #tpu.memory_space<vmem>>
      %dma_wait3A_564 = tpu.memref_squeeze %dma_wait3A_563 : memref<1x128xi32, #tpu.memory_space<vmem>> -> memref<128xi32, #tpu.memory_space<vmem>>
      %dma_wait3A_565 = arith.constant 0 : i32
      %dma_wait3A_566 = arith.constant 0 : i32
      %dma_wait3A_567 = tpu.memref_slice %arg2[%dma_wait3A_565, %dma_wait3A_566] : memref<8192x64xf32, #tpu.memory_space<hbm>> -> memref<8192x64xf32, #tpu.memory_space<hbm>>
      tpu.wait_indirect_dma semaphore(%arg13 : memref<!tpu.dma_semaphore, #tpu.memory_space<semaphore_mem>>) src(%dma_wait3A_567 : memref<8192x64xf32, #tpu.memory_space<hbm>>) dst(%dma_wait3A_561 : memref<128x64xf32, #tpu.memory_space<vmem>>)
      %dma_wait3A_568 = arith.constant 2 : i32
      %dma_wait3A_569 = arith.constant 256 : i32
      %dma_wait3A_570 = arith.constant 0 : i32
      %dma_wait3A_571 = tpu.memref_slice %arg11[%dma_wait3A_569, %dma_wait3A_570] : memref<512x64xf32, #tpu.memory_space<vmem>> -> memref<128x64xf32, #tpu.memory_space<vmem>>
      %dma_wait3A_572 = arith.constant 0 : i32
      %dma_wait3A_573 = tpu.memref_slice %arg8[%dma_wait3A_568, %dma_wait3A_572] : memref<4x128xi32, #tpu.memory_space<vmem>> -> memref<1x128xi32, #tpu.memory_space<vmem>>
      %dma_wait3A_574 = tpu.memref_squeeze %dma_wait3A_573 : memref<1x128xi32, #tpu.memory_space<vmem>> -> memref<128xi32, #tpu.memory_space<vmem>>
      %dma_wait3A_575 = arith.constant 0 : i32
      %dma_wait3A_576 = arith.constant 0 : i32
      %dma_wait3A_577 = tpu.memref_slice %arg3[%dma_wait3A_575, %dma_wait3A_576] : memref<8192x64xf32, #tpu.memory_space<hbm>> -> memref<8192x64xf32, #tpu.memory_space<hbm>>
      tpu.wait_indirect_dma semaphore(%arg14 : memref<!tpu.dma_semaphore, #tpu.memory_space<semaphore_mem>>) src(%dma_wait3A_577 : memref<8192x64xf32, #tpu.memory_space<hbm>>) dst(%dma_wait3A_571 : memref<128x64xf32, #tpu.memory_space<vmem>>)
      %dma_wait3A_578 = arith.constant 3 : i32
      %dma_wait3A_579 = arith.constant 384 : i32
      %dma_wait3A_580 = arith.constant 0 : i32
      %dma_wait3A_581 = tpu.memref_slice %arg10[%dma_wait3A_579, %dma_wait3A_580] : memref<512x64xf32, #tpu.memory_space<vmem>> -> memref<128x64xf32, #tpu.memory_space<vmem>>
      %dma_wait3A_582 = arith.constant 0 : i32
      %dma_wait3A_583 = tpu.memref_slice %arg7[%dma_wait3A_578, %dma_wait3A_582] : memref<4x128xi32, #tpu.memory_space<vmem>> -> memref<1x128xi32, #tpu.memory_space<vmem>>
      %dma_wait3A_584 = tpu.memref_squeeze %dma_wait3A_583 : memref<1x128xi32, #tpu.memory_space<vmem>> -> memref<128xi32, #tpu.memory_space<vmem>>
      %dma_wait3A_585 = arith.constant 0 : i32
      %dma_wait3A_586 = arith.constant 0 : i32
      %dma_wait3A_587 = tpu.memref_slice %arg2[%dma_wait3A_585, %dma_wait3A_586] : memref<8192x64xf32, #tpu.memory_space<hbm>> -> memref<8192x64xf32, #tpu.memory_space<hbm>>
      tpu.wait_indirect_dma semaphore(%arg13 : memref<!tpu.dma_semaphore, #tpu.memory_space<semaphore_mem>>) src(%dma_wait3A_587 : memref<8192x64xf32, #tpu.memory_space<hbm>>) dst(%dma_wait3A_581 : memref<128x64xf32, #tpu.memory_space<vmem>>)
      %dma_wait3A_588 = arith.constant 3 : i32
      %dma_wait3A_589 = arith.constant 384 : i32
      %dma_wait3A_590 = arith.constant 0 : i32
      %dma_wait3A_591 = tpu.memref_slice %arg11[%dma_wait3A_589, %dma_wait3A_590] : memref<512x64xf32, #tpu.memory_space<vmem>> -> memref<128x64xf32, #tpu.memory_space<vmem>>
      %dma_wait3A_592 = arith.constant 0 : i32
      %dma_wait3A_593 = tpu.memref_slice %arg8[%dma_wait3A_588, %dma_wait3A_592] : memref<4x128xi32, #tpu.memory_space<vmem>> -> memref<1x128xi32, #tpu.memory_space<vmem>>
      %dma_wait3A_594 = tpu.memref_squeeze %dma_wait3A_593 : memref<1x128xi32, #tpu.memory_space<vmem>> -> memref<128xi32, #tpu.memory_space<vmem>>
      %dma_wait3A_595 = arith.constant 0 : i32
      %dma_wait3A_596 = arith.constant 0 : i32
      %dma_wait3A_597 = tpu.memref_slice %arg3[%dma_wait3A_595, %dma_wait3A_596] : memref<8192x64xf32, #tpu.memory_space<hbm>> -> memref<8192x64xf32, #tpu.memory_space<hbm>>
      tpu.wait_indirect_dma semaphore(%arg14 : memref<!tpu.dma_semaphore, #tpu.memory_space<semaphore_mem>>) src(%dma_wait3A_597 : memref<8192x64xf32, #tpu.memory_space<hbm>>) dst(%dma_wait3A_591 : memref<128x64xf32, #tpu.memory_space<vmem>>)
      %scan3A_598 = arith.constant 0 : i32
      %scan3A_599 = arith.constant 512 : i32
      %scan3A_600 = arith.addi %scan3A_598, %scan3A_599 : i32
      %scan3A_601 = arith.constant 1 : i32
      scf.for %scan3A_606 = %scan3A_598 to %scan3A_600 step %scan3A_601  : i32 {
        %mul3A_607 = arith.constant 1 : i32
        %mul3A_608 = arith.muli %scan3A_606, %mul3A_607 : i32
        %add3A_609 = arith.constant 0 : i32
        %add3A_610 = arith.addi %add3A_609, %mul3A_608 : i32
        %get3A_611 = arith.index_cast %add3A_610 : i32 to index
        %get3A_612 = arith.constant 0 : index
        %get3A_613 = tpu.vector_load %arg10[%get3A_611, %get3A_612] {strides = array<i32>} : memref<512x64xf32, #tpu.memory_space<vmem>>, vector<1x16xf32>,
        %get3A_614 = vector.shape_cast %get3A_613 : vector<1x16xf32> to vector<16xf32>
        %get3A_615 = arith.index_cast %add3A_610 : i32 to index
        %get3A_616 = arith.constant 0 : index
        %get3A_617 = tpu.vector_load %arg11[%get3A_615, %get3A_616] {strides = array<i32>} : memref<512x64xf32, #tpu.memory_space<vmem>>, vector<1x16xf32>,
        %get3A_618 = vector.shape_cast %get3A_617 : vector<1x16xf32> to vector<16xf32>
        %add3A_619 = arith.addf %get3A_614, %get3A_618 : vector<16xf32>
        %neg3A = arith.constant 0.000000e+00 : f32
        %neg3A_620 = vector.broadcast %neg3A : f32 to vector<16xf32>
        %neg3A_621 = arith.subf %neg3A_620, %add3A_619 : vector<16xf32>
        %exp3A = math.exp %neg3A_621 : vector<16xf32>
        %add3A_622 = arith.constant 1.000000e+00 : f32
        %add3A_623 = vector.broadcast %add3A_622 : f32 to vector<16xf32>
        %add3A_624 = arith.addf %add3A_623, %exp3A : vector<16xf32>
        %div3A = arith.constant 1.000000e+00 : f32
        %div3A_625 = vector.broadcast %div3A : f32 to vector<16xf32>
        %div3A_626 = arith.divf %div3A_625, %add3A_624 : vector<16xf32>
        %mul3A_627 = arith.mulf %add3A_619, %div3A_626 : vector<16xf32>
        %swap3A_628 = arith.index_cast %add3A_610 : i32 to index
        %swap3A_629 = arith.constant 0 : index
        %swap3A_630 = tpu.vector_load %arg10[%swap3A_628, %swap3A_629] {strides = array<i32>} : memref<512x64xf32, #tpu.memory_space<vmem>>, vector<1x16xf32>,
        %swap3A_631 = vector.shape_cast %swap3A_630 : vector<1x16xf32> to vector<16xf32>
        %swap3A_632 = vector.shape_cast %mul3A_627 : vector<16xf32> to vector<1x16xf32>
        tpu.vector_store %arg10[%swap3A_628, %swap3A_629], %swap3A_632 {strides = array<i32>} : memref<512x64xf32, #tpu.memory_space<vmem>>, vector<1x16xf32>,
        %get3A_633 = arith.index_cast %add3A_610 : i32 to index
        %get3A_634 = arith.constant 16 : index
        %get3A_635 = tpu.vector_load %arg10[%get3A_633, %get3A_634] {strides = array<i32>} : memref<512x64xf32, #tpu.memory_space<vmem>>, vector<1x16xf32>,
        %get3A_636 = vector.shape_cast %get3A_635 : vector<1x16xf32> to vector<16xf32>
        %get3A_637 = arith.index_cast %add3A_610 : i32 to index
        %get3A_638 = arith.constant 16 : index
        %get3A_639 = tpu.vector_load %arg11[%get3A_637, %get3A_638] {strides = array<i32>} : memref<512x64xf32, #tpu.memory_space<vmem>>, vector<1x16xf32>,
        %get3A_640 = vector.shape_cast %get3A_639 : vector<1x16xf32> to vector<16xf32>
        %add3A_641 = arith.addf %get3A_636, %get3A_640 : vector<16xf32>
        %neg3A_642 = arith.constant 0.000000e+00 : f32
        %neg3A_643 = vector.broadcast %neg3A_642 : f32 to vector<16xf32>
        %neg3A_644 = arith.subf %neg3A_643, %add3A_641 : vector<16xf32>
        %exp3A_645 = math.exp %neg3A_644 : vector<16xf32>
        %add3A_646 = arith.constant 1.000000e+00 : f32
        %add3A_647 = vector.broadcast %add3A_646 : f32 to vector<16xf32>
        %add3A_648 = arith.addf %add3A_647, %exp3A_645 : vector<16xf32>
        %div3A_649 = arith.constant 1.000000e+00 : f32
        %div3A_650 = vector.broadcast %div3A_649 : f32 to vector<16xf32>
        %div3A_651 = arith.divf %div3A_650, %add3A_648 : vector<16xf32>
        %mul3A_652 = arith.mulf %add3A_641, %div3A_651 : vector<16xf32>
        %swap3A_653 = arith.index_cast %add3A_610 : i32 to index
        %swap3A_654 = arith.constant 16 : index
        %swap3A_655 = tpu.vector_load %arg10[%swap3A_653, %swap3A_654] {strides = array<i32>} : memref<512x64xf32, #tpu.memory_space<vmem>>, vector<1x16xf32>,
        %swap3A_656 = vector.shape_cast %swap3A_655 : vector<1x16xf32> to vector<16xf32>
        %swap3A_657 = vector.shape_cast %mul3A_652 : vector<16xf32> to vector<1x16xf32>
        tpu.vector_store %arg10[%swap3A_653, %swap3A_654], %swap3A_657 {strides = array<i32>} : memref<512x64xf32, #tpu.memory_space<vmem>>, vector<1x16xf32>,
        %get3A_658 = arith.index_cast %add3A_610 : i32 to index
        %get3A_659 = arith.constant 32 : index
        %get3A_660 = tpu.vector_load %arg10[%get3A_658, %get3A_659] {strides = array<i32>} : memref<512x64xf32, #tpu.memory_space<vmem>>, vector<1x16xf32>,
        %get3A_661 = vector.shape_cast %get3A_660 : vector<1x16xf32> to vector<16xf32>
        %get3A_662 = arith.index_cast %add3A_610 : i32 to index
        %get3A_663 = arith.constant 32 : index
        %get3A_664 = tpu.vector_load %arg11[%get3A_662, %get3A_663] {strides = array<i32>} : memref<512x64xf32, #tpu.memory_space<vmem>>, vector<1x16xf32>,
        %get3A_665 = vector.shape_cast %get3A_664 : vector<1x16xf32> to vector<16xf32>
        %add3A_666 = arith.addf %get3A_661, %get3A_665 : vector<16xf32>
        %neg3A_667 = arith.constant 0.000000e+00 : f32
        %neg3A_668 = vector.broadcast %neg3A_667 : f32 to vector<16xf32>
        %neg3A_669 = arith.subf %neg3A_668, %add3A_666 : vector<16xf32>
        %exp3A_670 = math.exp %neg3A_669 : vector<16xf32>
        %add3A_671 = arith.constant 1.000000e+00 : f32
        %add3A_672 = vector.broadcast %add3A_671 : f32 to vector<16xf32>
        %add3A_673 = arith.addf %add3A_672, %exp3A_670 : vector<16xf32>
        %div3A_674 = arith.constant 1.000000e+00 : f32
        %div3A_675 = vector.broadcast %div3A_674 : f32 to vector<16xf32>
        %div3A_676 = arith.divf %div3A_675, %add3A_673 : vector<16xf32>
        %mul3A_677 = arith.mulf %add3A_666, %div3A_676 : vector<16xf32>
        %swap3A_678 = arith.index_cast %add3A_610 : i32 to index
        %swap3A_679 = arith.constant 32 : index
        %swap3A_680 = tpu.vector_load %arg10[%swap3A_678, %swap3A_679] {strides = array<i32>} : memref<512x64xf32, #tpu.memory_space<vmem>>, vector<1x16xf32>,
        %swap3A_681 = vector.shape_cast %swap3A_680 : vector<1x16xf32> to vector<16xf32>
        %swap3A_682 = vector.shape_cast %mul3A_677 : vector<16xf32> to vector<1x16xf32>
        tpu.vector_store %arg10[%swap3A_678, %swap3A_679], %swap3A_682 {strides = array<i32>} : memref<512x64xf32, #tpu.memory_space<vmem>>, vector<1x16xf32>,
        %get3A_683 = arith.index_cast %add3A_610 : i32 to index
        %get3A_684 = arith.constant 48 : index
        %get3A_685 = tpu.vector_load %arg10[%get3A_683, %get3A_684] {strides = array<i32>} : memref<512x64xf32, #tpu.memory_space<vmem>>, vector<1x16xf32>,
        %get3A_686 = vector.shape_cast %get3A_685 : vector<1x16xf32> to vector<16xf32>
        %get3A_687 = arith.index_cast %add3A_610 : i32 to index
        %get3A_688 = arith.constant 48 : index
        %get3A_689 = tpu.vector_load %arg11[%get3A_687, %get3A_688] {strides = array<i32>} : memref<512x64xf32, #tpu.memory_space<vmem>>, vector<1x16xf32>,
        %get3A_690 = vector.shape_cast %get3A_689 : vector<1x16xf32> to vector<16xf32>
        %add3A_691 = arith.addf %get3A_686, %get3A_690 : vector<16xf32>
        %neg3A_692 = arith.constant 0.000000e+00 : f32
        %neg3A_693 = vector.broadcast %neg3A_692 : f32 to vector<16xf32>
        %neg3A_694 = arith.subf %neg3A_693, %add3A_691 : vector<16xf32>
        %exp3A_695 = math.exp %neg3A_694 : vector<16xf32>
        %add3A_696 = arith.constant 1.000000e+00 : f32
        %add3A_697 = vector.broadcast %add3A_696 : f32 to vector<16xf32>
        %add3A_698 = arith.addf %add3A_697, %exp3A_695 : vector<16xf32>
        %div3A_699 = arith.constant 1.000000e+00 : f32
        %div3A_700 = vector.broadcast %div3A_699 : f32 to vector<16xf32>
        %div3A_701 = arith.divf %div3A_700, %add3A_698 : vector<16xf32>
        %mul3A_702 = arith.mulf %add3A_691, %div3A_701 : vector<16xf32>
        %swap3A_703 = arith.index_cast %add3A_610 : i32 to index
        %swap3A_704 = arith.constant 48 : index
        %swap3A_705 = tpu.vector_load %arg10[%swap3A_703, %swap3A_704] {strides = array<i32>} : memref<512x64xf32, #tpu.memory_space<vmem>>, vector<1x16xf32>,
        %swap3A_706 = vector.shape_cast %swap3A_705 : vector<1x16xf32> to vector<16xf32>
        %swap3A_707 = vector.shape_cast %mul3A_702 : vector<16xf32> to vector<1x16xf32>
        tpu.vector_store %arg10[%swap3A_703, %swap3A_704], %swap3A_707 {strides = array<i32>} : memref<512x64xf32, #tpu.memory_space<vmem>>, vector<1x16xf32>,
      }
      %scan3A_602 = arith.constant 512 : i32
      %run_scoped3A = arith.constant 0 : i32
      "tpu.region"() ({
        %run_scoped3A_606 = tpu.sem_alloc : memref<!tpu.dma_semaphore, #tpu.memory_space<semaphore_mem>>
        %dma_start3A_607 = arith.constant 0 : i32
        %dma_start3A_608 = arith.constant 0 : i32
        %dma_start3A_609 = tpu.memref_slice %arg10[%dma_start3A_607, %dma_start3A_608] : memref<512x64xf32, #tpu.memory_space<vmem>> -> memref<128x64xf32, #tpu.memory_space<vmem>>
        %dma_start3A_610 = arith.constant 0 : i32
        %dma_start3A_611 = tpu.memref_slice %arg9[%run_scoped3A, %dma_start3A_610] : memref<4x128xi32, #tpu.memory_space<vmem>> -> memref<1x128xi32, #tpu.memory_space<vmem>>
        %dma_start3A_612 = tpu.memref_squeeze %dma_start3A_611 : memref<1x128xi32, #tpu.memory_space<vmem>> -> memref<128xi32, #tpu.memory_space<vmem>>
        %dma_start3A_613 = arith.constant 0 : i32
        %dma_start3A_614 = arith.constant 0 : i32
        %dma_start3A_615 = tpu.memref_slice %arg12[%dma_start3A_613, %dma_start3A_614] : memref<4096x64xf32, #tpu.memory_space<vmem_shared>> -> memref<4096x64xf32, #tpu.memory_space<vmem_shared>>
        tpu.enqueue_indirect_dma source(%dma_start3A_609 : memref<128x64xf32, #tpu.memory_space<vmem>>) target(%dma_start3A_615 : memref<4096x64xf32, #tpu.memory_space<vmem_shared>>) offsets(%dma_start3A_612 : memref<128xi32, #tpu.memory_space<vmem>>) semaphore(%run_scoped3A_606 : memref<!tpu.dma_semaphore, #tpu.memory_space<semaphore_mem>>) {add = true}
        %dma_wait3A_616 = arith.constant 0 : i32
        %dma_wait3A_617 = arith.constant 0 : i32
        %dma_wait3A_618 = tpu.memref_slice %arg10[%dma_wait3A_616, %dma_wait3A_617] : memref<512x64xf32, #tpu.memory_space<vmem>> -> memref<128x64xf32, #tpu.memory_space<vmem>>
        %dma_wait3A_619 = arith.constant 0 : i32
        %dma_wait3A_620 = tpu.memref_slice %arg9[%run_scoped3A, %dma_wait3A_619] : memref<4x128xi32, #tpu.memory_space<vmem>> -> memref<1x128xi32, #tpu.memory_space<vmem>>
        %dma_wait3A_621 = tpu.memref_squeeze %dma_wait3A_620 : memref<1x128xi32, #tpu.memory_space<vmem>> -> memref<128xi32, #tpu.memory_space<vmem>>
        %dma_wait3A_622 = arith.constant 0 : i32
        %dma_wait3A_623 = arith.constant 0 : i32
        %dma_wait3A_624 = tpu.memref_slice %arg12[%dma_wait3A_622, %dma_wait3A_623] : memref<4096x64xf32, #tpu.memory_space<vmem_shared>> -> memref<4096x64xf32, #tpu.memory_space<vmem_shared>>
        tpu.wait_indirect_dma semaphore(%run_scoped3A_606 : memref<!tpu.dma_semaphore, #tpu.memory_space<semaphore_mem>>) src(%dma_wait3A_618 : memref<128x64xf32, #tpu.memory_space<vmem>>) dst(%dma_wait3A_624 : memref<4096x64xf32, #tpu.memory_space<vmem_shared>>)
        tpu.yield
      }) : () -> ()
      %run_scoped3A_603 = arith.constant 1 : i32
      "tpu.region"() ({
        %run_scoped3A_606 = tpu.sem_alloc : memref<!tpu.dma_semaphore, #tpu.memory_space<semaphore_mem>>
        %dma_start3A_607 = arith.constant 128 : i32
        %dma_start3A_608 = arith.constant 0 : i32
        %dma_start3A_609 = tpu.memref_slice %arg10[%dma_start3A_607, %dma_start3A_608] : memref<512x64xf32, #tpu.memory_space<vmem>> -> memref<128x64xf32, #tpu.memory_space<vmem>>
        %dma_start3A_610 = arith.constant 0 : i32
        %dma_start3A_611 = tpu.memref_slice %arg9[%run_scoped3A_603, %dma_start3A_610] : memref<4x128xi32, #tpu.memory_space<vmem>> -> memref<1x128xi32, #tpu.memory_space<vmem>>
        %dma_start3A_612 = tpu.memref_squeeze %dma_start3A_611 : memref<1x128xi32, #tpu.memory_space<vmem>> -> memref<128xi32, #tpu.memory_space<vmem>>
        %dma_start3A_613 = arith.constant 0 : i32
        %dma_start3A_614 = arith.constant 0 : i32
        %dma_start3A_615 = tpu.memref_slice %arg12[%dma_start3A_613, %dma_start3A_614] : memref<4096x64xf32, #tpu.memory_space<vmem_shared>> -> memref<4096x64xf32, #tpu.memory_space<vmem_shared>>
        tpu.enqueue_indirect_dma source(%dma_start3A_609 : memref<128x64xf32, #tpu.memory_space<vmem>>) target(%dma_start3A_615 : memref<4096x64xf32, #tpu.memory_space<vmem_shared>>) offsets(%dma_start3A_612 : memref<128xi32, #tpu.memory_space<vmem>>) semaphore(%run_scoped3A_606 : memref<!tpu.dma_semaphore, #tpu.memory_space<semaphore_mem>>) {add = true}
        %dma_wait3A_616 = arith.constant 128 : i32
        %dma_wait3A_617 = arith.constant 0 : i32
        %dma_wait3A_618 = tpu.memref_slice %arg10[%dma_wait3A_616, %dma_wait3A_617] : memref<512x64xf32, #tpu.memory_space<vmem>> -> memref<128x64xf32, #tpu.memory_space<vmem>>
        %dma_wait3A_619 = arith.constant 0 : i32
        %dma_wait3A_620 = tpu.memref_slice %arg9[%run_scoped3A_603, %dma_wait3A_619] : memref<4x128xi32, #tpu.memory_space<vmem>> -> memref<1x128xi32, #tpu.memory_space<vmem>>
        %dma_wait3A_621 = tpu.memref_squeeze %dma_wait3A_620 : memref<1x128xi32, #tpu.memory_space<vmem>> -> memref<128xi32, #tpu.memory_space<vmem>>
        %dma_wait3A_622 = arith.constant 0 : i32
        %dma_wait3A_623 = arith.constant 0 : i32
        %dma_wait3A_624 = tpu.memref_slice %arg12[%dma_wait3A_622, %dma_wait3A_623] : memref<4096x64xf32, #tpu.memory_space<vmem_shared>> -> memref<4096x64xf32, #tpu.memory_space<vmem_shared>>
        tpu.wait_indirect_dma semaphore(%run_scoped3A_606 : memref<!tpu.dma_semaphore, #tpu.memory_space<semaphore_mem>>) src(%dma_wait3A_618 : memref<128x64xf32, #tpu.memory_space<vmem>>) dst(%dma_wait3A_624 : memref<4096x64xf32, #tpu.memory_space<vmem_shared>>)
        tpu.yield
      }) : () -> ()
      %run_scoped3A_604 = arith.constant 2 : i32
      "tpu.region"() ({
        %run_scoped3A_606 = tpu.sem_alloc : memref<!tpu.dma_semaphore, #tpu.memory_space<semaphore_mem>>
        %dma_start3A_607 = arith.constant 256 : i32
        %dma_start3A_608 = arith.constant 0 : i32
        %dma_start3A_609 = tpu.memref_slice %arg10[%dma_start3A_607, %dma_start3A_608] : memref<512x64xf32, #tpu.memory_space<vmem>> -> memref<128x64xf32, #tpu.memory_space<vmem>>
        %dma_start3A_610 = arith.constant 0 : i32
        %dma_start3A_611 = tpu.memref_slice %arg9[%run_scoped3A_604, %dma_start3A_610] : memref<4x128xi32, #tpu.memory_space<vmem>> -> memref<1x128xi32, #tpu.memory_space<vmem>>
        %dma_start3A_612 = tpu.memref_squeeze %dma_start3A_611 : memref<1x128xi32, #tpu.memory_space<vmem>> -> memref<128xi32, #tpu.memory_space<vmem>>
        %dma_start3A_613 = arith.constant 0 : i32
        %dma_start3A_614 = arith.constant 0 : i32
        %dma_start3A_615 = tpu.memref_slice %arg12[%dma_start3A_613, %dma_start3A_614] : memref<4096x64xf32, #tpu.memory_space<vmem_shared>> -> memref<4096x64xf32, #tpu.memory_space<vmem_shared>>
        tpu.enqueue_indirect_dma source(%dma_start3A_609 : memref<128x64xf32, #tpu.memory_space<vmem>>) target(%dma_start3A_615 : memref<4096x64xf32, #tpu.memory_space<vmem_shared>>) offsets(%dma_start3A_612 : memref<128xi32, #tpu.memory_space<vmem>>) semaphore(%run_scoped3A_606 : memref<!tpu.dma_semaphore, #tpu.memory_space<semaphore_mem>>) {add = true}
        %dma_wait3A_616 = arith.constant 256 : i32
        %dma_wait3A_617 = arith.constant 0 : i32
        %dma_wait3A_618 = tpu.memref_slice %arg10[%dma_wait3A_616, %dma_wait3A_617] : memref<512x64xf32, #tpu.memory_space<vmem>> -> memref<128x64xf32, #tpu.memory_space<vmem>>
        %dma_wait3A_619 = arith.constant 0 : i32
        %dma_wait3A_620 = tpu.memref_slice %arg9[%run_scoped3A_604, %dma_wait3A_619] : memref<4x128xi32, #tpu.memory_space<vmem>> -> memref<1x128xi32, #tpu.memory_space<vmem>>
        %dma_wait3A_621 = tpu.memref_squeeze %dma_wait3A_620 : memref<1x128xi32, #tpu.memory_space<vmem>> -> memref<128xi32, #tpu.memory_space<vmem>>
        %dma_wait3A_622 = arith.constant 0 : i32
        %dma_wait3A_623 = arith.constant 0 : i32
        %dma_wait3A_624 = tpu.memref_slice %arg12[%dma_wait3A_622, %dma_wait3A_623] : memref<4096x64xf32, #tpu.memory_space<vmem_shared>> -> memref<4096x64xf32, #tpu.memory_space<vmem_shared>>
        tpu.wait_indirect_dma semaphore(%run_scoped3A_606 : memref<!tpu.dma_semaphore, #tpu.memory_space<semaphore_mem>>) src(%dma_wait3A_618 : memref<128x64xf32, #tpu.memory_space<vmem>>) dst(%dma_wait3A_624 : memref<4096x64xf32, #tpu.memory_space<vmem_shared>>)
        tpu.yield
      }) : () -> ()
      %run_scoped3A_605 = arith.constant 3 : i32
      "tpu.region"() ({
        %run_scoped3A_606 = tpu.sem_alloc : memref<!tpu.dma_semaphore, #tpu.memory_space<semaphore_mem>>
        %dma_start3A_607 = arith.constant 384 : i32
        %dma_start3A_608 = arith.constant 0 : i32
        %dma_start3A_609 = tpu.memref_slice %arg10[%dma_start3A_607, %dma_start3A_608] : memref<512x64xf32, #tpu.memory_space<vmem>> -> memref<128x64xf32, #tpu.memory_space<vmem>>
        %dma_start3A_610 = arith.constant 0 : i32
        %dma_start3A_611 = tpu.memref_slice %arg9[%run_scoped3A_605, %dma_start3A_610] : memref<4x128xi32, #tpu.memory_space<vmem>> -> memref<1x128xi32, #tpu.memory_space<vmem>>
        %dma_start3A_612 = tpu.memref_squeeze %dma_start3A_611 : memref<1x128xi32, #tpu.memory_space<vmem>> -> memref<128xi32, #tpu.memory_space<vmem>>
        %dma_start3A_613 = arith.constant 0 : i32
        %dma_start3A_614 = arith.constant 0 : i32
        %dma_start3A_615 = tpu.memref_slice %arg12[%dma_start3A_613, %dma_start3A_614] : memref<4096x64xf32, #tpu.memory_space<vmem_shared>> -> memref<4096x64xf32, #tpu.memory_space<vmem_shared>>
        tpu.enqueue_indirect_dma source(%dma_start3A_609 : memref<128x64xf32, #tpu.memory_space<vmem>>) target(%dma_start3A_615 : memref<4096x64xf32, #tpu.memory_space<vmem_shared>>) offsets(%dma_start3A_612 : memref<128xi32, #tpu.memory_space<vmem>>) semaphore(%run_scoped3A_606 : memref<!tpu.dma_semaphore, #tpu.memory_space<semaphore_mem>>) {add = true}
        %dma_wait3A_616 = arith.constant 384 : i32
        %dma_wait3A_617 = arith.constant 0 : i32
        %dma_wait3A_618 = tpu.memref_slice %arg10[%dma_wait3A_616, %dma_wait3A_617] : memref<512x64xf32, #tpu.memory_space<vmem>> -> memref<128x64xf32, #tpu.memory_space<vmem>>
        %dma_wait3A_619 = arith.constant 0 : i32
        %dma_wait3A_620 = tpu.memref_slice %arg9[%run_scoped3A_605, %dma_wait3A_619] : memref<4x128xi32, #tpu.memory_space<vmem>> -> memref<1x128xi32, #tpu.memory_space<vmem>>
        %dma_wait3A_621 = tpu.memref_squeeze %dma_wait3A_620 : memref<1x128xi32, #tpu.memory_space<vmem>> -> memref<128xi32, #tpu.memory_space<vmem>>
        %dma_wait3A_622 = arith.constant 0 : i32
        %dma_wait3A_623 = arith.constant 0 : i32
        %dma_wait3A_624 = tpu.memref_slice %arg12[%dma_wait3A_622, %dma_wait3A_623] : memref<4096x64xf32, #tpu.memory_space<vmem_shared>> -> memref<4096x64xf32, #tpu.memory_space<vmem_shared>>
        tpu.wait_indirect_dma semaphore(%run_scoped3A_606 : memref<!tpu.dma_semaphore, #tpu.memory_space<semaphore_mem>>) src(%dma_wait3A_618 : memref<128x64xf32, #tpu.memory_space<vmem>>) dst(%dma_wait3A_624 : memref<4096x64xf32, #tpu.memory_space<vmem_shared>>)
        tpu.yield
      }) : () -> ()
    }
    %scan3A_16 = arith.constant 16 : i32
    %barrier3A_17 = arith.constant 0 : index
    tpu.barrier barrier_id(%barrier3A_17)
    %add3A_18 = arith.addi %mul3A_11, %mul3A_1 : i32
    "tpu.region"() ({
      %run_scoped3A = tpu.sem_alloc : memref<!tpu.dma_semaphore, #tpu.memory_space<semaphore_mem>>
      %dma_start3A = arith.constant 0 : i32
      %dma_start3A_19 = tpu.memref_slice %arg6[%add3A_18, %dma_start3A] : memref<8192x64xf32, #tpu.memory_space<hbm>> -> memref<256x64xf32, #tpu.memory_space<hbm>>
      %dma_start3A_20 = arith.constant 0 : i32
      %dma_start3A_21 = tpu.memref_slice %arg12[%mul3A_1, %dma_start3A_20] : memref<4096x64xf32, #tpu.memory_space<vmem_shared>> -> memref<256x64xf32, #tpu.memory_space<vmem_shared>>
      tpu.enqueue_dma source(%dma_start3A_21 : memref<256x64xf32, #tpu.memory_space<vmem_shared>>) target(%dma_start3A_19 : memref<256x64xf32, #tpu.memory_space<hbm>>) target_semaphore(%run_scoped3A : memref<!tpu.dma_semaphore, #tpu.memory_space<semaphore_mem>>)
      %dma_wait3A = arith.constant 0 : i32
      %dma_wait3A_22 = tpu.memref_slice %arg6[%add3A_18, %dma_wait3A] : memref<8192x64xf32, #tpu.memory_space<hbm>> -> memref<256x64xf32, #tpu.memory_space<hbm>>
      %dma_wait3A_23 = arith.constant 0 : i32
      %dma_wait3A_24 = tpu.memref_slice %arg12[%mul3A_1, %dma_wait3A_23] : memref<4096x64xf32, #tpu.memory_space<vmem_shared>> -> memref<256x64xf32, #tpu.memory_space<vmem_shared>>
      tpu.wait_dma2 semaphore(%run_scoped3A : memref<!tpu.dma_semaphore, #tpu.memory_space<semaphore_mem>>) src(%dma_wait3A_24 : memref<256x64xf32, #tpu.memory_space<vmem_shared>>) dst(%dma_wait3A_22 : memref<256x64xf32, #tpu.memory_space<hbm>>)
      tpu.yield
    }) : () -> ()
    return
  }
}

module attributes {stable_mosaic.version = 14 : i64} {
  func.func @_proj2_body(%arg0: memref<8192x4xf32, #tpu.memory_space<vmem>>, %arg1: memref<4x64xf32, #tpu.memory_space<vmem>>, %arg2: memref<64xf32, #tpu.memory_space<vmem>>, %arg3: memref<4x64xf32, #tpu.memory_space<vmem>>, %arg4: memref<8192x64xf32, #tpu.memory_space<vmem>>, %arg5: memref<8192x64xf32, #tpu.memory_space<vmem>>) attributes {dimension_semantics = [], scalar_prefetch = 0 : i64, scratch_operands = 0 : i64, tpu.core_type = #tpu.core_type<tc>} {
    %get3A = arith.constant 0 : index
    %get3A_0 = arith.constant 0 : index
    %get3A_1 = vector.load %arg0[%get3A, %get3A_0] : memref<8192x4xf32, #tpu.memory_space<vmem>>, vector<8192x4xf32>
    %get3A_2 = arith.constant 0 : index
    %get3A_3 = arith.constant 0 : index
    %get3A_4 = vector.load %arg1[%get3A_2, %get3A_3] : memref<4x64xf32, #tpu.memory_space<vmem>>, vector<4x64xf32>
    %dot_general3A = arith.constant dense<0.000000e+00> : vector<8192x64xf32>
    %dot_general3A_5 = tpu.matmul %get3A_1, %get3A_4, %dot_general3A {dimension_numbers = #tpu.dot_dimension_numbers<[1], [0], [0], [1], [0, 0, 1, 1], [], []>, transpose_lhs_hint = false} : vector<8192x4xf32>, vector<4x64xf32>, vector<8192x64xf32> -> vector<8192x64xf32>
    %get3A_6 = arith.constant 0 : index
    %get3A_7 = vector.load %arg2[%get3A_6] : memref<64xf32, #tpu.memory_space<vmem>>, vector<64xf32>
    %broadcast_in_dim3A = vector.shape_cast %get3A_7 : vector<64xf32> to vector<1x64xf32>
    %add3A = vector.broadcast %broadcast_in_dim3A : vector<1x64xf32> to vector<8192x64xf32>
    %add3A_8 = arith.addf %dot_general3A_5, %add3A : vector<8192x64xf32>
    %swap3A = arith.constant 0 : index
    %swap3A_9 = arith.constant 0 : index
    %swap3A_10 = vector.load %arg4[%swap3A, %swap3A_9] : memref<8192x64xf32, #tpu.memory_space<vmem>>, vector<8192x64xf32>
    tpu.vector_store %arg4[%swap3A, %swap3A_9], %add3A_8 {strides = array<i32>} : memref<8192x64xf32, #tpu.memory_space<vmem>>, vector<8192x64xf32>,
    %get3A_11 = arith.constant 0 : index
    %get3A_12 = arith.constant 0 : index
    %get3A_13 = vector.load %arg3[%get3A_11, %get3A_12] : memref<4x64xf32, #tpu.memory_space<vmem>>, vector<4x64xf32>
    %dot_general3A_14 = arith.constant dense<0.000000e+00> : vector<8192x64xf32>
    %dot_general3A_15 = tpu.matmul %get3A_1, %get3A_13, %dot_general3A_14 {dimension_numbers = #tpu.dot_dimension_numbers<[1], [0], [0], [1], [0, 0, 1, 1], [], []>, transpose_lhs_hint = false} : vector<8192x4xf32>, vector<4x64xf32>, vector<8192x64xf32> -> vector<8192x64xf32>
    %swap3A_16 = arith.constant 0 : index
    %swap3A_17 = arith.constant 0 : index
    %swap3A_18 = vector.load %arg5[%swap3A_16, %swap3A_17] : memref<8192x64xf32, #tpu.memory_space<vmem>>, vector<8192x64xf32>
    tpu.vector_store %arg5[%swap3A_16, %swap3A_17], %dot_general3A_15 {strides = array<i32>} : memref<8192x64xf32, #tpu.memory_space<vmem>>, vector<8192x64xf32>,
    return
  }
}

module attributes {stable_mosaic.version = 14 : i64} {
  func.func @_update_body(%arg0: memref<8192x4xf32, #tpu.memory_space<vmem>>, %arg1: memref<8192x64xf32, #tpu.memory_space<vmem>>, %arg2: memref<68x64xf32, #tpu.memory_space<vmem>>, %arg3: memref<64xf32, #tpu.memory_space<vmem>>, %arg4: memref<8192x64xf32, #tpu.memory_space<vmem>>) attributes {dimension_semantics = [], scalar_prefetch = 0 : i64, scratch_operands = 0 : i64, tpu.core_type = #tpu.core_type<tc>} {
    %get3A = arith.constant 0 : index
    %get3A_0 = arith.constant 0 : index
    %get3A_1 = vector.load %arg0[%get3A, %get3A_0] : memref<8192x4xf32, #tpu.memory_space<vmem>>, vector<8192x4xf32>
    %get3A_2 = arith.constant 0 : index
    %get3A_3 = arith.constant 0 : index
    %get3A_4 = vector.load %arg1[%get3A_2, %get3A_3] : memref<8192x64xf32, #tpu.memory_space<vmem>>, vector<8192x64xf32>
    %concatenate3A = tpu.concatenate %get3A_1, %get3A_4 in 1 : vector<8192x4xf32>, vector<8192x64xf32> -> vector<8192x68xf32>
    %get3A_5 = arith.constant 0 : index
    %get3A_6 = arith.constant 0 : index
    %get3A_7 = vector.load %arg2[%get3A_5, %get3A_6] : memref<68x64xf32, #tpu.memory_space<vmem>>, vector<68x64xf32>
    %dot_general3A = arith.constant dense<0.000000e+00> : vector<8192x64xf32>
    %dot_general3A_8 = tpu.matmul %concatenate3A, %get3A_7, %dot_general3A {dimension_numbers = #tpu.dot_dimension_numbers<[1], [0], [0], [1], [0, 0, 1, 1], [], []>, transpose_lhs_hint = false} : vector<8192x68xf32>, vector<68x64xf32>, vector<8192x64xf32> -> vector<8192x64xf32>
    %get3A_9 = arith.constant 0 : index
    %get3A_10 = vector.load %arg3[%get3A_9] : memref<64xf32, #tpu.memory_space<vmem>>, vector<64xf32>
    %broadcast_in_dim3A = vector.shape_cast %get3A_10 : vector<64xf32> to vector<1x64xf32>
    %add3A = vector.broadcast %broadcast_in_dim3A : vector<1x64xf32> to vector<8192x64xf32>
    %add3A_11 = arith.addf %dot_general3A_8, %add3A : vector<8192x64xf32>
    %neg3A = arith.constant 0.000000e+00 : f32
    %neg3A_12 = vector.broadcast %neg3A : f32 to vector<8192x64xf32>
    %neg3A_13 = arith.subf %neg3A_12, %add3A_11 : vector<8192x64xf32>
    %exp3A = math.exp %neg3A_13 : vector<8192x64xf32>
    %add3A_14 = arith.constant 1.000000e+00 : f32
    %add3A_15 = vector.broadcast %add3A_14 : f32 to vector<8192x64xf32>
    %add3A_16 = arith.addf %add3A_15, %exp3A : vector<8192x64xf32>
    %div3A = arith.divf %add3A_11, %add3A_16 : vector<8192x64xf32>
    %swap3A = arith.constant 0 : index
    %swap3A_17 = arith.constant 0 : index
    %swap3A_18 = vector.load %arg4[%swap3A, %swap3A_17] : memref<8192x64xf32, #tpu.memory_space<vmem>>, vector<8192x64xf32>
    tpu.vector_store %arg4[%swap3A, %swap3A_17], %div3A {strides = array<i32>} : memref<8192x64xf32, #tpu.memory_space<vmem>>, vector<8192x64xf32>,
    return
  }
}

module attributes {stable_mosaic.version = 14 : i64} {
  func.func @_proj2_body(%arg0: memref<8192x64xf32, #tpu.memory_space<vmem>>, %arg1: memref<64x64xf32, #tpu.memory_space<vmem>>, %arg2: memref<64xf32, #tpu.memory_space<vmem>>, %arg3: memref<64x64xf32, #tpu.memory_space<vmem>>, %arg4: memref<8192x64xf32, #tpu.memory_space<vmem>>, %arg5: memref<8192x64xf32, #tpu.memory_space<vmem>>) attributes {dimension_semantics = [], scalar_prefetch = 0 : i64, scratch_operands = 0 : i64, tpu.core_type = #tpu.core_type<tc>} {
    %get3A = arith.constant 0 : index
    %get3A_0 = arith.constant 0 : index
    %get3A_1 = vector.load %arg0[%get3A, %get3A_0] : memref<8192x64xf32, #tpu.memory_space<vmem>>, vector<8192x64xf32>
    %get3A_2 = arith.constant 0 : index
    %get3A_3 = arith.constant 0 : index
    %get3A_4 = vector.load %arg1[%get3A_2, %get3A_3] : memref<64x64xf32, #tpu.memory_space<vmem>>, vector<64x64xf32>
    %dot_general3A = arith.constant dense<0.000000e+00> : vector<8192x64xf32>
    %dot_general3A_5 = tpu.matmul %get3A_1, %get3A_4, %dot_general3A {dimension_numbers = #tpu.dot_dimension_numbers<[1], [0], [0], [1], [0, 0, 1, 1], [], []>, transpose_lhs_hint = false} : vector<8192x64xf32>, vector<64x64xf32>, vector<8192x64xf32> -> vector<8192x64xf32>
    %get3A_6 = arith.constant 0 : index
    %get3A_7 = vector.load %arg2[%get3A_6] : memref<64xf32, #tpu.memory_space<vmem>>, vector<64xf32>
    %broadcast_in_dim3A = vector.shape_cast %get3A_7 : vector<64xf32> to vector<1x64xf32>
    %add3A = vector.broadcast %broadcast_in_dim3A : vector<1x64xf32> to vector<8192x64xf32>
    %add3A_8 = arith.addf %dot_general3A_5, %add3A : vector<8192x64xf32>
    %swap3A = arith.constant 0 : index
    %swap3A_9 = arith.constant 0 : index
    %swap3A_10 = vector.load %arg4[%swap3A, %swap3A_9] : memref<8192x64xf32, #tpu.memory_space<vmem>>, vector<8192x64xf32>
    tpu.vector_store %arg4[%swap3A, %swap3A_9], %add3A_8 {strides = array<i32>} : memref<8192x64xf32, #tpu.memory_space<vmem>>, vector<8192x64xf32>,
    %get3A_11 = arith.constant 0 : index
    %get3A_12 = arith.constant 0 : index
    %get3A_13 = vector.load %arg3[%get3A_11, %get3A_12] : memref<64x64xf32, #tpu.memory_space<vmem>>, vector<64x64xf32>
    %dot_general3A_14 = arith.constant dense<0.000000e+00> : vector<8192x64xf32>
    %dot_general3A_15 = tpu.matmul %get3A_1, %get3A_13, %dot_general3A_14 {dimension_numbers = #tpu.dot_dimension_numbers<[1], [0], [0], [1], [0, 0, 1, 1], [], []>, transpose_lhs_hint = false} : vector<8192x64xf32>, vector<64x64xf32>, vector<8192x64xf32> -> vector<8192x64xf32>
    %swap3A_16 = arith.constant 0 : index
    %swap3A_17 = arith.constant 0 : index
    %swap3A_18 = vector.load %arg5[%swap3A_16, %swap3A_17] : memref<8192x64xf32, #tpu.memory_space<vmem>>, vector<8192x64xf32>
    tpu.vector_store %arg5[%swap3A_16, %swap3A_17], %dot_general3A_15 {strides = array<i32>} : memref<8192x64xf32, #tpu.memory_space<vmem>>, vector<8192x64xf32>,
    return
  }
}

module attributes {stable_mosaic.version = 14 : i64} {
  func.func @_update_body(%arg0: memref<8192x64xf32, #tpu.memory_space<vmem>>, %arg1: memref<8192x64xf32, #tpu.memory_space<vmem>>, %arg2: memref<128x64xf32, #tpu.memory_space<vmem>>, %arg3: memref<64xf32, #tpu.memory_space<vmem>>, %arg4: memref<8192x64xf32, #tpu.memory_space<vmem>>) attributes {dimension_semantics = [], scalar_prefetch = 0 : i64, scratch_operands = 0 : i64, tpu.core_type = #tpu.core_type<tc>} {
    %get3A = arith.constant 0 : index
    %get3A_0 = arith.constant 0 : index
    %get3A_1 = vector.load %arg0[%get3A, %get3A_0] : memref<8192x64xf32, #tpu.memory_space<vmem>>, vector<8192x64xf32>
    %get3A_2 = arith.constant 0 : index
    %get3A_3 = arith.constant 0 : index
    %get3A_4 = vector.load %arg1[%get3A_2, %get3A_3] : memref<8192x64xf32, #tpu.memory_space<vmem>>, vector<8192x64xf32>
    %concatenate3A = tpu.concatenate %get3A_1, %get3A_4 in 1 : vector<8192x64xf32>, vector<8192x64xf32> -> vector<8192x128xf32>
    %get3A_5 = arith.constant 0 : index
    %get3A_6 = arith.constant 0 : index
    %get3A_7 = vector.load %arg2[%get3A_5, %get3A_6] : memref<128x64xf32, #tpu.memory_space<vmem>>, vector<128x64xf32>
    %dot_general3A = arith.constant dense<0.000000e+00> : vector<8192x64xf32>
    %dot_general3A_8 = tpu.matmul %concatenate3A, %get3A_7, %dot_general3A {dimension_numbers = #tpu.dot_dimension_numbers<[1], [0], [0], [1], [0, 0, 1, 1], [], []>, transpose_lhs_hint = false} : vector<8192x128xf32>, vector<128x64xf32>, vector<8192x64xf32> -> vector<8192x64xf32>
    %get3A_9 = arith.constant 0 : index
    %get3A_10 = vector.load %arg3[%get3A_9] : memref<64xf32, #tpu.memory_space<vmem>>, vector<64xf32>
    %broadcast_in_dim3A = vector.shape_cast %get3A_10 : vector<64xf32> to vector<1x64xf32>
    %add3A = vector.broadcast %broadcast_in_dim3A : vector<1x64xf32> to vector<8192x64xf32>
    %add3A_11 = arith.addf %dot_general3A_8, %add3A : vector<8192x64xf32>
    %neg3A = arith.constant 0.000000e+00 : f32
    %neg3A_12 = vector.broadcast %neg3A : f32 to vector<8192x64xf32>
    %neg3A_13 = arith.subf %neg3A_12, %add3A_11 : vector<8192x64xf32>
    %exp3A = math.exp %neg3A_13 : vector<8192x64xf32>
    %add3A_14 = arith.constant 1.000000e+00 : f32
    %add3A_15 = vector.broadcast %add3A_14 : f32 to vector<8192x64xf32>
    %add3A_16 = arith.addf %add3A_15, %exp3A : vector<8192x64xf32>
    %div3A = arith.divf %add3A_11, %add3A_16 : vector<8192x64xf32>
    %swap3A = arith.constant 0 : index
    %swap3A_17 = arith.constant 0 : index
    %swap3A_18 = vector.load %arg4[%swap3A, %swap3A_17] : memref<8192x64xf32, #tpu.memory_space<vmem>>, vector<8192x64xf32>
    tpu.vector_store %arg4[%swap3A, %swap3A_17], %div3A {strides = array<i32>} : memref<8192x64xf32, #tpu.memory_space<vmem>>, vector<8192x64xf32>,
    return
  }
}

</mosaic_0001>

<sc_bundles>
// kernel: kernel.14.cloned.1.call-start
scs
__scs_entry_jumppad:
0x0: {  	(pc) =	sbr.rel $0x88, $3  }
0x1: {  	(tag) =	ssettag $0x0;
	lr =	simm.s32 $0x1  }
0x2: {  	[smem:$0x3F89] =	sst lr;
	_ =	strace $0xD0000000  }
0x3: {  	_ = 	snop  }
0x4: {  	_ = 	snop  }
0x5: {  	_ = 	snop  }
0x6: {  	_ = 	snop  }
0x7: {  	_ = 	snop  }
__scs_overlays_trampoline_lowered:
0x8: {  	[smem:$0x3F98] =	sst s0  }
0x9: {  	[smem:$0x3F99] =	sst s1  }
0xa: {  	[smem:$0x3F9A] =	sst s2  }
0xb: {  	[smem:$0x3F9B] =	sst s3  }
0xc: {  	[smem:$0x3F9C] =	sst s4  }
0xd: {  	[smem:$0x3F9D] =	sst s5  }
0xe: {  	[smem:$0x3F9E] =	sst s6  }
0xf: {  	[smem:$0x3F9F] =	sst s7  }
0x10: {  	[smem:$0x3FA0] =	sst s8  }
0x11: {  	[smem:$0x3FA1] =	sst s9;
	s0 =	simm.s32 @!p0 $0x0  }
0x12: {  	s1 =	sld [smem:$0x3F87];
	s0 =	simm.s32 @p0 $0x1  }
0x13: {  	[smem:$0x3FA2] =	sst s0;
	s0 =	simm.s32 @!p1 $0x0  }
0x14: {  	s2 =	sld [smem:$0x3F86];
	s0 =	simm.s32 @p1 $0x1  }
0x15: {  	[smem:$0x3FA3] =	sst s0;
	s0 =	simm.s32 @!p2 $0x0  }
0x16: {  	s3 =	sld [smem:$0x3FDB];
	s0 =	simm.s32 @p2 $0x1  }
0x17: {  	s4 =	simm.s32 $0x1BF5;
	[smem:$0x3FA5] =	sst s0  }
0x18: {  	s0 =	sld [smem:$0x3F88];
	_ =	swait.ge [sflag:s4], $0x0  }
0x19: {  	s7 =	sld [smem:$0x3F89]  }
0x1a: {  	s8 =	sadd.s32 $0xFFFFE003, lr  }
0x1b: {  	s9 =	sadd.s32 $0xFFFFFEF7, lr;
	s5 =	simm.s32 $0xFFFFFFFF;
	p2 =	slt.u32 s8, $0xFFFFF086  }
0x1c: {  	p1 =	slt.u32 s9, $0xF7A;
	s5 =	simm.s32 @!p2 $0x0  }
0x1d: {  	s5 =	simm.s32 @p1 $0x1;
	p0 =	seq.s32 s7, s2  }
0x1e: {  	s7 =	smul.u32 @!p0 $0xF7A, s2;
	p2 =	seq.s32 @!p0 s5, $0x0  }
0x1f: {  	s9 =	smul.u32 $0xF7A, s1;
	s8 =	simm.s32 @!p0 $0x1BF5;
	p2 =	por !p2, p0  }
0x20: {  	[sflag:s8] =	ssyncset.s32 @!p0 $0xFFFFF086;
	s6 =	sadd.s32 @!p0 s3, s7;
	s7 =	simm.s32 @!p0 $0x108  }
0x21: {  	s3 =	sadd.s32 s3, s9;
	s6 =	sadd.s32 @!p0 $0x88, s6;
	s7 =	simm.s32 @p2 $0x1082  }
0x22: {  	[simem:s7], [sflag:s8] =	dma.local @!p0 [hbm:s6], $0xF7A  }
0x23: {  	s9 =	sor.u32 $0xD0000000, s2;
	s6 =	simm.s32 $0x108;
	_ =	swait.ge @!p0 [sflag:s8], $0x0  }
0x24: {  	s3 =	sadd.s32 $0x88, s3;
	s6 =	simm.s32 @!p1 $0x1082;
	[sflag:s4] =	ssyncset.s32 $0xFFFFF086  }
0x25: {  	[simem:s6], [sflag:s4] =	dma.local [hbm:s3], $0xF7A  }
0x26: {  	[smem:$0x3F89] =	sst s1;
	(tag) =	ssettag s2;
	_ =	strace s9  }
0x27: {  	s1 =	sld [smem:$0x3F99]  }
0x28: {  	s2 =	sld [smem:$0x3F9A]  }
0x29: {  	s4 =	sld [smem:$0x3F9C]  }
0x2a: {  	p0 =	seq.s32 s5, $0x0;
	s5 =	sld [smem:$0x3F9D]  }
0x2b: {  	s6 =	sld [smem:$0x3F9E]  }
0x2c: {  	s7 =	sld [smem:$0x3F9F]  }
0x2d: {  	s3 =	simm.s32 $0x108;
	s8 =	sld [smem:$0x3FA0]  }
0x2e: {  	s3 =	simm.s32 @!p0 $0x1082;
	s9 =	sld [smem:$0x3FA1]  }
0x2f: {  	lr =	sadd.s32 s0, s3;
	s0 =	sld [smem:$0x3F98]  }
0x30: {  	s3 =	sld [smem:$0x3F9B]  }
0x31: {  	[smem:$0x3FA4] =	sst s10  }
0x32: {  	s10 =	sld [smem:$0x3FA2];
	_ =	sdelay $0x3  }
0x33: {  	p0 =	seq.s32 s10, $0x1;
	s10 =	sld [smem:$0x3FA4];
	_ =	sdelay $0x3  }
0x34: {  	[smem:$0x3FA4] =	sst s10  }
0x35: {  	s10 =	sld [smem:$0x3FA3];
	_ =	sdelay $0x3  }
0x36: {  	p1 =	seq.s32 s10, $0x1;
	s10 =	sld [smem:$0x3FA4];
	_ =	sdelay $0x3  }
0x37: {  	[smem:$0x3FA4] =	sst s10  }
0x38: {  	s10 =	sld [smem:$0x3FA5]  }
0x39: {  	_ = 	snop;
	(pc) =	sbr.ind lr, $3  }
0x3a: {  	_ = 	snop  }
0x3b: {  	_ = 	snop  }
0x3c: {  	p2 =	seq.s32 s10, $0x1;
	s10 =	sld [smem:$0x3FA4]  }
0x3d: {  	_ =	shalt  }
0x3e: {  	_ =	shalt  }
0x3f: {  	_ =	shalt  }
0x40: {  	_ =	shalt  }
0x41: {  	_ =	shalt  }
0x42: {  	_ =	shalt  }
0x43: {  	_ =	shalt  }
0x44: {  	_ =	shalt  }
0x45: {  	_ =	shalt  }
0x46: {  	_ =	shalt  }
0x47: {  	_ =	shalt  }
0x48: {  	_ =	shalt  }
0x49: {  	_ =	shalt  }
0x4a: {  	_ =	shalt  }
0x4b: {  	_ =	shalt  }
0x4c: {  	_ =	shalt  }
0x4d: {  	_ =	shalt  }
0x4e: {  	_ =	shalt  }
0x4f: {  	_ =	shalt  }
0x50: {  	_ =	shalt  }
0x51: {  	_ =	shalt  }
0x52: {  	_ =	shalt  }
0x53: {  	_ =	shalt  }
0x54: {  	_ =	shalt  }
0x55: {  	_ =	shalt  }
0x56: {  	_ =	shalt  }
0x57: {  	_ =	shalt  }
0x58: {  	_ =	shalt  }
0x59: {  	_ =	shalt  }
0x5a: {  	_ =	shalt  }
0x5b: {  	_ =	shalt  }
0x5c: {  	_ =	shalt  }
0x5d: {  	_ =	shalt  }
0x5e: {  	_ =	shalt  }
0x5f: {  	_ =	shalt  }
0x60: {  	_ =	shalt  }
0x61: {  	_ =	shalt  }
0x62: {  	_ =	shalt  }
0x63: {  	_ =	shalt  }
0x64: {  	_ =	shalt  }
0x65: {  	_ =	shalt  }
0x66: {  	_ =	shalt  }
0x67: {  	_ =	shalt  }
0x68: {  	_ =	shalt  }
0x69: {  	_ =	shalt  }
0x6a: {  	_ =	shalt  }
0x6b: {  	_ =	shalt  }
0x6c: {  	_ =	shalt  }
0x6d: {  	_ =	shalt  }
0x6e: {  	_ =	shalt  }
0x6f: {  	_ =	shalt  }
0x70: {  	_ =	shalt  }
0x71: {  	_ =	shalt  }
0x72: {  	_ =	shalt  }
0x73: {  	_ =	shalt  }
0x74: {  	_ =	shalt  }
0x75: {  	_ =	shalt  }
0x76: {  	_ =	shalt  }
0x77: {  	_ =	shalt  }
0x78: {  	_ =	shalt  }
0x79: {  	_ =	shalt  }
0x7a: {  	_ =	shalt  }
0x7b: {  	_ =	shalt  }
0x7c: {  	_ =	shalt  }
0x7d: {  	_ =	shalt  }
0x7e: {  	_ =	shalt  }
0x7f: {  	_ =	shalt  }
0x80: {  	_ =	shalt  }
0x81: {  	_ =	shalt  }
0x82: {  	_ =	shalt  }
0x83: {  	_ =	shalt  }
0x84: {  	_ =	shalt  }
0x85: {  	_ =	shalt  }
0x86: {  	_ =	shalt  }
0x87: {  	_ =	shalt  }
.Lfunc_end0:
.L_simem_size_0:
called_computation.1_lowered:
.L_overlay_start_0:
0x88: {  	s2 =	sld [smem:$0x3FD9]  }
0x89: {  	s3 =	sld [smem:$0x3FFE];
	_ =	sdelay $0x1  }
0x8a: {  	s1 =	srdreg.scid  }
0x8b: {  	s0 =	sand.u32 $0x1, s1  }
0x8c: {  	s17 =	sshll.u32 s0, $0xA;
	s2 =	sadd.s32 s3, s2  }
0x8d: {  	s2 =	sadd.s32 s2, s17  }
0x8e: {  	[smem:$0x3FB0] =	sst s2  }
0x8f: {  	_ = 	snop  }
0x90: {  	s2 =	sld [smem:$0x3FD0];
	(tm) =	ssettm $0x1  }
0x91: {  	s18 =	sld [smem:$0x3FFB];
	_ =	sdelay $0x3  }
0x92: {  	_ =	strace s18  }
0x93: {  	s3 =	sld [smem:$0x3FFC];
	_ =	sdelay $0x3  }
0x94: {  	_ =	strace s3  }
0x95: {  	s3 =	sld [smem:$0x3FFD];
	_ =	sdelay $0x3  }
0x96: {  	_ =	strace s3  }
0x97: {  	_ =	strace $0x8FFFFFFF  }
0x98: {  	s19 =	sld [smem:$0x3FDB];
	_ =	sdelay $0x1  }
0x99: {  	s4 =	simm.s32 $_scs_section_size  }
0x9a: {  	s5 =	simm.s32 $_size__tile_overlayer_lowered;
	s6 =	simm.s32 $_tile_overlayer_lowered  }
0x9b: {  	s22 =	simm.s32 $0x1BFF;
	s21 =	sshll.u32 s6, $0x1;
	s3 =	sadd.s32 s4, s19  }
0x9c: {  	s7 =	simm.s32 $0x0;
	s20 =	sshll.u32 s5, $0x1;
	s5 =	sadd.s32 s21, s3  }
0x9d: {  	[timem:s7], [sflag:s22] =	dma.local [hbm:s5], s20  }
0x9e: {  	_ =	swait.ge [sflag:s22], s20  }
0x9f: {  	s4 =	ssub.s32 $0x0, s20;
	[sflag:s22] =	ssyncset.done $0x0  }
0xa0: {  	[sflag:s22] =	ssyncadd.s32 s4;
	_ =	sdelay $0x1  }
0xa1: {  	s23 =	simm.s32 $0x1B8B  }
0xa2: {  	_ =	swait.ge [sflag:s23], $0x1  }
0xa3: {  	[sflag:s23] =	ssyncset.done $0x0  }
0xa4: {  	s25 =	simm.s32 $0x1B8E;
	s24 =	sld [smem:$0x3FFE];
	[sflag:s23] =	ssyncadd.s32 $0xFFFFFFFF  }
0xa5: {  	s26 =	simm.s32 $execute0_lowered;
	[smem:$0x3FD2] =	sst s25  }
0xa6: {  	s5 =	sshll.u32 s26, $0x1;
	_ =	strace $0x80000046;
	[dreg:$0x1] =	wrdreg $0xFFFFFFFF  }
0xa7: {  	s28 =	simm.s32 $_size_execute0_lowered;
	s3 =	sadd.s32 s3, s5;
	[dreg:$0x0] =	wrdreg $0x0  }
0xa8: {  	s5 =	sshll.u32 s28, $0x1;
	[dreg:$0x2] =	wrdreg s3  }
0xa9: {  	[dreg:$0x3] =	wrdreg s5  }
0xaa: {  	[dreg:$0x4] =	wrdreg $0xC0  }
0xab: {  	_ =	task [dreg:s7], $0x5FFFF  }
0xac: {  	[dreg:$0x1] =	wrdreg $0xFFFFFFFF  }
0xad: {  	[dreg:$0x0] =	wrdreg $0x60  }
0xae: {  	[dreg:$0x2] =	wrdreg s2  }
0xaf: {  	[dreg:$0x3] =	wrdreg s24  }
0xb0: {  	[dreg:$0x4] =	wrdreg $0x106000  }
0xb1: {  	[dreg:$0x5] =	wrdreg $0x9  }
0xb2: {  	_ =	task.clear_ibuf [dreg:s7], $0x6FFFF;
	_ =	strace $0x90000046  }
0xb3: {  	s29 =	simm.s32 $0x9;
	_ =	strace $0x80000048  }
0xb4: {  	_ =	swait.ge [sflag:s29], $0x1  }
0xb5: {  	[sflag:s29] =	ssyncadd.s32 $0xFFFFFFFF  }
0xb6: {  	_ =	strace $0x90000048  }
0xb7: {  	_ =	sfence  }
0xb8: {  	s30 =	sld [smem:$0x0];
	_ =	sdelay $0x2  }
0xb9: {  	s31 =	sshll.u32 s1, $0xD;
	s1 =	sshrl.u32 s1, $0x2  }
0xba: {  	s3 =	sand.u32 $0x4000, s31;
	s1 =	sadd.s32 s1, s30  }
0xbb: {  	s0 =	sor.u32 s3, s0;
	s1 =	sshll.u32 s1, $0x11  }
0xbc: {  	s0 =	sor.u32 s1, s0  }
0xbd: {  	s0 =	sadd.s32 $0x8F2B, s0  }
0xbe: {  	[sflag:s0] =	ssyncadd.remote.s32 $0x1  }
0xbf: {  	_ =	sfence.sel $0xFFFF  }
0xc0: {  	[dreg:$0x0] =	wrdreg $0xFFFFFFFF;
	(pc) =	sbr.abs _section_cstart, $3  }
0xc1: {  	[dreg:$0x1] =	wrdreg $0xFFFFFFFF  }
0xc2: {  	_ =	task.clear_ibuf [dreg:s7], $0x2FFFF;
	_ =	strace $0x9FFFFFFF  }
0xc3: {  	(tm) =	ssettm $0x7FFFFFFF  }
tec
execute0_lowered:
.L_overlay_start_1:
0x0: {  	(tag) =	ssettag $0x1  }
0x1: {  	s1 =	rddreg [dreg:$0x0]  }
0x2: {  	s0 =	rddreg [dreg:$0x1]  }
0x3: {  	s2 =	rddreg [dreg:$0x2];
	s11 =	simm.s32 $0x0;
	s3 =	srdreg.scid  }
0x4: {  	s12 =	stileid.u32;
	s13 =	simm.s32 $0x3;
	s14 =	simm.s32 $0x200  }
0x5: {  	s15 =	simm.s32 $0x80;
	s17 =	simm.s32 $0x2600;
	s19 =	simm.s32 $0xA600  }
0x6: {  	s20 =	simm.s32 $0x100;
	s21 =	simm.s32 $0x4600;
	s22 =	simm.s32 $0x300  }
0x7: {  	s28 =	simm.s32 $0xE600;
	s29 =	simm.s32 $0x1;
	s30 =	simm.s32 $0x2  }
0x8: {  	s31 =	simm.s32 $0x400;
	[smem:$0x7FF] =	sst s11;
	s5 =	sadd.s32 $0x3A00, s0  }
0x9: {  	s6 =	sadd.s32 $0x1BA00, s0;
	s3 =	sand.u32 $0x1, s3;
	s7 =	sadd.s32 $0x13A00, s0  }
0xa: {  	s10 =	sshll.u32 s12, $0xE;
	s24 =	sshll.u32 s12, $0xA;
	s25 =	sshll.u32 s12, $0xB  }
0xb: {  	s12 =	simm.s32 $0x600;
	_ =	strace $0x80000047;
	s4 =	ssub.s32 $0x2, s3  }
0xc: {  	s8 =	sshll.u32 s3, $0xF;
	s16 =	sadd.s32 s10, s2;
	s23 =	sshll.u32 s3, $0xE  }
0xd: {  	s3 =	sshll.u32 s3, $0xC;
	s10 =	simm.s32 $0x580;
	s9 =	sshrl.u32 s4, $0x1  }
0xe: {  	s0 =	sadd.s32 s8, s0;
	[dreg:$0x5] =	wrdreg s16;
	s4 =	ssub.s32 s4, s9  }
0xf: {  	s9 =	sor.u32 s24, s23;
	s0 =	sadd.s32 s25, s0;
	s23 =	simm.s32 $0xC600  }
0x10: {  	s24 =	simm.s32 $0x180;
	s25 =	simm.s32 $0x6600;
	s0 =	sadd.s32 $0x23A00, s0  }
0x11: {  	s26 =	smax.u32 s4, $0x1;
	s4 =	simm.s32 $0x500;
	[dreg:$0x6] =	wrdreg s0  }
0x12: {  	v1 =	vimm.f32 $0.0e+00;
	v0 =	vmov s3;
	[dreg:$0x7] =	wrdreg s26;
	s26 =	simm.s32 $0x380;
	s0 =	simm.s32 $0x480  }
.LBB2_1:
0x13: {  	[dreg:$0x4] =	wrdreg s11;
	s8 =	simm.s32 $0x100;
	s3 =	simm.s32 $0x0  }
.LBB2_2:
0x14: {  	p0 =	sne.s32 s8, $0xFF00;
	[tilespmem:s3+$0x630] =	vst v1;
	s11 =	smov.u32 s8;
	s8 =	sadd.s32 $0x100, s8  }
.Ltmp0:
0x15: {  	[tilespmem:s3+$0x620] =	vst v1;
	(pc) =	sbr.rel @p0 .LBB2_2-.Ltmp0, $3  }
0x16: {  	[tilespmem:s3+$0x600] =	vst v1  }
0x17: {  	[tilespmem:s3+$0x610] =	vst v1;
	_ =	sdelay $0x1  }
0x18: {  	s3 =	sshra.s32 s11, $0x2  }
0x19: {  	[tilespmem:s3+$0x630] =	vst v1  }
0x1a: {  	[tilespmem:s3+$0x620] =	vst v1  }
0x1b: {  	[tilespmem:s3+$0x600] =	vst v1  }
0x1c: {  	[tilespmem:s3+$0x610] =	vst v1  }
0x1d: {  	[spmem:s16] =	stream.linear.scatter [tilespmem:s12], [sflag:$0x3], $0x4000, $0x38;
	[tilespmem:$0x14600] =	vst v63  }
0x1e: {  	_ =	swait.ge [sflag:s13], $0x4000  }
0x1f: {  	[sflag:s13] =	ssyncset.done $0x0  }
0x20: {  	[sflag:s13] =	ssyncadd.s32 $0xFFFFC000  }
0x21: {  	s11 =	simm.s32 $0x0;
	s8 =	simm.s32 $0x0;
	[bflag:$0x0] =	sbarrier.arrive $0xFFFF  }
.LBB2_4:
0x22: {  	s3 =	sshll.u32 s8, $0x6  }
0x23: {  	s3 =	sadd.s32 s9, s3  }
0x24: {  	s16 =	sadd.s32 s6, s3  }
0x25: {  	[tilespmem:s11], [sflag:$0x3] =	stream.linear.gather [hbm4b:s16+s11], $0x200, $0x38;
	[tilespmem:$0x14600] =	vst v63  }
0x26: {  	_ =	swait.ge [sflag:s13], $0x200  }
0x27: {  	[sflag:s13] =	ssyncset.done $0x0  }
0x28: {  	s3 =	sadd.s32 s7, s3;
	[sflag:s13] =	ssyncadd.s32 $0xFFFFFE00  }
0x29: {  	[tilespmem:s14], [sflag:$0x3] =	stream.linear.gather [hbm4b:s3+s11], $0x200, $0x38;
	[tilespmem:$0x14600] =	vst v63  }
0x2a: {  	_ =	swait.ge [sflag:s13], $0x200  }
0x2b: {  	[sflag:s13] =	ssyncset.done $0x0  }
0x2c: {  	[sflag:s13] =	ssyncadd.s32 $0xFFFFFE00  }
0x2d: {  	v2 =	vld [tilespmem:$0x200]  }
0x2e: {  	v3 =	vld [tilespmem:$0x210]  }
0x2f: {  	v4 =	vld [tilespmem:$0x220]  }
0x30: {  	v5 =	vld [tilespmem:$0x230]  }
0x31: {  	v6 =	vld [tilespmem:$0x240]  }
0x32: {  	v7 =	vld [tilespmem:$0x250];
	v2 =	vsub.s32 v2, v0  }
0x33: {  	[tilespmem:$0x400] =	vst v2;
	v2 =	vsub.s32 v3, v0;
	v3 =	vld [tilespmem:$0x260]  }
0x34: {  	[tilespmem:$0x410] =	vst v2;
	v2 =	vsub.s32 v4, v0;
	v4 =	vld [tilespmem:$0x270]  }
0x35: {  	[tilespmem:$0x420] =	vst v2;
	v2 =	vsub.s32 v5, v0;
	v5 =	vld [tilespmem:$0x280]  }
0x36: {  	[tilespmem:$0x430] =	vst v2;
	v2 =	vsub.s32 v6, v0;
	v6 =	vld [tilespmem:$0x290]  }
0x37: {  	[tilespmem:$0x440] =	vst v2;
	v2 =	vsub.s32 v7, v0;
	v7 =	vld [tilespmem:$0x2A0]  }
0x38: {  	[tilespmem:$0x450] =	vst v2;
	v2 =	vsub.s32 v3, v0;
	v3 =	vld [tilespmem:$0x2B0]  }
0x39: {  	[tilespmem:$0x460] =	vst v2;
	v2 =	vsub.s32 v4, v0;
	v4 =	vld [tilespmem:$0x2C0]  }
0x3a: {  	[tilespmem:$0x470] =	vst v2;
	v2 =	vsub.s32 v5, v0;
	v5 =	vld [tilespmem:$0x2D0]  }
0x3b: {  	[tilespmem:$0x480] =	vst v2;
	v2 =	vsub.s32 v6, v0;
	v6 =	vld [tilespmem:$0x2E0]  }
0x3c: {  	[tilespmem:$0x490] =	vst v2;
	v2 =	vsub.s32 v7, v0;
	v7 =	vld [tilespmem:$0x2F0]  }
0x3d: {  	[tilespmem:$0x4A0] =	vst v2;
	v2 =	vsub.s32 v3, v0;
	v3 =	vld [tilespmem:$0x300]  }
0x3e: {  	[tilespmem:$0x4B0] =	vst v2;
	v2 =	vsub.s32 v4, v0;
	v4 =	vld [tilespmem:$0x310]  }
0x3f: {  	[tilespmem:$0x4C0] =	vst v2;
	v2 =	vsub.s32 v5, v0;
	v5 =	vld [tilespmem:$0x320]  }
0x40: {  	[tilespmem:$0x4D0] =	vst v2;
	v2 =	vsub.s32 v6, v0;
	v6 =	vld [tilespmem:$0x330]  }
0x41: {  	[tilespmem:$0x4E0] =	vst v2;
	v2 =	vsub.s32 v7, v0;
	v7 =	vld [tilespmem:$0x340]  }
0x42: {  	[tilespmem:$0x4F0] =	vst v2;
	v2 =	vsub.s32 v3, v0;
	v3 =	vld [tilespmem:$0x350]  }
0x43: {  	[tilespmem:$0x500] =	vst v2;
	v2 =	vsub.s32 v4, v0;
	v4 =	vld [tilespmem:$0x360]  }
0x44: {  	[tilespmem:$0x510] =	vst v2;
	v2 =	vsub.s32 v5, v0;
	v5 =	vld [tilespmem:$0x370]  }
0x45: {  	[tilespmem:$0x520] =	vst v2;
	v2 =	vsub.s32 v6, v0;
	v6 =	vld [tilespmem:$0x380]  }
0x46: {  	[tilespmem:$0x530] =	vst v2;
	v2 =	vsub.s32 v7, v0;
	v7 =	vld [tilespmem:$0x390]  }
0x47: {  	[tilespmem:$0x540] =	vst v2;
	v2 =	vsub.s32 v3, v0;
	v3 =	vld [tilespmem:$0x3A0]  }
0x48: {  	[tilespmem:$0x550] =	vst v2;
	v2 =	vsub.s32 v4, v0;
	v4 =	vld [tilespmem:$0x3B0]  }
0x49: {  	[tilespmem:$0x560] =	vst v2;
	v2 =	vsub.s32 v5, v0;
	v5 =	vld [tilespmem:$0x3C0]  }
0x4a: {  	[tilespmem:$0x570] =	vst v2;
	v2 =	vsub.s32 v6, v0;
	v6 =	vld [tilespmem:$0x3D0]  }
0x4b: {  	[tilespmem:$0x580] =	vst v2;
	v2 =	vsub.s32 v7, v0;
	v7 =	vld [tilespmem:$0x3E0]  }
0x4c: {  	[tilespmem:$0x590] =	vst v2;
	v2 =	vsub.s32 v3, v0;
	v3 =	vld [tilespmem:$0x3F0]  }
0x4d: {  	[tilespmem:$0x5A0] =	vst v2;
	v2 =	vsub.s32 v4, v0  }
0x4e: {  	[tilespmem:$0x5B0] =	vst v2;
	v2 =	vsub.s32 v5, v0  }
0x4f: {  	[tilespmem:$0x5C0] =	vst v2;
	v2 =	vsub.s32 v6, v0  }
0x50: {  	[tilespmem:$0x5D0] =	vst v2;
	v2 =	vsub.s32 v7, v0  }
0x51: {  	[tilespmem:$0x5E0] =	vst v2;
	v2 =	vsub.s32 v3, v0  }
0x52: {  	[tilespmem:$0x5F0] =	vst v2  }
0x53: {  	[tilespmem:s12], [sflag:$0x1] =	stream.indirect.gather [hbm4b:s1+s15], $0x40, s11, s15, $0xb8;
	[tilespmem:$0x14600] =	vst v63  }
0x54: {  	s16 =	simm.s32 $0x8600  }
0x55: {  	[tilespmem:s16], [sflag:$0x2] =	stream.indirect.gather [hbm4b:s5+s15], $0x40, s14, s15, $0xb8;
	[tilespmem:$0x14600] =	vst v63  }
0x56: {  	_ = 	snop  }
0x57: {  	[tilespmem:s17], [sflag:$0x1] =	stream.indirect.gather [hbm4b:s1+s15], $0x40, s15, s15, $0xb8;
	[tilespmem:$0x14600] =	vst v63  }
0x58: {  	s18 =	simm.s32 $0x280  }
0x59: {  	[tilespmem:s19], [sflag:$0x2] =	stream.indirect.gather [hbm4b:s5+s15], $0x40, s18, s15, $0xb8;
	[tilespmem:$0x14600] =	vst v63  }
0x5a: {  	_ = 	snop  }
0x5b: {  	[tilespmem:s21], [sflag:$0x1] =	stream.indirect.gather [hbm4b:s1+s15], $0x40, s20, s15, $0xb8;
	[tilespmem:$0x14600] =	vst v63  }
0x5c: {  	_ = 	snop  }
0x5d: {  	[tilespmem:s23], [sflag:$0x2] =	stream.indirect.gather [hbm4b:s5+s15], $0x40, s22, s15, $0xb8;
	[tilespmem:$0x14600] =	vst v63  }
0x5e: {  	_ = 	snop  }
0x5f: {  	[tilespmem:s25], [sflag:$0x1] =	stream.indirect.gather [hbm4b:s1+s15], $0x40, s24, s15, $0xb8;
	[tilespmem:$0x14600] =	vst v63  }
0x60: {  	_ = 	snop  }
0x61: {  	[tilespmem:s28], [sflag:$0x2] =	stream.indirect.gather [hbm4b:s5+s15], $0x40, s26, s15, $0xb8;
	[tilespmem:$0x14600] =	vst v63  }
0x62: {  	_ =	swait.ge [sflag:s29], $0x2000  }
0x63: {  	[sflag:s29] =	ssyncset.done $0x0  }
0x64: {  	[sflag:s29] =	ssyncadd.s32 $0xFFFFE000  }
0x65: {  	_ =	swait.ge [sflag:s30], $0x2000  }
0x66: {  	[sflag:s30] =	ssyncset.done $0x0  }
0x67: {  	[sflag:s30] =	ssyncadd.s32 $0xFFFFE000  }
0x68: {  	_ =	swait.ge [sflag:s29], $0x2000  }
0x69: {  	[sflag:s29] =	ssyncset.done $0x0  }
0x6a: {  	[sflag:s29] =	ssyncadd.s32 $0xFFFFE000  }
0x6b: {  	_ =	swait.ge [sflag:s30], $0x2000  }
0x6c: {  	[sflag:s30] =	ssyncset.done $0x0  }
0x6d: {  	[sflag:s30] =	ssyncadd.s32 $0xFFFFE000  }
0x6e: {  	_ =	swait.ge [sflag:s29], $0x2000  }
0x6f: {  	[sflag:s29] =	ssyncset.done $0x0  }
0x70: {  	[sflag:s29] =	ssyncadd.s32 $0xFFFFE000  }
0x71: {  	_ =	swait.ge [sflag:s30], $0x2000  }
0x72: {  	[sflag:s30] =	ssyncset.done $0x0  }
0x73: {  	[sflag:s30] =	ssyncadd.s32 $0xFFFFE000  }
0x74: {  	_ =	swait.ge [sflag:s29], $0x2000  }
0x75: {  	[sflag:s29] =	ssyncset.done $0x0  }
0x76: {  	[sflag:s29] =	ssyncadd.s32 $0xFFFFE000  }
0x77: {  	_ =	swait.ge [sflag:s30], $0x2000  }
0x78: {  	[sflag:s30] =	ssyncset.done $0x0  }
0x79: {  	s3 =	simm.s32 $0x0;
	[sflag:s30] =	ssyncadd.s32 $0xFFFFE000  }
0x7a: {  	v2 =	vld [tilespmem:s3+$0x8600]  }
0x7b: {  	v3 =	vld [tilespmem:s3+$0x8610]  }
0x7c: {  	v4 =	vld [tilespmem:s3+$0x8620]  }
0x7d: {  	v5 =	vld [tilespmem:s3+$0x8630]  }
0x7e: {  	v6 =	vld [tilespmem:s3+$0x600]  }
0x7f: {  	v8 =	vld [tilespmem:s3+$0x610]  }
0x80: {  	s16 =	simm.s32 $0x100;
	v7 =	vld [tilespmem:s3+$0x620]  }
.LBB2_5:
0x81: {  	p0 =	sne.s32 s16, $0x1FF00;
	v9 =	vld [tilespmem:s3+$0x630];
	_ =	sdelay $0x1  }
0x82: {  	v6 =	vadd.f32 v2, v6  }
0x83: {  	v8 =	vadd.f32 v3, v8  }
0x84: {  	v2 =	vsub.f32 $0.0e+00, v6;
	v7 =	vadd.f32 v4, v7  }
0x85: {  	v3 =	vsub.f32 $0.0e+00, v8;
	v9 =	vadd.f32 v5, v9  }
0x86: {  	v2 =	vmul.f32 $1.442695020e+00, v2;
	v4 =	vsub.f32 $0.0e+00, v7  }
0x87: {  	v3 =	vmul.f32 $1.442695020e+00, v3;
	v5 =	vsub.f32 $0.0e+00, v9  }
0x88: {  	v4 =	vmul.f32 $1.442695020e+00, v4;
	(erf) = vpow2.f32 v2  }
0x89: {  	v2 =	vmul.f32 $1.442695020e+00, v5;
	(erf) = vpow2.f32 v3  }
0x8a: {  	(erf) = vpow2.f32 v4  }
0x8b: {  	(erf) = vpow2.f32 v2;
	_ =	sdelay $0x5  }
0x8c: {  	v2 =	vpop (erf)  }
0x8d: {  	v5 =	vadd.f32 $1.000000000e+00, v2;
	v3 =	vpop (erf)  }
0x8e: {  	v3 =	vadd.f32 $1.000000000e+00, v3;
	v4 =	vpop (erf)  }
0x8f: {  	v4 =	vadd.f32 $1.000000000e+00, v4;
	(erf) = vrcp.f32 v5;
	v2 =	vpop (erf)  }
0x90: {  	v2 =	vadd.f32 $1.000000000e+00, v2;
	(erf) = vrcp.f32 v3  }
0x91: {  	(erf) = vrcp.f32 v4  }
0x92: {  	(erf) = vrcp.f32 v2;
	_ =	sdelay $0x4  }
0x93: {  	s18 =	sshra.s32 s16, $0x2  }
0x94: {  	v2 =	vld [tilespmem:s18+$0x8600];
	v4 =	vpop (erf)  }
0x95: {  	v3 =	vld [tilespmem:s18+$0x8610];
	v6 =	vmul.f32 v4, v6;
	v5 =	vpop (erf)  }
.Ltmp1:
0x96: {  	v4 =	vld [tilespmem:s18+$0x8620];
	v8 =	vmul.f32 v5, v8;
	v10 =	vpop (erf);
	(pc) =	sbr.rel @p0 .LBB2_5-.Ltmp1, $4  }
0x97: {  	v5 =	vld [tilespmem:s18+$0x8630];
	[tilespmem:s3+$0x600] =	vst v6;
	v7 =	vmul.f32 v10, v7;
	v10 =	vpop (erf)  }
0x98: {  	v6 =	vld [tilespmem:s18+$0x600];
	[tilespmem:s3+$0x610] =	vst v8;
	v9 =	vmul.f32 v10, v9  }
0x99: {  	v8 =	vld [tilespmem:s18+$0x610];
	[tilespmem:s3+$0x620] =	vst v7  }
0x9a: {  	s16 =	sadd.s32 $0x100, s16;
	v7 =	vld [tilespmem:s18+$0x620];
	[tilespmem:s3+$0x630] =	vst v9;
	s3 =	smov.u32 s18  }
0x9b: {  	v9 =	vld [tilespmem:s3+$0x630];
	_ =	sdelay $0x1  }
0x9c: {  	v2 =	vadd.f32 v2, v6  }
0x9d: {  	v3 =	vadd.f32 v3, v8  }
0x9e: {  	v6 =	vsub.f32 $0.0e+00, v2;
	v4 =	vadd.f32 v4, v7  }
0x9f: {  	v55 =	vsub.f32 $0.0e+00, v3;
	v5 =	vadd.f32 v5, v9  }
0xa0: {  	v6 =	vmul.f32 $1.442695020e+00, v6;
	v56 =	vsub.f32 $0.0e+00, v4  }
0xa1: {  	v7 =	vmul.f32 $1.442695020e+00, v55;
	v9 =	vsub.f32 $0.0e+00, v5  }
0xa2: {  	v8 =	vmul.f32 $1.442695020e+00, v56;
	(erf) = vpow2.f32 v6  }
0xa3: {  	v57 =	vmul.f32 $1.442695020e+00, v9;
	(erf) = vpow2.f32 v7  }
0xa4: {  	(erf) = vpow2.f32 v8  }
0xa5: {  	(erf) = vpow2.f32 v57;
	_ =	sdelay $0x5  }
0xa6: {  	v58 =	vpop (erf)  }
0xa7: {  	v6 =	vadd.f32 $1.000000000e+00, v58;
	v7 =	vpop (erf)  }
0xa8: {  	v7 =	vadd.f32 $1.000000000e+00, v7;
	v8 =	vpop (erf)  }
0xa9: {  	v8 =	vadd.f32 $1.000000000e+00, v8;
	(erf) = vrcp.f32 v6;
	v59 =	vpop (erf)  }
0xaa: {  	v6 =	vadd.f32 $1.000000000e+00, v59;
	(erf) = vrcp.f32 v7  }
0xab: {  	(erf) = vrcp.f32 v8  }
0xac: {  	(erf) = vrcp.f32 v6;
	_ =	sdelay $0x5  }
0xad: {  	v60 =	vpop (erf)  }
0xae: {  	v2 =	vmul.f32 v60, v2;
	v61 =	vpop (erf)  }
0xaf: {  	v3 =	vmul.f32 v61, v3;
	v62 =	vpop (erf)  }
0xb0: {  	[tilespmem:s3+$0x600] =	vst v2;
	v2 =	vmul.f32 v62, v4;
	v63 =	vpop (erf)  }
0xb1: {  	[tilespmem:s3+$0x610] =	vst v3;
	v3 =	vmul.f32 v63, v5  }
0xb2: {  	[tilespmem:s3+$0x620] =	vst v2  }
0xb3: {  	[tilespmem:s3+$0x630] =	vst v3  }
0xb4: {  	[spmem:s2] =	stream.indirect.scatter.add.f32 [tilespmem:s12], [sflag:$0x3], $0x40, s31, s15, $0xb8;
	[tilespmem:$0x14600] =	vst v63  }
0xb5: {  	_ =	swait.ge [sflag:s13], $0x2000  }
0xb6: {  	[sflag:s13] =	ssyncset.done $0x0  }
0xb7: {  	[sflag:s13] =	ssyncadd.s32 $0xFFFFE000  }
0xb8: {  	[spmem:s2] =	stream.indirect.scatter.add.f32 [tilespmem:s17], [sflag:$0x3], $0x40, s0, s15, $0xb8;
	[tilespmem:$0x14600] =	vst v63  }
0xb9: {  	_ =	swait.ge [sflag:s13], $0x2000  }
0xba: {  	[sflag:s13] =	ssyncset.done $0x0  }
0xbb: {  	[sflag:s13] =	ssyncadd.s32 $0xFFFFE000  }
0xbc: {  	[spmem:s2] =	stream.indirect.scatter.add.f32 [tilespmem:s21], [sflag:$0x3], $0x40, s4, s15, $0xb8;
	[tilespmem:$0x14600] =	vst v63  }
0xbd: {  	s8 =	sadd.s32 $0x1, s8;
	_ =	swait.ge [sflag:s13], $0x2000  }
0xbe: {  	p0 =	sne.s32 s8, $0x10;
	[sflag:s13] =	ssyncset.done $0x0  }
.Ltmp2:
0xbf: {  	[sflag:s13] =	ssyncadd.s32 $0xFFFFE000;
	(pc) =	sbr.rel @p0 .LBB2_4-.Ltmp2, $4  }
0xc0: {  	[spmem:s2] =	stream.indirect.scatter.add.f32 [tilespmem:s25], [sflag:$0x3], $0x40, s10, s15, $0xb8;
	[tilespmem:$0x14600] =	vst v63  }
0xc1: {  	_ =	swait.ge [sflag:s13], $0x2000  }
0xc2: {  	[sflag:s13] =	ssyncset.done $0x0  }
0xc3: {  	[sflag:s13] =	ssyncadd.s32 $0xFFFFE000  }
0xc4: {  	s3 =	stileid.u32;
	[bflag:$0x0] =	sbarrier.arrive $0xFFFF  }
0xc5: {  	s3 =	sshll.u32 s3, $0x6;
	s16 =	rddreg [dreg:$0x5]  }
0xc6: {  	s11 =	rddreg [dreg:$0x6];
	s3 =	sor.u32 $0x1C03, s3;
	s8 =	sshrl.u32 s16, $0x3  }
0xc7: {  	[hbm:s11], [sflag:s3] =	dma.local [spmem:s8], $0x800  }
0xc8: {  	_ =	swait.ge [sflag:s13], $0x800  }
0xc9: {  	s8 =	rddreg [dreg:$0x4]  }
0xca: {  	s18 =	rddreg [dreg:$0x7];
	s11 =	sadd.s32 $0x1, s8  }
0xcb: {  	p0 =	sne.s32 s11, s18  }
.Ltmp3:
0xcc: {  	_ = 	snop;
	(pc) =	sbr.rel @p0 .LBB2_1-.Ltmp3, $3  }
0xcd: {  	_ =	sdelay $0x1  }
0xce: {  	[sflag:s13] =	ssyncset.done $0x0  }
0xcf: {  	[sflag:s13] =	ssyncadd.s32 $0xFFFFF800  }
0xd0: {  	_ =	sfence.sel $0x180000  }
0xd1: {  	[bflag:$0x0] =	sbarrier.arrive $0xFFFF  }
0xd2: {  	_ =	strace $0x90000047  }
0xd3: {  	s0 =	stileid.u32;
	[bflag:$0x2] =	sbarrier.arrive $0xFFFF  }
0xd4: {  	p0 =	sne.s32 s0, $0x0;
	s0 =	rddreg [dreg:$0x3]  }
0xd5: {  	s0 =	sadd.s32 @!p0 $0x100000, s0  }
0xd6: {  	[sflag:s0] =	ssyncadd.tile.s32 @!p0 $0x1;
	_ =	shalt  }
.Lfunc_end2:
_tile_overlayer_lowered:
.L_overlay_start_2:
0xd7: {  	(tag) =	ssettag $0x2  }
0xd8: {  	s0 =	rddreg [dreg:$0x0];
	s2 =	stileid.u32  }
0xd9: {  	s1 =	rddreg [dreg:$0x1];
	p0 =	sne.s32 s2, $0x0  }
0xda: {  	s3 =	rddreg [dreg:$0x2];
	[bflag:$0x3] =	sbarrier.arrive $0xFFFF;
	s2 =	simm.s32 @!p0 $0x1C03  }
0xdb: {  	[timem:s3], [sflag:s2] =	dma.local @!p0 [hbm:s0], s1  }
0xdc: {  	s0 =	simm.s32 @!p0 $0x3  }
0xdd: {  	_ =	swait.ge @!p0 [sflag:s0], s1  }
0xde: {  	s1 =	ssub.s32 @!p0 $0x0, s1;
	[sflag:s0] =	ssyncset.done @!p0 $0x0  }
0xdf: {  	[sflag:s0] =	ssyncadd.s32 @!p0 s1  }
0xe0: {  	[bflag:$0x3] =	sbarrier.arrive $0xFFFF  }
0xe1: {  	_ =	shalt  }

// kernel: kernel.17.cloned.1.call-start
scs
__scs_entry_jumppad:
0x0: {  	(pc) =	sbr.rel $0x88, $3  }
0x1: {  	(tag) =	ssettag $0x0;
	lr =	simm.s32 $0x1  }
0x2: {  	[smem:$0x3F89] =	sst lr;
	_ =	strace $0xD0000000  }
0x3: {  	_ = 	snop  }
0x4: {  	_ = 	snop  }
0x5: {  	_ = 	snop  }
0x6: {  	_ = 	snop  }
0x7: {  	_ = 	snop  }
__scs_overlays_trampoline_lowered:
0x8: {  	[smem:$0x3F98] =	sst s0  }
0x9: {  	[smem:$0x3F99] =	sst s1  }
0xa: {  	[smem:$0x3F9A] =	sst s2  }
0xb: {  	[smem:$0x3F9B] =	sst s3  }
0xc: {  	[smem:$0x3F9C] =	sst s4  }
0xd: {  	[smem:$0x3F9D] =	sst s5  }
0xe: {  	[smem:$0x3F9E] =	sst s6  }
0xf: {  	[smem:$0x3F9F] =	sst s7  }
0x10: {  	[smem:$0x3FA0] =	sst s8  }
0x11: {  	[smem:$0x3FA1] =	sst s9;
	s0 =	simm.s32 @!p0 $0x0  }
0x12: {  	s1 =	sld [smem:$0x3F87];
	s0 =	simm.s32 @p0 $0x1  }
0x13: {  	[smem:$0x3FA2] =	sst s0;
	s0 =	simm.s32 @!p1 $0x0  }
0x14: {  	s2 =	sld [smem:$0x3F86];
	s0 =	simm.s32 @p1 $0x1  }
0x15: {  	[smem:$0x3FA3] =	sst s0;
	s0 =	simm.s32 @!p2 $0x0  }
0x16: {  	s3 =	sld [smem:$0x3FDB];
	s0 =	simm.s32 @p2 $0x1  }
0x17: {  	s4 =	simm.s32 $0x1BF5;
	[smem:$0x3FA5] =	sst s0  }
0x18: {  	s0 =	sld [smem:$0x3F88];
	_ =	swait.ge [sflag:s4], $0x0  }
0x19: {  	s7 =	sld [smem:$0x3F89]  }
0x1a: {  	s8 =	sadd.s32 $0xFFFFE003, lr  }
0x1b: {  	s9 =	sadd.s32 $0xFFFFFEF7, lr;
	s5 =	simm.s32 $0xFFFFFFFF;
	p2 =	slt.u32 s8, $0xFFFFF086  }
0x1c: {  	p1 =	slt.u32 s9, $0xF7A;
	s5 =	simm.s32 @!p2 $0x0  }
0x1d: {  	s5 =	simm.s32 @p1 $0x1;
	p0 =	seq.s32 s7, s2  }
0x1e: {  	s7 =	smul.u32 @!p0 $0xF7A, s2;
	p2 =	seq.s32 @!p0 s5, $0x0  }
0x1f: {  	s9 =	smul.u32 $0xF7A, s1;
	s8 =	simm.s32 @!p0 $0x1BF5;
	p2 =	por !p2, p0  }
0x20: {  	[sflag:s8] =	ssyncset.s32 @!p0 $0xFFFFF086;
	s6 =	sadd.s32 @!p0 s3, s7;
	s7 =	simm.s32 @!p0 $0x108  }
0x21: {  	s3 =	sadd.s32 s3, s9;
	s6 =	sadd.s32 @!p0 $0x88, s6;
	s7 =	simm.s32 @p2 $0x1082  }
0x22: {  	[simem:s7], [sflag:s8] =	dma.local @!p0 [hbm:s6], $0xF7A  }
0x23: {  	s9 =	sor.u32 $0xD0000000, s2;
	s6 =	simm.s32 $0x108;
	_ =	swait.ge @!p0 [sflag:s8], $0x0  }
0x24: {  	s3 =	sadd.s32 $0x88, s3;
	s6 =	simm.s32 @!p1 $0x1082;
	[sflag:s4] =	ssyncset.s32 $0xFFFFF086  }
0x25: {  	[simem:s6], [sflag:s4] =	dma.local [hbm:s3], $0xF7A  }
0x26: {  	[smem:$0x3F89] =	sst s1;
	(tag) =	ssettag s2;
	_ =	strace s9  }
0x27: {  	s1 =	sld [smem:$0x3F99]  }
0x28: {  	s2 =	sld [smem:$0x3F9A]  }
0x29: {  	s4 =	sld [smem:$0x3F9C]  }
0x2a: {  	p0 =	seq.s32 s5, $0x0;
	s5 =	sld [smem:$0x3F9D]  }
0x2b: {  	s6 =	sld [smem:$0x3F9E]  }
0x2c: {  	s7 =	sld [smem:$0x3F9F]  }
0x2d: {  	s3 =	simm.s32 $0x108;
	s8 =	sld [smem:$0x3FA0]  }
0x2e: {  	s3 =	simm.s32 @!p0 $0x1082;
	s9 =	sld [smem:$0x3FA1]  }
0x2f: {  	lr =	sadd.s32 s0, s3;
	s0 =	sld [smem:$0x3F98]  }
0x30: {  	s3 =	sld [smem:$0x3F9B]  }
0x31: {  	[smem:$0x3FA4] =	sst s10  }
0x32: {  	s10 =	sld [smem:$0x3FA2];
	_ =	sdelay $0x3  }
0x33: {  	p0 =	seq.s32 s10, $0x1;
	s10 =	sld [smem:$0x3FA4];
	_ =	sdelay $0x3  }
0x34: {  	[smem:$0x3FA4] =	sst s10  }
0x35: {  	s10 =	sld [smem:$0x3FA3];
	_ =	sdelay $0x3  }
0x36: {  	p1 =	seq.s32 s10, $0x1;
	s10 =	sld [smem:$0x3FA4];
	_ =	sdelay $0x3  }
0x37: {  	[smem:$0x3FA4] =	sst s10  }
0x38: {  	s10 =	sld [smem:$0x3FA5]  }
0x39: {  	_ = 	snop;
	(pc) =	sbr.ind lr, $3  }
0x3a: {  	_ = 	snop  }
0x3b: {  	_ = 	snop  }
0x3c: {  	p2 =	seq.s32 s10, $0x1;
	s10 =	sld [smem:$0x3FA4]  }
0x3d: {  	_ =	shalt  }
0x3e: {  	_ =	shalt  }
0x3f: {  	_ =	shalt  }
0x40: {  	_ =	shalt  }
0x41: {  	_ =	shalt  }
0x42: {  	_ =	shalt  }
0x43: {  	_ =	shalt  }
0x44: {  	_ =	shalt  }
0x45: {  	_ =	shalt  }
0x46: {  	_ =	shalt  }
0x47: {  	_ =	shalt  }
0x48: {  	_ =	shalt  }
0x49: {  	_ =	shalt  }
0x4a: {  	_ =	shalt  }
0x4b: {  	_ =	shalt  }
0x4c: {  	_ =	shalt  }
0x4d: {  	_ =	shalt  }
0x4e: {  	_ =	shalt  }
0x4f: {  	_ =	shalt  }
0x50: {  	_ =	shalt  }
0x51: {  	_ =	shalt  }
0x52: {  	_ =	shalt  }
0x53: {  	_ =	shalt  }
0x54: {  	_ =	shalt  }
0x55: {  	_ =	shalt  }
0x56: {  	_ =	shalt  }
0x57: {  	_ =	shalt  }
0x58: {  	_ =	shalt  }
0x59: {  	_ =	shalt  }
0x5a: {  	_ =	shalt  }
0x5b: {  	_ =	shalt  }
0x5c: {  	_ =	shalt  }
0x5d: {  	_ =	shalt  }
0x5e: {  	_ =	shalt  }
0x5f: {  	_ =	shalt  }
0x60: {  	_ =	shalt  }
0x61: {  	_ =	shalt  }
0x62: {  	_ =	shalt  }
0x63: {  	_ =	shalt  }
0x64: {  	_ =	shalt  }
0x65: {  	_ =	shalt  }
0x66: {  	_ =	shalt  }
0x67: {  	_ =	shalt  }
0x68: {  	_ =	shalt  }
0x69: {  	_ =	shalt  }
0x6a: {  	_ =	shalt  }
0x6b: {  	_ =	shalt  }
0x6c: {  	_ =	shalt  }
0x6d: {  	_ =	shalt  }
0x6e: {  	_ =	shalt  }
0x6f: {  	_ =	shalt  }
0x70: {  	_ =	shalt  }
0x71: {  	_ =	shalt  }
0x72: {  	_ =	shalt  }
0x73: {  	_ =	shalt  }
0x74: {  	_ =	shalt  }
0x75: {  	_ =	shalt  }
0x76: {  	_ =	shalt  }
0x77: {  	_ =	shalt  }
0x78: {  	_ =	shalt  }
0x79: {  	_ =	shalt  }
0x7a: {  	_ =	shalt  }
0x7b: {  	_ =	shalt  }
0x7c: {  	_ =	shalt  }
0x7d: {  	_ =	shalt  }
0x7e: {  	_ =	shalt  }
0x7f: {  	_ =	shalt  }
0x80: {  	_ =	shalt  }
0x81: {  	_ =	shalt  }
0x82: {  	_ =	shalt  }
0x83: {  	_ =	shalt  }
0x84: {  	_ =	shalt  }
0x85: {  	_ =	shalt  }
0x86: {  	_ =	shalt  }
0x87: {  	_ =	shalt  }
.Lfunc_end0:
.L_simem_size_0:
called_computation.2_lowered:
.L_overlay_start_0:
0x88: {  	s2 =	sld [smem:$0x3FD9]  }
0x89: {  	s3 =	sld [smem:$0x3FFE];
	_ =	sdelay $0x1  }
0x8a: {  	s1 =	srdreg.scid  }
0x8b: {  	s0 =	sand.u32 $0x1, s1  }
0x8c: {  	s17 =	sshll.u32 s0, $0xA;
	s2 =	sadd.s32 s3, s2  }
0x8d: {  	s2 =	sadd.s32 s2, s17  }
0x8e: {  	[smem:$0x3FB0] =	sst s2  }
0x8f: {  	_ = 	snop  }
0x90: {  	s2 =	sld [smem:$0x3FD0];
	(tm) =	ssettm $0x1  }
0x91: {  	s18 =	sld [smem:$0x3FFB];
	_ =	sdelay $0x3  }
0x92: {  	_ =	strace s18  }
0x93: {  	s3 =	sld [smem:$0x3FFC];
	_ =	sdelay $0x3  }
0x94: {  	_ =	strace s3  }
0x95: {  	s3 =	sld [smem:$0x3FFD];
	_ =	sdelay $0x3  }
0x96: {  	_ =	strace s3  }
0x97: {  	_ =	strace $0x8FFFFFFF  }
0x98: {  	s19 =	sld [smem:$0x3FDB];
	_ =	sdelay $0x1  }
0x99: {  	s4 =	simm.s32 $_scs_section_size  }
0x9a: {  	s5 =	simm.s32 $_size__tile_overlayer_lowered;
	s6 =	simm.s32 $_tile_overlayer_lowered  }
0x9b: {  	s22 =	simm.s32 $0x1BFF;
	s21 =	sshll.u32 s6, $0x1;
	s3 =	sadd.s32 s4, s19  }
0x9c: {  	s7 =	simm.s32 $0x0;
	s20 =	sshll.u32 s5, $0x1;
	s5 =	sadd.s32 s21, s3  }
0x9d: {  	[timem:s7], [sflag:s22] =	dma.local [hbm:s5], s20  }
0x9e: {  	_ =	swait.ge [sflag:s22], s20  }
0x9f: {  	s4 =	ssub.s32 $0x0, s20;
	[sflag:s22] =	ssyncset.done $0x0  }
0xa0: {  	[sflag:s22] =	ssyncadd.s32 s4;
	_ =	sdelay $0x1  }
0xa1: {  	s23 =	simm.s32 $0x1B8B  }
0xa2: {  	_ =	swait.ge [sflag:s23], $0x1  }
0xa3: {  	[sflag:s23] =	ssyncset.done $0x0  }
0xa4: {  	s25 =	simm.s32 $0x1B8E;
	s24 =	sld [smem:$0x3FFE];
	[sflag:s23] =	ssyncadd.s32 $0xFFFFFFFF  }
0xa5: {  	s26 =	simm.s32 $execute0_lowered;
	[smem:$0x3FD2] =	sst s25  }
0xa6: {  	s5 =	sshll.u32 s26, $0x1;
	_ =	strace $0x80000049;
	[dreg:$0x1] =	wrdreg $0xFFFFFFFF  }
0xa7: {  	s28 =	simm.s32 $_size_execute0_lowered;
	s3 =	sadd.s32 s3, s5;
	[dreg:$0x0] =	wrdreg $0x0  }
0xa8: {  	s5 =	sshll.u32 s28, $0x1;
	[dreg:$0x2] =	wrdreg s3  }
0xa9: {  	[dreg:$0x3] =	wrdreg s5  }
0xaa: {  	[dreg:$0x4] =	wrdreg $0xC0  }
0xab: {  	_ =	task [dreg:s7], $0x5FFFF  }
0xac: {  	[dreg:$0x1] =	wrdreg $0xFFFFFFFF  }
0xad: {  	[dreg:$0x0] =	wrdreg $0x60  }
0xae: {  	[dreg:$0x2] =	wrdreg s2  }
0xaf: {  	[dreg:$0x3] =	wrdreg s24  }
0xb0: {  	[dreg:$0x4] =	wrdreg $0x106000  }
0xb1: {  	[dreg:$0x5] =	wrdreg $0x9  }
0xb2: {  	_ =	task.clear_ibuf [dreg:s7], $0x6FFFF;
	_ =	strace $0x90000049  }
0xb3: {  	s29 =	simm.s32 $0x9;
	_ =	strace $0x8000004B  }
0xb4: {  	_ =	swait.ge [sflag:s29], $0x1  }
0xb5: {  	[sflag:s29] =	ssyncadd.s32 $0xFFFFFFFF  }
0xb6: {  	_ =	strace $0x9000004B  }
0xb7: {  	_ =	sfence  }
0xb8: {  	s30 =	sld [smem:$0x0];
	_ =	sdelay $0x2  }
0xb9: {  	s31 =	sshll.u32 s1, $0xD;
	s1 =	sshrl.u32 s1, $0x2  }
0xba: {  	s3 =	sand.u32 $0x4000, s31;
	s1 =	sadd.s32 s1, s30  }
0xbb: {  	s0 =	sor.u32 s3, s0;
	s1 =	sshll.u32 s1, $0x11  }
0xbc: {  	s0 =	sor.u32 s1, s0  }
0xbd: {  	s0 =	sadd.s32 $0x8F2B, s0  }
0xbe: {  	[sflag:s0] =	ssyncadd.remote.s32 $0x1  }
0xbf: {  	_ =	sfence.sel $0xFFFF  }
0xc0: {  	[dreg:$0x0] =	wrdreg $0xFFFFFFFF;
	(pc) =	sbr.abs _section_cstart, $3  }
0xc1: {  	[dreg:$0x1] =	wrdreg $0xFFFFFFFF  }
0xc2: {  	_ =	task.clear_ibuf [dreg:s7], $0x2FFFF;
	_ =	strace $0x9FFFFFFF  }
0xc3: {  	(tm) =	ssettm $0x7FFFFFFF  }
tec
execute0_lowered:
.L_overlay_start_1:
0x0: {  	(tag) =	ssettag $0x1  }
0x1: {  	s1 =	rddreg [dreg:$0x0]  }
0x2: {  	s0 =	rddreg [dreg:$0x1]  }
0x3: {  	s2 =	rddreg [dreg:$0x2];
	s11 =	simm.s32 $0x0;
	s3 =	srdreg.scid  }
0x4: {  	s12 =	stileid.u32;
	s13 =	simm.s32 $0x3;
	s14 =	simm.s32 $0x200  }
0x5: {  	s15 =	simm.s32 $0x80;
	s17 =	simm.s32 $0x2600;
	s19 =	simm.s32 $0xA600  }
0x6: {  	s20 =	simm.s32 $0x100;
	s21 =	simm.s32 $0x4600;
	s22 =	simm.s32 $0x300  }
0x7: {  	s28 =	simm.s32 $0xE600;
	s29 =	simm.s32 $0x1;
	s30 =	simm.s32 $0x2  }
0x8: {  	s31 =	simm.s32 $0x400;
	[smem:$0x7FF] =	sst s11;
	s5 =	sadd.s32 $0x3A00, s0  }
0x9: {  	s6 =	sadd.s32 $0x1BA00, s0;
	s3 =	sand.u32 $0x1, s3;
	s7 =	sadd.s32 $0x13A00, s0  }
0xa: {  	s10 =	sshll.u32 s12, $0xE;
	s24 =	sshll.u32 s12, $0xA;
	s25 =	sshll.u32 s12, $0xB  }
0xb: {  	s12 =	simm.s32 $0x600;
	_ =	strace $0x8000004A;
	s4 =	ssub.s32 $0x2, s3  }
0xc: {  	s8 =	sshll.u32 s3, $0xF;
	s16 =	sadd.s32 s10, s2;
	s23 =	sshll.u32 s3, $0xE  }
0xd: {  	s3 =	sshll.u32 s3, $0xC;
	s10 =	simm.s32 $0x580;
	s9 =	sshrl.u32 s4, $0x1  }
0xe: {  	s0 =	sadd.s32 s8, s0;
	[dreg:$0x5] =	wrdreg s16;
	s4 =	ssub.s32 s4, s9  }
0xf: {  	s9 =	sor.u32 s24, s23;
	s0 =	sadd.s32 s25, s0;
	s23 =	simm.s32 $0xC600  }
0x10: {  	s24 =	simm.s32 $0x180;
	s25 =	simm.s32 $0x6600;
	s0 =	sadd.s32 $0x23A00, s0  }
0x11: {  	s26 =	smax.u32 s4, $0x1;
	s4 =	simm.s32 $0x500;
	[dreg:$0x6] =	wrdreg s0  }
0x12: {  	v1 =	vimm.f32 $0.0e+00;
	v0 =	vmov s3;
	[dreg:$0x7] =	wrdreg s26;
	s26 =	simm.s32 $0x380;
	s0 =	simm.s32 $0x480  }
.LBB2_1:
0x13: {  	[dreg:$0x4] =	wrdreg s11;
	s8 =	simm.s32 $0x100;
	s3 =	simm.s32 $0x0  }
.LBB2_2:
0x14: {  	p0 =	sne.s32 s8, $0xFF00;
	[tilespmem:s3+$0x630] =	vst v1;
	s11 =	smov.u32 s8;
	s8 =	sadd.s32 $0x100, s8  }
.Ltmp0:
0x15: {  	[tilespmem:s3+$0x620] =	vst v1;
	(pc) =	sbr.rel @p0 .LBB2_2-.Ltmp0, $3  }
0x16: {  	[tilespmem:s3+$0x600] =	vst v1  }
0x17: {  	[tilespmem:s3+$0x610] =	vst v1;
	_ =	sdelay $0x1  }
0x18: {  	s3 =	sshra.s32 s11, $0x2  }
0x19: {  	[tilespmem:s3+$0x630] =	vst v1  }
0x1a: {  	[tilespmem:s3+$0x620] =	vst v1  }
0x1b: {  	[tilespmem:s3+$0x600] =	vst v1  }
0x1c: {  	[tilespmem:s3+$0x610] =	vst v1  }
0x1d: {  	[spmem:s16] =	stream.linear.scatter [tilespmem:s12], [sflag:$0x3], $0x4000, $0x38;
	[tilespmem:$0x14600] =	vst v63  }
0x1e: {  	_ =	swait.ge [sflag:s13], $0x4000  }
0x1f: {  	[sflag:s13] =	ssyncset.done $0x0  }
0x20: {  	[sflag:s13] =	ssyncadd.s32 $0xFFFFC000  }
0x21: {  	s11 =	simm.s32 $0x0;
	s8 =	simm.s32 $0x0;
	[bflag:$0x0] =	sbarrier.arrive $0xFFFF  }
.LBB2_4:
0x22: {  	s3 =	sshll.u32 s8, $0x6  }
0x23: {  	s3 =	sadd.s32 s9, s3  }
0x24: {  	s16 =	sadd.s32 s6, s3  }
0x25: {  	[tilespmem:s11], [sflag:$0x3] =	stream.linear.gather [hbm4b:s16+s11], $0x200, $0x38;
	[tilespmem:$0x14600] =	vst v63  }
0x26: {  	_ =	swait.ge [sflag:s13], $0x200  }
0x27: {  	[sflag:s13] =	ssyncset.done $0x0  }
0x28: {  	s3 =	sadd.s32 s7, s3;
	[sflag:s13] =	ssyncadd.s32 $0xFFFFFE00  }
0x29: {  	[tilespmem:s14], [sflag:$0x3] =	stream.linear.gather [hbm4b:s3+s11], $0x200, $0x38;
	[tilespmem:$0x14600] =	vst v63  }
0x2a: {  	_ =	swait.ge [sflag:s13], $0x200  }
0x2b: {  	[sflag:s13] =	ssyncset.done $0x0  }
0x2c: {  	[sflag:s13] =	ssyncadd.s32 $0xFFFFFE00  }
0x2d: {  	v2 =	vld [tilespmem:$0x200]  }
0x2e: {  	v3 =	vld [tilespmem:$0x210]  }
0x2f: {  	v4 =	vld [tilespmem:$0x220]  }
0x30: {  	v5 =	vld [tilespmem:$0x230]  }
0x31: {  	v6 =	vld [tilespmem:$0x240]  }
0x32: {  	v7 =	vld [tilespmem:$0x250];
	v2 =	vsub.s32 v2, v0  }
0x33: {  	[tilespmem:$0x400] =	vst v2;
	v2 =	vsub.s32 v3, v0;
	v3 =	vld [tilespmem:$0x260]  }
0x34: {  	[tilespmem:$0x410] =	vst v2;
	v2 =	vsub.s32 v4, v0;
	v4 =	vld [tilespmem:$0x270]  }
0x35: {  	[tilespmem:$0x420] =	vst v2;
	v2 =	vsub.s32 v5, v0;
	v5 =	vld [tilespmem:$0x280]  }
0x36: {  	[tilespmem:$0x430] =	vst v2;
	v2 =	vsub.s32 v6, v0;
	v6 =	vld [tilespmem:$0x290]  }
0x37: {  	[tilespmem:$0x440] =	vst v2;
	v2 =	vsub.s32 v7, v0;
	v7 =	vld [tilespmem:$0x2A0]  }
0x38: {  	[tilespmem:$0x450] =	vst v2;
	v2 =	vsub.s32 v3, v0;
	v3 =	vld [tilespmem:$0x2B0]  }
0x39: {  	[tilespmem:$0x460] =	vst v2;
	v2 =	vsub.s32 v4, v0;
	v4 =	vld [tilespmem:$0x2C0]  }
0x3a: {  	[tilespmem:$0x470] =	vst v2;
	v2 =	vsub.s32 v5, v0;
	v5 =	vld [tilespmem:$0x2D0]  }
0x3b: {  	[tilespmem:$0x480] =	vst v2;
	v2 =	vsub.s32 v6, v0;
	v6 =	vld [tilespmem:$0x2E0]  }
0x3c: {  	[tilespmem:$0x490] =	vst v2;
	v2 =	vsub.s32 v7, v0;
	v7 =	vld [tilespmem:$0x2F0]  }
0x3d: {  	[tilespmem:$0x4A0] =	vst v2;
	v2 =	vsub.s32 v3, v0;
	v3 =	vld [tilespmem:$0x300]  }
0x3e: {  	[tilespmem:$0x4B0] =	vst v2;
	v2 =	vsub.s32 v4, v0;
	v4 =	vld [tilespmem:$0x310]  }
0x3f: {  	[tilespmem:$0x4C0] =	vst v2;
	v2 =	vsub.s32 v5, v0;
	v5 =	vld [tilespmem:$0x320]  }
0x40: {  	[tilespmem:$0x4D0] =	vst v2;
	v2 =	vsub.s32 v6, v0;
	v6 =	vld [tilespmem:$0x330]  }
0x41: {  	[tilespmem:$0x4E0] =	vst v2;
	v2 =	vsub.s32 v7, v0;
	v7 =	vld [tilespmem:$0x340]  }
0x42: {  	[tilespmem:$0x4F0] =	vst v2;
	v2 =	vsub.s32 v3, v0;
	v3 =	vld [tilespmem:$0x350]  }
0x43: {  	[tilespmem:$0x500] =	vst v2;
	v2 =	vsub.s32 v4, v0;
	v4 =	vld [tilespmem:$0x360]  }
0x44: {  	[tilespmem:$0x510] =	vst v2;
	v2 =	vsub.s32 v5, v0;
	v5 =	vld [tilespmem:$0x370]  }
0x45: {  	[tilespmem:$0x520] =	vst v2;
	v2 =	vsub.s32 v6, v0;
	v6 =	vld [tilespmem:$0x380]  }
0x46: {  	[tilespmem:$0x530] =	vst v2;
	v2 =	vsub.s32 v7, v0;
	v7 =	vld [tilespmem:$0x390]  }
0x47: {  	[tilespmem:$0x540] =	vst v2;
	v2 =	vsub.s32 v3, v0;
	v3 =	vld [tilespmem:$0x3A0]  }
0x48: {  	[tilespmem:$0x550] =	vst v2;
	v2 =	vsub.s32 v4, v0;
	v4 =	vld [tilespmem:$0x3B0]  }
0x49: {  	[tilespmem:$0x560] =	vst v2;
	v2 =	vsub.s32 v5, v0;
	v5 =	vld [tilespmem:$0x3C0]  }
0x4a: {  	[tilespmem:$0x570] =	vst v2;
	v2 =	vsub.s32 v6, v0;
	v6 =	vld [tilespmem:$0x3D0]  }
0x4b: {  	[tilespmem:$0x580] =	vst v2;
	v2 =	vsub.s32 v7, v0;
	v7 =	vld [tilespmem:$0x3E0]  }
0x4c: {  	[tilespmem:$0x590] =	vst v2;
	v2 =	vsub.s32 v3, v0;
	v3 =	vld [tilespmem:$0x3F0]  }
0x4d: {  	[tilespmem:$0x5A0] =	vst v2;
	v2 =	vsub.s32 v4, v0  }
0x4e: {  	[tilespmem:$0x5B0] =	vst v2;
	v2 =	vsub.s32 v5, v0  }
0x4f: {  	[tilespmem:$0x5C0] =	vst v2;
	v2 =	vsub.s32 v6, v0  }
0x50: {  	[tilespmem:$0x5D0] =	vst v2;
	v2 =	vsub.s32 v7, v0  }
0x51: {  	[tilespmem:$0x5E0] =	vst v2;
	v2 =	vsub.s32 v3, v0  }
0x52: {  	[tilespmem:$0x5F0] =	vst v2  }
0x53: {  	[tilespmem:s12], [sflag:$0x1] =	stream.indirect.gather [hbm4b:s1+s15], $0x40, s11, s15, $0xb8;
	[tilespmem:$0x14600] =	vst v63  }
0x54: {  	s16 =	simm.s32 $0x8600  }
0x55: {  	[tilespmem:s16], [sflag:$0x2] =	stream.indirect.gather [hbm4b:s5+s15], $0x40, s14, s15, $0xb8;
	[tilespmem:$0x14600] =	vst v63  }
0x56: {  	_ = 	snop  }
0x57: {  	[tilespmem:s17], [sflag:$0x1] =	stream.indirect.gather [hbm4b:s1+s15], $0x40, s15, s15, $0xb8;
	[tilespmem:$0x14600] =	vst v63  }
0x58: {  	s18 =	simm.s32 $0x280  }
0x59: {  	[tilespmem:s19], [sflag:$0x2] =	stream.indirect.gather [hbm4b:s5+s15], $0x40, s18, s15, $0xb8;
	[tilespmem:$0x14600] =	vst v63  }
0x5a: {  	_ = 	snop  }
0x5b: {  	[tilespmem:s21], [sflag:$0x1] =	stream.indirect.gather [hbm4b:s1+s15], $0x40, s20, s15, $0xb8;
	[tilespmem:$0x14600] =	vst v63  }
0x5c: {  	_ = 	snop  }
0x5d: {  	[tilespmem:s23], [sflag:$0x2] =	stream.indirect.gather [hbm4b:s5+s15], $0x40, s22, s15, $0xb8;
	[tilespmem:$0x14600] =	vst v63  }
0x5e: {  	_ = 	snop  }
0x5f: {  	[tilespmem:s25], [sflag:$0x1] =	stream.indirect.gather [hbm4b:s1+s15], $0x40, s24, s15, $0xb8;
	[tilespmem:$0x14600] =	vst v63  }
0x60: {  	_ = 	snop  }
0x61: {  	[tilespmem:s28], [sflag:$0x2] =	stream.indirect.gather [hbm4b:s5+s15], $0x40, s26, s15, $0xb8;
	[tilespmem:$0x14600] =	vst v63  }
0x62: {  	_ =	swait.ge [sflag:s29], $0x2000  }
0x63: {  	[sflag:s29] =	ssyncset.done $0x0  }
0x64: {  	[sflag:s29] =	ssyncadd.s32 $0xFFFFE000  }
0x65: {  	_ =	swait.ge [sflag:s30], $0x2000  }
0x66: {  	[sflag:s30] =	ssyncset.done $0x0  }
0x67: {  	[sflag:s30] =	ssyncadd.s32 $0xFFFFE000  }
0x68: {  	_ =	swait.ge [sflag:s29], $0x2000  }
0x69: {  	[sflag:s29] =	ssyncset.done $0x0  }
0x6a: {  	[sflag:s29] =	ssyncadd.s32 $0xFFFFE000  }
0x6b: {  	_ =	swait.ge [sflag:s30], $0x2000  }
0x6c: {  	[sflag:s30] =	ssyncset.done $0x0  }
0x6d: {  	[sflag:s30] =	ssyncadd.s32 $0xFFFFE000  }
0x6e: {  	_ =	swait.ge [sflag:s29], $0x2000  }
0x6f: {  	[sflag:s29] =	ssyncset.done $0x0  }
0x70: {  	[sflag:s29] =	ssyncadd.s32 $0xFFFFE000  }
0x71: {  	_ =	swait.ge [sflag:s30], $0x2000  }
0x72: {  	[sflag:s30] =	ssyncset.done $0x0  }
0x73: {  	[sflag:s30] =	ssyncadd.s32 $0xFFFFE000  }
0x74: {  	_ =	swait.ge [sflag:s29], $0x2000  }
0x75: {  	[sflag:s29] =	ssyncset.done $0x0  }
0x76: {  	[sflag:s29] =	ssyncadd.s32 $0xFFFFE000  }
0x77: {  	_ =	swait.ge [sflag:s30], $0x2000  }
0x78: {  	[sflag:s30] =	ssyncset.done $0x0  }
0x79: {  	s3 =	simm.s32 $0x0;
	[sflag:s30] =	ssyncadd.s32 $0xFFFFE000  }
0x7a: {  	v2 =	vld [tilespmem:s3+$0x8600]  }
0x7b: {  	v3 =	vld [tilespmem:s3+$0x8610]  }
0x7c: {  	v4 =	vld [tilespmem:s3+$0x8620]  }
0x7d: {  	v5 =	vld [tilespmem:s3+$0x8630]  }
0x7e: {  	v6 =	vld [tilespmem:s3+$0x600]  }
0x7f: {  	v8 =	vld [tilespmem:s3+$0x610]  }
0x80: {  	s16 =	simm.s32 $0x100;
	v7 =	vld [tilespmem:s3+$0x620]  }
.LBB2_5:
0x81: {  	p0 =	sne.s32 s16, $0x1FF00;
	v9 =	vld [tilespmem:s3+$0x630];
	_ =	sdelay $0x1  }
0x82: {  	v6 =	vadd.f32 v2, v6  }
0x83: {  	v8 =	vadd.f32 v3, v8  }
0x84: {  	v2 =	vsub.f32 $0.0e+00, v6;
	v7 =	vadd.f32 v4, v7  }
0x85: {  	v3 =	vsub.f32 $0.0e+00, v8;
	v9 =	vadd.f32 v5, v9  }
0x86: {  	v2 =	vmul.f32 $1.442695020e+00, v2;
	v4 =	vsub.f32 $0.0e+00, v7  }
0x87: {  	v3 =	vmul.f32 $1.442695020e+00, v3;
	v5 =	vsub.f32 $0.0e+00, v9  }
0x88: {  	v4 =	vmul.f32 $1.442695020e+00, v4;
	(erf) = vpow2.f32 v2  }
0x89: {  	v2 =	vmul.f32 $1.442695020e+00, v5;
	(erf) = vpow2.f32 v3  }
0x8a: {  	(erf) = vpow2.f32 v4  }
0x8b: {  	(erf) = vpow2.f32 v2;
	_ =	sdelay $0x5  }
0x8c: {  	v2 =	vpop (erf)  }
0x8d: {  	v5 =	vadd.f32 $1.000000000e+00, v2;
	v3 =	vpop (erf)  }
0x8e: {  	v3 =	vadd.f32 $1.000000000e+00, v3;
	v4 =	vpop (erf)  }
0x8f: {  	v4 =	vadd.f32 $1.000000000e+00, v4;
	(erf) = vrcp.f32 v5;
	v2 =	vpop (erf)  }
0x90: {  	v2 =	vadd.f32 $1.000000000e+00, v2;
	(erf) = vrcp.f32 v3  }
0x91: {  	(erf) = vrcp.f32 v4  }
0x92: {  	(erf) = vrcp.f32 v2;
	_ =	sdelay $0x4  }
0x93: {  	s18 =	sshra.s32 s16, $0x2  }
0x94: {  	v2 =	vld [tilespmem:s18+$0x8600];
	v4 =	vpop (erf)  }
0x95: {  	v3 =	vld [tilespmem:s18+$0x8610];
	v6 =	vmul.f32 v4, v6;
	v5 =	vpop (erf)  }
.Ltmp1:
0x96: {  	v4 =	vld [tilespmem:s18+$0x8620];
	v8 =	vmul.f32 v5, v8;
	v10 =	vpop (erf);
	(pc) =	sbr.rel @p0 .LBB2_5-.Ltmp1, $4  }
0x97: {  	v5 =	vld [tilespmem:s18+$0x8630];
	[tilespmem:s3+$0x600] =	vst v6;
	v7 =	vmul.f32 v10, v7;
	v10 =	vpop (erf)  }
0x98: {  	v6 =	vld [tilespmem:s18+$0x600];
	[tilespmem:s3+$0x610] =	vst v8;
	v9 =	vmul.f32 v10, v9  }
0x99: {  	v8 =	vld [tilespmem:s18+$0x610];
	[tilespmem:s3+$0x620] =	vst v7  }
0x9a: {  	s16 =	sadd.s32 $0x100, s16;
	v7 =	vld [tilespmem:s18+$0x620];
	[tilespmem:s3+$0x630] =	vst v9;
	s3 =	smov.u32 s18  }
0x9b: {  	v9 =	vld [tilespmem:s3+$0x630];
	_ =	sdelay $0x1  }
0x9c: {  	v2 =	vadd.f32 v2, v6  }
0x9d: {  	v3 =	vadd.f32 v3, v8  }
0x9e: {  	v6 =	vsub.f32 $0.0e+00, v2;
	v4 =	vadd.f32 v4, v7  }
0x9f: {  	v55 =	vsub.f32 $0.0e+00, v3;
	v5 =	vadd.f32 v5, v9  }
0xa0: {  	v6 =	vmul.f32 $1.442695020e+00, v6;
	v56 =	vsub.f32 $0.0e+00, v4  }
0xa1: {  	v7 =	vmul.f32 $1.442695020e+00, v55;
	v9 =	vsub.f32 $0.0e+00, v5  }
0xa2: {  	v8 =	vmul.f32 $1.442695020e+00, v56;
	(erf) = vpow2.f32 v6  }
0xa3: {  	v57 =	vmul.f32 $1.442695020e+00, v9;
	(erf) = vpow2.f32 v7  }
0xa4: {  	(erf) = vpow2.f32 v8  }
0xa5: {  	(erf) = vpow2.f32 v57;
	_ =	sdelay $0x5  }
0xa6: {  	v58 =	vpop (erf)  }
0xa7: {  	v6 =	vadd.f32 $1.000000000e+00, v58;
	v7 =	vpop (erf)  }
0xa8: {  	v7 =	vadd.f32 $1.000000000e+00, v7;
	v8 =	vpop (erf)  }
0xa9: {  	v8 =	vadd.f32 $1.000000000e+00, v8;
	(erf) = vrcp.f32 v6;
	v59 =	vpop (erf)  }
0xaa: {  	v6 =	vadd.f32 $1.000000000e+00, v59;
	(erf) = vrcp.f32 v7  }
0xab: {  	(erf) = vrcp.f32 v8  }
0xac: {  	(erf) = vrcp.f32 v6;
	_ =	sdelay $0x5  }
0xad: {  	v60 =	vpop (erf)  }
0xae: {  	v2 =	vmul.f32 v60, v2;
	v61 =	vpop (erf)  }
0xaf: {  	v3 =	vmul.f32 v61, v3;
	v62 =	vpop (erf)  }
0xb0: {  	[tilespmem:s3+$0x600] =	vst v2;
	v2 =	vmul.f32 v62, v4;
	v63 =	vpop (erf)  }
0xb1: {  	[tilespmem:s3+$0x610] =	vst v3;
	v3 =	vmul.f32 v63, v5  }
0xb2: {  	[tilespmem:s3+$0x620] =	vst v2  }
0xb3: {  	[tilespmem:s3+$0x630] =	vst v3  }
0xb4: {  	[spmem:s2] =	stream.indirect.scatter.add.f32 [tilespmem:s12], [sflag:$0x3], $0x40, s31, s15, $0xb8;
	[tilespmem:$0x14600] =	vst v63  }
0xb5: {  	_ =	swait.ge [sflag:s13], $0x2000  }
0xb6: {  	[sflag:s13] =	ssyncset.done $0x0  }
0xb7: {  	[sflag:s13] =	ssyncadd.s32 $0xFFFFE000  }
0xb8: {  	[spmem:s2] =	stream.indirect.scatter.add.f32 [tilespmem:s17], [sflag:$0x3], $0x40, s0, s15, $0xb8;
	[tilespmem:$0x14600] =	vst v63  }
0xb9: {  	_ =	swait.ge [sflag:s13], $0x2000  }
0xba: {  	[sflag:s13] =	ssyncset.done $0x0  }
0xbb: {  	[sflag:s13] =	ssyncadd.s32 $0xFFFFE000  }
0xbc: {  	[spmem:s2] =	stream.indirect.scatter.add.f32 [tilespmem:s21], [sflag:$0x3], $0x40, s4, s15, $0xb8;
	[tilespmem:$0x14600] =	vst v63  }
0xbd: {  	s8 =	sadd.s32 $0x1, s8;
	_ =	swait.ge [sflag:s13], $0x2000  }
0xbe: {  	p0 =	sne.s32 s8, $0x10;
	[sflag:s13] =	ssyncset.done $0x0  }
.Ltmp2:
0xbf: {  	[sflag:s13] =	ssyncadd.s32 $0xFFFFE000;
	(pc) =	sbr.rel @p0 .LBB2_4-.Ltmp2, $4  }
0xc0: {  	[spmem:s2] =	stream.indirect.scatter.add.f32 [tilespmem:s25], [sflag:$0x3], $0x40, s10, s15, $0xb8;
	[tilespmem:$0x14600] =	vst v63  }
0xc1: {  	_ =	swait.ge [sflag:s13], $0x2000  }
0xc2: {  	[sflag:s13] =	ssyncset.done $0x0  }
0xc3: {  	[sflag:s13] =	ssyncadd.s32 $0xFFFFE000  }
0xc4: {  	s3 =	stileid.u32;
	[bflag:$0x0] =	sbarrier.arrive $0xFFFF  }
0xc5: {  	s3 =	sshll.u32 s3, $0x6;
	s16 =	rddreg [dreg:$0x5]  }
0xc6: {  	s11 =	rddreg [dreg:$0x6];
	s3 =	sor.u32 $0x1C03, s3;
	s8 =	sshrl.u32 s16, $0x3  }
0xc7: {  	[hbm:s11], [sflag:s3] =	dma.local [spmem:s8], $0x800  }
0xc8: {  	_ =	swait.ge [sflag:s13], $0x800  }
0xc9: {  	s8 =	rddreg [dreg:$0x4]  }
0xca: {  	s18 =	rddreg [dreg:$0x7];
	s11 =	sadd.s32 $0x1, s8  }
0xcb: {  	p0 =	sne.s32 s11, s18  }
.Ltmp3:
0xcc: {  	_ = 	snop;
	(pc) =	sbr.rel @p0 .LBB2_1-.Ltmp3, $3  }
0xcd: {  	_ =	sdelay $0x1  }
0xce: {  	[sflag:s13] =	ssyncset.done $0x0  }
0xcf: {  	[sflag:s13] =	ssyncadd.s32 $0xFFFFF800  }
0xd0: {  	_ =	sfence.sel $0x180000  }
0xd1: {  	[bflag:$0x0] =	sbarrier.arrive $0xFFFF  }
0xd2: {  	_ =	strace $0x9000004A  }
0xd3: {  	s0 =	stileid.u32;
	[bflag:$0x2] =	sbarrier.arrive $0xFFFF  }
0xd4: {  	p0 =	sne.s32 s0, $0x0;
	s0 =	rddreg [dreg:$0x3]  }
0xd5: {  	s0 =	sadd.s32 @!p0 $0x100000, s0  }
0xd6: {  	[sflag:s0] =	ssyncadd.tile.s32 @!p0 $0x1;
	_ =	shalt  }
.Lfunc_end2:
_tile_overlayer_lowered:
.L_overlay_start_2:
0xd7: {  	(tag) =	ssettag $0x2  }
0xd8: {  	s0 =	rddreg [dreg:$0x0];
	s2 =	stileid.u32  }
0xd9: {  	s1 =	rddreg [dreg:$0x1];
	p0 =	sne.s32 s2, $0x0  }
0xda: {  	s3 =	rddreg [dreg:$0x2];
	[bflag:$0x3] =	sbarrier.arrive $0xFFFF;
	s2 =	simm.s32 @!p0 $0x1C03  }
0xdb: {  	[timem:s3], [sflag:s2] =	dma.local @!p0 [hbm:s0], s1  }
0xdc: {  	s0 =	simm.s32 @!p0 $0x3  }
0xdd: {  	_ =	swait.ge @!p0 [sflag:s0], s1  }
0xde: {  	s1 =	ssub.s32 @!p0 $0x0, s1;
	[sflag:s0] =	ssyncset.done @!p0 $0x0  }
0xdf: {  	[sflag:s0] =	ssyncadd.s32 @!p0 s1  }
0xe0: {  	[bflag:$0x3] =	sbarrier.arrive $0xFFFF  }
0xe1: {  	_ =	shalt  }

// kernel: kernel.20.cloned.1.call-start
scs
__scs_entry_jumppad:
0x0: {  	(pc) =	sbr.rel $0x88, $3  }
0x1: {  	(tag) =	ssettag $0x0;
	lr =	simm.s32 $0x1  }
0x2: {  	[smem:$0x3F89] =	sst lr;
	_ =	strace $0xD0000000  }
0x3: {  	_ = 	snop  }
0x4: {  	_ = 	snop  }
0x5: {  	_ = 	snop  }
0x6: {  	_ = 	snop  }
0x7: {  	_ = 	snop  }
__scs_overlays_trampoline_lowered:
0x8: {  	[smem:$0x3F98] =	sst s0  }
0x9: {  	[smem:$0x3F99] =	sst s1  }
0xa: {  	[smem:$0x3F9A] =	sst s2  }
0xb: {  	[smem:$0x3F9B] =	sst s3  }
0xc: {  	[smem:$0x3F9C] =	sst s4  }
0xd: {  	[smem:$0x3F9D] =	sst s5  }
0xe: {  	[smem:$0x3F9E] =	sst s6  }
0xf: {  	[smem:$0x3F9F] =	sst s7  }
0x10: {  	[smem:$0x3FA0] =	sst s8  }
0x11: {  	[smem:$0x3FA1] =	sst s9;
	s0 =	simm.s32 @!p0 $0x0  }
0x12: {  	s1 =	sld [smem:$0x3F87];
	s0 =	simm.s32 @p0 $0x1  }
0x13: {  	[smem:$0x3FA2] =	sst s0;
	s0 =	simm.s32 @!p1 $0x0  }
0x14: {  	s2 =	sld [smem:$0x3F86];
	s0 =	simm.s32 @p1 $0x1  }
0x15: {  	[smem:$0x3FA3] =	sst s0;
	s0 =	simm.s32 @!p2 $0x0  }
0x16: {  	s3 =	sld [smem:$0x3FDB];
	s0 =	simm.s32 @p2 $0x1  }
0x17: {  	s4 =	simm.s32 $0x1BF5;
	[smem:$0x3FA5] =	sst s0  }
0x18: {  	s0 =	sld [smem:$0x3F88];
	_ =	swait.ge [sflag:s4], $0x0  }
0x19: {  	s7 =	sld [smem:$0x3F89]  }
0x1a: {  	s8 =	sadd.s32 $0xFFFFE003, lr  }
0x1b: {  	s9 =	sadd.s32 $0xFFFFFEF7, lr;
	s5 =	simm.s32 $0xFFFFFFFF;
	p2 =	slt.u32 s8, $0xFFFFF086  }
0x1c: {  	p1 =	slt.u32 s9, $0xF7A;
	s5 =	simm.s32 @!p2 $0x0  }
0x1d: {  	s5 =	simm.s32 @p1 $0x1;
	p0 =	seq.s32 s7, s2  }
0x1e: {  	s7 =	smul.u32 @!p0 $0xF7A, s2;
	p2 =	seq.s32 @!p0 s5, $0x0  }
0x1f: {  	s9 =	smul.u32 $0xF7A, s1;
	s8 =	simm.s32 @!p0 $0x1BF5;
	p2 =	por !p2, p0  }
0x20: {  	[sflag:s8] =	ssyncset.s32 @!p0 $0xFFFFF086;
	s6 =	sadd.s32 @!p0 s3, s7;
	s7 =	simm.s32 @!p0 $0x108  }
0x21: {  	s3 =	sadd.s32 s3, s9;
	s6 =	sadd.s32 @!p0 $0x88, s6;
	s7 =	simm.s32 @p2 $0x1082  }
0x22: {  	[simem:s7], [sflag:s8] =	dma.local @!p0 [hbm:s6], $0xF7A  }
0x23: {  	s9 =	sor.u32 $0xD0000000, s2;
	s6 =	simm.s32 $0x108;
	_ =	swait.ge @!p0 [sflag:s8], $0x0  }
0x24: {  	s3 =	sadd.s32 $0x88, s3;
	s6 =	simm.s32 @!p1 $0x1082;
	[sflag:s4] =	ssyncset.s32 $0xFFFFF086  }
0x25: {  	[simem:s6], [sflag:s4] =	dma.local [hbm:s3], $0xF7A  }
0x26: {  	[smem:$0x3F89] =	sst s1;
	(tag) =	ssettag s2;
	_ =	strace s9  }
0x27: {  	s1 =	sld [smem:$0x3F99]  }
0x28: {  	s2 =	sld [smem:$0x3F9A]  }
0x29: {  	s4 =	sld [smem:$0x3F9C]  }
0x2a: {  	p0 =	seq.s32 s5, $0x0;
	s5 =	sld [smem:$0x3F9D]  }
0x2b: {  	s6 =	sld [smem:$0x3F9E]  }
0x2c: {  	s7 =	sld [smem:$0x3F9F]  }
0x2d: {  	s3 =	simm.s32 $0x108;
	s8 =	sld [smem:$0x3FA0]  }
0x2e: {  	s3 =	simm.s32 @!p0 $0x1082;
	s9 =	sld [smem:$0x3FA1]  }
0x2f: {  	lr =	sadd.s32 s0, s3;
	s0 =	sld [smem:$0x3F98]  }
0x30: {  	s3 =	sld [smem:$0x3F9B]  }
0x31: {  	[smem:$0x3FA4] =	sst s10  }
0x32: {  	s10 =	sld [smem:$0x3FA2];
	_ =	sdelay $0x3  }
0x33: {  	p0 =	seq.s32 s10, $0x1;
	s10 =	sld [smem:$0x3FA4];
	_ =	sdelay $0x3  }
0x34: {  	[smem:$0x3FA4] =	sst s10  }
0x35: {  	s10 =	sld [smem:$0x3FA3];
	_ =	sdelay $0x3  }
0x36: {  	p1 =	seq.s32 s10, $0x1;
	s10 =	sld [smem:$0x3FA4];
	_ =	sdelay $0x3  }
0x37: {  	[smem:$0x3FA4] =	sst s10  }
0x38: {  	s10 =	sld [smem:$0x3FA5]  }
0x39: {  	_ = 	snop;
	(pc) =	sbr.ind lr, $3  }
0x3a: {  	_ = 	snop  }
0x3b: {  	_ = 	snop  }
0x3c: {  	p2 =	seq.s32 s10, $0x1;
	s10 =	sld [smem:$0x3FA4]  }
0x3d: {  	_ =	shalt  }
0x3e: {  	_ =	shalt  }
0x3f: {  	_ =	shalt  }
0x40: {  	_ =	shalt  }
0x41: {  	_ =	shalt  }
0x42: {  	_ =	shalt  }
0x43: {  	_ =	shalt  }
0x44: {  	_ =	shalt  }
0x45: {  	_ =	shalt  }
0x46: {  	_ =	shalt  }
0x47: {  	_ =	shalt  }
0x48: {  	_ =	shalt  }
0x49: {  	_ =	shalt  }
0x4a: {  	_ =	shalt  }
0x4b: {  	_ =	shalt  }
0x4c: {  	_ =	shalt  }
0x4d: {  	_ =	shalt  }
0x4e: {  	_ =	shalt  }
0x4f: {  	_ =	shalt  }
0x50: {  	_ =	shalt  }
0x51: {  	_ =	shalt  }
0x52: {  	_ =	shalt  }
0x53: {  	_ =	shalt  }
0x54: {  	_ =	shalt  }
0x55: {  	_ =	shalt  }
0x56: {  	_ =	shalt  }
0x57: {  	_ =	shalt  }
0x58: {  	_ =	shalt  }
0x59: {  	_ =	shalt  }
0x5a: {  	_ =	shalt  }
0x5b: {  	_ =	shalt  }
0x5c: {  	_ =	shalt  }
0x5d: {  	_ =	shalt  }
0x5e: {  	_ =	shalt  }
0x5f: {  	_ =	shalt  }
0x60: {  	_ =	shalt  }
0x61: {  	_ =	shalt  }
0x62: {  	_ =	shalt  }
0x63: {  	_ =	shalt  }
0x64: {  	_ =	shalt  }
0x65: {  	_ =	shalt  }
0x66: {  	_ =	shalt  }
0x67: {  	_ =	shalt  }
0x68: {  	_ =	shalt  }
0x69: {  	_ =	shalt  }
0x6a: {  	_ =	shalt  }
0x6b: {  	_ =	shalt  }
0x6c: {  	_ =	shalt  }
0x6d: {  	_ =	shalt  }
0x6e: {  	_ =	shalt  }
0x6f: {  	_ =	shalt  }
0x70: {  	_ =	shalt  }
0x71: {  	_ =	shalt  }
0x72: {  	_ =	shalt  }
0x73: {  	_ =	shalt  }
0x74: {  	_ =	shalt  }
0x75: {  	_ =	shalt  }
0x76: {  	_ =	shalt  }
0x77: {  	_ =	shalt  }
0x78: {  	_ =	shalt  }
0x79: {  	_ =	shalt  }
0x7a: {  	_ =	shalt  }
0x7b: {  	_ =	shalt  }
0x7c: {  	_ =	shalt  }
0x7d: {  	_ =	shalt  }
0x7e: {  	_ =	shalt  }
0x7f: {  	_ =	shalt  }
0x80: {  	_ =	shalt  }
0x81: {  	_ =	shalt  }
0x82: {  	_ =	shalt  }
0x83: {  	_ =	shalt  }
0x84: {  	_ =	shalt  }
0x85: {  	_ =	shalt  }
0x86: {  	_ =	shalt  }
0x87: {  	_ =	shalt  }
.Lfunc_end0:
.L_simem_size_0:
called_computation.3_lowered:
.L_overlay_start_0:
0x88: {  	s2 =	sld [smem:$0x3FD9]  }
0x89: {  	s3 =	sld [smem:$0x3FFE];
	_ =	sdelay $0x1  }
0x8a: {  	s1 =	srdreg.scid  }
0x8b: {  	s0 =	sand.u32 $0x1, s1  }
0x8c: {  	s17 =	sshll.u32 s0, $0xA;
	s2 =	sadd.s32 s3, s2  }
0x8d: {  	s2 =	sadd.s32 s2, s17  }
0x8e: {  	[smem:$0x3FB0] =	sst s2  }
0x8f: {  	_ = 	snop  }
0x90: {  	s2 =	sld [smem:$0x3FD0];
	(tm) =	ssettm $0x1  }
0x91: {  	s18 =	sld [smem:$0x3FFB];
	_ =	sdelay $0x3  }
0x92: {  	_ =	strace s18  }
0x93: {  	s3 =	sld [smem:$0x3FFC];
	_ =	sdelay $0x3  }
0x94: {  	_ =	strace s3  }
0x95: {  	s3 =	sld [smem:$0x3FFD];
	_ =	sdelay $0x3  }
0x96: {  	_ =	strace s3  }
0x97: {  	_ =	strace $0x8FFFFFFF  }
0x98: {  	s19 =	sld [smem:$0x3FDB];
	_ =	sdelay $0x1  }
0x99: {  	s4 =	simm.s32 $_scs_section_size  }
0x9a: {  	s5 =	simm.s32 $_size__tile_overlayer_lowered;
	s6 =	simm.s32 $_tile_overlayer_lowered  }
0x9b: {  	s22 =	simm.s32 $0x1BFF;
	s21 =	sshll.u32 s6, $0x1;
	s3 =	sadd.s32 s4, s19  }
0x9c: {  	s7 =	simm.s32 $0x0;
	s20 =	sshll.u32 s5, $0x1;
	s5 =	sadd.s32 s21, s3  }
0x9d: {  	[timem:s7], [sflag:s22] =	dma.local [hbm:s5], s20  }
0x9e: {  	_ =	swait.ge [sflag:s22], s20  }
0x9f: {  	s4 =	ssub.s32 $0x0, s20;
	[sflag:s22] =	ssyncset.done $0x0  }
0xa0: {  	[sflag:s22] =	ssyncadd.s32 s4;
	_ =	sdelay $0x1  }
0xa1: {  	s23 =	simm.s32 $0x1B8B  }
0xa2: {  	_ =	swait.ge [sflag:s23], $0x1  }
0xa3: {  	[sflag:s23] =	ssyncset.done $0x0  }
0xa4: {  	s25 =	simm.s32 $0x1B8E;
	s24 =	sld [smem:$0x3FFE];
	[sflag:s23] =	ssyncadd.s32 $0xFFFFFFFF  }
0xa5: {  	s26 =	simm.s32 $execute0_lowered;
	[smem:$0x3FD2] =	sst s25  }
0xa6: {  	s5 =	sshll.u32 s26, $0x1;
	_ =	strace $0x8000004C;
	[dreg:$0x1] =	wrdreg $0xFFFFFFFF  }
0xa7: {  	s28 =	simm.s32 $_size_execute0_lowered;
	s3 =	sadd.s32 s3, s5;
	[dreg:$0x0] =	wrdreg $0x0  }
0xa8: {  	s5 =	sshll.u32 s28, $0x1;
	[dreg:$0x2] =	wrdreg s3  }
0xa9: {  	[dreg:$0x3] =	wrdreg s5  }
0xaa: {  	[dreg:$0x4] =	wrdreg $0xC0  }
0xab: {  	_ =	task [dreg:s7], $0x5FFFF  }
0xac: {  	[dreg:$0x1] =	wrdreg $0xFFFFFFFF  }
0xad: {  	[dreg:$0x0] =	wrdreg $0x60  }
0xae: {  	[dreg:$0x2] =	wrdreg s2  }
0xaf: {  	[dreg:$0x3] =	wrdreg s24  }
0xb0: {  	[dreg:$0x4] =	wrdreg $0x106000  }
0xb1: {  	[dreg:$0x5] =	wrdreg $0x9  }
0xb2: {  	_ =	task.clear_ibuf [dreg:s7], $0x6FFFF;
	_ =	strace $0x9000004C  }
0xb3: {  	s29 =	simm.s32 $0x9;
	_ =	strace $0x8000004E  }
0xb4: {  	_ =	swait.ge [sflag:s29], $0x1  }
0xb5: {  	[sflag:s29] =	ssyncadd.s32 $0xFFFFFFFF  }
0xb6: {  	_ =	strace $0x9000004E  }
0xb7: {  	_ =	sfence  }
0xb8: {  	s30 =	sld [smem:$0x0];
	_ =	sdelay $0x2  }
0xb9: {  	s31 =	sshll.u32 s1, $0xD;
	s1 =	sshrl.u32 s1, $0x2  }
0xba: {  	s3 =	sand.u32 $0x4000, s31;
	s1 =	sadd.s32 s1, s30  }
0xbb: {  	s0 =	sor.u32 s3, s0;
	s1 =	sshll.u32 s1, $0x11  }
0xbc: {  	s0 =	sor.u32 s1, s0  }
0xbd: {  	s0 =	sadd.s32 $0x8F2B, s0  }
0xbe: {  	[sflag:s0] =	ssyncadd.remote.s32 $0x1  }
0xbf: {  	_ =	sfence.sel $0xFFFF  }
0xc0: {  	[dreg:$0x0] =	wrdreg $0xFFFFFFFF;
	(pc) =	sbr.abs _section_cstart, $3  }
0xc1: {  	[dreg:$0x1] =	wrdreg $0xFFFFFFFF  }
0xc2: {  	_ =	task.clear_ibuf [dreg:s7], $0x2FFFF;
	_ =	strace $0x9FFFFFFF  }
0xc3: {  	(tm) =	ssettm $0x7FFFFFFF  }
tec
execute0_lowered:
.L_overlay_start_1:
0x0: {  	(tag) =	ssettag $0x1  }
0x1: {  	s1 =	rddreg [dreg:$0x0]  }
0x2: {  	s0 =	rddreg [dreg:$0x1]  }
0x3: {  	s2 =	rddreg [dreg:$0x2];
	s11 =	simm.s32 $0x0;
	s3 =	srdreg.scid  }
0x4: {  	s12 =	stileid.u32;
	s13 =	simm.s32 $0x3;
	s14 =	simm.s32 $0x200  }
0x5: {  	s15 =	simm.s32 $0x80;
	s17 =	simm.s32 $0x2600;
	s19 =	simm.s32 $0xA600  }
0x6: {  	s20 =	simm.s32 $0x100;
	s21 =	simm.s32 $0x4600;
	s22 =	simm.s32 $0x300  }
0x7: {  	s28 =	simm.s32 $0xE600;
	s29 =	simm.s32 $0x1;
	s30 =	simm.s32 $0x2  }
0x8: {  	s31 =	simm.s32 $0x400;
	[smem:$0x7FF] =	sst s11;
	s5 =	sadd.s32 $0x3A00, s0  }
0x9: {  	s6 =	sadd.s32 $0x1BA00, s0;
	s3 =	sand.u32 $0x1, s3;
	s7 =	sadd.s32 $0x13A00, s0  }
0xa: {  	s10 =	sshll.u32 s12, $0xE;
	s24 =	sshll.u32 s12, $0xA;
	s25 =	sshll.u32 s12, $0xB  }
0xb: {  	s12 =	simm.s32 $0x600;
	_ =	strace $0x8000004D;
	s4 =	ssub.s32 $0x2, s3  }
0xc: {  	s8 =	sshll.u32 s3, $0xF;
	s16 =	sadd.s32 s10, s2;
	s23 =	sshll.u32 s3, $0xE  }
0xd: {  	s3 =	sshll.u32 s3, $0xC;
	s10 =	simm.s32 $0x580;
	s9 =	sshrl.u32 s4, $0x1  }
0xe: {  	s0 =	sadd.s32 s8, s0;
	[dreg:$0x5] =	wrdreg s16;
	s4 =	ssub.s32 s4, s9  }
0xf: {  	s9 =	sor.u32 s24, s23;
	s0 =	sadd.s32 s25, s0;
	s23 =	simm.s32 $0xC600  }
0x10: {  	s24 =	simm.s32 $0x180;
	s25 =	simm.s32 $0x6600;
	s0 =	sadd.s32 $0x23A00, s0  }
0x11: {  	s26 =	smax.u32 s4, $0x1;
	s4 =	simm.s32 $0x500;
	[dreg:$0x6] =	wrdreg s0  }
0x12: {  	v1 =	vimm.f32 $0.0e+00;
	v0 =	vmov s3;
	[dreg:$0x7] =	wrdreg s26;
	s26 =	simm.s32 $0x380;
	s0 =	simm.s32 $0x480  }
.LBB2_1:
0x13: {  	[dreg:$0x4] =	wrdreg s11;
	s8 =	simm.s32 $0x100;
	s3 =	simm.s32 $0x0  }
.LBB2_2:
0x14: {  	p0 =	sne.s32 s8, $0xFF00;
	[tilespmem:s3+$0x630] =	vst v1;
	s11 =	smov.u32 s8;
	s8 =	sadd.s32 $0x100, s8  }
.Ltmp0:
0x15: {  	[tilespmem:s3+$0x620] =	vst v1;
	(pc) =	sbr.rel @p0 .LBB2_2-.Ltmp0, $3  }
0x16: {  	[tilespmem:s3+$0x600] =	vst v1  }
0x17: {  	[tilespmem:s3+$0x610] =	vst v1;
	_ =	sdelay $0x1  }
0x18: {  	s3 =	sshra.s32 s11, $0x2  }
0x19: {  	[tilespmem:s3+$0x630] =	vst v1  }
0x1a: {  	[tilespmem:s3+$0x620] =	vst v1  }
0x1b: {  	[tilespmem:s3+$0x600] =	vst v1  }
0x1c: {  	[tilespmem:s3+$0x610] =	vst v1  }
0x1d: {  	[spmem:s16] =	stream.linear.scatter [tilespmem:s12], [sflag:$0x3], $0x4000, $0x38;
	[tilespmem:$0x14600] =	vst v63  }
0x1e: {  	_ =	swait.ge [sflag:s13], $0x4000  }
0x1f: {  	[sflag:s13] =	ssyncset.done $0x0  }
0x20: {  	[sflag:s13] =	ssyncadd.s32 $0xFFFFC000  }
0x21: {  	s11 =	simm.s32 $0x0;
	s8 =	simm.s32 $0x0;
	[bflag:$0x0] =	sbarrier.arrive $0xFFFF  }
.LBB2_4:
0x22: {  	s3 =	sshll.u32 s8, $0x6  }
0x23: {  	s3 =	sadd.s32 s9, s3  }
0x24: {  	s16 =	sadd.s32 s6, s3  }
0x25: {  	[tilespmem:s11], [sflag:$0x3] =	stream.linear.gather [hbm4b:s16+s11], $0x200, $0x38;
	[tilespmem:$0x14600] =	vst v63  }
0x26: {  	_ =	swait.ge [sflag:s13], $0x200  }
0x27: {  	[sflag:s13] =	ssyncset.done $0x0  }
0x28: {  	s3 =	sadd.s32 s7, s3;
	[sflag:s13] =	ssyncadd.s32 $0xFFFFFE00  }
0x29: {  	[tilespmem:s14], [sflag:$0x3] =	stream.linear.gather [hbm4b:s3+s11], $0x200, $0x38;
	[tilespmem:$0x14600] =	vst v63  }
0x2a: {  	_ =	swait.ge [sflag:s13], $0x200  }
0x2b: {  	[sflag:s13] =	ssyncset.done $0x0  }
0x2c: {  	[sflag:s13] =	ssyncadd.s32 $0xFFFFFE00  }
0x2d: {  	v2 =	vld [tilespmem:$0x200]  }
0x2e: {  	v3 =	vld [tilespmem:$0x210]  }
0x2f: {  	v4 =	vld [tilespmem:$0x220]  }
0x30: {  	v5 =	vld [tilespmem:$0x230]  }
0x31: {  	v6 =	vld [tilespmem:$0x240]  }
0x32: {  	v7 =	vld [tilespmem:$0x250];
	v2 =	vsub.s32 v2, v0  }
0x33: {  	[tilespmem:$0x400] =	vst v2;
	v2 =	vsub.s32 v3, v0;
	v3 =	vld [tilespmem:$0x260]  }
0x34: {  	[tilespmem:$0x410] =	vst v2;
	v2 =	vsub.s32 v4, v0;
	v4 =	vld [tilespmem:$0x270]  }
0x35: {  	[tilespmem:$0x420] =	vst v2;
	v2 =	vsub.s32 v5, v0;
	v5 =	vld [tilespmem:$0x280]  }
0x36: {  	[tilespmem:$0x430] =	vst v2;
	v2 =	vsub.s32 v6, v0;
	v6 =	vld [tilespmem:$0x290]  }
0x37: {  	[tilespmem:$0x440] =	vst v2;
	v2 =	vsub.s32 v7, v0;
	v7 =	vld [tilespmem:$0x2A0]  }
0x38: {  	[tilespmem:$0x450] =	vst v2;
	v2 =	vsub.s32 v3, v0;
	v3 =	vld [tilespmem:$0x2B0]  }
0x39: {  	[tilespmem:$0x460] =	vst v2;
	v2 =	vsub.s32 v4, v0;
	v4 =	vld [tilespmem:$0x2C0]  }
0x3a: {  	[tilespmem:$0x470] =	vst v2;
	v2 =	vsub.s32 v5, v0;
	v5 =	vld [tilespmem:$0x2D0]  }
0x3b: {  	[tilespmem:$0x480] =	vst v2;
	v2 =	vsub.s32 v6, v0;
	v6 =	vld [tilespmem:$0x2E0]  }
0x3c: {  	[tilespmem:$0x490] =	vst v2;
	v2 =	vsub.s32 v7, v0;
	v7 =	vld [tilespmem:$0x2F0]  }
0x3d: {  	[tilespmem:$0x4A0] =	vst v2;
	v2 =	vsub.s32 v3, v0;
	v3 =	vld [tilespmem:$0x300]  }
0x3e: {  	[tilespmem:$0x4B0] =	vst v2;
	v2 =	vsub.s32 v4, v0;
	v4 =	vld [tilespmem:$0x310]  }
0x3f: {  	[tilespmem:$0x4C0] =	vst v2;
	v2 =	vsub.s32 v5, v0;
	v5 =	vld [tilespmem:$0x320]  }
0x40: {  	[tilespmem:$0x4D0] =	vst v2;
	v2 =	vsub.s32 v6, v0;
	v6 =	vld [tilespmem:$0x330]  }
0x41: {  	[tilespmem:$0x4E0] =	vst v2;
	v2 =	vsub.s32 v7, v0;
	v7 =	vld [tilespmem:$0x340]  }
0x42: {  	[tilespmem:$0x4F0] =	vst v2;
	v2 =	vsub.s32 v3, v0;
	v3 =	vld [tilespmem:$0x350]  }
0x43: {  	[tilespmem:$0x500] =	vst v2;
	v2 =	vsub.s32 v4, v0;
	v4 =	vld [tilespmem:$0x360]  }
0x44: {  	[tilespmem:$0x510] =	vst v2;
	v2 =	vsub.s32 v5, v0;
	v5 =	vld [tilespmem:$0x370]  }
0x45: {  	[tilespmem:$0x520] =	vst v2;
	v2 =	vsub.s32 v6, v0;
	v6 =	vld [tilespmem:$0x380]  }
0x46: {  	[tilespmem:$0x530] =	vst v2;
	v2 =	vsub.s32 v7, v0;
	v7 =	vld [tilespmem:$0x390]  }
0x47: {  	[tilespmem:$0x540] =	vst v2;
	v2 =	vsub.s32 v3, v0;
	v3 =	vld [tilespmem:$0x3A0]  }
0x48: {  	[tilespmem:$0x550] =	vst v2;
	v2 =	vsub.s32 v4, v0;
	v4 =	vld [tilespmem:$0x3B0]  }
0x49: {  	[tilespmem:$0x560] =	vst v2;
	v2 =	vsub.s32 v5, v0;
	v5 =	vld [tilespmem:$0x3C0]  }
0x4a: {  	[tilespmem:$0x570] =	vst v2;
	v2 =	vsub.s32 v6, v0;
	v6 =	vld [tilespmem:$0x3D0]  }
0x4b: {  	[tilespmem:$0x580] =	vst v2;
	v2 =	vsub.s32 v7, v0;
	v7 =	vld [tilespmem:$0x3E0]  }
0x4c: {  	[tilespmem:$0x590] =	vst v2;
	v2 =	vsub.s32 v3, v0;
	v3 =	vld [tilespmem:$0x3F0]  }
0x4d: {  	[tilespmem:$0x5A0] =	vst v2;
	v2 =	vsub.s32 v4, v0  }
0x4e: {  	[tilespmem:$0x5B0] =	vst v2;
	v2 =	vsub.s32 v5, v0  }
0x4f: {  	[tilespmem:$0x5C0] =	vst v2;
	v2 =	vsub.s32 v6, v0  }
0x50: {  	[tilespmem:$0x5D0] =	vst v2;
	v2 =	vsub.s32 v7, v0  }
0x51: {  	[tilespmem:$0x5E0] =	vst v2;
	v2 =	vsub.s32 v3, v0  }
0x52: {  	[tilespmem:$0x5F0] =	vst v2  }
0x53: {  	[tilespmem:s12], [sflag:$0x1] =	stream.indirect.gather [hbm4b:s1+s15], $0x40, s11, s15, $0xb8;
	[tilespmem:$0x14600] =	vst v63  }
0x54: {  	s16 =	simm.s32 $0x8600  }
0x55: {  	[tilespmem:s16], [sflag:$0x2] =	stream.indirect.gather [hbm4b:s5+s15], $0x40, s14, s15, $0xb8;
	[tilespmem:$0x14600] =	vst v63  }
0x56: {  	_ = 	snop  }
0x57: {  	[tilespmem:s17], [sflag:$0x1] =	stream.indirect.gather [hbm4b:s1+s15], $0x40, s15, s15, $0xb8;
	[tilespmem:$0x14600] =	vst v63  }
0x58: {  	s18 =	simm.s32 $0x280  }
0x59: {  	[tilespmem:s19], [sflag:$0x2] =	stream.indirect.gather [hbm4b:s5+s15], $0x40, s18, s15, $0xb8;
	[tilespmem:$0x14600] =	vst v63  }
0x5a: {  	_ = 	snop  }
0x5b: {  	[tilespmem:s21], [sflag:$0x1] =	stream.indirect.gather [hbm4b:s1+s15], $0x40, s20, s15, $0xb8;
	[tilespmem:$0x14600] =	vst v63  }
0x5c: {  	_ = 	snop  }
0x5d: {  	[tilespmem:s23], [sflag:$0x2] =	stream.indirect.gather [hbm4b:s5+s15], $0x40, s22, s15, $0xb8;
	[tilespmem:$0x14600] =	vst v63  }
0x5e: {  	_ = 	snop  }
0x5f: {  	[tilespmem:s25], [sflag:$0x1] =	stream.indirect.gather [hbm4b:s1+s15], $0x40, s24, s15, $0xb8;
	[tilespmem:$0x14600] =	vst v63  }
0x60: {  	_ = 	snop  }
0x61: {  	[tilespmem:s28], [sflag:$0x2] =	stream.indirect.gather [hbm4b:s5+s15], $0x40, s26, s15, $0xb8;
	[tilespmem:$0x14600] =	vst v63  }
0x62: {  	_ =	swait.ge [sflag:s29], $0x2000  }
0x63: {  	[sflag:s29] =	ssyncset.done $0x0  }
0x64: {  	[sflag:s29] =	ssyncadd.s32 $0xFFFFE000  }
0x65: {  	_ =	swait.ge [sflag:s30], $0x2000  }
0x66: {  	[sflag:s30] =	ssyncset.done $0x0  }
0x67: {  	[sflag:s30] =	ssyncadd.s32 $0xFFFFE000  }
0x68: {  	_ =	swait.ge [sflag:s29], $0x2000  }
0x69: {  	[sflag:s29] =	ssyncset.done $0x0  }
0x6a: {  	[sflag:s29] =	ssyncadd.s32 $0xFFFFE000  }
0x6b: {  	_ =	swait.ge [sflag:s30], $0x2000  }
0x6c: {  	[sflag:s30] =	ssyncset.done $0x0  }
0x6d: {  	[sflag:s30] =	ssyncadd.s32 $0xFFFFE000  }
0x6e: {  	_ =	swait.ge [sflag:s29], $0x2000  }
0x6f: {  	[sflag:s29] =	ssyncset.done $0x0  }
0x70: {  	[sflag:s29] =	ssyncadd.s32 $0xFFFFE000  }
0x71: {  	_ =	swait.ge [sflag:s30], $0x2000  }
0x72: {  	[sflag:s30] =	ssyncset.done $0x0  }
0x73: {  	[sflag:s30] =	ssyncadd.s32 $0xFFFFE000  }
0x74: {  	_ =	swait.ge [sflag:s29], $0x2000  }
0x75: {  	[sflag:s29] =	ssyncset.done $0x0  }
0x76: {  	[sflag:s29] =	ssyncadd.s32 $0xFFFFE000  }
0x77: {  	_ =	swait.ge [sflag:s30], $0x2000  }
0x78: {  	[sflag:s30] =	ssyncset.done $0x0  }
0x79: {  	s3 =	simm.s32 $0x0;
	[sflag:s30] =	ssyncadd.s32 $0xFFFFE000  }
0x7a: {  	v2 =	vld [tilespmem:s3+$0x8600]  }
0x7b: {  	v3 =	vld [tilespmem:s3+$0x8610]  }
0x7c: {  	v4 =	vld [tilespmem:s3+$0x8620]  }
0x7d: {  	v5 =	vld [tilespmem:s3+$0x8630]  }
0x7e: {  	v6 =	vld [tilespmem:s3+$0x600]  }
0x7f: {  	v8 =	vld [tilespmem:s3+$0x610]  }
0x80: {  	s16 =	simm.s32 $0x100;
	v7 =	vld [tilespmem:s3+$0x620]  }
.LBB2_5:
0x81: {  	p0 =	sne.s32 s16, $0x1FF00;
	v9 =	vld [tilespmem:s3+$0x630];
	_ =	sdelay $0x1  }
0x82: {  	v6 =	vadd.f32 v2, v6  }
0x83: {  	v8 =	vadd.f32 v3, v8  }
0x84: {  	v2 =	vsub.f32 $0.0e+00, v6;
	v7 =	vadd.f32 v4, v7  }
0x85: {  	v3 =	vsub.f32 $0.0e+00, v8;
	v9 =	vadd.f32 v5, v9  }
0x86: {  	v2 =	vmul.f32 $1.442695020e+00, v2;
	v4 =	vsub.f32 $0.0e+00, v7  }
0x87: {  	v3 =	vmul.f32 $1.442695020e+00, v3;
	v5 =	vsub.f32 $0.0e+00, v9  }
0x88: {  	v4 =	vmul.f32 $1.442695020e+00, v4;
	(erf) = vpow2.f32 v2  }
0x89: {  	v2 =	vmul.f32 $1.442695020e+00, v5;
	(erf) = vpow2.f32 v3  }
0x8a: {  	(erf) = vpow2.f32 v4  }
0x8b: {  	(erf) = vpow2.f32 v2;
	_ =	sdelay $0x5  }
0x8c: {  	v2 =	vpop (erf)  }
0x8d: {  	v5 =	vadd.f32 $1.000000000e+00, v2;
	v3 =	vpop (erf)  }
0x8e: {  	v3 =	vadd.f32 $1.000000000e+00, v3;
	v4 =	vpop (erf)  }
0x8f: {  	v4 =	vadd.f32 $1.000000000e+00, v4;
	(erf) = vrcp.f32 v5;
	v2 =	vpop (erf)  }
0x90: {  	v2 =	vadd.f32 $1.000000000e+00, v2;
	(erf) = vrcp.f32 v3  }
0x91: {  	(erf) = vrcp.f32 v4  }
0x92: {  	(erf) = vrcp.f32 v2;
	_ =	sdelay $0x4  }
0x93: {  	s18 =	sshra.s32 s16, $0x2  }
0x94: {  	v2 =	vld [tilespmem:s18+$0x8600];
	v4 =	vpop (erf)  }
0x95: {  	v3 =	vld [tilespmem:s18+$0x8610];
	v6 =	vmul.f32 v4, v6;
	v5 =	vpop (erf)  }
.Ltmp1:
0x96: {  	v4 =	vld [tilespmem:s18+$0x8620];
	v8 =	vmul.f32 v5, v8;
	v10 =	vpop (erf);
	(pc) =	sbr.rel @p0 .LBB2_5-.Ltmp1, $4  }
0x97: {  	v5 =	vld [tilespmem:s18+$0x8630];
	[tilespmem:s3+$0x600] =	vst v6;
	v7 =	vmul.f32 v10, v7;
	v10 =	vpop (erf)  }
0x98: {  	v6 =	vld [tilespmem:s18+$0x600];
	[tilespmem:s3+$0x610] =	vst v8;
	v9 =	vmul.f32 v10, v9  }
0x99: {  	v8 =	vld [tilespmem:s18+$0x610];
	[tilespmem:s3+$0x620] =	vst v7  }
0x9a: {  	s16 =	sadd.s32 $0x100, s16;
	v7 =	vld [tilespmem:s18+$0x620];
	[tilespmem:s3+$0x630] =	vst v9;
	s3 =	smov.u32 s18  }
0x9b: {  	v9 =	vld [tilespmem:s3+$0x630];
	_ =	sdelay $0x1  }
0x9c: {  	v2 =	vadd.f32 v2, v6  }
0x9d: {  	v3 =	vadd.f32 v3, v8  }
0x9e: {  	v6 =	vsub.f32 $0.0e+00, v2;
	v4 =	vadd.f32 v4, v7  }
0x9f: {  	v55 =	vsub.f32 $0.0e+00, v3;
	v5 =	vadd.f32 v5, v9  }
0xa0: {  	v6 =	vmul.f32 $1.442695020e+00, v6;
	v56 =	vsub.f32 $0.0e+00, v4  }
0xa1: {  	v7 =	vmul.f32 $1.442695020e+00, v55;
	v9 =	vsub.f32 $0.0e+00, v5  }
0xa2: {  	v8 =	vmul.f32 $1.442695020e+00, v56;
	(erf) = vpow2.f32 v6  }
0xa3: {  	v57 =	vmul.f32 $1.442695020e+00, v9;
	(erf) = vpow2.f32 v7  }
0xa4: {  	(erf) = vpow2.f32 v8  }
0xa5: {  	(erf) = vpow2.f32 v57;
	_ =	sdelay $0x5  }
0xa6: {  	v58 =	vpop (erf)  }
0xa7: {  	v6 =	vadd.f32 $1.000000000e+00, v58;
	v7 =	vpop (erf)  }
0xa8: {  	v7 =	vadd.f32 $1.000000000e+00, v7;
	v8 =	vpop (erf)  }
0xa9: {  	v8 =	vadd.f32 $1.000000000e+00, v8;
	(erf) = vrcp.f32 v6;
	v59 =	vpop (erf)  }
0xaa: {  	v6 =	vadd.f32 $1.000000000e+00, v59;
	(erf) = vrcp.f32 v7  }
0xab: {  	(erf) = vrcp.f32 v8  }
0xac: {  	(erf) = vrcp.f32 v6;
	_ =	sdelay $0x5  }
0xad: {  	v60 =	vpop (erf)  }
0xae: {  	v2 =	vmul.f32 v60, v2;
	v61 =	vpop (erf)  }
0xaf: {  	v3 =	vmul.f32 v61, v3;
	v62 =	vpop (erf)  }
0xb0: {  	[tilespmem:s3+$0x600] =	vst v2;
	v2 =	vmul.f32 v62, v4;
	v63 =	vpop (erf)  }
0xb1: {  	[tilespmem:s3+$0x610] =	vst v3;
	v3 =	vmul.f32 v63, v5  }
0xb2: {  	[tilespmem:s3+$0x620] =	vst v2  }
0xb3: {  	[tilespmem:s3+$0x630] =	vst v3  }
0xb4: {  	[spmem:s2] =	stream.indirect.scatter.add.f32 [tilespmem:s12], [sflag:$0x3], $0x40, s31, s15, $0xb8;
	[tilespmem:$0x14600] =	vst v63  }
0xb5: {  	_ =	swait.ge [sflag:s13], $0x2000  }
0xb6: {  	[sflag:s13] =	ssyncset.done $0x0  }
0xb7: {  	[sflag:s13] =	ssyncadd.s32 $0xFFFFE000  }
0xb8: {  	[spmem:s2] =	stream.indirect.scatter.add.f32 [tilespmem:s17], [sflag:$0x3], $0x40, s0, s15, $0xb8;
	[tilespmem:$0x14600] =	vst v63  }
0xb9: {  	_ =	swait.ge [sflag:s13], $0x2000  }
0xba: {  	[sflag:s13] =	ssyncset.done $0x0  }
0xbb: {  	[sflag:s13] =	ssyncadd.s32 $0xFFFFE000  }
0xbc: {  	[spmem:s2] =	stream.indirect.scatter.add.f32 [tilespmem:s21], [sflag:$0x3], $0x40, s4, s15, $0xb8;
	[tilespmem:$0x14600] =	vst v63  }
0xbd: {  	s8 =	sadd.s32 $0x1, s8;
	_ =	swait.ge [sflag:s13], $0x2000  }
0xbe: {  	p0 =	sne.s32 s8, $0x10;
	[sflag:s13] =	ssyncset.done $0x0  }
.Ltmp2:
0xbf: {  	[sflag:s13] =	ssyncadd.s32 $0xFFFFE000;
	(pc) =	sbr.rel @p0 .LBB2_4-.Ltmp2, $4  }
0xc0: {  	[spmem:s2] =	stream.indirect.scatter.add.f32 [tilespmem:s25], [sflag:$0x3], $0x40, s10, s15, $0xb8;
	[tilespmem:$0x14600] =	vst v63  }
0xc1: {  	_ =	swait.ge [sflag:s13], $0x2000  }
0xc2: {  	[sflag:s13] =	ssyncset.done $0x0  }
0xc3: {  	[sflag:s13] =	ssyncadd.s32 $0xFFFFE000  }
0xc4: {  	s3 =	stileid.u32;
	[bflag:$0x0] =	sbarrier.arrive $0xFFFF  }
0xc5: {  	s3 =	sshll.u32 s3, $0x6;
	s16 =	rddreg [dreg:$0x5]  }
0xc6: {  	s11 =	rddreg [dreg:$0x6];
	s3 =	sor.u32 $0x1C03, s3;
	s8 =	sshrl.u32 s16, $0x3  }
0xc7: {  	[hbm:s11], [sflag:s3] =	dma.local [spmem:s8], $0x800  }
0xc8: {  	_ =	swait.ge [sflag:s13], $0x800  }
0xc9: {  	s8 =	rddreg [dreg:$0x4]  }
0xca: {  	s18 =	rddreg [dreg:$0x7];
	s11 =	sadd.s32 $0x1, s8  }
0xcb: {  	p0 =	sne.s32 s11, s18  }
.Ltmp3:
0xcc: {  	_ = 	snop;
	(pc) =	sbr.rel @p0 .LBB2_1-.Ltmp3, $3  }
0xcd: {  	_ =	sdelay $0x1  }
0xce: {  	[sflag:s13] =	ssyncset.done $0x0  }
0xcf: {  	[sflag:s13] =	ssyncadd.s32 $0xFFFFF800  }
0xd0: {  	_ =	sfence.sel $0x180000  }
0xd1: {  	[bflag:$0x0] =	sbarrier.arrive $0xFFFF  }
0xd2: {  	_ =	strace $0x9000004D  }
0xd3: {  	s0 =	stileid.u32;
	[bflag:$0x2] =	sbarrier.arrive $0xFFFF  }
0xd4: {  	p0 =	sne.s32 s0, $0x0;
	s0 =	rddreg [dreg:$0x3]  }
0xd5: {  	s0 =	sadd.s32 @!p0 $0x100000, s0  }
0xd6: {  	[sflag:s0] =	ssyncadd.tile.s32 @!p0 $0x1;
	_ =	shalt  }
.Lfunc_end2:
_tile_overlayer_lowered:
.L_overlay_start_2:
0xd7: {  	(tag) =	ssettag $0x2  }
0xd8: {  	s0 =	rddreg [dreg:$0x0];
	s2 =	stileid.u32  }
0xd9: {  	s1 =	rddreg [dreg:$0x1];
	p0 =	sne.s32 s2, $0x0  }
0xda: {  	s3 =	rddreg [dreg:$0x2];
	[bflag:$0x3] =	sbarrier.arrive $0xFFFF;
	s2 =	simm.s32 @!p0 $0x1C03  }
0xdb: {  	[timem:s3], [sflag:s2] =	dma.local @!p0 [hbm:s0], s1  }
0xdc: {  	s0 =	simm.s32 @!p0 $0x3  }
0xdd: {  	_ =	swait.ge @!p0 [sflag:s0], s1  }
0xde: {  	s1 =	ssub.s32 @!p0 $0x0, s1;
	[sflag:s0] =	ssyncset.done @!p0 $0x0  }
0xdf: {  	[sflag:s0] =	ssyncadd.s32 @!p0 s1  }
0xe0: {  	[bflag:$0x3] =	sbarrier.arrive $0xFFFF  }
0xe1: {  	_ =	shalt  }

// kernel: kernel.23.cloned.1.call-start
scs
__scs_entry_jumppad:
0x0: {  	(pc) =	sbr.rel $0x88, $3  }
0x1: {  	(tag) =	ssettag $0x0;
	lr =	simm.s32 $0x1  }
0x2: {  	[smem:$0x3F89] =	sst lr;
	_ =	strace $0xD0000000  }
0x3: {  	_ = 	snop  }
0x4: {  	_ = 	snop  }
0x5: {  	_ = 	snop  }
0x6: {  	_ = 	snop  }
0x7: {  	_ = 	snop  }
__scs_overlays_trampoline_lowered:
0x8: {  	[smem:$0x3F98] =	sst s0  }
0x9: {  	[smem:$0x3F99] =	sst s1  }
0xa: {  	[smem:$0x3F9A] =	sst s2  }
0xb: {  	[smem:$0x3F9B] =	sst s3  }
0xc: {  	[smem:$0x3F9C] =	sst s4  }
0xd: {  	[smem:$0x3F9D] =	sst s5  }
0xe: {  	[smem:$0x3F9E] =	sst s6  }
0xf: {  	[smem:$0x3F9F] =	sst s7  }
0x10: {  	[smem:$0x3FA0] =	sst s8  }
0x11: {  	[smem:$0x3FA1] =	sst s9;
	s0 =	simm.s32 @!p0 $0x0  }
0x12: {  	s1 =	sld [smem:$0x3F87];
	s0 =	simm.s32 @p0 $0x1  }
0x13: {  	[smem:$0x3FA2] =	sst s0;
	s0 =	simm.s32 @!p1 $0x0  }
0x14: {  	s2 =	sld [smem:$0x3F86];
	s0 =	simm.s32 @p1 $0x1  }
0x15: {  	[smem:$0x3FA3] =	sst s0;
	s0 =	simm.s32 @!p2 $0x0  }
0x16: {  	s3 =	sld [smem:$0x3FDB];
	s0 =	simm.s32 @p2 $0x1  }
0x17: {  	s4 =	simm.s32 $0x1BF5;
	[smem:$0x3FA5] =	sst s0  }
0x18: {  	s0 =	sld [smem:$0x3F88];
	_ =	swait.ge [sflag:s4], $0x0  }
0x19: {  	s7 =	sld [smem:$0x3F89]  }
0x1a: {  	s8 =	sadd.s32 $0xFFFFE003, lr  }
0x1b: {  	s9 =	sadd.s32 $0xFFFFFEF7, lr;
	s5 =	simm.s32 $0xFFFFFFFF;
	p2 =	slt.u32 s8, $0xFFFFF086  }
0x1c: {  	p1 =	slt.u32 s9, $0xF7A;
	s5 =	simm.s32 @!p2 $0x0  }
0x1d: {  	s5 =	simm.s32 @p1 $0x1;
	p0 =	seq.s32 s7, s2  }
0x1e: {  	s7 =	smul.u32 @!p0 $0xF7A, s2;
	p2 =	seq.s32 @!p0 s5, $0x0  }
0x1f: {  	s9 =	smul.u32 $0xF7A, s1;
	s8 =	simm.s32 @!p0 $0x1BF5;
	p2 =	por !p2, p0  }
0x20: {  	[sflag:s8] =	ssyncset.s32 @!p0 $0xFFFFF086;
	s6 =	sadd.s32 @!p0 s3, s7;
	s7 =	simm.s32 @!p0 $0x108  }
0x21: {  	s3 =	sadd.s32 s3, s9;
	s6 =	sadd.s32 @!p0 $0x88, s6;
	s7 =	simm.s32 @p2 $0x1082  }
0x22: {  	[simem:s7], [sflag:s8] =	dma.local @!p0 [hbm:s6], $0xF7A  }
0x23: {  	s9 =	sor.u32 $0xD0000000, s2;
	s6 =	simm.s32 $0x108;
	_ =	swait.ge @!p0 [sflag:s8], $0x0  }
0x24: {  	s3 =	sadd.s32 $0x88, s3;
	s6 =	simm.s32 @!p1 $0x1082;
	[sflag:s4] =	ssyncset.s32 $0xFFFFF086  }
0x25: {  	[simem:s6], [sflag:s4] =	dma.local [hbm:s3], $0xF7A  }
0x26: {  	[smem:$0x3F89] =	sst s1;
	(tag) =	ssettag s2;
	_ =	strace s9  }
0x27: {  	s1 =	sld [smem:$0x3F99]  }
0x28: {  	s2 =	sld [smem:$0x3F9A]  }
0x29: {  	s4 =	sld [smem:$0x3F9C]  }
0x2a: {  	p0 =	seq.s32 s5, $0x0;
	s5 =	sld [smem:$0x3F9D]  }
0x2b: {  	s6 =	sld [smem:$0x3F9E]  }
0x2c: {  	s7 =	sld [smem:$0x3F9F]  }
0x2d: {  	s3 =	simm.s32 $0x108;
	s8 =	sld [smem:$0x3FA0]  }
0x2e: {  	s3 =	simm.s32 @!p0 $0x1082;
	s9 =	sld [smem:$0x3FA1]  }
0x2f: {  	lr =	sadd.s32 s0, s3;
	s0 =	sld [smem:$0x3F98]  }
0x30: {  	s3 =	sld [smem:$0x3F9B]  }
0x31: {  	[smem:$0x3FA4] =	sst s10  }
0x32: {  	s10 =	sld [smem:$0x3FA2];
	_ =	sdelay $0x3  }
0x33: {  	p0 =	seq.s32 s10, $0x1;
	s10 =	sld [smem:$0x3FA4];
	_ =	sdelay $0x3  }
0x34: {  	[smem:$0x3FA4] =	sst s10  }
0x35: {  	s10 =	sld [smem:$0x3FA3];
	_ =	sdelay $0x3  }
0x36: {  	p1 =	seq.s32 s10, $0x1;
	s10 =	sld [smem:$0x3FA4];
	_ =	sdelay $0x3  }
0x37: {  	[smem:$0x3FA4] =	sst s10  }
0x38: {  	s10 =	sld [smem:$0x3FA5]  }
0x39: {  	_ = 	snop;
	(pc) =	sbr.ind lr, $3  }
0x3a: {  	_ = 	snop  }
0x3b: {  	_ = 	snop  }
0x3c: {  	p2 =	seq.s32 s10, $0x1;
	s10 =	sld [smem:$0x3FA4]  }
0x3d: {  	_ =	shalt  }
0x3e: {  	_ =	shalt  }
0x3f: {  	_ =	shalt  }
0x40: {  	_ =	shalt  }
0x41: {  	_ =	shalt  }
0x42: {  	_ =	shalt  }
0x43: {  	_ =	shalt  }
0x44: {  	_ =	shalt  }
0x45: {  	_ =	shalt  }
0x46: {  	_ =	shalt  }
0x47: {  	_ =	shalt  }
0x48: {  	_ =	shalt  }
0x49: {  	_ =	shalt  }
0x4a: {  	_ =	shalt  }
0x4b: {  	_ =	shalt  }
0x4c: {  	_ =	shalt  }
0x4d: {  	_ =	shalt  }
0x4e: {  	_ =	shalt  }
0x4f: {  	_ =	shalt  }
0x50: {  	_ =	shalt  }
0x51: {  	_ =	shalt  }
0x52: {  	_ =	shalt  }
0x53: {  	_ =	shalt  }
0x54: {  	_ =	shalt  }
0x55: {  	_ =	shalt  }
0x56: {  	_ =	shalt  }
0x57: {  	_ =	shalt  }
0x58: {  	_ =	shalt  }
0x59: {  	_ =	shalt  }
0x5a: {  	_ =	shalt  }
0x5b: {  	_ =	shalt  }
0x5c: {  	_ =	shalt  }
0x5d: {  	_ =	shalt  }
0x5e: {  	_ =	shalt  }
0x5f: {  	_ =	shalt  }
0x60: {  	_ =	shalt  }
0x61: {  	_ =	shalt  }
0x62: {  	_ =	shalt  }
0x63: {  	_ =	shalt  }
0x64: {  	_ =	shalt  }
0x65: {  	_ =	shalt  }
0x66: {  	_ =	shalt  }
0x67: {  	_ =	shalt  }
0x68: {  	_ =	shalt  }
0x69: {  	_ =	shalt  }
0x6a: {  	_ =	shalt  }
0x6b: {  	_ =	shalt  }
0x6c: {  	_ =	shalt  }
0x6d: {  	_ =	shalt  }
0x6e: {  	_ =	shalt  }
0x6f: {  	_ =	shalt  }
0x70: {  	_ =	shalt  }
0x71: {  	_ =	shalt  }
0x72: {  	_ =	shalt  }
0x73: {  	_ =	shalt  }
0x74: {  	_ =	shalt  }
0x75: {  	_ =	shalt  }
0x76: {  	_ =	shalt  }
0x77: {  	_ =	shalt  }
0x78: {  	_ =	shalt  }
0x79: {  	_ =	shalt  }
0x7a: {  	_ =	shalt  }
0x7b: {  	_ =	shalt  }
0x7c: {  	_ =	shalt  }
0x7d: {  	_ =	shalt  }
0x7e: {  	_ =	shalt  }
0x7f: {  	_ =	shalt  }
0x80: {  	_ =	shalt  }
0x81: {  	_ =	shalt  }
0x82: {  	_ =	shalt  }
0x83: {  	_ =	shalt  }
0x84: {  	_ =	shalt  }
0x85: {  	_ =	shalt  }
0x86: {  	_ =	shalt  }
0x87: {  	_ =	shalt  }
.Lfunc_end0:
.L_simem_size_0:
called_computation.4_lowered:
.L_overlay_start_0:
0x88: {  	s2 =	sld [smem:$0x3FD9]  }
0x89: {  	s3 =	sld [smem:$0x3FFE];
	_ =	sdelay $0x1  }
0x8a: {  	s1 =	srdreg.scid  }
0x8b: {  	s0 =	sand.u32 $0x1, s1  }
0x8c: {  	s17 =	sshll.u32 s0, $0xA;
	s2 =	sadd.s32 s3, s2  }
0x8d: {  	s2 =	sadd.s32 s2, s17  }
0x8e: {  	[smem:$0x3FB0] =	sst s2  }
0x8f: {  	_ = 	snop  }
0x90: {  	s2 =	sld [smem:$0x3FD0];
	(tm) =	ssettm $0x1  }
0x91: {  	s18 =	sld [smem:$0x3FFB];
	_ =	sdelay $0x3  }
0x92: {  	_ =	strace s18  }
0x93: {  	s3 =	sld [smem:$0x3FFC];
	_ =	sdelay $0x3  }
0x94: {  	_ =	strace s3  }
0x95: {  	s3 =	sld [smem:$0x3FFD];
	_ =	sdelay $0x3  }
0x96: {  	_ =	strace s3  }
0x97: {  	_ =	strace $0x8FFFFFFF  }
0x98: {  	s19 =	sld [smem:$0x3FDB];
	_ =	sdelay $0x1  }
0x99: {  	s4 =	simm.s32 $_scs_section_size  }
0x9a: {  	s5 =	simm.s32 $_size__tile_overlayer_lowered;
	s6 =	simm.s32 $_tile_overlayer_lowered  }
0x9b: {  	s22 =	simm.s32 $0x1BFF;
	s21 =	sshll.u32 s6, $0x1;
	s3 =	sadd.s32 s4, s19  }
0x9c: {  	s7 =	simm.s32 $0x0;
	s20 =	sshll.u32 s5, $0x1;
	s5 =	sadd.s32 s21, s3  }
0x9d: {  	[timem:s7], [sflag:s22] =	dma.local [hbm:s5], s20  }
0x9e: {  	_ =	swait.ge [sflag:s22], s20  }
0x9f: {  	s4 =	ssub.s32 $0x0, s20;
	[sflag:s22] =	ssyncset.done $0x0  }
0xa0: {  	[sflag:s22] =	ssyncadd.s32 s4;
	_ =	sdelay $0x1  }
0xa1: {  	s23 =	simm.s32 $0x1B8B  }
0xa2: {  	_ =	swait.ge [sflag:s23], $0x1  }
0xa3: {  	[sflag:s23] =	ssyncset.done $0x0  }
0xa4: {  	s25 =	simm.s32 $0x1B8E;
	s24 =	sld [smem:$0x3FFE];
	[sflag:s23] =	ssyncadd.s32 $0xFFFFFFFF  }
0xa5: {  	s26 =	simm.s32 $execute0_lowered;
	[smem:$0x3FD2] =	sst s25  }
0xa6: {  	s5 =	sshll.u32 s26, $0x1;
	_ =	strace $0x8000004F;
	[dreg:$0x1] =	wrdreg $0xFFFFFFFF  }
0xa7: {  	s28 =	simm.s32 $_size_execute0_lowered;
	s3 =	sadd.s32 s3, s5;
	[dreg:$0x0] =	wrdreg $0x0  }
0xa8: {  	s5 =	sshll.u32 s28, $0x1;
	[dreg:$0x2] =	wrdreg s3  }
0xa9: {  	[dreg:$0x3] =	wrdreg s5  }
0xaa: {  	[dreg:$0x4] =	wrdreg $0xC0  }
0xab: {  	_ =	task [dreg:s7], $0x5FFFF  }
0xac: {  	[dreg:$0x1] =	wrdreg $0xFFFFFFFF  }
0xad: {  	[dreg:$0x0] =	wrdreg $0x60  }
0xae: {  	[dreg:$0x2] =	wrdreg s2  }
0xaf: {  	[dreg:$0x3] =	wrdreg s24  }
0xb0: {  	[dreg:$0x4] =	wrdreg $0x106000  }
0xb1: {  	[dreg:$0x5] =	wrdreg $0x9  }
0xb2: {  	_ =	task.clear_ibuf [dreg:s7], $0x6FFFF;
	_ =	strace $0x9000004F  }
0xb3: {  	s29 =	simm.s32 $0x9;
	_ =	strace $0x80000051  }
0xb4: {  	_ =	swait.ge [sflag:s29], $0x1  }
0xb5: {  	[sflag:s29] =	ssyncadd.s32 $0xFFFFFFFF  }
0xb6: {  	_ =	strace $0x90000051  }
0xb7: {  	_ =	sfence  }
0xb8: {  	s30 =	sld [smem:$0x0];
	_ =	sdelay $0x2  }
0xb9: {  	s31 =	sshll.u32 s1, $0xD;
	s1 =	sshrl.u32 s1, $0x2  }
0xba: {  	s3 =	sand.u32 $0x4000, s31;
	s1 =	sadd.s32 s1, s30  }
0xbb: {  	s0 =	sor.u32 s3, s0;
	s1 =	sshll.u32 s1, $0x11  }
0xbc: {  	s0 =	sor.u32 s1, s0  }
0xbd: {  	s0 =	sadd.s32 $0x8F2B, s0  }
0xbe: {  	[sflag:s0] =	ssyncadd.remote.s32 $0x1  }
0xbf: {  	_ =	sfence.sel $0xFFFF  }
0xc0: {  	[dreg:$0x0] =	wrdreg $0xFFFFFFFF;
	(pc) =	sbr.abs _section_cstart, $3  }
0xc1: {  	[dreg:$0x1] =	wrdreg $0xFFFFFFFF  }
0xc2: {  	_ =	task.clear_ibuf [dreg:s7], $0x2FFFF;
	_ =	strace $0x9FFFFFFF  }
0xc3: {  	(tm) =	ssettm $0x7FFFFFFF  }
tec
execute0_lowered:
.L_overlay_start_1:
0x0: {  	(tag) =	ssettag $0x1  }
0x1: {  	s1 =	rddreg [dreg:$0x0]  }
0x2: {  	s0 =	rddreg [dreg:$0x1]  }
0x3: {  	s2 =	rddreg [dreg:$0x2];
	s11 =	simm.s32 $0x0;
	s3 =	srdreg.scid  }
0x4: {  	s12 =	stileid.u32;
	s13 =	simm.s32 $0x3;
	s14 =	simm.s32 $0x200  }
0x5: {  	s15 =	simm.s32 $0x80;
	s17 =	simm.s32 $0x2600;
	s19 =	simm.s32 $0xA600  }
0x6: {  	s20 =	simm.s32 $0x100;
	s21 =	simm.s32 $0x4600;
	s22 =	simm.s32 $0x300  }
0x7: {  	s28 =	simm.s32 $0xE600;
	s29 =	simm.s32 $0x1;
	s30 =	simm.s32 $0x2  }
0x8: {  	s31 =	simm.s32 $0x400;
	[smem:$0x7FF] =	sst s11;
	s5 =	sadd.s32 $0x3A00, s0  }
0x9: {  	s6 =	sadd.s32 $0x1BA00, s0;
	s3 =	sand.u32 $0x1, s3;
	s7 =	sadd.s32 $0x13A00, s0  }
0xa: {  	s10 =	sshll.u32 s12, $0xE;
	s24 =	sshll.u32 s12, $0xA;
	s25 =	sshll.u32 s12, $0xB  }
0xb: {  	s12 =	simm.s32 $0x600;
	_ =	strace $0x80000050;
	s4 =	ssub.s32 $0x2, s3  }
0xc: {  	s8 =	sshll.u32 s3, $0xF;
	s16 =	sadd.s32 s10, s2;
	s23 =	sshll.u32 s3, $0xE  }
0xd: {  	s3 =	sshll.u32 s3, $0xC;
	s10 =	simm.s32 $0x580;
	s9 =	sshrl.u32 s4, $0x1  }
0xe: {  	s0 =	sadd.s32 s8, s0;
	[dreg:$0x5] =	wrdreg s16;
	s4 =	ssub.s32 s4, s9  }
0xf: {  	s9 =	sor.u32 s24, s23;
	s0 =	sadd.s32 s25, s0;
	s23 =	simm.s32 $0xC600  }
0x10: {  	s24 =	simm.s32 $0x180;
	s25 =	simm.s32 $0x6600;
	s0 =	sadd.s32 $0x23A00, s0  }
0x11: {  	s26 =	smax.u32 s4, $0x1;
	s4 =	simm.s32 $0x500;
	[dreg:$0x6] =	wrdreg s0  }
0x12: {  	v1 =	vimm.f32 $0.0e+00;
	v0 =	vmov s3;
	[dreg:$0x7] =	wrdreg s26;
	s26 =	simm.s32 $0x380;
	s0 =	simm.s32 $0x480  }
.LBB2_1:
0x13: {  	[dreg:$0x4] =	wrdreg s11;
	s8 =	simm.s32 $0x100;
	s3 =	simm.s32 $0x0  }
.LBB2_2:
0x14: {  	p0 =	sne.s32 s8, $0xFF00;
	[tilespmem:s3+$0x630] =	vst v1;
	s11 =	smov.u32 s8;
	s8 =	sadd.s32 $0x100, s8  }
.Ltmp0:
0x15: {  	[tilespmem:s3+$0x620] =	vst v1;
	(pc) =	sbr.rel @p0 .LBB2_2-.Ltmp0, $3  }
0x16: {  	[tilespmem:s3+$0x600] =	vst v1  }
0x17: {  	[tilespmem:s3+$0x610] =	vst v1;
	_ =	sdelay $0x1  }
0x18: {  	s3 =	sshra.s32 s11, $0x2  }
0x19: {  	[tilespmem:s3+$0x630] =	vst v1  }
0x1a: {  	[tilespmem:s3+$0x620] =	vst v1  }
0x1b: {  	[tilespmem:s3+$0x600] =	vst v1  }
0x1c: {  	[tilespmem:s3+$0x610] =	vst v1  }
0x1d: {  	[spmem:s16] =	stream.linear.scatter [tilespmem:s12], [sflag:$0x3], $0x4000, $0x38;
	[tilespmem:$0x14600] =	vst v63  }
0x1e: {  	_ =	swait.ge [sflag:s13], $0x4000  }
0x1f: {  	[sflag:s13] =	ssyncset.done $0x0  }
0x20: {  	[sflag:s13] =	ssyncadd.s32 $0xFFFFC000  }
0x21: {  	s11 =	simm.s32 $0x0;
	s8 =	simm.s32 $0x0;
	[bflag:$0x0] =	sbarrier.arrive $0xFFFF  }
.LBB2_4:
0x22: {  	s3 =	sshll.u32 s8, $0x6  }
0x23: {  	s3 =	sadd.s32 s9, s3  }
0x24: {  	s16 =	sadd.s32 s6, s3  }
0x25: {  	[tilespmem:s11], [sflag:$0x3] =	stream.linear.gather [hbm4b:s16+s11], $0x200, $0x38;
	[tilespmem:$0x14600] =	vst v63  }
0x26: {  	_ =	swait.ge [sflag:s13], $0x200  }
0x27: {  	[sflag:s13] =	ssyncset.done $0x0  }
0x28: {  	s3 =	sadd.s32 s7, s3;
	[sflag:s13] =	ssyncadd.s32 $0xFFFFFE00  }
0x29: {  	[tilespmem:s14], [sflag:$0x3] =	stream.linear.gather [hbm4b:s3+s11], $0x200, $0x38;
	[tilespmem:$0x14600] =	vst v63  }
0x2a: {  	_ =	swait.ge [sflag:s13], $0x200  }
0x2b: {  	[sflag:s13] =	ssyncset.done $0x0  }
0x2c: {  	[sflag:s13] =	ssyncadd.s32 $0xFFFFFE00  }
0x2d: {  	v2 =	vld [tilespmem:$0x200]  }
0x2e: {  	v3 =	vld [tilespmem:$0x210]  }
0x2f: {  	v4 =	vld [tilespmem:$0x220]  }
0x30: {  	v5 =	vld [tilespmem:$0x230]  }
0x31: {  	v6 =	vld [tilespmem:$0x240]  }
0x32: {  	v7 =	vld [tilespmem:$0x250];
	v2 =	vsub.s32 v2, v0  }
0x33: {  	[tilespmem:$0x400] =	vst v2;
	v2 =	vsub.s32 v3, v0;
	v3 =	vld [tilespmem:$0x260]  }
0x34: {  	[tilespmem:$0x410] =	vst v2;
	v2 =	vsub.s32 v4, v0;
	v4 =	vld [tilespmem:$0x270]  }
0x35: {  	[tilespmem:$0x420] =	vst v2;
	v2 =	vsub.s32 v5, v0;
	v5 =	vld [tilespmem:$0x280]  }
0x36: {  	[tilespmem:$0x430] =	vst v2;
	v2 =	vsub.s32 v6, v0;
	v6 =	vld [tilespmem:$0x290]  }
0x37: {  	[tilespmem:$0x440] =	vst v2;
	v2 =	vsub.s32 v7, v0;
	v7 =	vld [tilespmem:$0x2A0]  }
0x38: {  	[tilespmem:$0x450] =	vst v2;
	v2 =	vsub.s32 v3, v0;
	v3 =	vld [tilespmem:$0x2B0]  }
0x39: {  	[tilespmem:$0x460] =	vst v2;
	v2 =	vsub.s32 v4, v0;
	v4 =	vld [tilespmem:$0x2C0]  }
0x3a: {  	[tilespmem:$0x470] =	vst v2;
	v2 =	vsub.s32 v5, v0;
	v5 =	vld [tilespmem:$0x2D0]  }
0x3b: {  	[tilespmem:$0x480] =	vst v2;
	v2 =	vsub.s32 v6, v0;
	v6 =	vld [tilespmem:$0x2E0]  }
0x3c: {  	[tilespmem:$0x490] =	vst v2;
	v2 =	vsub.s32 v7, v0;
	v7 =	vld [tilespmem:$0x2F0]  }
0x3d: {  	[tilespmem:$0x4A0] =	vst v2;
	v2 =	vsub.s32 v3, v0;
	v3 =	vld [tilespmem:$0x300]  }
0x3e: {  	[tilespmem:$0x4B0] =	vst v2;
	v2 =	vsub.s32 v4, v0;
	v4 =	vld [tilespmem:$0x310]  }
0x3f: {  	[tilespmem:$0x4C0] =	vst v2;
	v2 =	vsub.s32 v5, v0;
	v5 =	vld [tilespmem:$0x320]  }
0x40: {  	[tilespmem:$0x4D0] =	vst v2;
	v2 =	vsub.s32 v6, v0;
	v6 =	vld [tilespmem:$0x330]  }
0x41: {  	[tilespmem:$0x4E0] =	vst v2;
	v2 =	vsub.s32 v7, v0;
	v7 =	vld [tilespmem:$0x340]  }
0x42: {  	[tilespmem:$0x4F0] =	vst v2;
	v2 =	vsub.s32 v3, v0;
	v3 =	vld [tilespmem:$0x350]  }
0x43: {  	[tilespmem:$0x500] =	vst v2;
	v2 =	vsub.s32 v4, v0;
	v4 =	vld [tilespmem:$0x360]  }
0x44: {  	[tilespmem:$0x510] =	vst v2;
	v2 =	vsub.s32 v5, v0;
	v5 =	vld [tilespmem:$0x370]  }
0x45: {  	[tilespmem:$0x520] =	vst v2;
	v2 =	vsub.s32 v6, v0;
	v6 =	vld [tilespmem:$0x380]  }
0x46: {  	[tilespmem:$0x530] =	vst v2;
	v2 =	vsub.s32 v7, v0;
	v7 =	vld [tilespmem:$0x390]  }
0x47: {  	[tilespmem:$0x540] =	vst v2;
	v2 =	vsub.s32 v3, v0;
	v3 =	vld [tilespmem:$0x3A0]  }
0x48: {  	[tilespmem:$0x550] =	vst v2;
	v2 =	vsub.s32 v4, v0;
	v4 =	vld [tilespmem:$0x3B0]  }
0x49: {  	[tilespmem:$0x560] =	vst v2;
	v2 =	vsub.s32 v5, v0;
	v5 =	vld [tilespmem:$0x3C0]  }
0x4a: {  	[tilespmem:$0x570] =	vst v2;
	v2 =	vsub.s32 v6, v0;
	v6 =	vld [tilespmem:$0x3D0]  }
0x4b: {  	[tilespmem:$0x580] =	vst v2;
	v2 =	vsub.s32 v7, v0;
	v7 =	vld [tilespmem:$0x3E0]  }
0x4c: {  	[tilespmem:$0x590] =	vst v2;
	v2 =	vsub.s32 v3, v0;
	v3 =	vld [tilespmem:$0x3F0]  }
0x4d: {  	[tilespmem:$0x5A0] =	vst v2;
	v2 =	vsub.s32 v4, v0  }
0x4e: {  	[tilespmem:$0x5B0] =	vst v2;
	v2 =	vsub.s32 v5, v0  }
0x4f: {  	[tilespmem:$0x5C0] =	vst v2;
	v2 =	vsub.s32 v6, v0  }
0x50: {  	[tilespmem:$0x5D0] =	vst v2;
	v2 =	vsub.s32 v7, v0  }
0x51: {  	[tilespmem:$0x5E0] =	vst v2;
	v2 =	vsub.s32 v3, v0  }
0x52: {  	[tilespmem:$0x5F0] =	vst v2  }
0x53: {  	[tilespmem:s12], [sflag:$0x1] =	stream.indirect.gather [hbm4b:s1+s15], $0x40, s11, s15, $0xb8;
	[tilespmem:$0x14600] =	vst v63  }
0x54: {  	s16 =	simm.s32 $0x8600  }
0x55: {  	[tilespmem:s16], [sflag:$0x2] =	stream.indirect.gather [hbm4b:s5+s15], $0x40, s14, s15, $0xb8;
	[tilespmem:$0x14600] =	vst v63  }
0x56: {  	_ = 	snop  }
0x57: {  	[tilespmem:s17], [sflag:$0x1] =	stream.indirect.gather [hbm4b:s1+s15], $0x40, s15, s15, $0xb8;
	[tilespmem:$0x14600] =	vst v63  }
0x58: {  	s18 =	simm.s32 $0x280  }
0x59: {  	[tilespmem:s19], [sflag:$0x2] =	stream.indirect.gather [hbm4b:s5+s15], $0x40, s18, s15, $0xb8;
	[tilespmem:$0x14600] =	vst v63  }
0x5a: {  	_ = 	snop  }
0x5b: {  	[tilespmem:s21], [sflag:$0x1] =	stream.indirect.gather [hbm4b:s1+s15], $0x40, s20, s15, $0xb8;
	[tilespmem:$0x14600] =	vst v63  }
0x5c: {  	_ = 	snop  }
0x5d: {  	[tilespmem:s23], [sflag:$0x2] =	stream.indirect.gather [hbm4b:s5+s15], $0x40, s22, s15, $0xb8;
	[tilespmem:$0x14600] =	vst v63  }
0x5e: {  	_ = 	snop  }
0x5f: {  	[tilespmem:s25], [sflag:$0x1] =	stream.indirect.gather [hbm4b:s1+s15], $0x40, s24, s15, $0xb8;
	[tilespmem:$0x14600] =	vst v63  }
0x60: {  	_ = 	snop  }
0x61: {  	[tilespmem:s28], [sflag:$0x2] =	stream.indirect.gather [hbm4b:s5+s15], $0x40, s26, s15, $0xb8;
	[tilespmem:$0x14600] =	vst v63  }
0x62: {  	_ =	swait.ge [sflag:s29], $0x2000  }
0x63: {  	[sflag:s29] =	ssyncset.done $0x0  }
0x64: {  	[sflag:s29] =	ssyncadd.s32 $0xFFFFE000  }
0x65: {  	_ =	swait.ge [sflag:s30], $0x2000  }
0x66: {  	[sflag:s30] =	ssyncset.done $0x0  }
0x67: {  	[sflag:s30] =	ssyncadd.s32 $0xFFFFE000  }
0x68: {  	_ =	swait.ge [sflag:s29], $0x2000  }
0x69: {  	[sflag:s29] =	ssyncset.done $0x0  }
0x6a: {  	[sflag:s29] =	ssyncadd.s32 $0xFFFFE000  }
0x6b: {  	_ =	swait.ge [sflag:s30], $0x2000  }
0x6c: {  	[sflag:s30] =	ssyncset.done $0x0  }
0x6d: {  	[sflag:s30] =	ssyncadd.s32 $0xFFFFE000  }
0x6e: {  	_ =	swait.ge [sflag:s29], $0x2000  }
0x6f: {  	[sflag:s29] =	ssyncset.done $0x0  }
0x70: {  	[sflag:s29] =	ssyncadd.s32 $0xFFFFE000  }
0x71: {  	_ =	swait.ge [sflag:s30], $0x2000  }
0x72: {  	[sflag:s30] =	ssyncset.done $0x0  }
0x73: {  	[sflag:s30] =	ssyncadd.s32 $0xFFFFE000  }
0x74: {  	_ =	swait.ge [sflag:s29], $0x2000  }
0x75: {  	[sflag:s29] =	ssyncset.done $0x0  }
0x76: {  	[sflag:s29] =	ssyncadd.s32 $0xFFFFE000  }
0x77: {  	_ =	swait.ge [sflag:s30], $0x2000  }
0x78: {  	[sflag:s30] =	ssyncset.done $0x0  }
0x79: {  	s3 =	simm.s32 $0x0;
	[sflag:s30] =	ssyncadd.s32 $0xFFFFE000  }
0x7a: {  	v2 =	vld [tilespmem:s3+$0x8600]  }
0x7b: {  	v3 =	vld [tilespmem:s3+$0x8610]  }
0x7c: {  	v4 =	vld [tilespmem:s3+$0x8620]  }
0x7d: {  	v5 =	vld [tilespmem:s3+$0x8630]  }
0x7e: {  	v6 =	vld [tilespmem:s3+$0x600]  }
0x7f: {  	v8 =	vld [tilespmem:s3+$0x610]  }
0x80: {  	s16 =	simm.s32 $0x100;
	v7 =	vld [tilespmem:s3+$0x620]  }
.LBB2_5:
0x81: {  	p0 =	sne.s32 s16, $0x1FF00;
	v9 =	vld [tilespmem:s3+$0x630];
	_ =	sdelay $0x1  }
0x82: {  	v6 =	vadd.f32 v2, v6  }
0x83: {  	v8 =	vadd.f32 v3, v8  }
0x84: {  	v2 =	vsub.f32 $0.0e+00, v6;
	v7 =	vadd.f32 v4, v7  }
0x85: {  	v3 =	vsub.f32 $0.0e+00, v8;
	v9 =	vadd.f32 v5, v9  }
0x86: {  	v2 =	vmul.f32 $1.442695020e+00, v2;
	v4 =	vsub.f32 $0.0e+00, v7  }
0x87: {  	v3 =	vmul.f32 $1.442695020e+00, v3;
	v5 =	vsub.f32 $0.0e+00, v9  }
0x88: {  	v4 =	vmul.f32 $1.442695020e+00, v4;
	(erf) = vpow2.f32 v2  }
0x89: {  	v2 =	vmul.f32 $1.442695020e+00, v5;
	(erf) = vpow2.f32 v3  }
0x8a: {  	(erf) = vpow2.f32 v4  }
0x8b: {  	(erf) = vpow2.f32 v2;
	_ =	sdelay $0x5  }
0x8c: {  	v2 =	vpop (erf)  }
0x8d: {  	v5 =	vadd.f32 $1.000000000e+00, v2;
	v3 =	vpop (erf)  }
0x8e: {  	v3 =	vadd.f32 $1.000000000e+00, v3;
	v4 =	vpop (erf)  }
0x8f: {  	v4 =	vadd.f32 $1.000000000e+00, v4;
	(erf) = vrcp.f32 v5;
	v2 =	vpop (erf)  }
0x90: {  	v2 =	vadd.f32 $1.000000000e+00, v2;
	(erf) = vrcp.f32 v3  }
0x91: {  	(erf) = vrcp.f32 v4  }
0x92: {  	(erf) = vrcp.f32 v2;
	_ =	sdelay $0x4  }
0x93: {  	s18 =	sshra.s32 s16, $0x2  }
0x94: {  	v2 =	vld [tilespmem:s18+$0x8600];
	v4 =	vpop (erf)  }
0x95: {  	v3 =	vld [tilespmem:s18+$0x8610];
	v6 =	vmul.f32 v4, v6;
	v5 =	vpop (erf)  }
.Ltmp1:
0x96: {  	v4 =	vld [tilespmem:s18+$0x8620];
	v8 =	vmul.f32 v5, v8;
	v10 =	vpop (erf);
	(pc) =	sbr.rel @p0 .LBB2_5-.Ltmp1, $4  }
0x97: {  	v5 =	vld [tilespmem:s18+$0x8630];
	[tilespmem:s3+$0x600] =	vst v6;
	v7 =	vmul.f32 v10, v7;
	v10 =	vpop (erf)  }
0x98: {  	v6 =	vld [tilespmem:s18+$0x600];
	[tilespmem:s3+$0x610] =	vst v8;
	v9 =	vmul.f32 v10, v9  }
0x99: {  	v8 =	vld [tilespmem:s18+$0x610];
	[tilespmem:s3+$0x620] =	vst v7  }
0x9a: {  	s16 =	sadd.s32 $0x100, s16;
	v7 =	vld [tilespmem:s18+$0x620];
	[tilespmem:s3+$0x630] =	vst v9;
	s3 =	smov.u32 s18  }
0x9b: {  	v9 =	vld [tilespmem:s3+$0x630];
	_ =	sdelay $0x1  }
0x9c: {  	v2 =	vadd.f32 v2, v6  }
0x9d: {  	v3 =	vadd.f32 v3, v8  }
0x9e: {  	v6 =	vsub.f32 $0.0e+00, v2;
	v4 =	vadd.f32 v4, v7  }
0x9f: {  	v55 =	vsub.f32 $0.0e+00, v3;
	v5 =	vadd.f32 v5, v9  }
0xa0: {  	v6 =	vmul.f32 $1.442695020e+00, v6;
	v56 =	vsub.f32 $0.0e+00, v4  }
0xa1: {  	v7 =	vmul.f32 $1.442695020e+00, v55;
	v9 =	vsub.f32 $0.0e+00, v5  }
0xa2: {  	v8 =	vmul.f32 $1.442695020e+00, v56;
	(erf) = vpow2.f32 v6  }
0xa3: {  	v57 =	vmul.f32 $1.442695020e+00, v9;
	(erf) = vpow2.f32 v7  }
0xa4: {  	(erf) = vpow2.f32 v8  }
0xa5: {  	(erf) = vpow2.f32 v57;
	_ =	sdelay $0x5  }
0xa6: {  	v58 =	vpop (erf)  }
0xa7: {  	v6 =	vadd.f32 $1.000000000e+00, v58;
	v7 =	vpop (erf)  }
0xa8: {  	v7 =	vadd.f32 $1.000000000e+00, v7;
	v8 =	vpop (erf)  }
0xa9: {  	v8 =	vadd.f32 $1.000000000e+00, v8;
	(erf) = vrcp.f32 v6;
	v59 =	vpop (erf)  }
0xaa: {  	v6 =	vadd.f32 $1.000000000e+00, v59;
	(erf) = vrcp.f32 v7  }
0xab: {  	(erf) = vrcp.f32 v8  }
0xac: {  	(erf) = vrcp.f32 v6;
	_ =	sdelay $0x5  }
0xad: {  	v60 =	vpop (erf)  }
0xae: {  	v2 =	vmul.f32 v60, v2;
	v61 =	vpop (erf)  }
0xaf: {  	v3 =	vmul.f32 v61, v3;
	v62 =	vpop (erf)  }
0xb0: {  	[tilespmem:s3+$0x600] =	vst v2;
	v2 =	vmul.f32 v62, v4;
	v63 =	vpop (erf)  }
0xb1: {  	[tilespmem:s3+$0x610] =	vst v3;
	v3 =	vmul.f32 v63, v5  }
0xb2: {  	[tilespmem:s3+$0x620] =	vst v2  }
0xb3: {  	[tilespmem:s3+$0x630] =	vst v3  }
0xb4: {  	[spmem:s2] =	stream.indirect.scatter.add.f32 [tilespmem:s12], [sflag:$0x3], $0x40, s31, s15, $0xb8;
	[tilespmem:$0x14600] =	vst v63  }
0xb5: {  	_ =	swait.ge [sflag:s13], $0x2000  }
0xb6: {  	[sflag:s13] =	ssyncset.done $0x0  }
0xb7: {  	[sflag:s13] =	ssyncadd.s32 $0xFFFFE000  }
0xb8: {  	[spmem:s2] =	stream.indirect.scatter.add.f32 [tilespmem:s17], [sflag:$0x3], $0x40, s0, s15, $0xb8;
	[tilespmem:$0x14600] =	vst v63  }
0xb9: {  	_ =	swait.ge [sflag:s13], $0x2000  }
0xba: {  	[sflag:s13] =	ssyncset.done $0x0  }
0xbb: {  	[sflag:s13] =	ssyncadd.s32 $0xFFFFE000  }
0xbc: {  	[spmem:s2] =	stream.indirect.scatter.add.f32 [tilespmem:s21], [sflag:$0x3], $0x40, s4, s15, $0xb8;
	[tilespmem:$0x14600] =	vst v63  }
0xbd: {  	s8 =	sadd.s32 $0x1, s8;
	_ =	swait.ge [sflag:s13], $0x2000  }
0xbe: {  	p0 =	sne.s32 s8, $0x10;
	[sflag:s13] =	ssyncset.done $0x0  }
.Ltmp2:
0xbf: {  	[sflag:s13] =	ssyncadd.s32 $0xFFFFE000;
	(pc) =	sbr.rel @p0 .LBB2_4-.Ltmp2, $4  }
0xc0: {  	[spmem:s2] =	stream.indirect.scatter.add.f32 [tilespmem:s25], [sflag:$0x3], $0x40, s10, s15, $0xb8;
	[tilespmem:$0x14600] =	vst v63  }
0xc1: {  	_ =	swait.ge [sflag:s13], $0x2000  }
0xc2: {  	[sflag:s13] =	ssyncset.done $0x0  }
0xc3: {  	[sflag:s13] =	ssyncadd.s32 $0xFFFFE000  }
0xc4: {  	s3 =	stileid.u32;
	[bflag:$0x0] =	sbarrier.arrive $0xFFFF  }
0xc5: {  	s3 =	sshll.u32 s3, $0x6;
	s16 =	rddreg [dreg:$0x5]  }
0xc6: {  	s11 =	rddreg [dreg:$0x6];
	s3 =	sor.u32 $0x1C03, s3;
	s8 =	sshrl.u32 s16, $0x3  }
0xc7: {  	[hbm:s11], [sflag:s3] =	dma.local [spmem:s8], $0x800  }
0xc8: {  	_ =	swait.ge [sflag:s13], $0x800  }
0xc9: {  	s8 =	rddreg [dreg:$0x4]  }
0xca: {  	s18 =	rddreg [dreg:$0x7];
	s11 =	sadd.s32 $0x1, s8  }
0xcb: {  	p0 =	sne.s32 s11, s18  }
.Ltmp3:
0xcc: {  	_ = 	snop;
	(pc) =	sbr.rel @p0 .LBB2_1-.Ltmp3, $3  }
0xcd: {  	_ =	sdelay $0x1  }
0xce: {  	[sflag:s13] =	ssyncset.done $0x0  }
0xcf: {  	[sflag:s13] =	ssyncadd.s32 $0xFFFFF800  }
0xd0: {  	_ =	sfence.sel $0x180000  }
0xd1: {  	[bflag:$0x0] =	sbarrier.arrive $0xFFFF  }
0xd2: {  	_ =	strace $0x90000050  }
0xd3: {  	s0 =	stileid.u32;
	[bflag:$0x2] =	sbarrier.arrive $0xFFFF  }
0xd4: {  	p0 =	sne.s32 s0, $0x0;
	s0 =	rddreg [dreg:$0x3]  }
0xd5: {  	s0 =	sadd.s32 @!p0 $0x100000, s0  }
0xd6: {  	[sflag:s0] =	ssyncadd.tile.s32 @!p0 $0x1;
	_ =	shalt  }
.Lfunc_end2:
_tile_overlayer_lowered:
.L_overlay_start_2:
0xd7: {  	(tag) =	ssettag $0x2  }
0xd8: {  	s0 =	rddreg [dreg:$0x0];
	s2 =	stileid.u32  }
0xd9: {  	s1 =	rddreg [dreg:$0x1];
	p0 =	sne.s32 s2, $0x0  }
0xda: {  	s3 =	rddreg [dreg:$0x2];
	[bflag:$0x3] =	sbarrier.arrive $0xFFFF;
	s2 =	simm.s32 @!p0 $0x1C03  }
0xdb: {  	[timem:s3], [sflag:s2] =	dma.local @!p0 [hbm:s0], s1  }
0xdc: {  	s0 =	simm.s32 @!p0 $0x3  }
0xdd: {  	_ =	swait.ge @!p0 [sflag:s0], s1  }
0xde: {  	s1 =	ssub.s32 @!p0 $0x0, s1;
	[sflag:s0] =	ssyncset.done @!p0 $0x0  }
0xdf: {  	[sflag:s0] =	ssyncadd.s32 @!p0 s1  }
0xe0: {  	[bflag:$0x3] =	sbarrier.arrive $0xFFFF  }
0xe1: {  	_ =	shalt  }

// kernel: sparse-core-data-format-call.cloned.1.call-start
scs
called_computation_lowered:
.L_overlay_start_0:
0x0: {  	s2 =	sld [smem:$0x3FD9]  }
0x1: {  	s3 =	sld [smem:$0x3FFE];
	_ =	sdelay $0x1  }
0x2: {  	s1 =	srdreg.scid  }
0x3: {  	s0 =	sand.u32 $0x1, s1  }
0x4: {  	s18 =	sshll.u32 s0, $0xA;
	s2 =	sadd.s32 s3, s2  }
0x5: {  	s2 =	sadd.s32 s2, s18  }
0x6: {  	[smem:$0x3FB0] =	sst s2  }
0x7: {  	_ = 	snop  }
0x8: {  	s2 =	sld [smem:$0x3FD0];
	(tm) =	ssettm $0x1  }
0x9: {  	s19 =	sld [smem:$0x3FFB];
	_ =	sdelay $0x3  }
0xa: {  	_ =	strace s19  }
0xb: {  	s3 =	sld [smem:$0x3FFC];
	_ =	sdelay $0x3  }
0xc: {  	_ =	strace s3  }
0xd: {  	s3 =	sld [smem:$0x3FFD];
	_ =	sdelay $0x3  }
0xe: {  	_ =	strace s3  }
0xf: {  	_ =	strace $0x8FFFFFFF  }
0x10: {  	s20 =	sld [smem:$0x3FDB];
	_ =	sdelay $0x1  }
0x11: {  	s4 =	simm.s32 $_scs_section_size  }
0x12: {  	s5 =	simm.s32 $_size__tile_overlayer_lowered;
	s6 =	simm.s32 $_tile_overlayer_lowered  }
0x13: {  	s23 =	simm.s32 $0x1BFF;
	s22 =	sshll.u32 s6, $0x1;
	s3 =	sadd.s32 s4, s20  }
0x14: {  	s7 =	simm.s32 $0x0;
	s21 =	sshll.u32 s5, $0x1;
	s5 =	sadd.s32 s22, s3  }
0x15: {  	[timem:s7], [sflag:s23] =	dma.local [hbm:s5], s21  }
0x16: {  	_ =	swait.ge [sflag:s23], s21  }
0x17: {  	s4 =	ssub.s32 $0x0, s21;
	[sflag:s23] =	ssyncset.done $0x0  }
0x18: {  	[sflag:s23] =	ssyncadd.s32 s4;
	_ =	sdelay $0x1  }
0x19: {  	s24 =	simm.s32 $0x1B8B  }
0x1a: {  	_ =	swait.ge [sflag:s24], $0x1  }
0x1b: {  	[sflag:s24] =	ssyncset.done $0x0  }
0x1c: {  	s26 =	simm.s32 $0x1B8E;
	s25 =	sld [smem:$0x3FFE];
	[sflag:s24] =	ssyncadd.s32 $0xFFFFFFFF  }
0x1d: {  	s27 =	simm.s32 $execute0_lowered;
	[smem:$0x3FD2] =	sst s26  }
0x1e: {  	s5 =	sshll.u32 s27, $0x1;
	_ =	strace $0x80000052;
	[dreg:$0x1] =	wrdreg $0xFFFFFFFF  }
0x1f: {  	s28 =	simm.s32 $_size_execute0_lowered;
	s3 =	sadd.s32 s3, s5;
	[dreg:$0x0] =	wrdreg $0x0  }
0x20: {  	s5 =	sshll.u32 s28, $0x1;
	[dreg:$0x2] =	wrdreg s3  }
0x21: {  	[dreg:$0x3] =	wrdreg s5  }
0x22: {  	[dreg:$0x4] =	wrdreg $0xC0  }
0x23: {  	_ =	task [dreg:s7], $0x5FFFF  }
0x24: {  	[dreg:$0x1] =	wrdreg $0xFFFFFFFF  }
0x25: {  	[dreg:$0x0] =	wrdreg $0x60  }
0x26: {  	[dreg:$0x2] =	wrdreg s25  }
0x27: {  	[dreg:$0x3] =	wrdreg s2  }
0x28: {  	[dreg:$0x4] =	wrdreg $0x9  }
0x29: {  	_ =	task.clear_ibuf [dreg:s7], $0x5FFFF;
	_ =	strace $0x90000052  }
0x2a: {  	s29 =	simm.s32 $0x9;
	_ =	strace $0x80000054  }
0x2b: {  	_ =	swait.ge [sflag:s29], $0x1  }
0x2c: {  	[sflag:s29] =	ssyncadd.s32 $0xFFFFFFFF  }
0x2d: {  	_ =	strace $0x90000054  }
0x2e: {  	_ =	sfence  }
0x2f: {  	s30 =	sld [smem:$0x0];
	_ =	sdelay $0x2  }
0x30: {  	s31 =	sshll.u32 s1, $0xD;
	s1 =	sshrl.u32 s1, $0x2  }
0x31: {  	s3 =	sand.u32 $0x4000, s31;
	s1 =	sadd.s32 s1, s30  }
0x32: {  	s0 =	sor.u32 s3, s0;
	s1 =	sshll.u32 s1, $0x11  }
0x33: {  	s0 =	sor.u32 s1, s0  }
0x34: {  	s0 =	sadd.s32 $0x8F2B, s0  }
0x35: {  	[sflag:s0] =	ssyncadd.remote.s32 $0x1  }
0x36: {  	_ =	sfence.sel $0xFFFF  }
0x37: {  	[dreg:$0x0] =	wrdreg $0xFFFFFFFF;
	(pc) =	sbr.abs _section_cstart, $3  }
0x38: {  	[dreg:$0x1] =	wrdreg $0xFFFFFFFF  }
0x39: {  	_ =	task.clear_ibuf [dreg:s7], $0x2FFFF;
	_ =	strace $0x9FFFFFFF  }
0x3a: {  	(tm) =	ssettm $0x7FFFFFFF  }
0x3b: {  	_ =	shalt  }
tec
execute0_lowered:
.L_overlay_start_1:
0x0: {  	(tag) =	ssettag $0x1  }
0x1: {  	s0 =	srdreg.scid;
	s5 =	rddreg [dreg:$0x0]  }
0x2: {  	s3 =	rddreg [dreg:$0x1];
	s1 =	sshll.u32 s0, $0x4  }
0x3: {  	s7 =	simm.s32 $0x1;
	s0 =	stileid.u32;
	s1 =	sand.u32 $0x10, s1  }
0x4: {  	s8 =	simm.s32 $0x2;
	s14 =	simm.s32 $0x0;
	s1 =	sor.u32 s0, s1  }
0x5: {  	s9 =	simm.s32 $0x0;
	s15 =	simm.s32 $0x0;
	s2 =	sshll.u32 s1, $0x3  }
0x6: {  	s16 =	simm.s32 $0x0;
	s10 =	simm.s32 $0x0;
	s6 =	ssub.s32 $0x800, s2  }
0x7: {  	s11 =	simm.s32 $0x0;
	s13 =	simm.s32 $0x0;
	s4 =	sand.u32 $0xF8, s6  }
.Ltmp0:
0x8: {  	s5 =	sadd.s32 $0x35E00, s5;
	p0 =	sne.s32 s4, $0x0;
	(pc) =	sbr.rel .LBB1_1-.Ltmp0, $4  }
0x9: {  	s1 =	rddreg [dreg:$0x2];
	s6 =	sshrl.u32 s6, $0x8;
	s7 =	simm.s32 @!p0 $0x0  }
0xa: {  	_ =	strace $0x80000053;
	s4 =	simm.s32 $0x1;
	s6 =	sadd.s32 s7, s6  }
0xb: {  	s12 =	smov.u32 s2;
	[sflag:s4] =	ssyncpa.u1 $0x0;
	s6 =	sshll.u32 s6, $0x2  }
0xc: {  	[sflag:s8] =	ssyncpa.u1 $0x0;
	s8 =	simm.s32 $0x400000;
	s7 =	sor.u32 $0x1, s6  }
.LBB1_7:
0xd: {  	s17 =	sadd.s32 $0x200, s10  }
0xe: {  	s14 =	sadd.s32 $0x4, s11;
	s18 =	smov.u32 s11;
	p1 =	sgt.s32 s17, $0x7FF  }
0xf: {  	s18 =	smov.u32 @p1 s14  }
0x10: {  	s20 =	smov.u32 s12;
	s14 =	sadd.s32 $0x100, s12;
	p2 =	sgt.s32 s18, $0x3  }
0x11: {  	s20 =	smov.u32 @p2 s14  }
0x12: {  	s17 =	simm.s32 @p1 $0x0;
	p1 =	sgt.s32 s20, $0x7FF  }
0x13: {  	p0 =	slt.u32 s13, $0x2;
	s20 =	smov.u32 @p1 s2;
	p1 =	sne.s32 s13, s7  }
.Ltmp1:
0x14: {  	s19 =	simm.s32 @!p0 $0x2;
	(pc) =	sbr.rel @!p1 .LBB1_8-.Ltmp1, $4  }
0x15: {  	s15 =	smov.u32 s11;
	s16 =	smov.u32 s12;
	_ =	swait.ge @!p0 [sflag:s19], $0x4000  }
0x16: {  	s9 =	sadd.s32 $0x4000, s9;
	[sflag:s19] =	ssyncset.done @!p0 $0x0;
	s18 =	simm.s32 @p2 $0x0  }
0x17: {  	s14 =	smov.u32 s10;
	[sflag:s19] =	ssyncadd.s32 @!p0 $0xFFFFC000;
	s10 =	smov.u32 s17  }
0x18: {  	s11 =	smov.u32 s18;
	s13 =	sadd.s32 $0x1, s13;
	s12 =	smov.u32 s20  }
.LBB1_1:
0x19: {  	p0 =	sge.u32 s13, s6  }
0x1a: {  	s17 =	sshll.u32 @!p0 s11, $0x7  }
0x1b: {  	s18 =	sand.u32 @!p0 $0x78, s10;
	s19 =	sshll.u32 @!p0 s10, $0x2;
	s17 =	sand.u32 @!p0 $0x180, s17  }
0x1c: {  	s31 =	sadd.s32 $0xFFFFFFFF, s13;
	s19 =	sand.u32 @!p0 $0x600, s19;
	s17 =	sor.u32 @!p0 s17, s18  }
0x1d: {  	s18 =	sshll.u32 @!p0 s12, $0xA;
	s17 =	sor.u32 @!p0 s19, s17;
	s19 =	sshrl.u32 @!p0 s10, $0x1  }
0x1e: {  	s20 =	sxor.u32 @!p0 $0xFFFFFFFF, s13;
	s18 =	sadd.s32 @!p0 s5, s18;
	s19 =	sand.u32 @!p0 $0x300, s19  }
0x1f: {  	s20 =	sshll.u32 @!p0 s20, $0xE;
	s18 =	sadd.s32 @!p0 s19, s18;
	s19 =	sand.u32 @!p0 $0x7, s10  }
0x20: {  	s20 =	sand.u32 @!p0 $0x4000, s20;
	s17 =	sshrl.u32 @!p0 s17, $0x3;
	s19 =	sshll.u32 @!p0 s19, $0x12  }
0x21: {  	s17 =	sadd.s32 @!p0 s17, s18;
	s18 =	sor.u32 @!p0 $0x800, s19;
	s19 =	simm.s32 @!p0 $0x2000  }
0x22: {  	[tilespmem:s20], [sflag:$0x1] =	stream.strided.gather @!p0 [hbm4b:s17+s18], $0x4000, s19, s18, $0x38;
	[tilespmem:$0x10000] =	vst v63  }
0x23: {  	p0 =	sge.u32 s31, s6  }
.Ltmp2:
0x24: {  	_ = 	snop;
	(pc) =	sbr.rel @p0 .LBB1_7-.Ltmp2, $1  }
0x25: {  	_ =	sdelay $0x3  }
0x26: {  	s17 =	sshll.u32 s9, $0x2;
	_ =	swait.ge [sflag:s4], $0x4000;
	s31 =	sshll.u32 s13, $0xE  }
0x27: {  	s21 =	simm.s32 $0x0;
	s22 =	simm.s32 $0x0;
	s17 =	sand.u32 $0x10000, s17  }
0x28: {  	s23 =	simm.s32 $0x0;
	[sflag:s4] =	ssyncset.done $0x0;
	s20 =	sshrl.u32 s17, $0x2  }
0x29: {  	s17 =	sand.u32 $0x4000, s31;
	[sflag:s4] =	ssyncadd.s32 $0xFFFFC000;
	s18 =	sor.u32 $0x400, s20  }
0x2a: {  	s19 =	sor.u32 $0x8000, s20;
	s17 =	sor.u32 $0x8000, s17;
	s20 =	sadd.s32 $0x8C00, s20  }
.LBB1_3:
0x2b: {  	v0 =	vmov s19;
	v1 =	vld [tilespmem:s18+$0x270]  }
0x2c: {  	v2 =	vld [tilespmem:s18+$0xFFFFFC10]  }
0x2d: {  	v3 =	vld [tilespmem:s18+$0xFFFFFC20]  }
0x2e: {  	s24 =	sshll.u32 s22, $0x2;
	s25 =	sand.u32 $0x3, s21;
	v4 =	vld [tilespmem:s18+$0xFFFFFC30]  }
0x2f: {  	v5 =	vld [tilespmem:s18+$0xFFFFFC40];
	s26 =	sand.u32 $0xFFFFF800, s24;
	s25 =	sshll.u32 s25, $0x9;
	s24 =	simm.s32 $0x0  }
0x30: {  	v6 =	vld [tilespmem:s18+$0xFFFFFC50];
	s25 =	sor.u32 s25, s26;
	[tilespmem:v0+s24+$0xC70 ss:$0x1] =	vst.idx.msk $0xffff, v1  }
0x31: {  	v7 =	vld [tilespmem:s18+$0x220];
	s25 =	sshrl.u32 s25, $0x2;
	[tilespmem:v0+s24+$0x10 ss:$0x1] =	vst.idx.msk $0xffff, v2  }
0x32: {  	v8 =	vld [tilespmem:s18+$0x230];
	s25 =	sadd.s32 s25, s20;
	[tilespmem:v0+s24+$0x20 ss:$0x1] =	vst.idx.msk $0xffff, v3  }
0x33: {  	v1 =	vmov s25;
	[tilespmem:v0+s24+$0x30 ss:$0x1] =	vst.idx.msk $0xffff, v4;
	v4 =	vld [tilespmem:s18+$0xFFFFFE00]  }
0x34: {  	[tilespmem:v0+s24+$0x40 ss:$0x1] =	vst.idx.msk $0xffff, v5;
	v5 =	vld [tilespmem:s18+$0xFFFFFE10]  }
0x35: {  	[tilespmem:v0+s24+$0x50 ss:$0x1] =	vst.idx.msk $0xffff, v6;
	v6 =	vld [tilespmem:s18+$0xFFFFFE20]  }
0x36: {  	v2 =	vld [tilespmem:s18+$0xFFFFFC60];
	[tilespmem:v0+s24+$0xC20 ss:$0x1] =	vst.idx.msk $0xffff, v7  }
0x37: {  	v3 =	vld [tilespmem:s18+$0xFFFFFC70];
	[tilespmem:v0+s24+$0xC30 ss:$0x1] =	vst.idx.msk $0xffff, v8  }
0x38: {  	[tilespmem:v1+s24+$0xFFFFF800 ss:$0x1] =	vst.idx.msk $0xffff, v4;
	v4 =	vld [tilespmem:s18+$0xFFFFFE50]  }
0x39: {  	[tilespmem:v0+s24+$0x410 ss:$0x1] =	vst.idx.msk $0xffff, v5;
	v5 =	vld [tilespmem:s18+$0xFFFFFE60]  }
0x3a: {  	[tilespmem:v0+s24+$0x420 ss:$0x1] =	vst.idx.msk $0xffff, v6;
	v6 =	vld [tilespmem:s18+$0xFFFFFE70]  }
0x3b: {  	[tilespmem:v0+s24+$0x60 ss:$0x1] =	vst.idx.msk $0xffff, v2;
	v2 =	vld [tilespmem:s18+$0xFFFFFE30]  }
0x3c: {  	[tilespmem:v0+s24+$0x70 ss:$0x1] =	vst.idx.msk $0xffff, v3;
	v3 =	vld [tilespmem:s18+$0xFFFFFE40]  }
0x3d: {  	[tilespmem:v0+s24+$0x450 ss:$0x1] =	vst.idx.msk $0xffff, v4;
	v4 =	vld [tilespmem:s18+$0x20]  }
0x3e: {  	[tilespmem:v0+s24+$0x460 ss:$0x1] =	vst.idx.msk $0xffff, v5;
	v5 =	vld [tilespmem:s18+$0x30]  }
0x3f: {  	[tilespmem:v0+s24+$0x470 ss:$0x1] =	vst.idx.msk $0xffff, v6;
	v6 =	vld [tilespmem:s18+$0x40]  }
0x40: {  	[tilespmem:v0+s24+$0x430 ss:$0x1] =	vst.idx.msk $0xffff, v2;
	v2 =	vld [tilespmem:s18+$0x0]  }
0x41: {  	[tilespmem:v0+s24+$0x440 ss:$0x1] =	vst.idx.msk $0xffff, v3;
	v3 =	vld [tilespmem:s18+$0x10]  }
0x42: {  	[tilespmem:v0+s24+$0x820 ss:$0x1] =	vst.idx.msk $0xffff, v4;
	v4 =	vld [tilespmem:s18+$0x70]  }
0x43: {  	[tilespmem:v0+s24+$0x830 ss:$0x1] =	vst.idx.msk $0xffff, v5;
	v5 =	vld [tilespmem:s18+$0x200]  }
0x44: {  	[tilespmem:v0+s24+$0x840 ss:$0x1] =	vst.idx.msk $0xffff, v6;
	v6 =	vld [tilespmem:s18+$0x210]  }
0x45: {  	[tilespmem:v1+s24+$0xFFFFFC00 ss:$0x1] =	vst.idx.msk $0xffff, v2;
	v2 =	vld [tilespmem:s18+$0x50]  }
0x46: {  	[tilespmem:v0+s24+$0x810 ss:$0x1] =	vst.idx.msk $0xffff, v3;
	v3 =	vld [tilespmem:s18+$0x60]  }
0x47: {  	[tilespmem:v0+s24+$0x870 ss:$0x1] =	vst.idx.msk $0xffff, v4;
	v4 =	vld [tilespmem:s18+$0x240]  }
0x48: {  	[tilespmem:v1+s24+$0x0 ss:$0x1] =	vst.idx.msk $0xffff, v5;
	v5 =	vld [tilespmem:s18+$0x250]  }
0x49: {  	[tilespmem:v0+s24+$0xC10 ss:$0x1] =	vst.idx.msk $0xffff, v6;
	v6 =	vld [tilespmem:s18+$0x260]  }
0x4a: {  	s25 =	sadd.s32 $0x80, s18;
	[tilespmem:v0+s24+$0x850 ss:$0x1] =	vst.idx.msk $0xffff, v2;
	v2 =	vld [tilespmem:s18+$0xFFFFFC00]  }
0x4b: {  	s27 =	simm.s32 $0x8000;
	s26 =	simm.s32 $0x4000;
	[tilespmem:v0+s24+$0x860 ss:$0x1] =	vst.idx.msk $0xffff, v3;
	v3 =	vld [tilespmem:s25+$0x270]  }
.LBB1_4:
0x4c: {  	p0 =	sne.s32 s27, $0xC000;
	v7 =	vld [tilespmem:s25+$0xFFFFFC10];
	[tilespmem:v0+s24+$0xC40 ss:$0x1] =	vst.idx.msk $0xffff, v4  }
0x4d: {  	v4 =	vld [tilespmem:s25+$0xFFFFFC20];
	[tilespmem:v0+s24+$0xC50 ss:$0x1] =	vst.idx.msk $0xffff, v5  }
0x4e: {  	v5 =	vld [tilespmem:s25+$0xFFFFFC30];
	[tilespmem:v0+s24+$0xC60 ss:$0x1] =	vst.idx.msk $0xffff, v6  }
0x4f: {  	v6 =	vld [tilespmem:s25+$0xFFFFFC40];
	[tilespmem:v0+s24+$0x0 ss:$0x1] =	vst.idx.msk $0xffff, v2;
	s24 =	sshra.s32 s26, $0x2;
	s26 =	smov.u32 s27  }
0x50: {  	v2 =	vld [tilespmem:s25+$0xFFFFFC50];
	[tilespmem:v0+s24+$0xC70 ss:$0x1] =	vst.idx.msk $0xffff, v3  }
0x51: {  	[tilespmem:v0+s24+$0x10 ss:$0x1] =	vst.idx.msk $0xffff, v7;
	v3 =	vld [tilespmem:s25+$0xFFFFFC60]  }
0x52: {  	[tilespmem:v0+s24+$0x20 ss:$0x1] =	vst.idx.msk $0xffff, v4;
	v4 =	vld [tilespmem:s25+$0xFFFFFC70]  }
0x53: {  	[tilespmem:v0+s24+$0x30 ss:$0x1] =	vst.idx.msk $0xffff, v5;
	v5 =	vld [tilespmem:s25+$0xFFFFFE00]  }
0x54: {  	[tilespmem:v0+s24+$0x40 ss:$0x1] =	vst.idx.msk $0xffff, v6;
	v6 =	vld [tilespmem:s25+$0xFFFFFE10]  }
0x55: {  	[tilespmem:v0+s24+$0x50 ss:$0x1] =	vst.idx.msk $0xffff, v2;
	v2 =	vld [tilespmem:s25+$0xFFFFFE20]  }
0x56: {  	[tilespmem:v0+s24+$0x60 ss:$0x1] =	vst.idx.msk $0xffff, v3;
	v3 =	vld [tilespmem:s25+$0xFFFFFE30]  }
0x57: {  	[tilespmem:v0+s24+$0x70 ss:$0x1] =	vst.idx.msk $0xffff, v4;
	v4 =	vld [tilespmem:s25+$0xFFFFFE40]  }
0x58: {  	[tilespmem:v1+s24+$0xFFFFF800 ss:$0x1] =	vst.idx.msk $0xffff, v5;
	v5 =	vld [tilespmem:s25+$0xFFFFFE50]  }
0x59: {  	[tilespmem:v0+s24+$0x410 ss:$0x1] =	vst.idx.msk $0xffff, v6;
	v6 =	vld [tilespmem:s25+$0xFFFFFE60]  }
0x5a: {  	[tilespmem:v0+s24+$0x420 ss:$0x1] =	vst.idx.msk $0xffff, v2;
	v2 =	vld [tilespmem:s25+$0xFFFFFE70]  }
0x5b: {  	[tilespmem:v0+s24+$0x430 ss:$0x1] =	vst.idx.msk $0xffff, v3;
	v3 =	vld [tilespmem:s25+$0x0]  }
0x5c: {  	[tilespmem:v0+s24+$0x440 ss:$0x1] =	vst.idx.msk $0xffff, v4;
	v4 =	vld [tilespmem:s25+$0x10]  }
0x5d: {  	[tilespmem:v0+s24+$0x450 ss:$0x1] =	vst.idx.msk $0xffff, v5;
	v5 =	vld [tilespmem:s25+$0x20]  }
0x5e: {  	[tilespmem:v0+s24+$0x460 ss:$0x1] =	vst.idx.msk $0xffff, v6;
	v6 =	vld [tilespmem:s25+$0x30]  }
0x5f: {  	[tilespmem:v0+s24+$0x470 ss:$0x1] =	vst.idx.msk $0xffff, v2;
	v2 =	vld [tilespmem:s25+$0x40]  }
0x60: {  	[tilespmem:v1+s24+$0xFFFFFC00 ss:$0x1] =	vst.idx.msk $0xffff, v3;
	v3 =	vld [tilespmem:s25+$0x50]  }
0x61: {  	[tilespmem:v0+s24+$0x810 ss:$0x1] =	vst.idx.msk $0xffff, v4;
	v4 =	vld [tilespmem:s25+$0x60]  }
0x62: {  	[tilespmem:v0+s24+$0x820 ss:$0x1] =	vst.idx.msk $0xffff, v5;
	v5 =	vld [tilespmem:s25+$0x70]  }
0x63: {  	[tilespmem:v0+s24+$0x830 ss:$0x1] =	vst.idx.msk $0xffff, v6;
	v6 =	vld [tilespmem:s25+$0x200]  }
0x64: {  	[tilespmem:v0+s24+$0x840 ss:$0x1] =	vst.idx.msk $0xffff, v2;
	v2 =	vld [tilespmem:s25+$0x210]  }
0x65: {  	[tilespmem:v0+s24+$0x850 ss:$0x1] =	vst.idx.msk $0xffff, v3;
	v3 =	vld [tilespmem:s25+$0x220]  }
0x66: {  	[tilespmem:v0+s24+$0x860 ss:$0x1] =	vst.idx.msk $0xffff, v4;
	v7 =	vld [tilespmem:s25+$0x230]  }
.Ltmp3:
0x67: {  	[tilespmem:v0+s24+$0x870 ss:$0x1] =	vst.idx.msk $0xffff, v5;
	v4 =	vld [tilespmem:s25+$0x240];
	(pc) =	sbr.rel @p0 .LBB1_4-.Ltmp3, $4  }
0x68: {  	[tilespmem:v1+s24+$0x0 ss:$0x1] =	vst.idx.msk $0xffff, v6;
	v5 =	vld [tilespmem:s25+$0x250]  }
0x69: {  	[tilespmem:v0+s24+$0xC10 ss:$0x1] =	vst.idx.msk $0xffff, v2;
	v6 =	vld [tilespmem:s25+$0x260]  }
0x6a: {  	v2 =	vld [tilespmem:s25+$0xFFFFFC00];
	[tilespmem:v0+s24+$0xC20 ss:$0x1] =	vst.idx.msk $0xffff, v3;
	s25 =	sadd.s32 $0x80, s25  }
0x6b: {  	s27 =	sadd.s32 $0x4000, s27;
	v3 =	vld [tilespmem:s25+$0x270];
	[tilespmem:v0+s24+$0xC30 ss:$0x1] =	vst.idx.msk $0xffff, v7  }
0x6c: {  	_ =	sdelay $0x3  }
0x6d: {  	v7 =	vld [tilespmem:s25+$0xFFFFFC10];
	[tilespmem:v0+s24+$0xC40 ss:$0x1] =	vst.idx.msk $0xffff, v4  }
0x6e: {  	v34 =	vld [tilespmem:s25+$0xFFFFFC20];
	[tilespmem:v0+s24+$0xC50 ss:$0x1] =	vst.idx.msk $0xffff, v5  }
0x6f: {  	v35 =	vld [tilespmem:s25+$0xFFFFFC30];
	[tilespmem:v0+s24+$0xC60 ss:$0x1] =	vst.idx.msk $0xffff, v6  }
0x70: {  	s26 =	sshra.s32 s26, $0x2;
	v36 =	vld [tilespmem:s25+$0xFFFFFC40];
	[tilespmem:v0+s24+$0x0 ss:$0x1] =	vst.idx.msk $0xffff, v2  }
0x71: {  	v37 =	vld [tilespmem:s25+$0xFFFFFC50];
	[tilespmem:v0+s26+$0xC70 ss:$0x1] =	vst.idx.msk $0xffff, v3  }
0x72: {  	v38 =	vld [tilespmem:s25+$0xFFFFFC60];
	[tilespmem:v0+s26+$0x10 ss:$0x1] =	vst.idx.msk $0xffff, v7  }
0x73: {  	v39 =	vld [tilespmem:s25+$0xFFFFFC70];
	[tilespmem:v0+s26+$0x20 ss:$0x1] =	vst.idx.msk $0xffff, v34  }
0x74: {  	v40 =	vld [tilespmem:s25+$0xFFFFFE00];
	[tilespmem:v0+s26+$0x30 ss:$0x1] =	vst.idx.msk $0xffff, v35  }
0x75: {  	v41 =	vld [tilespmem:s25+$0xFFFFFE10];
	[tilespmem:v0+s26+$0x40 ss:$0x1] =	vst.idx.msk $0xffff, v36  }
0x76: {  	v42 =	vld [tilespmem:s25+$0xFFFFFE20];
	[tilespmem:v0+s26+$0x50 ss:$0x1] =	vst.idx.msk $0xffff, v37  }
0x77: {  	v43 =	vld [tilespmem:s25+$0xFFFFFE30];
	[tilespmem:v0+s26+$0x60 ss:$0x1] =	vst.idx.msk $0xffff, v38  }
0x78: {  	v44 =	vld [tilespmem:s25+$0xFFFFFE40];
	[tilespmem:v0+s26+$0x70 ss:$0x1] =	vst.idx.msk $0xffff, v39  }
0x79: {  	v45 =	vld [tilespmem:s25+$0xFFFFFE50];
	[tilespmem:v1+s26+$0xFFFFF800 ss:$0x1] =	vst.idx.msk $0xffff, v40  }
0x7a: {  	v46 =	vld [tilespmem:s25+$0xFFFFFE60];
	[tilespmem:v0+s26+$0x410 ss:$0x1] =	vst.idx.msk $0xffff, v41  }
0x7b: {  	v47 =	vld [tilespmem:s25+$0xFFFFFE70];
	[tilespmem:v0+s26+$0x420 ss:$0x1] =	vst.idx.msk $0xffff, v42  }
0x7c: {  	v48 =	vld [tilespmem:s25+$0x0];
	[tilespmem:v0+s26+$0x430 ss:$0x1] =	vst.idx.msk $0xffff, v43  }
0x7d: {  	v49 =	vld [tilespmem:s25+$0x10];
	[tilespmem:v0+s26+$0x440 ss:$0x1] =	vst.idx.msk $0xffff, v44  }
0x7e: {  	v50 =	vld [tilespmem:s25+$0x20];
	[tilespmem:v0+s26+$0x450 ss:$0x1] =	vst.idx.msk $0xffff, v45  }
0x7f: {  	v51 =	vld [tilespmem:s25+$0x30];
	[tilespmem:v0+s26+$0x460 ss:$0x1] =	vst.idx.msk $0xffff, v46  }
0x80: {  	v52 =	vld [tilespmem:s25+$0x40];
	[tilespmem:v0+s26+$0x470 ss:$0x1] =	vst.idx.msk $0xffff, v47  }
0x81: {  	v53 =	vld [tilespmem:s25+$0x50];
	[tilespmem:v1+s26+$0xFFFFFC00 ss:$0x1] =	vst.idx.msk $0xffff, v48  }
0x82: {  	v54 =	vld [tilespmem:s25+$0x60];
	[tilespmem:v0+s26+$0x810 ss:$0x1] =	vst.idx.msk $0xffff, v49  }
0x83: {  	v55 =	vld [tilespmem:s25+$0x70];
	[tilespmem:v0+s26+$0x820 ss:$0x1] =	vst.idx.msk $0xffff, v50  }
0x84: {  	v56 =	vld [tilespmem:s25+$0x200];
	[tilespmem:v0+s26+$0x830 ss:$0x1] =	vst.idx.msk $0xffff, v51  }
0x85: {  	v57 =	vld [tilespmem:s25+$0x210];
	[tilespmem:v0+s26+$0x840 ss:$0x1] =	vst.idx.msk $0xffff, v52  }
0x86: {  	v58 =	vld [tilespmem:s25+$0x220];
	[tilespmem:v0+s26+$0x850 ss:$0x1] =	vst.idx.msk $0xffff, v53  }
0x87: {  	v59 =	vld [tilespmem:s25+$0x230];
	[tilespmem:v0+s26+$0x860 ss:$0x1] =	vst.idx.msk $0xffff, v54  }
0x88: {  	v60 =	vld [tilespmem:s25+$0x240];
	[tilespmem:v0+s26+$0x870 ss:$0x1] =	vst.idx.msk $0xffff, v55  }
0x89: {  	v61 =	vld [tilespmem:s25+$0x250];
	[tilespmem:v1+s26+$0x0 ss:$0x1] =	vst.idx.msk $0xffff, v56  }
0x8a: {  	v62 =	vld [tilespmem:s25+$0x260];
	s23 =	sadd.s32 $0x1, s23;
	[tilespmem:v0+s26+$0xC10 ss:$0x1] =	vst.idx.msk $0xffff, v57  }
0x8b: {  	v63 =	vld [tilespmem:s25+$0xFFFFFC00];
	p0 =	sne.s32 s23, $0x8;
	[tilespmem:v0+s26+$0xC20 ss:$0x1] =	vst.idx.msk $0xffff, v58  }
.Ltmp4:
0x8c: {  	[tilespmem:v0+s26+$0xC30 ss:$0x1] =	vst.idx.msk $0xffff, v59;
	(pc) =	sbr.rel @p0 .LBB1_3-.Ltmp4, $4  }
0x8d: {  	[tilespmem:v0+s26+$0xC40 ss:$0x1] =	vst.idx.msk $0xffff, v60  }
0x8e: {  	[tilespmem:v0+s26+$0xC50 ss:$0x1] =	vst.idx.msk $0xffff, v61  }
0x8f: {  	s18 =	sadd.s32 $0x800, s18;
	[tilespmem:v0+s26+$0xC60 ss:$0x1] =	vst.idx.msk $0xffff, v62  }
0x90: {  	s22 =	sadd.s32 $0x80, s22;
	s21 =	sadd.s32 $0x1, s21;
	s19 =	sadd.s32 $0x80, s19;
	[tilespmem:v0+s26+$0x0 ss:$0x1] =	vst.idx.msk $0xffff, v63  }
0x91: {  	s18 =	sand.u32 $0x78, s14  }
0x92: {  	s19 =	sshll.u32 s16, $0xB;
	s29 =	sshll.u32 s16, $0x7;
	s20 =	sshll.u32 s14, $0x3  }
0x93: {  	s15 =	sshll.u32 s15, $0x13;
	s31 =	sand.u32 $0x7, s14;
	s19 =	sand.u32 $0x3FC000, s19  }
0x94: {  	s16 =	sand.u32 $0x380, s29;
	s19 =	sadd.s32 s19, s20;
	s20 =	sand.u32 $0x400, s20  }
.Ltmp5:
0x95: {  	s16 =	sor.u32 s16, s18;
	s30 =	sshrl.u32 s19, $0x3;
	(pc) =	sbr.rel .LBB1_7-.Ltmp5, $4  }
0x96: {  	s15 =	sadd.s32 s3, s15;
	s16 =	sor.u32 s20, s16;
	s18 =	sand.u32 $0x7FF00, s30  }
0x97: {  	s14 =	sshll.u32 s31, $0x12;
	s16 =	sshrl.u32 s16, $0x3;
	s15 =	sadd.s32 s18, s15  }
0x98: {  	s14 =	sor.u32 $0x1000, s14;
	s15 =	sadd.s32 s16, s15  }
0x99: {  	[hbm4b:s15+s14] =	stream.strided.scatter [tilespmem:s17], [sflag:$0x2], $0x4000, s8, s14, $0x38;
	[tilespmem:$0x10000] =	vst v63  }
.LBB1_8:
0x9a: {  	_ =	sfence.sel $0x180000  }
0x9b: {  	s2 =	simm.s32 $0x1;
	[bflag:$0x0] =	sbarrier.arrive $0xFFFF  }
0x9c: {  	s31 =	simm.s32 $0x2;
	[sflag:s2] =	ssyncpa.u1 $0x1  }
0x9d: {  	[sflag:s31] =	ssyncpa.u1 $0x1  }
0x9e: {  	p0 =	sne.s32 s0, $0x0;
	_ =	strace $0x90000053  }
0x9f: {  	s0 =	sadd.s32 @!p0 $0x100000, s1;
	[bflag:$0x2] =	sbarrier.arrive $0xFFFF  }
0xa0: {  	[sflag:s0] =	ssyncadd.tile.s32 @!p0 $0x1;
	_ =	shalt  }
.Lfunc_end1:
_tile_overlayer_lowered:
.L_overlay_start_2:
0xa1: {  	(tag) =	ssettag $0x2  }
0xa2: {  	s0 =	rddreg [dreg:$0x0];
	s2 =	stileid.u32  }
0xa3: {  	s1 =	rddreg [dreg:$0x1];
	p0 =	sne.s32 s2, $0x0  }
0xa4: {  	s3 =	rddreg [dreg:$0x2];
	[bflag:$0x3] =	sbarrier.arrive $0xFFFF;
	s2 =	simm.s32 @!p0 $0x1C01  }
0xa5: {  	[timem:s3], [sflag:s2] =	dma.local @!p0 [hbm:s0], s1  }
0xa6: {  	s0 =	simm.s32 @!p0 $0x1  }
0xa7: {  	_ =	swait.ge @!p0 [sflag:s0], s1  }
0xa8: {  	s1 =	ssub.s32 @!p0 $0x0, s1;
	[sflag:s0] =	ssyncset.done @!p0 $0x0  }
0xa9: {  	[sflag:s0] =	ssyncadd.s32 @!p0 s1  }
0xaa: {  	[bflag:$0x3] =	sbarrier.arrive $0xFFFF  }
0xab: {  	_ =	shalt  }

</sc_bundles>
